<compile_context>
chip_gen: v7x
topology: tpu7x:2x2x1
jax: 0.10.2.dev20260603
libtpu: 0.0.44.dev20260713+nightly
codegen_flags: <defaults>
</compile_context>

<pallas_src>
import functools

import jax
import jax.numpy as jnp
from jax import lax
from jax.experimental import pallas as pl
from jax.experimental.pallas import tpu as pltpu
from jax.experimental.pallas import tpu_sc as plsc

B = 16384
NNUM = 13
NF = 26
V = 100000
ED = 16
H = 128
EPS = 1e-5

NC, NS = 2, 16
NW = NC * NS

RPF = 12504
VPAD = RPF * 8
NCH_T = 25
CH_T = 4096
CH_LAST = 1664
VTAIL = 99968
UNITS_T = NF * NCH_T

ROWS = B * NF
ROWS_PER_W = ROWS // NW
CHUNK = 1664
NCHUNK = ROWS_PER_W // CHUNK


QE = 1024
QW = QE * ED


@functools.cache
def _sc_transpose_fn():
    mesh = plsc.VectorSubcoreMesh(core_axis_name="c", subcore_axis_name="s")

    @functools.partial(
        pl.kernel,
        out_type=jax.ShapeDtypeStruct((NF * RPF * 128,), jnp.float32),
        mesh=mesh,
        scratch_types=[
            pltpu.VMEM((2, 8, CH_T), jnp.float32),
            pltpu.VMEM((2, 8, 128), jnp.float32),
            pltpu.VMEM((QW,), jnp.float32),
            pltpu.VMEM((QW,), jnp.float32),
            pltpu.SemaphoreType.DMA,
            pltpu.SemaphoreType.DMA,
            pltpu.SemaphoreType.DMA,
        ],
        compiler_params=pltpu.CompilerParams(needs_layout_passes=False),
    )
    def _sc_transpose(tab_hbm, tail_hbm, out_hbm, slab, tslab, obufA, obufB,
                      bsem, fsem0, fsem1):
        wid = lax.axis_index("s") * NC + lax.axis_index("c")
        u_lo = (UNITS_T * wid) // NW
        u_hi = (UNITS_T * (wid + 1)) // NW
        iot = lax.iota(jnp.int32, 16)
        shalf = [slab.at[0], slab.at[1]]
        thalf = [tslab.at[0], tslab.at[1]]
        rowc = [jnp.full((16,), e % 8, jnp.int32) for e in range(16)]
        fsems = [fsem0, fsem1]
        obufs = [obufA, obufB]

        def blocks(ob, rows, col_base, li_base, n_ent):
            def bbody(i, carry):
                k = i * 16 + iot
                vcol = col_base + k
                lio = li_base + k
                addr2 = ((lio >> 3) << 7) + ((lio & 7) << 4)
                for e in range(16):
                    vals = plsc.load_gather(rows[e // 8], [rowc[e], vcol])
                    plsc.store_scatter(ob, [addr2 + e], vals)
                return carry

            lax.fori_loop(0, n_ent // 16, bbody, 0)

        def flush_wait(h):
            pltpu.make_async_copy(obufs[h], out_hbm.at[pl.ds(0, QW)],
                                  fsems[h]).wait()

        def do_quarter(f, c0, h0, h, n_h):
            @pl.when(n_h >= 1)
            def _():
                flush_wait(h)
            blocks(obufs[h], shalf, h0, 0, QE)
            off = pl.multiple_of((f * RPF * 8 + c0 + h0) * ED, 1024)
            pltpu.async_copy(obufs[h], out_hbm.at[pl.ds(off, QW)],
                             fsems[h])
            return n_h + 1

        def do_chunk(u, f, c0, is_tail, n0, n1):
            c0 = pl.multiple_of(c0, 1024)
            cw = CH_LAST if is_tail else CH_T
            pltpu.async_copy(tab_hbm.at[2 * f, :, pl.ds(c0, cw)],
                             slab.at[0, :, pl.ds(0, cw)], bsem)
            pltpu.async_copy(tab_hbm.at[2 * f + 1, :, pl.ds(c0, cw)],
                             slab.at[1, :, pl.ds(0, cw)], bsem)
            pltpu.make_async_copy(tab_hbm.at[2 * f, :, pl.ds(c0, cw)],
                                  slab.at[0, :, pl.ds(0, cw)], bsem).wait()
            pltpu.make_async_copy(tab_hbm.at[2 * f + 1, :, pl.ds(c0, cw)],
                                  slab.at[1, :, pl.ds(0, cw)], bsem).wait()
            if not is_tail:
                n0 = do_quarter(f, c0, 0 * QE, 0, n0)
                n1 = do_quarter(f, c0, 1 * QE, 1, n1)
                n0 = do_quarter(f, c0, 2 * QE, 0, n0)
                n1 = do_quarter(f, c0, 3 * QE, 1, n1)
            else:
                @pl.when(n0 >= 1)
                def _():
                    flush_wait(0)
                blocks(obufA, shalf, 0, 0, QE)
                off = pl.multiple_of((f * RPF * 8 + c0) * ED, 1024)
                pltpu.sync_copy(obufA, out_hbm.at[pl.ds(off, QW)])
                blocks(obufA, shalf, QE, 0, CH_LAST - QE)
                pltpu.sync_copy(tail_hbm.at[2 * f], tslab.at[0])
                pltpu.sync_copy(tail_hbm.at[2 * f + 1], tslab.at[1])
                blocks(obufA, thalf, 0, CH_LAST - QE, 32)
                off2 = pl.multiple_of((f * RPF * 8 + c0 + QE) * ED,
                                      1024)
                pltpu.sync_copy(obufA.at[pl.ds(0, 88 * 128)],
                                out_hbm.at[pl.ds(off2, 88 * 128)])
                n0 = n0 * 0
            return n0, n1

        def body(u, carry):
            n0, n1 = carry
            f = u // NCH_T
            c = u % NCH_T
            is_tail = c == NCH_T - 1
            c0 = c * CH_T

            def tail_fn():
                return do_chunk(u, f, (NCH_T - 1) * CH_T, True, n0, n1)

            def reg_fn():
                return do_chunk(u, f, c0, False, n0, n1)

            return lax.cond(is_tail, tail_fn, reg_fn)

        n0, n1 = lax.fori_loop(u_lo, u_hi, body, (jnp.int32(0), jnp.int32(0)))

        @pl.when(n0 >= 1)
        def _():
            flush_wait(0)

        @pl.when(n1 >= 1)
        def _():
            flush_wait(1)

    return _sc_transpose


@functools.cache
def _sc_gather_fn():
    mesh = plsc.VectorSubcoreMesh(core_axis_name="c", subcore_axis_name="s")

    @functools.partial(
        pl.kernel,
        out_type=jax.ShapeDtypeStruct((ROWS, ED), jnp.float32),
        mesh=mesh,
        scratch_types=[
            pltpu.VMEM((ROWS_PER_W,), jnp.int32),
            pltpu.VMEM((2, CHUNK, ED), jnp.float32),
            pltpu.SemaphoreType.DMA,
            pltpu.SemaphoreType.DMA,
            pltpu.SemaphoreType.DMA,
        ],
        compiler_params=pltpu.CompilerParams(use_tc_tiling_on_sc=False),
    )
    def _sc_gather(tab_hbm, idx_hbm, out_hbm, idx_v, rows_v, gsem, ssem,
                   isem):
        wid = lax.axis_index("s") * NC + lax.axis_index("c")
        base = wid * ROWS_PER_W
        pltpu.async_copy(idx_hbm.at[pl.ds(base, ROWS_PER_W)], idx_v,
                         isem).wait()

        def gather(i, buf):
            return pltpu.async_copy(
                tab_hbm.at[idx_v.at[pl.ds(i * CHUNK, CHUNK)]], buf, gsem)

        def store(i, buf):
            return pltpu.async_copy(
                buf, out_hbm.at[pl.ds(base + i * CHUNK, CHUNK)], ssem)

        gather(0, rows_v.at[0])
        for i in range(NCHUNK):
            cur = rows_v.at[i % 2]
            nxt = rows_v.at[(i + 1) % 2]
            pltpu.make_async_copy(
                tab_hbm.at[idx_v.at[pl.ds(i * CHUNK, CHUNK)]], cur,
                gsem).wait()
            if i > 0:
                pltpu.make_async_copy(
                    rows_v.at[(i - 1) % 2],
                    out_hbm.at[pl.ds(base + (i - 1) * CHUNK, CHUNK)],
                    ssem).wait()
            if i + 1 < NCHUNK:
                gather(i + 1, nxt)
            store(i, cur)
        pltpu.make_async_copy(
            rows_v.at[(NCHUNK - 1) % 2],
            out_hbm.at[pl.ds(base + (NCHUNK - 1) * CHUNK, CHUNK)],
            ssem).wait()

    return _sc_gather


def _mlp_body(xn_ref, emb_ref, w1n_ref, w1e_ref, b1_ref, g1_ref, be1_ref,
              m1_ref, v1_ref, w2_ref, b2_ref, g2_ref, be2_ref, m2_ref,
              v2_ref, w3_ref, b3_ref, out_ref):
    h = jnp.dot(xn_ref[...], w1n_ref[...], preferred_element_type=jnp.float32)
    h = h + jnp.dot(emb_ref[...], w1e_ref[...],
                    preferred_element_type=jnp.float32)
    h = jnp.maximum(h + b1_ref[...], 0.0)
    h = (h - m1_ref[...]) / jnp.sqrt(v1_ref[...] + EPS) * g1_ref[...] \
        + be1_ref[...]
    h = jnp.dot(h, w2_ref[...], preferred_element_type=jnp.float32)
    h = jnp.maximum(h + b2_ref[...], 0.0)
    h = (h - m2_ref[...]) / jnp.sqrt(v2_ref[...] + EPS) * g2_ref[...] \
        + be2_ref[...]
    out_ref[...] = jnp.dot(h, w3_ref[...],
                           preferred_element_type=jnp.float32) + b3_ref[...]


BM = 1024


def _mlp(x_num, emb, w1n, w1e, b1, g1, be1, m1, v1, w2, b2, g2, be2, m2, v2,
         w3, b3):
    n_blocks = B // BM
    row_block = lambda i: (i, 0)
    full = lambda shape: pl.BlockSpec(shape, lambda i: (0, 0))
    return pl.pallas_call(
        _mlp_body,
        grid=(n_blocks,),
        in_specs=[
            pl.BlockSpec((BM, NNUM), row_block),
            pl.BlockSpec((BM, NF * ED), row_block),
            full((NNUM, H)),
            full((NF * ED, H)),
            full((1, H)), full((1, H)), full((1, H)), full((1, H)),
            full((1, H)),
            full((H, H // 2)),
            full((1, H // 2)), full((1, H // 2)), full((1, H // 2)),
            full((1, H // 2)), full((1, H // 2)),
            full((H // 2, 1)),
            full((1, 1)),
        ],
        out_specs=pl.BlockSpec((BM, 1), row_block),
        out_shape=jax.ShapeDtypeStruct((B, 1), jnp.float32),
    )(x_num, emb, w1n, w1e, b1, g1, be1, m1, v1, w2, b2, g2, be2, m2, v2,
      w3, b3)


def kernel(x_num, x_cat, tables, W1, b1, g1, be1, m1, v1, W2, b2, g2, be2,
           m2, v2, W3, b3):
    tabT = tables.transpose(0, 2, 1).reshape(NF * 2, 8, V)
    tail = jnp.pad(tabT[:, :, VTAIL:], ((0, 0), (0, 0), (0, 96)))
    lin = _sc_transpose_fn()(tabT, tail)
    flat_tab = lin.reshape(NF * VPAD, ED)
    idx = (x_cat
           + jnp.arange(NF, dtype=jnp.int32)[None, :] * VPAD).reshape(-1)
    emb = _sc_gather_fn()(flat_tab, idx).reshape(B, NF * ED)
    out = _mlp(x_num, emb,
               W1[:NNUM], W1[NNUM:],
               b1.reshape(1, H), g1.reshape(1, H), be1.reshape(1, H),
               m1.reshape(1, H), v1.reshape(1, H),
               W2,
               b2.reshape(1, H // 2), g2.reshape(1, H // 2),
               be2.reshape(1, H // 2), m2.reshape(1, H // 2),
               v2.reshape(1, H // 2),
               W3, b3.reshape(1, 1))
    return out

# --- scband reference (transcript-rebuilt; emitter-appended) ---
"""Pipeline reference for scband-mlpwith-embeddings-57037165691521 (READ-ONLY COPY).

The authoritative reference and input builder live on the scoring server;
editing this copy changes nothing except your own understanding.
"""

import jax, jax.numpy as jnp
import numpy as np

B = 16384
NNUM = 13
NF = 26
V = 100000
ED = 16
H = 128
TOT = NNUM + NF * ED  # 13 + 416 = 429
EPS = 1e-5


def setup_inputs(seed: int = 0) -> dict:
    key = jax.random.key(seed)
    ks = jax.random.split(key, 8)
    x_num = jax.random.normal(ks[0], (B, NNUM), dtype=jnp.float32)
    x_cat = jax.random.randint(ks[1], (B, NF), 0, V, dtype=jnp.int32)
    tables = jax.random.normal(ks[2], (NF, V, ED), dtype=jnp.float32) * 0.05
    W1 = jax.random.normal(ks[3], (TOT, H), dtype=jnp.float32) * (1.0 / np.sqrt(TOT))
    b1 = jnp.zeros((H,), dtype=jnp.float32)
    g1 = jnp.ones((H,), dtype=jnp.float32)
    be1 = jnp.zeros((H,), dtype=jnp.float32)
    m1 = jnp.zeros((H,), dtype=jnp.float32)
    v1 = jnp.ones((H,), dtype=jnp.float32)
    W2 = jax.random.normal(ks[4], (H, H // 2), dtype=jnp.float32) * (1.0 / np.sqrt(H))
    b2 = jnp.zeros((H // 2,), dtype=jnp.float32)
    g2 = jnp.ones((H // 2,), dtype=jnp.float32)
    be2 = jnp.zeros((H // 2,), dtype=jnp.float32)
    m2 = jnp.zeros((H // 2,), dtype=jnp.float32)
    v2 = jnp.ones((H // 2,), dtype=jnp.float32)
    W3 = jax.random.normal(ks[5], (H // 2, 1), dtype=jnp.float32) * (1.0 / np.sqrt(H // 2))
    b3 = jnp.zeros((1,), dtype=jnp.float32)
    return {"x_num": x_num, "x_cat": x_cat, "tables": tables,
            "W1": W1, "b1": b1, "g1": g1, "be1": be1, "m1": m1, "v1": v1,
            "W2": W2, "b2": b2, "g2": g2, "be2": be2, "m2": m2, "v2": v2,
            "W3": W3, "b3": b3}


def reference(x_num, x_cat, tables, W1, b1, g1, be1, m1, v1, W2, b2, g2, be2, m2, v2, W3, b3):
    # per-field embedding lookup: tables[i][x_cat[:, i]] for i in range(NF)
    emb = jax.vmap(lambda t, idx: jnp.take(t, idx, axis=0), in_axes=(0, 1), out_axes=1)(tables, x_cat)  # [B, NF, ED]
    x_cat_processed = emb.reshape(emb.shape[0], NF * ED)
    x = jnp.concatenate([x_num, x_cat_processed], axis=1)
    # Linear -> ReLU -> BatchNorm(eval: running stats) -> Dropout(eval: identity)
    h = jnp.maximum(x @ W1 + b1, 0.0)
    h = (h - m1) / jnp.sqrt(v1 + EPS) * g1 + be1
    h = jnp.maximum(h @ W2 + b2, 0.0)
    h = (h - m2) / jnp.sqrt(v2 + EPS) * g2 + be2
    out = h @ W3 + b3
    return out

if __name__ == "__main__":
    import jax
    _d = setup_inputs()
    print(jax.jit(kernel)(*tuple(_d.values())))

</pallas_src>

<mosaic_0001>
#map = affine_map<(d0, d1) -> (0, 0)>
#map1 = affine_map<(d0, d1) -> (0)>
module attributes {stable_mosaic.version = 14 : i64} {
  func.func @_sc_gather(%arg0: i32, %arg1: i32, %arg2: memref<2600832x16xf32, #tpu.memory_space<hbm>>, %arg3: memref<425984xi32, #tpu.memory_space<hbm>>, %arg4: memref<425984x16xf32, #tpu.memory_space<hbm>>, %arg5: memref<13312xi32, #tpu.memory_space<vmem>>, %arg6: memref<2x1664x16xf32, #tpu.memory_space<vmem>>, %arg7: memref<!tpu.dma_semaphore, #tpu.memory_space<semaphore_mem>>, %arg8: memref<!tpu.dma_semaphore, #tpu.memory_space<semaphore_mem>>, %arg9: memref<!tpu.dma_semaphore, #tpu.memory_space<semaphore_mem>>) attributes {dimension_semantics = [#tpu.dimension_semantics<core_parallel>, #tpu.dimension_semantics<subcore_parallel>], iteration_bounds = array<i64: 2, 16>, scalar_prefetch = 0 : i64, scratch_operands = 5 : i64, tpu.core_type = #tpu.core_type<sc_vector_subcore>, window_params = [{transform_indices = #map}, {transform_indices = #map1}, {transform_indices = #map}]} {
    %mul3A = arith.constant 2 : i32
    %mul3A_0 = arith.muli %arg1, %mul3A : i32
    %add3A = arith.addi %mul3A_0, %arg0 : i32
    %mul3A_1 = arith.constant 13312 : i32
    %mul3A_2 = arith.muli %add3A, %mul3A_1 : i32
    %dma_start3A = tpu.memref_slice %arg3[%mul3A_2] : memref<425984xi32, #tpu.memory_space<hbm>> -> memref<13312xi32, #tpu.memory_space<hbm>>
    %dma_start3A_3 = tpu.memref_slice %arg3[%mul3A_2] : memref<425984xi32, #tpu.memory_space<hbm>> -> memref<13312xi32, #tpu.memory_space<hbm>>
    tpu.enqueue_dma source(%dma_start3A_3 : memref<13312xi32, #tpu.memory_space<hbm>>) target(%arg5 : memref<13312xi32, #tpu.memory_space<vmem>>) target_semaphore(%arg9 : memref<!tpu.dma_semaphore, #tpu.memory_space<semaphore_mem>>)
    %dma_wait3A = tpu.memref_slice %arg3[%mul3A_2] : memref<425984xi32, #tpu.memory_space<hbm>> -> memref<13312xi32, #tpu.memory_space<hbm>>
    %dma_wait3A_4 = tpu.memref_slice %arg3[%mul3A_2] : memref<425984xi32, #tpu.memory_space<hbm>> -> memref<13312xi32, #tpu.memory_space<hbm>>
    tpu.wait_dma2 semaphore(%arg9 : memref<!tpu.dma_semaphore, #tpu.memory_space<semaphore_mem>>) src(%dma_wait3A_4 : memref<13312xi32, #tpu.memory_space<hbm>>) dst(%arg5 : memref<13312xi32, #tpu.memory_space<vmem>>)
    %dma_start3A_5 = arith.constant 0 : i32
    %dma_start3A_6 = arith.constant 0 : i32
    %dma_start3A_7 = arith.constant 0 : i32
    %dma_start3A_8 = tpu.memref_slice %arg6[%dma_start3A_5, %dma_start3A_6, %dma_start3A_7] : memref<2x1664x16xf32, #tpu.memory_space<vmem>> -> memref<1x1664x16xf32, #tpu.memory_space<vmem>>
    %dma_start3A_9 = tpu.memref_squeeze %dma_start3A_8 : memref<1x1664x16xf32, #tpu.memory_space<vmem>> -> memref<1664x16xf32, #tpu.memory_space<vmem>>
    %dma_start3A_10 = arith.constant 0 : i32
    %dma_start3A_11 = tpu.memref_slice %arg5[%dma_start3A_10] : memref<13312xi32, #tpu.memory_space<vmem>> -> memref<1664xi32, #tpu.memory_space<vmem>>
    %dma_start3A_12 = arith.constant 0 : i32
    %dma_start3A_13 = arith.constant 0 : i32
    %dma_start3A_14 = tpu.memref_slice %arg2[%dma_start3A_12, %dma_start3A_13] : memref<2600832x16xf32, #tpu.memory_space<hbm>> -> memref<2600832x16xf32, #tpu.memory_space<hbm>>
    tpu.enqueue_indirect_dma source(%dma_start3A_14 : memref<2600832x16xf32, #tpu.memory_space<hbm>>) target(%dma_start3A_9 : memref<1664x16xf32, #tpu.memory_space<vmem>>) offsets(%dma_start3A_11 : memref<1664xi32, #tpu.memory_space<vmem>>) semaphore(%arg7 : memref<!tpu.dma_semaphore, #tpu.memory_space<semaphore_mem>>)
    %dma_wait3A_15 = arith.constant 0 : i32
    %dma_wait3A_16 = arith.constant 0 : i32
    %dma_wait3A_17 = arith.constant 0 : i32
    %dma_wait3A_18 = tpu.memref_slice %arg6[%dma_wait3A_15, %dma_wait3A_16, %dma_wait3A_17] : memref<2x1664x16xf32, #tpu.memory_space<vmem>> -> memref<1x1664x16xf32, #tpu.memory_space<vmem>>
    %dma_wait3A_19 = tpu.memref_squeeze %dma_wait3A_18 : memref<1x1664x16xf32, #tpu.memory_space<vmem>> -> memref<1664x16xf32, #tpu.memory_space<vmem>>
    %dma_wait3A_20 = arith.constant 0 : i32
    %dma_wait3A_21 = tpu.memref_slice %arg5[%dma_wait3A_20] : memref<13312xi32, #tpu.memory_space<vmem>> -> memref<1664xi32, #tpu.memory_space<vmem>>
    %dma_wait3A_22 = arith.constant 0 : i32
    %dma_wait3A_23 = arith.constant 0 : i32
    %dma_wait3A_24 = tpu.memref_slice %arg2[%dma_wait3A_22, %dma_wait3A_23] : memref<2600832x16xf32, #tpu.memory_space<hbm>> -> memref<2600832x16xf32, #tpu.memory_space<hbm>>
    tpu.wait_indirect_dma semaphore(%arg7 : memref<!tpu.dma_semaphore, #tpu.memory_space<semaphore_mem>>) src(%dma_wait3A_24 : memref<2600832x16xf32, #tpu.memory_space<hbm>>) dst(%dma_wait3A_19 : memref<1664x16xf32, #tpu.memory_space<vmem>>)
    %dma_start3A_25 = arith.constant 1 : i32
    %dma_start3A_26 = arith.constant 0 : i32
    %dma_start3A_27 = arith.constant 0 : i32
    %dma_start3A_28 = tpu.memref_slice %arg6[%dma_start3A_25, %dma_start3A_26, %dma_start3A_27] : memref<2x1664x16xf32, #tpu.memory_space<vmem>> -> memref<1x1664x16xf32, #tpu.memory_space<vmem>>
    %dma_start3A_29 = tpu.memref_squeeze %dma_start3A_28 : memref<1x1664x16xf32, #tpu.memory_space<vmem>> -> memref<1664x16xf32, #tpu.memory_space<vmem>>
    %dma_start3A_30 = arith.constant 1664 : i32
    %dma_start3A_31 = tpu.memref_slice %arg5[%dma_start3A_30] : memref<13312xi32, #tpu.memory_space<vmem>> -> memref<1664xi32, #tpu.memory_space<vmem>>
    %dma_start3A_32 = arith.constant 0 : i32
    %dma_start3A_33 = arith.constant 0 : i32
    %dma_start3A_34 = tpu.memref_slice %arg2[%dma_start3A_32, %dma_start3A_33] : memref<2600832x16xf32, #tpu.memory_space<hbm>> -> memref<2600832x16xf32, #tpu.memory_space<hbm>>
    tpu.enqueue_indirect_dma source(%dma_start3A_34 : memref<2600832x16xf32, #tpu.memory_space<hbm>>) target(%dma_start3A_29 : memref<1664x16xf32, #tpu.memory_space<vmem>>) offsets(%dma_start3A_31 : memref<1664xi32, #tpu.memory_space<vmem>>) semaphore(%arg7 : memref<!tpu.dma_semaphore, #tpu.memory_space<semaphore_mem>>)
    %add3A_35 = arith.constant 0 : i32
    %add3A_36 = arith.addi %mul3A_2, %add3A_35 : i32
    %dma_start3A_37 = arith.constant 0 : i32
    %dma_start3A_38 = arith.constant 0 : i32
    %dma_start3A_39 = arith.constant 0 : i32
    %dma_start3A_40 = tpu.memref_slice %arg6[%dma_start3A_37, %dma_start3A_38, %dma_start3A_39] : memref<2x1664x16xf32, #tpu.memory_space<vmem>> -> memref<1x1664x16xf32, #tpu.memory_space<vmem>>
    %dma_start3A_41 = tpu.memref_squeeze %dma_start3A_40 : memref<1x1664x16xf32, #tpu.memory_space<vmem>> -> memref<1664x16xf32, #tpu.memory_space<vmem>>
    %dma_start3A_42 = arith.constant 0 : i32
    %dma_start3A_43 = tpu.memref_slice %arg4[%add3A_36, %dma_start3A_42] : memref<425984x16xf32, #tpu.memory_space<hbm>> -> memref<1664x16xf32, #tpu.memory_space<hbm>>
    %dma_start3A_44 = arith.constant 0 : i32
    %dma_start3A_45 = tpu.memref_slice %arg4[%add3A_36, %dma_start3A_44] : memref<425984x16xf32, #tpu.memory_space<hbm>> -> memref<1664x16xf32, #tpu.memory_space<hbm>>
    %dma_start3A_46 = arith.constant 0 : i32
    %dma_start3A_47 = arith.constant 0 : i32
    %dma_start3A_48 = tpu.memref_slice %arg6[%dma_start3A_37, %dma_start3A_46, %dma_start3A_47] : memref<2x1664x16xf32, #tpu.memory_space<vmem>> -> memref<1x1664x16xf32, #tpu.memory_space<vmem>>
    %dma_start3A_49 = tpu.memref_squeeze %dma_start3A_48 : memref<1x1664x16xf32, #tpu.memory_space<vmem>> -> memref<1664x16xf32, #tpu.memory_space<vmem>>
    tpu.enqueue_dma source(%dma_start3A_49 : memref<1664x16xf32, #tpu.memory_space<vmem>>) target(%dma_start3A_45 : memref<1664x16xf32, #tpu.memory_space<hbm>>) target_semaphore(%arg8 : memref<!tpu.dma_semaphore, #tpu.memory_space<semaphore_mem>>)
    %dma_wait3A_50 = arith.constant 1 : i32
    %dma_wait3A_51 = arith.constant 0 : i32
    %dma_wait3A_52 = arith.constant 0 : i32
    %dma_wait3A_53 = tpu.memref_slice %arg6[%dma_wait3A_50, %dma_wait3A_51, %dma_wait3A_52] : memref<2x1664x16xf32, #tpu.memory_space<vmem>> -> memref<1x1664x16xf32, #tpu.memory_space<vmem>>
    %dma_wait3A_54 = tpu.memref_squeeze %dma_wait3A_53 : memref<1x1664x16xf32, #tpu.memory_space<vmem>> -> memref<1664x16xf32, #tpu.memory_space<vmem>>
    %dma_wait3A_55 = arith.constant 1664 : i32
    %dma_wait3A_56 = tpu.memref_slice %arg5[%dma_wait3A_55] : memref<13312xi32, #tpu.memory_space<vmem>> -> memref<1664xi32, #tpu.memory_space<vmem>>
    %dma_wait3A_57 = arith.constant 0 : i32
    %dma_wait3A_58 = arith.constant 0 : i32
    %dma_wait3A_59 = tpu.memref_slice %arg2[%dma_wait3A_57, %dma_wait3A_58] : memref<2600832x16xf32, #tpu.memory_space<hbm>> -> memref<2600832x16xf32, #tpu.memory_space<hbm>>
    tpu.wait_indirect_dma semaphore(%arg7 : memref<!tpu.dma_semaphore, #tpu.memory_space<semaphore_mem>>) src(%dma_wait3A_59 : memref<2600832x16xf32, #tpu.memory_space<hbm>>) dst(%dma_wait3A_54 : memref<1664x16xf32, #tpu.memory_space<vmem>>)
    %add3A_60 = arith.constant 0 : i32
    %add3A_61 = arith.addi %mul3A_2, %add3A_60 : i32
    %dma_wait3A_62 = arith.constant 0 : i32
    %dma_wait3A_63 = arith.constant 0 : i32
    %dma_wait3A_64 = arith.constant 0 : i32
    %dma_wait3A_65 = tpu.memref_slice %arg6[%dma_wait3A_62, %dma_wait3A_63, %dma_wait3A_64] : memref<2x1664x16xf32, #tpu.memory_space<vmem>> -> memref<1x1664x16xf32, #tpu.memory_space<vmem>>
    %dma_wait3A_66 = tpu.memref_squeeze %dma_wait3A_65 : memref<1x1664x16xf32, #tpu.memory_space<vmem>> -> memref<1664x16xf32, #tpu.memory_space<vmem>>
    %dma_wait3A_67 = arith.constant 0 : i32
    %dma_wait3A_68 = tpu.memref_slice %arg4[%add3A_61, %dma_wait3A_67] : memref<425984x16xf32, #tpu.memory_space<hbm>> -> memref<1664x16xf32, #tpu.memory_space<hbm>>
    %dma_wait3A_69 = arith.constant 0 : i32
    %dma_wait3A_70 = tpu.memref_slice %arg4[%add3A_61, %dma_wait3A_69] : memref<425984x16xf32, #tpu.memory_space<hbm>> -> memref<1664x16xf32, #tpu.memory_space<hbm>>
    %dma_wait3A_71 = arith.constant 0 : i32
    %dma_wait3A_72 = arith.constant 0 : i32
    %dma_wait3A_73 = tpu.memref_slice %arg6[%dma_wait3A_62, %dma_wait3A_71, %dma_wait3A_72] : memref<2x1664x16xf32, #tpu.memory_space<vmem>> -> memref<1x1664x16xf32, #tpu.memory_space<vmem>>
    %dma_wait3A_74 = tpu.memref_squeeze %dma_wait3A_73 : memref<1x1664x16xf32, #tpu.memory_space<vmem>> -> memref<1664x16xf32, #tpu.memory_space<vmem>>
    tpu.wait_dma2 semaphore(%arg8 : memref<!tpu.dma_semaphore, #tpu.memory_space<semaphore_mem>>) src(%dma_wait3A_74 : memref<1664x16xf32, #tpu.memory_space<vmem>>) dst(%dma_wait3A_70 : memref<1664x16xf32, #tpu.memory_space<hbm>>)
    %dma_start3A_75 = arith.constant 0 : i32
    %dma_start3A_76 = arith.constant 0 : i32
    %dma_start3A_77 = arith.constant 0 : i32
    %dma_start3A_78 = tpu.memref_slice %arg6[%dma_start3A_75, %dma_start3A_76, %dma_start3A_77] : memref<2x1664x16xf32, #tpu.memory_space<vmem>> -> memref<1x1664x16xf32, #tpu.memory_space<vmem>>
    %dma_start3A_79 = tpu.memref_squeeze %dma_start3A_78 : memref<1x1664x16xf32, #tpu.memory_space<vmem>> -> memref<1664x16xf32, #tpu.memory_space<vmem>>
    %dma_start3A_80 = arith.constant 3328 : i32
    %dma_start3A_81 = tpu.memref_slice %arg5[%dma_start3A_80] : memref<13312xi32, #tpu.memory_space<vmem>> -> memref<1664xi32, #tpu.memory_space<vmem>>
    %dma_start3A_82 = arith.constant 0 : i32
    %dma_start3A_83 = arith.constant 0 : i32
    %dma_start3A_84 = tpu.memref_slice %arg2[%dma_start3A_82, %dma_start3A_83] : memref<2600832x16xf32, #tpu.memory_space<hbm>> -> memref<2600832x16xf32, #tpu.memory_space<hbm>>
    tpu.enqueue_indirect_dma source(%dma_start3A_84 : memref<2600832x16xf32, #tpu.memory_space<hbm>>) target(%dma_start3A_79 : memref<1664x16xf32, #tpu.memory_space<vmem>>) offsets(%dma_start3A_81 : memref<1664xi32, #tpu.memory_space<vmem>>) semaphore(%arg7 : memref<!tpu.dma_semaphore, #tpu.memory_space<semaphore_mem>>)
    %add3A_85 = arith.constant 1664 : i32
    %add3A_86 = arith.addi %mul3A_2, %add3A_85 : i32
    %dma_start3A_87 = arith.constant 1 : i32
    %dma_start3A_88 = arith.constant 0 : i32
    %dma_start3A_89 = arith.constant 0 : i32
    %dma_start3A_90 = tpu.memref_slice %arg6[%dma_start3A_87, %dma_start3A_88, %dma_start3A_89] : memref<2x1664x16xf32, #tpu.memory_space<vmem>> -> memref<1x1664x16xf32, #tpu.memory_space<vmem>>
    %dma_start3A_91 = tpu.memref_squeeze %dma_start3A_90 : memref<1x1664x16xf32, #tpu.memory_space<vmem>> -> memref<1664x16xf32, #tpu.memory_space<vmem>>
    %dma_start3A_92 = arith.constant 0 : i32
    %dma_start3A_93 = tpu.memref_slice %arg4[%add3A_86, %dma_start3A_92] : memref<425984x16xf32, #tpu.memory_space<hbm>> -> memref<1664x16xf32, #tpu.memory_space<hbm>>
    %dma_start3A_94 = arith.constant 0 : i32
    %dma_start3A_95 = tpu.memref_slice %arg4[%add3A_86, %dma_start3A_94] : memref<425984x16xf32, #tpu.memory_space<hbm>> -> memref<1664x16xf32, #tpu.memory_space<hbm>>
    %dma_start3A_96 = arith.constant 0 : i32
    %dma_start3A_97 = arith.constant 0 : i32
    %dma_start3A_98 = tpu.memref_slice %arg6[%dma_start3A_87, %dma_start3A_96, %dma_start3A_97] : memref<2x1664x16xf32, #tpu.memory_space<vmem>> -> memref<1x1664x16xf32, #tpu.memory_space<vmem>>
    %dma_start3A_99 = tpu.memref_squeeze %dma_start3A_98 : memref<1x1664x16xf32, #tpu.memory_space<vmem>> -> memref<1664x16xf32, #tpu.memory_space<vmem>>
    tpu.enqueue_dma source(%dma_start3A_99 : memref<1664x16xf32, #tpu.memory_space<vmem>>) target(%dma_start3A_95 : memref<1664x16xf32, #tpu.memory_space<hbm>>) target_semaphore(%arg8 : memref<!tpu.dma_semaphore, #tpu.memory_space<semaphore_mem>>)
    %dma_wait3A_100 = arith.constant 0 : i32
    %dma_wait3A_101 = arith.constant 0 : i32
    %dma_wait3A_102 = arith.constant 0 : i32
    %dma_wait3A_103 = tpu.memref_slice %arg6[%dma_wait3A_100, %dma_wait3A_101, %dma_wait3A_102] : memref<2x1664x16xf32, #tpu.memory_space<vmem>> -> memref<1x1664x16xf32, #tpu.memory_space<vmem>>
    %dma_wait3A_104 = tpu.memref_squeeze %dma_wait3A_103 : memref<1x1664x16xf32, #tpu.memory_space<vmem>> -> memref<1664x16xf32, #tpu.memory_space<vmem>>
    %dma_wait3A_105 = arith.constant 3328 : i32
    %dma_wait3A_106 = tpu.memref_slice %arg5[%dma_wait3A_105] : memref<13312xi32, #tpu.memory_space<vmem>> -> memref<1664xi32, #tpu.memory_space<vmem>>
    %dma_wait3A_107 = arith.constant 0 : i32
    %dma_wait3A_108 = arith.constant 0 : i32
    %dma_wait3A_109 = tpu.memref_slice %arg2[%dma_wait3A_107, %dma_wait3A_108] : memref<2600832x16xf32, #tpu.memory_space<hbm>> -> memref<2600832x16xf32, #tpu.memory_space<hbm>>
    tpu.wait_indirect_dma semaphore(%arg7 : memref<!tpu.dma_semaphore, #tpu.memory_space<semaphore_mem>>) src(%dma_wait3A_109 : memref<2600832x16xf32, #tpu.memory_space<hbm>>) dst(%dma_wait3A_104 : memref<1664x16xf32, #tpu.memory_space<vmem>>)
    %add3A_110 = arith.constant 1664 : i32
    %add3A_111 = arith.addi %mul3A_2, %add3A_110 : i32
    %dma_wait3A_112 = arith.constant 1 : i32
    %dma_wait3A_113 = arith.constant 0 : i32
    %dma_wait3A_114 = arith.constant 0 : i32
    %dma_wait3A_115 = tpu.memref_slice %arg6[%dma_wait3A_112, %dma_wait3A_113, %dma_wait3A_114] : memref<2x1664x16xf32, #tpu.memory_space<vmem>> -> memref<1x1664x16xf32, #tpu.memory_space<vmem>>
    %dma_wait3A_116 = tpu.memref_squeeze %dma_wait3A_115 : memref<1x1664x16xf32, #tpu.memory_space<vmem>> -> memref<1664x16xf32, #tpu.memory_space<vmem>>
    %dma_wait3A_117 = arith.constant 0 : i32
    %dma_wait3A_118 = tpu.memref_slice %arg4[%add3A_111, %dma_wait3A_117] : memref<425984x16xf32, #tpu.memory_space<hbm>> -> memref<1664x16xf32, #tpu.memory_space<hbm>>
    %dma_wait3A_119 = arith.constant 0 : i32
    %dma_wait3A_120 = tpu.memref_slice %arg4[%add3A_111, %dma_wait3A_119] : memref<425984x16xf32, #tpu.memory_space<hbm>> -> memref<1664x16xf32, #tpu.memory_space<hbm>>
    %dma_wait3A_121 = arith.constant 0 : i32
    %dma_wait3A_122 = arith.constant 0 : i32
    %dma_wait3A_123 = tpu.memref_slice %arg6[%dma_wait3A_112, %dma_wait3A_121, %dma_wait3A_122] : memref<2x1664x16xf32, #tpu.memory_space<vmem>> -> memref<1x1664x16xf32, #tpu.memory_space<vmem>>
    %dma_wait3A_124 = tpu.memref_squeeze %dma_wait3A_123 : memref<1x1664x16xf32, #tpu.memory_space<vmem>> -> memref<1664x16xf32, #tpu.memory_space<vmem>>
    tpu.wait_dma2 semaphore(%arg8 : memref<!tpu.dma_semaphore, #tpu.memory_space<semaphore_mem>>) src(%dma_wait3A_124 : memref<1664x16xf32, #tpu.memory_space<vmem>>) dst(%dma_wait3A_120 : memref<1664x16xf32, #tpu.memory_space<hbm>>)
    %dma_start3A_125 = arith.constant 1 : i32
    %dma_start3A_126 = arith.constant 0 : i32
    %dma_start3A_127 = arith.constant 0 : i32
    %dma_start3A_128 = tpu.memref_slice %arg6[%dma_start3A_125, %dma_start3A_126, %dma_start3A_127] : memref<2x1664x16xf32, #tpu.memory_space<vmem>> -> memref<1x1664x16xf32, #tpu.memory_space<vmem>>
    %dma_start3A_129 = tpu.memref_squeeze %dma_start3A_128 : memref<1x1664x16xf32, #tpu.memory_space<vmem>> -> memref<1664x16xf32, #tpu.memory_space<vmem>>
    %dma_start3A_130 = arith.constant 4992 : i32
    %dma_start3A_131 = tpu.memref_slice %arg5[%dma_start3A_130] : memref<13312xi32, #tpu.memory_space<vmem>> -> memref<1664xi32, #tpu.memory_space<vmem>>
    %dma_start3A_132 = arith.constant 0 : i32
    %dma_start3A_133 = arith.constant 0 : i32
    %dma_start3A_134 = tpu.memref_slice %arg2[%dma_start3A_132, %dma_start3A_133] : memref<2600832x16xf32, #tpu.memory_space<hbm>> -> memref<2600832x16xf32, #tpu.memory_space<hbm>>
    tpu.enqueue_indirect_dma source(%dma_start3A_134 : memref<2600832x16xf32, #tpu.memory_space<hbm>>) target(%dma_start3A_129 : memref<1664x16xf32, #tpu.memory_space<vmem>>) offsets(%dma_start3A_131 : memref<1664xi32, #tpu.memory_space<vmem>>) semaphore(%arg7 : memref<!tpu.dma_semaphore, #tpu.memory_space<semaphore_mem>>)
    %add3A_135 = arith.constant 3328 : i32
    %add3A_136 = arith.addi %mul3A_2, %add3A_135 : i32
    %dma_start3A_137 = arith.constant 0 : i32
    %dma_start3A_138 = arith.constant 0 : i32
    %dma_start3A_139 = arith.constant 0 : i32
    %dma_start3A_140 = tpu.memref_slice %arg6[%dma_start3A_137, %dma_start3A_138, %dma_start3A_139] : memref<2x1664x16xf32, #tpu.memory_space<vmem>> -> memref<1x1664x16xf32, #tpu.memory_space<vmem>>
    %dma_start3A_141 = tpu.memref_squeeze %dma_start3A_140 : memref<1x1664x16xf32, #tpu.memory_space<vmem>> -> memref<1664x16xf32, #tpu.memory_space<vmem>>
    %dma_start3A_142 = arith.constant 0 : i32
    %dma_start3A_143 = tpu.memref_slice %arg4[%add3A_136, %dma_start3A_142] : memref<425984x16xf32, #tpu.memory_space<hbm>> -> memref<1664x16xf32, #tpu.memory_space<hbm>>
    %dma_start3A_144 = arith.constant 0 : i32
    %dma_start3A_145 = tpu.memref_slice %arg4[%add3A_136, %dma_start3A_144] : memref<425984x16xf32, #tpu.memory_space<hbm>> -> memref<1664x16xf32, #tpu.memory_space<hbm>>
    %dma_start3A_146 = arith.constant 0 : i32
    %dma_start3A_147 = arith.constant 0 : i32
    %dma_start3A_148 = tpu.memref_slice %arg6[%dma_start3A_137, %dma_start3A_146, %dma_start3A_147] : memref<2x1664x16xf32, #tpu.memory_space<vmem>> -> memref<1x1664x16xf32, #tpu.memory_space<vmem>>
    %dma_start3A_149 = tpu.memref_squeeze %dma_start3A_148 : memref<1x1664x16xf32, #tpu.memory_space<vmem>> -> memref<1664x16xf32, #tpu.memory_space<vmem>>
    tpu.enqueue_dma source(%dma_start3A_149 : memref<1664x16xf32, #tpu.memory_space<vmem>>) target(%dma_start3A_145 : memref<1664x16xf32, #tpu.memory_space<hbm>>) target_semaphore(%arg8 : memref<!tpu.dma_semaphore, #tpu.memory_space<semaphore_mem>>)
    %dma_wait3A_150 = arith.constant 1 : i32
    %dma_wait3A_151 = arith.constant 0 : i32
    %dma_wait3A_152 = arith.constant 0 : i32
    %dma_wait3A_153 = tpu.memref_slice %arg6[%dma_wait3A_150, %dma_wait3A_151, %dma_wait3A_152] : memref<2x1664x16xf32, #tpu.memory_space<vmem>> -> memref<1x1664x16xf32, #tpu.memory_space<vmem>>
    %dma_wait3A_154 = tpu.memref_squeeze %dma_wait3A_153 : memref<1x1664x16xf32, #tpu.memory_space<vmem>> -> memref<1664x16xf32, #tpu.memory_space<vmem>>
    %dma_wait3A_155 = arith.constant 4992 : i32
    %dma_wait3A_156 = tpu.memref_slice %arg5[%dma_wait3A_155] : memref<13312xi32, #tpu.memory_space<vmem>> -> memref<1664xi32, #tpu.memory_space<vmem>>
    %dma_wait3A_157 = arith.constant 0 : i32
    %dma_wait3A_158 = arith.constant 0 : i32
    %dma_wait3A_159 = tpu.memref_slice %arg2[%dma_wait3A_157, %dma_wait3A_158] : memref<2600832x16xf32, #tpu.memory_space<hbm>> -> memref<2600832x16xf32, #tpu.memory_space<hbm>>
    tpu.wait_indirect_dma semaphore(%arg7 : memref<!tpu.dma_semaphore, #tpu.memory_space<semaphore_mem>>) src(%dma_wait3A_159 : memref<2600832x16xf32, #tpu.memory_space<hbm>>) dst(%dma_wait3A_154 : memref<1664x16xf32, #tpu.memory_space<vmem>>)
    %add3A_160 = arith.constant 3328 : i32
    %add3A_161 = arith.addi %mul3A_2, %add3A_160 : i32
    %dma_wait3A_162 = arith.constant 0 : i32
    %dma_wait3A_163 = arith.constant 0 : i32
    %dma_wait3A_164 = arith.constant 0 : i32
    %dma_wait3A_165 = tpu.memref_slice %arg6[%dma_wait3A_162, %dma_wait3A_163, %dma_wait3A_164] : memref<2x1664x16xf32, #tpu.memory_space<vmem>> -> memref<1x1664x16xf32, #tpu.memory_space<vmem>>
    %dma_wait3A_166 = tpu.memref_squeeze %dma_wait3A_165 : memref<1x1664x16xf32, #tpu.memory_space<vmem>> -> memref<1664x16xf32, #tpu.memory_space<vmem>>
    %dma_wait3A_167 = arith.constant 0 : i32
    %dma_wait3A_168 = tpu.memref_slice %arg4[%add3A_161, %dma_wait3A_167] : memref<425984x16xf32, #tpu.memory_space<hbm>> -> memref<1664x16xf32, #tpu.memory_space<hbm>>
    %dma_wait3A_169 = arith.constant 0 : i32
    %dma_wait3A_170 = tpu.memref_slice %arg4[%add3A_161, %dma_wait3A_169] : memref<425984x16xf32, #tpu.memory_space<hbm>> -> memref<1664x16xf32, #tpu.memory_space<hbm>>
    %dma_wait3A_171 = arith.constant 0 : i32
    %dma_wait3A_172 = arith.constant 0 : i32
    %dma_wait3A_173 = tpu.memref_slice %arg6[%dma_wait3A_162, %dma_wait3A_171, %dma_wait3A_172] : memref<2x1664x16xf32, #tpu.memory_space<vmem>> -> memref<1x1664x16xf32, #tpu.memory_space<vmem>>
    %dma_wait3A_174 = tpu.memref_squeeze %dma_wait3A_173 : memref<1x1664x16xf32, #tpu.memory_space<vmem>> -> memref<1664x16xf32, #tpu.memory_space<vmem>>
    tpu.wait_dma2 semaphore(%arg8 : memref<!tpu.dma_semaphore, #tpu.memory_space<semaphore_mem>>) src(%dma_wait3A_174 : memref<1664x16xf32, #tpu.memory_space<vmem>>) dst(%dma_wait3A_170 : memref<1664x16xf32, #tpu.memory_space<hbm>>)
    %dma_start3A_175 = arith.constant 0 : i32
    %dma_start3A_176 = arith.constant 0 : i32
    %dma_start3A_177 = arith.constant 0 : i32
    %dma_start3A_178 = tpu.memref_slice %arg6[%dma_start3A_175, %dma_start3A_176, %dma_start3A_177] : memref<2x1664x16xf32, #tpu.memory_space<vmem>> -> memref<1x1664x16xf32, #tpu.memory_space<vmem>>
    %dma_start3A_179 = tpu.memref_squeeze %dma_start3A_178 : memref<1x1664x16xf32, #tpu.memory_space<vmem>> -> memref<1664x16xf32, #tpu.memory_space<vmem>>
    %dma_start3A_180 = arith.constant 6656 : i32
    %dma_start3A_181 = tpu.memref_slice %arg5[%dma_start3A_180] : memref<13312xi32, #tpu.memory_space<vmem>> -> memref<1664xi32, #tpu.memory_space<vmem>>
    %dma_start3A_182 = arith.constant 0 : i32
    %dma_start3A_183 = arith.constant 0 : i32
    %dma_start3A_184 = tpu.memref_slice %arg2[%dma_start3A_182, %dma_start3A_183] : memref<2600832x16xf32, #tpu.memory_space<hbm>> -> memref<2600832x16xf32, #tpu.memory_space<hbm>>
    tpu.enqueue_indirect_dma source(%dma_start3A_184 : memref<2600832x16xf32, #tpu.memory_space<hbm>>) target(%dma_start3A_179 : memref<1664x16xf32, #tpu.memory_space<vmem>>) offsets(%dma_start3A_181 : memref<1664xi32, #tpu.memory_space<vmem>>) semaphore(%arg7 : memref<!tpu.dma_semaphore, #tpu.memory_space<semaphore_mem>>)
    %add3A_185 = arith.constant 4992 : i32
    %add3A_186 = arith.addi %mul3A_2, %add3A_185 : i32
    %dma_start3A_187 = arith.constant 1 : i32
    %dma_start3A_188 = arith.constant 0 : i32
    %dma_start3A_189 = arith.constant 0 : i32
    %dma_start3A_190 = tpu.memref_slice %arg6[%dma_start3A_187, %dma_start3A_188, %dma_start3A_189] : memref<2x1664x16xf32, #tpu.memory_space<vmem>> -> memref<1x1664x16xf32, #tpu.memory_space<vmem>>
    %dma_start3A_191 = tpu.memref_squeeze %dma_start3A_190 : memref<1x1664x16xf32, #tpu.memory_space<vmem>> -> memref<1664x16xf32, #tpu.memory_space<vmem>>
    %dma_start3A_192 = arith.constant 0 : i32
    %dma_start3A_193 = tpu.memref_slice %arg4[%add3A_186, %dma_start3A_192] : memref<425984x16xf32, #tpu.memory_space<hbm>> -> memref<1664x16xf32, #tpu.memory_space<hbm>>
    %dma_start3A_194 = arith.constant 0 : i32
    %dma_start3A_195 = tpu.memref_slice %arg4[%add3A_186, %dma_start3A_194] : memref<425984x16xf32, #tpu.memory_space<hbm>> -> memref<1664x16xf32, #tpu.memory_space<hbm>>
    %dma_start3A_196 = arith.constant 0 : i32
    %dma_start3A_197 = arith.constant 0 : i32
    %dma_start3A_198 = tpu.memref_slice %arg6[%dma_start3A_187, %dma_start3A_196, %dma_start3A_197] : memref<2x1664x16xf32, #tpu.memory_space<vmem>> -> memref<1x1664x16xf32, #tpu.memory_space<vmem>>
    %dma_start3A_199 = tpu.memref_squeeze %dma_start3A_198 : memref<1x1664x16xf32, #tpu.memory_space<vmem>> -> memref<1664x16xf32, #tpu.memory_space<vmem>>
    tpu.enqueue_dma source(%dma_start3A_199 : memref<1664x16xf32, #tpu.memory_space<vmem>>) target(%dma_start3A_195 : memref<1664x16xf32, #tpu.memory_space<hbm>>) target_semaphore(%arg8 : memref<!tpu.dma_semaphore, #tpu.memory_space<semaphore_mem>>)
    %dma_wait3A_200 = arith.constant 0 : i32
    %dma_wait3A_201 = arith.constant 0 : i32
    %dma_wait3A_202 = arith.constant 0 : i32
    %dma_wait3A_203 = tpu.memref_slice %arg6[%dma_wait3A_200, %dma_wait3A_201, %dma_wait3A_202] : memref<2x1664x16xf32, #tpu.memory_space<vmem>> -> memref<1x1664x16xf32, #tpu.memory_space<vmem>>
    %dma_wait3A_204 = tpu.memref_squeeze %dma_wait3A_203 : memref<1x1664x16xf32, #tpu.memory_space<vmem>> -> memref<1664x16xf32, #tpu.memory_space<vmem>>
    %dma_wait3A_205 = arith.constant 6656 : i32
    %dma_wait3A_206 = tpu.memref_slice %arg5[%dma_wait3A_205] : memref<13312xi32, #tpu.memory_space<vmem>> -> memref<1664xi32, #tpu.memory_space<vmem>>
    %dma_wait3A_207 = arith.constant 0 : i32
    %dma_wait3A_208 = arith.constant 0 : i32
    %dma_wait3A_209 = tpu.memref_slice %arg2[%dma_wait3A_207, %dma_wait3A_208] : memref<2600832x16xf32, #tpu.memory_space<hbm>> -> memref<2600832x16xf32, #tpu.memory_space<hbm>>
    tpu.wait_indirect_dma semaphore(%arg7 : memref<!tpu.dma_semaphore, #tpu.memory_space<semaphore_mem>>) src(%dma_wait3A_209 : memref<2600832x16xf32, #tpu.memory_space<hbm>>) dst(%dma_wait3A_204 : memref<1664x16xf32, #tpu.memory_space<vmem>>)
    %add3A_210 = arith.constant 4992 : i32
    %add3A_211 = arith.addi %mul3A_2, %add3A_210 : i32
    %dma_wait3A_212 = arith.constant 1 : i32
    %dma_wait3A_213 = arith.constant 0 : i32
    %dma_wait3A_214 = arith.constant 0 : i32
    %dma_wait3A_215 = tpu.memref_slice %arg6[%dma_wait3A_212, %dma_wait3A_213, %dma_wait3A_214] : memref<2x1664x16xf32, #tpu.memory_space<vmem>> -> memref<1x1664x16xf32, #tpu.memory_space<vmem>>
    %dma_wait3A_216 = tpu.memref_squeeze %dma_wait3A_215 : memref<1x1664x16xf32, #tpu.memory_space<vmem>> -> memref<1664x16xf32, #tpu.memory_space<vmem>>
    %dma_wait3A_217 = arith.constant 0 : i32
    %dma_wait3A_218 = tpu.memref_slice %arg4[%add3A_211, %dma_wait3A_217] : memref<425984x16xf32, #tpu.memory_space<hbm>> -> memref<1664x16xf32, #tpu.memory_space<hbm>>
    %dma_wait3A_219 = arith.constant 0 : i32
    %dma_wait3A_220 = tpu.memref_slice %arg4[%add3A_211, %dma_wait3A_219] : memref<425984x16xf32, #tpu.memory_space<hbm>> -> memref<1664x16xf32, #tpu.memory_space<hbm>>
    %dma_wait3A_221 = arith.constant 0 : i32
    %dma_wait3A_222 = arith.constant 0 : i32
    %dma_wait3A_223 = tpu.memref_slice %arg6[%dma_wait3A_212, %dma_wait3A_221, %dma_wait3A_222] : memref<2x1664x16xf32, #tpu.memory_space<vmem>> -> memref<1x1664x16xf32, #tpu.memory_space<vmem>>
    %dma_wait3A_224 = tpu.memref_squeeze %dma_wait3A_223 : memref<1x1664x16xf32, #tpu.memory_space<vmem>> -> memref<1664x16xf32, #tpu.memory_space<vmem>>
    tpu.wait_dma2 semaphore(%arg8 : memref<!tpu.dma_semaphore, #tpu.memory_space<semaphore_mem>>) src(%dma_wait3A_224 : memref<1664x16xf32, #tpu.memory_space<vmem>>) dst(%dma_wait3A_220 : memref<1664x16xf32, #tpu.memory_space<hbm>>)
    %dma_start3A_225 = arith.constant 1 : i32
    %dma_start3A_226 = arith.constant 0 : i32
    %dma_start3A_227 = arith.constant 0 : i32
    %dma_start3A_228 = tpu.memref_slice %arg6[%dma_start3A_225, %dma_start3A_226, %dma_start3A_227] : memref<2x1664x16xf32, #tpu.memory_space<vmem>> -> memref<1x1664x16xf32, #tpu.memory_space<vmem>>
    %dma_start3A_229 = tpu.memref_squeeze %dma_start3A_228 : memref<1x1664x16xf32, #tpu.memory_space<vmem>> -> memref<1664x16xf32, #tpu.memory_space<vmem>>
    %dma_start3A_230 = arith.constant 8320 : i32
    %dma_start3A_231 = tpu.memref_slice %arg5[%dma_start3A_230] : memref<13312xi32, #tpu.memory_space<vmem>> -> memref<1664xi32, #tpu.memory_space<vmem>>
    %dma_start3A_232 = arith.constant 0 : i32
    %dma_start3A_233 = arith.constant 0 : i32
    %dma_start3A_234 = tpu.memref_slice %arg2[%dma_start3A_232, %dma_start3A_233] : memref<2600832x16xf32, #tpu.memory_space<hbm>> -> memref<2600832x16xf32, #tpu.memory_space<hbm>>
    tpu.enqueue_indirect_dma source(%dma_start3A_234 : memref<2600832x16xf32, #tpu.memory_space<hbm>>) target(%dma_start3A_229 : memref<1664x16xf32, #tpu.memory_space<vmem>>) offsets(%dma_start3A_231 : memref<1664xi32, #tpu.memory_space<vmem>>) semaphore(%arg7 : memref<!tpu.dma_semaphore, #tpu.memory_space<semaphore_mem>>)
    %add3A_235 = arith.constant 6656 : i32
    %add3A_236 = arith.addi %mul3A_2, %add3A_235 : i32
    %dma_start3A_237 = arith.constant 0 : i32
    %dma_start3A_238 = arith.constant 0 : i32
    %dma_start3A_239 = arith.constant 0 : i32
    %dma_start3A_240 = tpu.memref_slice %arg6[%dma_start3A_237, %dma_start3A_238, %dma_start3A_239] : memref<2x1664x16xf32, #tpu.memory_space<vmem>> -> memref<1x1664x16xf32, #tpu.memory_space<vmem>>
    %dma_start3A_241 = tpu.memref_squeeze %dma_start3A_240 : memref<1x1664x16xf32, #tpu.memory_space<vmem>> -> memref<1664x16xf32, #tpu.memory_space<vmem>>
    %dma_start3A_242 = arith.constant 0 : i32
    %dma_start3A_243 = tpu.memref_slice %arg4[%add3A_236, %dma_start3A_242] : memref<425984x16xf32, #tpu.memory_space<hbm>> -> memref<1664x16xf32, #tpu.memory_space<hbm>>
    %dma_start3A_244 = arith.constant 0 : i32
    %dma_start3A_245 = tpu.memref_slice %arg4[%add3A_236, %dma_start3A_244] : memref<425984x16xf32, #tpu.memory_space<hbm>> -> memref<1664x16xf32, #tpu.memory_space<hbm>>
    %dma_start3A_246 = arith.constant 0 : i32
    %dma_start3A_247 = arith.constant 0 : i32
    %dma_start3A_248 = tpu.memref_slice %arg6[%dma_start3A_237, %dma_start3A_246, %dma_start3A_247] : memref<2x1664x16xf32, #tpu.memory_space<vmem>> -> memref<1x1664x16xf32, #tpu.memory_space<vmem>>
    %dma_start3A_249 = tpu.memref_squeeze %dma_start3A_248 : memref<1x1664x16xf32, #tpu.memory_space<vmem>> -> memref<1664x16xf32, #tpu.memory_space<vmem>>
    tpu.enqueue_dma source(%dma_start3A_249 : memref<1664x16xf32, #tpu.memory_space<vmem>>) target(%dma_start3A_245 : memref<1664x16xf32, #tpu.memory_space<hbm>>) target_semaphore(%arg8 : memref<!tpu.dma_semaphore, #tpu.memory_space<semaphore_mem>>)
    %dma_wait3A_250 = arith.constant 1 : i32
    %dma_wait3A_251 = arith.constant 0 : i32
    %dma_wait3A_252 = arith.constant 0 : i32
    %dma_wait3A_253 = tpu.memref_slice %arg6[%dma_wait3A_250, %dma_wait3A_251, %dma_wait3A_252] : memref<2x1664x16xf32, #tpu.memory_space<vmem>> -> memref<1x1664x16xf32, #tpu.memory_space<vmem>>
    %dma_wait3A_254 = tpu.memref_squeeze %dma_wait3A_253 : memref<1x1664x16xf32, #tpu.memory_space<vmem>> -> memref<1664x16xf32, #tpu.memory_space<vmem>>
    %dma_wait3A_255 = arith.constant 8320 : i32
    %dma_wait3A_256 = tpu.memref_slice %arg5[%dma_wait3A_255] : memref<13312xi32, #tpu.memory_space<vmem>> -> memref<1664xi32, #tpu.memory_space<vmem>>
    %dma_wait3A_257 = arith.constant 0 : i32
    %dma_wait3A_258 = arith.constant 0 : i32
    %dma_wait3A_259 = tpu.memref_slice %arg2[%dma_wait3A_257, %dma_wait3A_258] : memref<2600832x16xf32, #tpu.memory_space<hbm>> -> memref<2600832x16xf32, #tpu.memory_space<hbm>>
    tpu.wait_indirect_dma semaphore(%arg7 : memref<!tpu.dma_semaphore, #tpu.memory_space<semaphore_mem>>) src(%dma_wait3A_259 : memref<2600832x16xf32, #tpu.memory_space<hbm>>) dst(%dma_wait3A_254 : memref<1664x16xf32, #tpu.memory_space<vmem>>)
    %add3A_260 = arith.constant 6656 : i32
    %add3A_261 = arith.addi %mul3A_2, %add3A_260 : i32
    %dma_wait3A_262 = arith.constant 0 : i32
    %dma_wait3A_263 = arith.constant 0 : i32
    %dma_wait3A_264 = arith.constant 0 : i32
    %dma_wait3A_265 = tpu.memref_slice %arg6[%dma_wait3A_262, %dma_wait3A_263, %dma_wait3A_264] : memref<2x1664x16xf32, #tpu.memory_space<vmem>> -> memref<1x1664x16xf32, #tpu.memory_space<vmem>>
    %dma_wait3A_266 = tpu.memref_squeeze %dma_wait3A_265 : memref<1x1664x16xf32, #tpu.memory_space<vmem>> -> memref<1664x16xf32, #tpu.memory_space<vmem>>
    %dma_wait3A_267 = arith.constant 0 : i32
    %dma_wait3A_268 = tpu.memref_slice %arg4[%add3A_261, %dma_wait3A_267] : memref<425984x16xf32, #tpu.memory_space<hbm>> -> memref<1664x16xf32, #tpu.memory_space<hbm>>
    %dma_wait3A_269 = arith.constant 0 : i32
    %dma_wait3A_270 = tpu.memref_slice %arg4[%add3A_261, %dma_wait3A_269] : memref<425984x16xf32, #tpu.memory_space<hbm>> -> memref<1664x16xf32, #tpu.memory_space<hbm>>
    %dma_wait3A_271 = arith.constant 0 : i32
    %dma_wait3A_272 = arith.constant 0 : i32
    %dma_wait3A_273 = tpu.memref_slice %arg6[%dma_wait3A_262, %dma_wait3A_271, %dma_wait3A_272] : memref<2x1664x16xf32, #tpu.memory_space<vmem>> -> memref<1x1664x16xf32, #tpu.memory_space<vmem>>
    %dma_wait3A_274 = tpu.memref_squeeze %dma_wait3A_273 : memref<1x1664x16xf32, #tpu.memory_space<vmem>> -> memref<1664x16xf32, #tpu.memory_space<vmem>>
    tpu.wait_dma2 semaphore(%arg8 : memref<!tpu.dma_semaphore, #tpu.memory_space<semaphore_mem>>) src(%dma_wait3A_274 : memref<1664x16xf32, #tpu.memory_space<vmem>>) dst(%dma_wait3A_270 : memref<1664x16xf32, #tpu.memory_space<hbm>>)
    %dma_start3A_275 = arith.constant 0 : i32
    %dma_start3A_276 = arith.constant 0 : i32
    %dma_start3A_277 = arith.constant 0 : i32
    %dma_start3A_278 = tpu.memref_slice %arg6[%dma_start3A_275, %dma_start3A_276, %dma_start3A_277] : memref<2x1664x16xf32, #tpu.memory_space<vmem>> -> memref<1x1664x16xf32, #tpu.memory_space<vmem>>
    %dma_start3A_279 = tpu.memref_squeeze %dma_start3A_278 : memref<1x1664x16xf32, #tpu.memory_space<vmem>> -> memref<1664x16xf32, #tpu.memory_space<vmem>>
    %dma_start3A_280 = arith.constant 9984 : i32
    %dma_start3A_281 = tpu.memref_slice %arg5[%dma_start3A_280] : memref<13312xi32, #tpu.memory_space<vmem>> -> memref<1664xi32, #tpu.memory_space<vmem>>
    %dma_start3A_282 = arith.constant 0 : i32
    %dma_start3A_283 = arith.constant 0 : i32
    %dma_start3A_284 = tpu.memref_slice %arg2[%dma_start3A_282, %dma_start3A_283] : memref<2600832x16xf32, #tpu.memory_space<hbm>> -> memref<2600832x16xf32, #tpu.memory_space<hbm>>
    tpu.enqueue_indirect_dma source(%dma_start3A_284 : memref<2600832x16xf32, #tpu.memory_space<hbm>>) target(%dma_start3A_279 : memref<1664x16xf32, #tpu.memory_space<vmem>>) offsets(%dma_start3A_281 : memref<1664xi32, #tpu.memory_space<vmem>>) semaphore(%arg7 : memref<!tpu.dma_semaphore, #tpu.memory_space<semaphore_mem>>)
    %add3A_285 = arith.constant 8320 : i32
    %add3A_286 = arith.addi %mul3A_2, %add3A_285 : i32
    %dma_start3A_287 = arith.constant 1 : i32
    %dma_start3A_288 = arith.constant 0 : i32
    %dma_start3A_289 = arith.constant 0 : i32
    %dma_start3A_290 = tpu.memref_slice %arg6[%dma_start3A_287, %dma_start3A_288, %dma_start3A_289] : memref<2x1664x16xf32, #tpu.memory_space<vmem>> -> memref<1x1664x16xf32, #tpu.memory_space<vmem>>
    %dma_start3A_291 = tpu.memref_squeeze %dma_start3A_290 : memref<1x1664x16xf32, #tpu.memory_space<vmem>> -> memref<1664x16xf32, #tpu.memory_space<vmem>>
    %dma_start3A_292 = arith.constant 0 : i32
    %dma_start3A_293 = tpu.memref_slice %arg4[%add3A_286, %dma_start3A_292] : memref<425984x16xf32, #tpu.memory_space<hbm>> -> memref<1664x16xf32, #tpu.memory_space<hbm>>
    %dma_start3A_294 = arith.constant 0 : i32
    %dma_start3A_295 = tpu.memref_slice %arg4[%add3A_286, %dma_start3A_294] : memref<425984x16xf32, #tpu.memory_space<hbm>> -> memref<1664x16xf32, #tpu.memory_space<hbm>>
    %dma_start3A_296 = arith.constant 0 : i32
    %dma_start3A_297 = arith.constant 0 : i32
    %dma_start3A_298 = tpu.memref_slice %arg6[%dma_start3A_287, %dma_start3A_296, %dma_start3A_297] : memref<2x1664x16xf32, #tpu.memory_space<vmem>> -> memref<1x1664x16xf32, #tpu.memory_space<vmem>>
    %dma_start3A_299 = tpu.memref_squeeze %dma_start3A_298 : memref<1x1664x16xf32, #tpu.memory_space<vmem>> -> memref<1664x16xf32, #tpu.memory_space<vmem>>
    tpu.enqueue_dma source(%dma_start3A_299 : memref<1664x16xf32, #tpu.memory_space<vmem>>) target(%dma_start3A_295 : memref<1664x16xf32, #tpu.memory_space<hbm>>) target_semaphore(%arg8 : memref<!tpu.dma_semaphore, #tpu.memory_space<semaphore_mem>>)
    %dma_wait3A_300 = arith.constant 0 : i32
    %dma_wait3A_301 = arith.constant 0 : i32
    %dma_wait3A_302 = arith.constant 0 : i32
    %dma_wait3A_303 = tpu.memref_slice %arg6[%dma_wait3A_300, %dma_wait3A_301, %dma_wait3A_302] : memref<2x1664x16xf32, #tpu.memory_space<vmem>> -> memref<1x1664x16xf32, #tpu.memory_space<vmem>>
    %dma_wait3A_304 = tpu.memref_squeeze %dma_wait3A_303 : memref<1x1664x16xf32, #tpu.memory_space<vmem>> -> memref<1664x16xf32, #tpu.memory_space<vmem>>
    %dma_wait3A_305 = arith.constant 9984 : i32
    %dma_wait3A_306 = tpu.memref_slice %arg5[%dma_wait3A_305] : memref<13312xi32, #tpu.memory_space<vmem>> -> memref<1664xi32, #tpu.memory_space<vmem>>
    %dma_wait3A_307 = arith.constant 0 : i32
    %dma_wait3A_308 = arith.constant 0 : i32
    %dma_wait3A_309 = tpu.memref_slice %arg2[%dma_wait3A_307, %dma_wait3A_308] : memref<2600832x16xf32, #tpu.memory_space<hbm>> -> memref<2600832x16xf32, #tpu.memory_space<hbm>>
    tpu.wait_indirect_dma semaphore(%arg7 : memref<!tpu.dma_semaphore, #tpu.memory_space<semaphore_mem>>) src(%dma_wait3A_309 : memref<2600832x16xf32, #tpu.memory_space<hbm>>) dst(%dma_wait3A_304 : memref<1664x16xf32, #tpu.memory_space<vmem>>)
    %add3A_310 = arith.constant 8320 : i32
    %add3A_311 = arith.addi %mul3A_2, %add3A_310 : i32
    %dma_wait3A_312 = arith.constant 1 : i32
    %dma_wait3A_313 = arith.constant 0 : i32
    %dma_wait3A_314 = arith.constant 0 : i32
    %dma_wait3A_315 = tpu.memref_slice %arg6[%dma_wait3A_312, %dma_wait3A_313, %dma_wait3A_314] : memref<2x1664x16xf32, #tpu.memory_space<vmem>> -> memref<1x1664x16xf32, #tpu.memory_space<vmem>>
    %dma_wait3A_316 = tpu.memref_squeeze %dma_wait3A_315 : memref<1x1664x16xf32, #tpu.memory_space<vmem>> -> memref<1664x16xf32, #tpu.memory_space<vmem>>
    %dma_wait3A_317 = arith.constant 0 : i32
    %dma_wait3A_318 = tpu.memref_slice %arg4[%add3A_311, %dma_wait3A_317] : memref<425984x16xf32, #tpu.memory_space<hbm>> -> memref<1664x16xf32, #tpu.memory_space<hbm>>
    %dma_wait3A_319 = arith.constant 0 : i32
    %dma_wait3A_320 = tpu.memref_slice %arg4[%add3A_311, %dma_wait3A_319] : memref<425984x16xf32, #tpu.memory_space<hbm>> -> memref<1664x16xf32, #tpu.memory_space<hbm>>
    %dma_wait3A_321 = arith.constant 0 : i32
    %dma_wait3A_322 = arith.constant 0 : i32
    %dma_wait3A_323 = tpu.memref_slice %arg6[%dma_wait3A_312, %dma_wait3A_321, %dma_wait3A_322] : memref<2x1664x16xf32, #tpu.memory_space<vmem>> -> memref<1x1664x16xf32, #tpu.memory_space<vmem>>
    %dma_wait3A_324 = tpu.memref_squeeze %dma_wait3A_323 : memref<1x1664x16xf32, #tpu.memory_space<vmem>> -> memref<1664x16xf32, #tpu.memory_space<vmem>>
    tpu.wait_dma2 semaphore(%arg8 : memref<!tpu.dma_semaphore, #tpu.memory_space<semaphore_mem>>) src(%dma_wait3A_324 : memref<1664x16xf32, #tpu.memory_space<vmem>>) dst(%dma_wait3A_320 : memref<1664x16xf32, #tpu.memory_space<hbm>>)
    %dma_start3A_325 = arith.constant 1 : i32
    %dma_start3A_326 = arith.constant 0 : i32
    %dma_start3A_327 = arith.constant 0 : i32
    %dma_start3A_328 = tpu.memref_slice %arg6[%dma_start3A_325, %dma_start3A_326, %dma_start3A_327] : memref<2x1664x16xf32, #tpu.memory_space<vmem>> -> memref<1x1664x16xf32, #tpu.memory_space<vmem>>
    %dma_start3A_329 = tpu.memref_squeeze %dma_start3A_328 : memref<1x1664x16xf32, #tpu.memory_space<vmem>> -> memref<1664x16xf32, #tpu.memory_space<vmem>>
    %dma_start3A_330 = arith.constant 11648 : i32
    %dma_start3A_331 = tpu.memref_slice %arg5[%dma_start3A_330] : memref<13312xi32, #tpu.memory_space<vmem>> -> memref<1664xi32, #tpu.memory_space<vmem>>
    %dma_start3A_332 = arith.constant 0 : i32
    %dma_start3A_333 = arith.constant 0 : i32
    %dma_start3A_334 = tpu.memref_slice %arg2[%dma_start3A_332, %dma_start3A_333] : memref<2600832x16xf32, #tpu.memory_space<hbm>> -> memref<2600832x16xf32, #tpu.memory_space<hbm>>
    tpu.enqueue_indirect_dma source(%dma_start3A_334 : memref<2600832x16xf32, #tpu.memory_space<hbm>>) target(%dma_start3A_329 : memref<1664x16xf32, #tpu.memory_space<vmem>>) offsets(%dma_start3A_331 : memref<1664xi32, #tpu.memory_space<vmem>>) semaphore(%arg7 : memref<!tpu.dma_semaphore, #tpu.memory_space<semaphore_mem>>)
    %add3A_335 = arith.constant 9984 : i32
    %add3A_336 = arith.addi %mul3A_2, %add3A_335 : i32
    %dma_start3A_337 = arith.constant 0 : i32
    %dma_start3A_338 = arith.constant 0 : i32
    %dma_start3A_339 = arith.constant 0 : i32
    %dma_start3A_340 = tpu.memref_slice %arg6[%dma_start3A_337, %dma_start3A_338, %dma_start3A_339] : memref<2x1664x16xf32, #tpu.memory_space<vmem>> -> memref<1x1664x16xf32, #tpu.memory_space<vmem>>
    %dma_start3A_341 = tpu.memref_squeeze %dma_start3A_340 : memref<1x1664x16xf32, #tpu.memory_space<vmem>> -> memref<1664x16xf32, #tpu.memory_space<vmem>>
    %dma_start3A_342 = arith.constant 0 : i32
    %dma_start3A_343 = tpu.memref_slice %arg4[%add3A_336, %dma_start3A_342] : memref<425984x16xf32, #tpu.memory_space<hbm>> -> memref<1664x16xf32, #tpu.memory_space<hbm>>
    %dma_start3A_344 = arith.constant 0 : i32
    %dma_start3A_345 = tpu.memref_slice %arg4[%add3A_336, %dma_start3A_344] : memref<425984x16xf32, #tpu.memory_space<hbm>> -> memref<1664x16xf32, #tpu.memory_space<hbm>>
    %dma_start3A_346 = arith.constant 0 : i32
    %dma_start3A_347 = arith.constant 0 : i32
    %dma_start3A_348 = tpu.memref_slice %arg6[%dma_start3A_337, %dma_start3A_346, %dma_start3A_347] : memref<2x1664x16xf32, #tpu.memory_space<vmem>> -> memref<1x1664x16xf32, #tpu.memory_space<vmem>>
    %dma_start3A_349 = tpu.memref_squeeze %dma_start3A_348 : memref<1x1664x16xf32, #tpu.memory_space<vmem>> -> memref<1664x16xf32, #tpu.memory_space<vmem>>
    tpu.enqueue_dma source(%dma_start3A_349 : memref<1664x16xf32, #tpu.memory_space<vmem>>) target(%dma_start3A_345 : memref<1664x16xf32, #tpu.memory_space<hbm>>) target_semaphore(%arg8 : memref<!tpu.dma_semaphore, #tpu.memory_space<semaphore_mem>>)
    %dma_wait3A_350 = arith.constant 1 : i32
    %dma_wait3A_351 = arith.constant 0 : i32
    %dma_wait3A_352 = arith.constant 0 : i32
    %dma_wait3A_353 = tpu.memref_slice %arg6[%dma_wait3A_350, %dma_wait3A_351, %dma_wait3A_352] : memref<2x1664x16xf32, #tpu.memory_space<vmem>> -> memref<1x1664x16xf32, #tpu.memory_space<vmem>>
    %dma_wait3A_354 = tpu.memref_squeeze %dma_wait3A_353 : memref<1x1664x16xf32, #tpu.memory_space<vmem>> -> memref<1664x16xf32, #tpu.memory_space<vmem>>
    %dma_wait3A_355 = arith.constant 11648 : i32
    %dma_wait3A_356 = tpu.memref_slice %arg5[%dma_wait3A_355] : memref<13312xi32, #tpu.memory_space<vmem>> -> memref<1664xi32, #tpu.memory_space<vmem>>
    %dma_wait3A_357 = arith.constant 0 : i32
    %dma_wait3A_358 = arith.constant 0 : i32
    %dma_wait3A_359 = tpu.memref_slice %arg2[%dma_wait3A_357, %dma_wait3A_358] : memref<2600832x16xf32, #tpu.memory_space<hbm>> -> memref<2600832x16xf32, #tpu.memory_space<hbm>>
    tpu.wait_indirect_dma semaphore(%arg7 : memref<!tpu.dma_semaphore, #tpu.memory_space<semaphore_mem>>) src(%dma_wait3A_359 : memref<2600832x16xf32, #tpu.memory_space<hbm>>) dst(%dma_wait3A_354 : memref<1664x16xf32, #tpu.memory_space<vmem>>)
    %add3A_360 = arith.constant 9984 : i32
    %add3A_361 = arith.addi %mul3A_2, %add3A_360 : i32
    %dma_wait3A_362 = arith.constant 0 : i32
    %dma_wait3A_363 = arith.constant 0 : i32
    %dma_wait3A_364 = arith.constant 0 : i32
    %dma_wait3A_365 = tpu.memref_slice %arg6[%dma_wait3A_362, %dma_wait3A_363, %dma_wait3A_364] : memref<2x1664x16xf32, #tpu.memory_space<vmem>> -> memref<1x1664x16xf32, #tpu.memory_space<vmem>>
    %dma_wait3A_366 = tpu.memref_squeeze %dma_wait3A_365 : memref<1x1664x16xf32, #tpu.memory_space<vmem>> -> memref<1664x16xf32, #tpu.memory_space<vmem>>
    %dma_wait3A_367 = arith.constant 0 : i32
    %dma_wait3A_368 = tpu.memref_slice %arg4[%add3A_361, %dma_wait3A_367] : memref<425984x16xf32, #tpu.memory_space<hbm>> -> memref<1664x16xf32, #tpu.memory_space<hbm>>
    %dma_wait3A_369 = arith.constant 0 : i32
    %dma_wait3A_370 = tpu.memref_slice %arg4[%add3A_361, %dma_wait3A_369] : memref<425984x16xf32, #tpu.memory_space<hbm>> -> memref<1664x16xf32, #tpu.memory_space<hbm>>
    %dma_wait3A_371 = arith.constant 0 : i32
    %dma_wait3A_372 = arith.constant 0 : i32
    %dma_wait3A_373 = tpu.memref_slice %arg6[%dma_wait3A_362, %dma_wait3A_371, %dma_wait3A_372] : memref<2x1664x16xf32, #tpu.memory_space<vmem>> -> memref<1x1664x16xf32, #tpu.memory_space<vmem>>
    %dma_wait3A_374 = tpu.memref_squeeze %dma_wait3A_373 : memref<1x1664x16xf32, #tpu.memory_space<vmem>> -> memref<1664x16xf32, #tpu.memory_space<vmem>>
    tpu.wait_dma2 semaphore(%arg8 : memref<!tpu.dma_semaphore, #tpu.memory_space<semaphore_mem>>) src(%dma_wait3A_374 : memref<1664x16xf32, #tpu.memory_space<vmem>>) dst(%dma_wait3A_370 : memref<1664x16xf32, #tpu.memory_space<hbm>>)
    %add3A_375 = arith.constant 11648 : i32
    %add3A_376 = arith.addi %mul3A_2, %add3A_375 : i32
    %dma_start3A_377 = arith.constant 1 : i32
    %dma_start3A_378 = arith.constant 0 : i32
    %dma_start3A_379 = arith.constant 0 : i32
    %dma_start3A_380 = tpu.memref_slice %arg6[%dma_start3A_377, %dma_start3A_378, %dma_start3A_379] : memref<2x1664x16xf32, #tpu.memory_space<vmem>> -> memref<1x1664x16xf32, #tpu.memory_space<vmem>>
    %dma_start3A_381 = tpu.memref_squeeze %dma_start3A_380 : memref<1x1664x16xf32, #tpu.memory_space<vmem>> -> memref<1664x16xf32, #tpu.memory_space<vmem>>
    %dma_start3A_382 = arith.constant 0 : i32
    %dma_start3A_383 = tpu.memref_slice %arg4[%add3A_376, %dma_start3A_382] : memref<425984x16xf32, #tpu.memory_space<hbm>> -> memref<1664x16xf32, #tpu.memory_space<hbm>>
    %dma_start3A_384 = arith.constant 0 : i32
    %dma_start3A_385 = tpu.memref_slice %arg4[%add3A_376, %dma_start3A_384] : memref<425984x16xf32, #tpu.memory_space<hbm>> -> memref<1664x16xf32, #tpu.memory_space<hbm>>
    %dma_start3A_386 = arith.constant 0 : i32
    %dma_start3A_387 = arith.constant 0 : i32
    %dma_start3A_388 = tpu.memref_slice %arg6[%dma_start3A_377, %dma_start3A_386, %dma_start3A_387] : memref<2x1664x16xf32, #tpu.memory_space<vmem>> -> memref<1x1664x16xf32, #tpu.memory_space<vmem>>
    %dma_start3A_389 = tpu.memref_squeeze %dma_start3A_388 : memref<1x1664x16xf32, #tpu.memory_space<vmem>> -> memref<1664x16xf32, #tpu.memory_space<vmem>>
    tpu.enqueue_dma source(%dma_start3A_389 : memref<1664x16xf32, #tpu.memory_space<vmem>>) target(%dma_start3A_385 : memref<1664x16xf32, #tpu.memory_space<hbm>>) target_semaphore(%arg8 : memref<!tpu.dma_semaphore, #tpu.memory_space<semaphore_mem>>)
    %add3A_390 = arith.constant 11648 : i32
    %add3A_391 = arith.addi %mul3A_2, %add3A_390 : i32
    %dma_wait3A_392 = arith.constant 1 : i32
    %dma_wait3A_393 = arith.constant 0 : i32
    %dma_wait3A_394 = arith.constant 0 : i32
    %dma_wait3A_395 = tpu.memref_slice %arg6[%dma_wait3A_392, %dma_wait3A_393, %dma_wait3A_394] : memref<2x1664x16xf32, #tpu.memory_space<vmem>> -> memref<1x1664x16xf32, #tpu.memory_space<vmem>>
    %dma_wait3A_396 = tpu.memref_squeeze %dma_wait3A_395 : memref<1x1664x16xf32, #tpu.memory_space<vmem>> -> memref<1664x16xf32, #tpu.memory_space<vmem>>
    %dma_wait3A_397 = arith.constant 0 : i32
    %dma_wait3A_398 = tpu.memref_slice %arg4[%add3A_391, %dma_wait3A_397] : memref<425984x16xf32, #tpu.memory_space<hbm>> -> memref<1664x16xf32, #tpu.memory_space<hbm>>
    %dma_wait3A_399 = arith.constant 0 : i32
    %dma_wait3A_400 = tpu.memref_slice %arg4[%add3A_391, %dma_wait3A_399] : memref<425984x16xf32, #tpu.memory_space<hbm>> -> memref<1664x16xf32, #tpu.memory_space<hbm>>
    %dma_wait3A_401 = arith.constant 0 : i32
    %dma_wait3A_402 = arith.constant 0 : i32
    %dma_wait3A_403 = tpu.memref_slice %arg6[%dma_wait3A_392, %dma_wait3A_401, %dma_wait3A_402] : memref<2x1664x16xf32, #tpu.memory_space<vmem>> -> memref<1x1664x16xf32, #tpu.memory_space<vmem>>
    %dma_wait3A_404 = tpu.memref_squeeze %dma_wait3A_403 : memref<1x1664x16xf32, #tpu.memory_space<vmem>> -> memref<1664x16xf32, #tpu.memory_space<vmem>>
    tpu.wait_dma2 semaphore(%arg8 : memref<!tpu.dma_semaphore, #tpu.memory_space<semaphore_mem>>) src(%dma_wait3A_404 : memref<1664x16xf32, #tpu.memory_space<vmem>>) dst(%dma_wait3A_400 : memref<1664x16xf32, #tpu.memory_space<hbm>>)
    return
  }
}

#map = affine_map<(d0, d1) -> (0, 0, 0)>
#map1 = affine_map<(d0, d1) -> (0)>
module attributes {stable_mosaic.version = 14 : i64} {
  func.func @_sc_transpose(%arg0: i32, %arg1: i32, %arg2: memref<52x8x100000xf32, #tpu.memory_space<hbm>>, %arg3: memref<52x8x128xf32, #tpu.memory_space<hbm>>, %arg4: memref<41613312xf32, #tpu.memory_space<hbm>>, %arg5: memref<2x8x4096xf32, #tpu.memory_space<vmem>>, %arg6: memref<2x8x128xf32, #tpu.memory_space<vmem>>, %arg7: memref<16384xf32, #tpu.memory_space<vmem>>, %arg8: memref<16384xf32, #tpu.memory_space<vmem>>, %arg9: memref<!tpu.dma_semaphore, #tpu.memory_space<semaphore_mem>>, %arg10: memref<!tpu.dma_semaphore, #tpu.memory_space<semaphore_mem>>, %arg11: memref<!tpu.dma_semaphore, #tpu.memory_space<semaphore_mem>>) attributes {dimension_semantics = [#tpu.dimension_semantics<core_parallel>, #tpu.dimension_semantics<subcore_parallel>], iteration_bounds = array<i64: 2, 16>, scalar_prefetch = 0 : i64, scratch_operands = 7 : i64, tpu.core_type = #tpu.core_type<sc_vector_subcore>, window_params = [{transform_indices = #map}, {transform_indices = #map}, {transform_indices = #map1}]} {
    %mul3A = arith.constant 2 : i32
    %mul3A_0 = arith.muli %arg1, %mul3A : i32
    %add3A = arith.addi %mul3A_0, %arg0 : i32
    %mul3A_1 = arith.constant 650 : i32
    %mul3A_2 = arith.muli %mul3A_1, %add3A : i32
    %jit3A = arith.constant 32 : i32
    %div3A = arith.divsi %mul3A_2, %jit3A : i32
    %sign3A = arith.constant 0 : i32
    %sign3A_3 = arith.cmpi sgt, %mul3A_2, %sign3A : i32
    %sign3A_4 = arith.extui %sign3A_3 : i1 to i32
    %sign3A_5 = arith.constant 0 : i32
    %sign3A_6 = arith.cmpi slt, %mul3A_2, %sign3A_5 : i32
    %sign3A_7 = arith.extui %sign3A_6 : i1 to i32
    %sign3A_8 = arith.subi %sign3A_4, %sign3A_7 : i32
    %sign3A_9 = arith.constant 0 : i32
    %sign3A_10 = arith.cmpi sgt, %jit3A, %sign3A_9 : i32
    %sign3A_11 = arith.extui %sign3A_10 : i1 to i32
    %sign3A_12 = arith.constant 0 : i32
    %sign3A_13 = arith.cmpi slt, %jit3A, %sign3A_12 : i32
    %sign3A_14 = arith.extui %sign3A_13 : i1 to i32
    %sign3A_15 = arith.subi %sign3A_11, %sign3A_14 : i32
    %ne3A = arith.cmpi ne, %sign3A_8, %sign3A_15 : i32
    %rem3A = arith.remsi %mul3A_2, %jit3A : i32
    %ne3A_16 = arith.constant 0 : i32
    %ne3A_17 = arith.cmpi ne, %rem3A, %ne3A_16 : i32
    %and3A = arith.andi %ne3A, %ne3A_17 : i1
    %sub3A = arith.constant 1 : i32
    %sub3A_18 = arith.subi %div3A, %sub3A : i32
    %select_n3A = arith.select %and3A, %sub3A_18, %div3A : i32
    %add3A_19 = arith.constant 1 : i32
    %add3A_20 = arith.addi %add3A, %add3A_19 : i32
    %mul3A_21 = arith.constant 650 : i32
    %mul3A_22 = arith.muli %mul3A_21, %add3A_20 : i32
    %jit3A_23 = arith.constant 32 : i32
    %div3A_24 = arith.divsi %mul3A_22, %jit3A_23 : i32
    %sign3A_25 = arith.constant 0 : i32
    %sign3A_26 = arith.cmpi sgt, %mul3A_22, %sign3A_25 : i32
    %sign3A_27 = arith.extui %sign3A_26 : i1 to i32
    %sign3A_28 = arith.constant 0 : i32
    %sign3A_29 = arith.cmpi slt, %mul3A_22, %sign3A_28 : i32
    %sign3A_30 = arith.extui %sign3A_29 : i1 to i32
    %sign3A_31 = arith.subi %sign3A_27, %sign3A_30 : i32
    %sign3A_32 = arith.constant 0 : i32
    %sign3A_33 = arith.cmpi sgt, %jit3A_23, %sign3A_32 : i32
    %sign3A_34 = arith.extui %sign3A_33 : i1 to i32
    %sign3A_35 = arith.constant 0 : i32
    %sign3A_36 = arith.cmpi slt, %jit3A_23, %sign3A_35 : i32
    %sign3A_37 = arith.extui %sign3A_36 : i1 to i32
    %sign3A_38 = arith.subi %sign3A_34, %sign3A_37 : i32
    %ne3A_39 = arith.cmpi ne, %sign3A_31, %sign3A_38 : i32
    %rem3A_40 = arith.remsi %mul3A_22, %jit3A_23 : i32
    %ne3A_41 = arith.constant 0 : i32
    %ne3A_42 = arith.cmpi ne, %rem3A_40, %ne3A_41 : i32
    %and3A_43 = arith.andi %ne3A_39, %ne3A_42 : i1
    %sub3A_44 = arith.constant 1 : i32
    %sub3A_45 = arith.subi %div3A_24, %sub3A_44 : i32
    %select_n3A_46 = arith.select %and3A_43, %sub3A_45, %div3A_24 : i32
    %iota3A = tpu.iota {dimensions = array<i32: 0>} : vector<16xi32>
    %broadcast_in_dim3A = arith.constant 0 : i32
    %broadcast_in_dim3A_47 = vector.broadcast %broadcast_in_dim3A : i32 to vector<16xi32>
    %broadcast_in_dim3A_48 = arith.constant 1 : i32
    %broadcast_in_dim3A_49 = vector.broadcast %broadcast_in_dim3A_48 : i32 to vector<16xi32>
    %broadcast_in_dim3A_50 = arith.constant 2 : i32
    %broadcast_in_dim3A_51 = vector.broadcast %broadcast_in_dim3A_50 : i32 to vector<16xi32>
    %broadcast_in_dim3A_52 = arith.constant 3 : i32
    %broadcast_in_dim3A_53 = vector.broadcast %broadcast_in_dim3A_52 : i32 to vector<16xi32>
    %broadcast_in_dim3A_54 = arith.constant 4 : i32
    %broadcast_in_dim3A_55 = vector.broadcast %broadcast_in_dim3A_54 : i32 to vector<16xi32>
    %broadcast_in_dim3A_56 = arith.constant 5 : i32
    %broadcast_in_dim3A_57 = vector.broadcast %broadcast_in_dim3A_56 : i32 to vector<16xi32>
    %broadcast_in_dim3A_58 = arith.constant 6 : i32
    %broadcast_in_dim3A_59 = vector.broadcast %broadcast_in_dim3A_58 : i32 to vector<16xi32>
    %broadcast_in_dim3A_60 = arith.constant 7 : i32
    %broadcast_in_dim3A_61 = vector.broadcast %broadcast_in_dim3A_60 : i32 to vector<16xi32>
    %broadcast_in_dim3A_62 = arith.constant 0 : i32
    %broadcast_in_dim3A_63 = vector.broadcast %broadcast_in_dim3A_62 : i32 to vector<16xi32>
    %broadcast_in_dim3A_64 = arith.constant 1 : i32
    %broadcast_in_dim3A_65 = vector.broadcast %broadcast_in_dim3A_64 : i32 to vector<16xi32>
    %broadcast_in_dim3A_66 = arith.constant 2 : i32
    %broadcast_in_dim3A_67 = vector.broadcast %broadcast_in_dim3A_66 : i32 to vector<16xi32>
    %broadcast_in_dim3A_68 = arith.constant 3 : i32
    %broadcast_in_dim3A_69 = vector.broadcast %broadcast_in_dim3A_68 : i32 to vector<16xi32>
    %broadcast_in_dim3A_70 = arith.constant 4 : i32
    %broadcast_in_dim3A_71 = vector.broadcast %broadcast_in_dim3A_70 : i32 to vector<16xi32>
    %broadcast_in_dim3A_72 = arith.constant 5 : i32
    %broadcast_in_dim3A_73 = vector.broadcast %broadcast_in_dim3A_72 : i32 to vector<16xi32>
    %broadcast_in_dim3A_74 = arith.constant 6 : i32
    %broadcast_in_dim3A_75 = vector.broadcast %broadcast_in_dim3A_74 : i32 to vector<16xi32>
    %broadcast_in_dim3A_76 = arith.constant 7 : i32
    %broadcast_in_dim3A_77 = vector.broadcast %broadcast_in_dim3A_76 : i32 to vector<16xi32>
    %while3A = arith.constant 0 : i32
    %while3A_78 = arith.constant 1 : i32
    %while3A_79 = arith.constant 0 : i32
    %while3A_80 = arith.constant 1 : i32
    %while3A_81 = arith.constant 0 : i32
    %while3A_82 = arith.constant 0 : i32
    %while3A_83 = arith.subi %select_n3A_46, %select_n3A : i32
    %while3A_84 = arith.addi %select_n3A, %while3A_83 : i32
    %while3A_85 = arith.constant 1 : i32
    %while3A_86 = arith.divsi %while3A_83, %while3A_85 : i32
    %while3A_87 = arith.muli %while3A_86, %while3A_85 : i32
    %while3A_88 = arith.addi %select_n3A, %while3A_87 : i32
    %while3A_89 = arith.constant 1 : i32
    %while3A_90:2 = scf.for %while3A_100 = %select_n3A to %while3A_88 step %while3A_89 iter_args(%while3A_101 = %while3A_81, %while3A_102 = %while3A_82) -> (i32, i32)  : i32 {
      %jit3A_103 = arith.constant 25 : i32
      %div3A_104 = arith.divsi %while3A_100, %jit3A_103 : i32
      %sign3A_105 = arith.constant 0 : i32
      %sign3A_106 = arith.cmpi sgt, %while3A_100, %sign3A_105 : i32
      %sign3A_107 = arith.extui %sign3A_106 : i1 to i32
      %sign3A_108 = arith.constant 0 : i32
      %sign3A_109 = arith.cmpi slt, %while3A_100, %sign3A_108 : i32
      %sign3A_110 = arith.extui %sign3A_109 : i1 to i32
      %sign3A_111 = arith.subi %sign3A_107, %sign3A_110 : i32
      %sign3A_112 = arith.constant 0 : i32
      %sign3A_113 = arith.cmpi sgt, %jit3A_103, %sign3A_112 : i32
      %sign3A_114 = arith.extui %sign3A_113 : i1 to i32
      %sign3A_115 = arith.constant 0 : i32
      %sign3A_116 = arith.cmpi slt, %jit3A_103, %sign3A_115 : i32
      %sign3A_117 = arith.extui %sign3A_116 : i1 to i32
      %sign3A_118 = arith.subi %sign3A_114, %sign3A_117 : i32
      %ne3A_119 = arith.cmpi ne, %sign3A_111, %sign3A_118 : i32
      %rem3A_120 = arith.remsi %while3A_100, %jit3A_103 : i32
      %ne3A_121 = arith.constant 0 : i32
      %ne3A_122 = arith.cmpi ne, %rem3A_120, %ne3A_121 : i32
      %and3A_123 = arith.andi %ne3A_119, %ne3A_122 : i1
      %sub3A_124 = arith.constant 1 : i32
      %sub3A_125 = arith.subi %div3A_104, %sub3A_124 : i32
      %select_n3A_126 = arith.select %and3A_123, %sub3A_125, %div3A_104 : i32
      %jit3A_127 = arith.constant 25 : i32
      %eq3A = arith.constant 0 : i32
      %eq3A_128 = arith.cmpi eq, %jit3A_127, %eq3A : i32
      %jit3A_129 = arith.constant 1 : i32
      %select_n3A_130 = arith.select %eq3A_128, %jit3A_129, %jit3A_127 : i32
      %rem3A_131 = arith.remsi %while3A_100, %select_n3A_130 : i32
      %ne3A_132 = arith.constant 0 : i32
      %ne3A_133 = arith.cmpi ne, %rem3A_131, %ne3A_132 : i32
      %lt3A = arith.constant 0 : i32
      %lt3A_134 = arith.cmpi slt, %rem3A_131, %lt3A : i32
      %lt3A_135 = arith.constant 0 : i32
      %lt3A_136 = arith.cmpi slt, %select_n3A_130, %lt3A_135 : i32
      %ne3A_137 = arith.xori %lt3A_134, %lt3A_136 : i1
      %and3A_138 = arith.andi %ne3A_137, %ne3A_133 : i1
      %add3A_139 = arith.addi %rem3A_131, %select_n3A_130 : i32
      %select_n3A_140 = arith.select %and3A_138, %add3A_139, %rem3A_131 : i32
      %eq3A_141 = arith.constant 24 : i32
      %eq3A_142 = arith.cmpi eq, %select_n3A_140, %eq3A_141 : i32
      %mul3A_143 = arith.constant 4096 : i32
      %mul3A_144 = arith.muli %select_n3A_140, %mul3A_143 : i32
      %convert_element_type3A_145 = arith.extui %eq3A_142 : i1 to i32
      %cond3A_146 = arith.constant 0 : i32
      %cond3A_147 = arith.cmpi ne, %convert_element_type3A_145, %cond3A_146 : i32
      %cond3A_148:2 = scf.if %cond3A_147 -> (i32, i32) {
        %multiple_of3A = arith.constant 98304 : i32
        %multiple_of3A_149 = tpu.assume_multiple %multiple_of3A, 1024 : i32
        %mul3A_150 = arith.constant 2 : i32
        %mul3A_151 = arith.muli %mul3A_150, %select_n3A_126 : i32
        %dma_start3A = arith.constant 0 : i32
        %dma_start3A_152 = arith.constant 0 : i32
        %dma_start3A_153 = arith.constant 0 : i32
        %dma_start3A_154 = tpu.memref_slice %arg5[%dma_start3A, %dma_start3A_152, %dma_start3A_153] : memref<2x8x4096xf32, #tpu.memory_space<vmem>> -> memref<1x8x1664xf32, #tpu.memory_space<vmem>>
        %dma_start3A_155 = tpu.memref_squeeze %dma_start3A_154 : memref<1x8x1664xf32, #tpu.memory_space<vmem>> -> memref<8x1664xf32, #tpu.memory_space<vmem>>
        %dma_start3A_156 = arith.constant 0 : i32
        %dma_start3A_157 = tpu.memref_slice %arg2[%mul3A_151, %dma_start3A_156, %multiple_of3A_149] : memref<52x8x100000xf32, #tpu.memory_space<hbm>> -> memref<1x8x1664xf32, #tpu.memory_space<hbm>>
        %dma_start3A_158 = tpu.memref_squeeze %dma_start3A_157 : memref<1x8x1664xf32, #tpu.memory_space<hbm>> -> memref<8x1664xf32, #tpu.memory_space<hbm>>
        %dma_start3A_159 = arith.constant 0 : i32
        %dma_start3A_160 = arith.constant 0 : i32
        %dma_start3A_161 = tpu.memref_slice %arg5[%dma_start3A, %dma_start3A_159, %dma_start3A_160] : memref<2x8x4096xf32, #tpu.memory_space<vmem>> -> memref<1x8x1664xf32, #tpu.memory_space<vmem>>
        %dma_start3A_162 = tpu.memref_squeeze %dma_start3A_161 : memref<1x8x1664xf32, #tpu.memory_space<vmem>> -> memref<8x1664xf32, #tpu.memory_space<vmem>>
        %dma_start3A_163 = arith.constant 0 : i32
        %dma_start3A_164 = tpu.memref_slice %arg2[%mul3A_151, %dma_start3A_163, %multiple_of3A_149] : memref<52x8x100000xf32, #tpu.memory_space<hbm>> -> memref<1x8x1664xf32, #tpu.memory_space<hbm>>
        %dma_start3A_165 = tpu.memref_squeeze %dma_start3A_164 : memref<1x8x1664xf32, #tpu.memory_space<hbm>> -> memref<8x1664xf32, #tpu.memory_space<hbm>>
        tpu.enqueue_dma source(%dma_start3A_165 : memref<8x1664xf32, #tpu.memory_space<hbm>>) target(%dma_start3A_162 : memref<8x1664xf32, #tpu.memory_space<vmem>>) target_semaphore(%arg9 : memref<!tpu.dma_semaphore, #tpu.memory_space<semaphore_mem>>)
        %mul3A_166 = arith.constant 2 : i32
        %mul3A_167 = arith.muli %mul3A_166, %select_n3A_126 : i32
        %add3A_168 = arith.constant 1 : i32
        %add3A_169 = arith.addi %mul3A_167, %add3A_168 : i32
        %dma_start3A_170 = arith.constant 1 : i32
        %dma_start3A_171 = arith.constant 0 : i32
        %dma_start3A_172 = arith.constant 0 : i32
        %dma_start3A_173 = tpu.memref_slice %arg5[%dma_start3A_170, %dma_start3A_171, %dma_start3A_172] : memref<2x8x4096xf32, #tpu.memory_space<vmem>> -> memref<1x8x1664xf32, #tpu.memory_space<vmem>>
        %dma_start3A_174 = tpu.memref_squeeze %dma_start3A_173 : memref<1x8x1664xf32, #tpu.memory_space<vmem>> -> memref<8x1664xf32, #tpu.memory_space<vmem>>
        %dma_start3A_175 = arith.constant 0 : i32
        %dma_start3A_176 = tpu.memref_slice %arg2[%add3A_169, %dma_start3A_175, %multiple_of3A_149] : memref<52x8x100000xf32, #tpu.memory_space<hbm>> -> memref<1x8x1664xf32, #tpu.memory_space<hbm>>
        %dma_start3A_177 = tpu.memref_squeeze %dma_start3A_176 : memref<1x8x1664xf32, #tpu.memory_space<hbm>> -> memref<8x1664xf32, #tpu.memory_space<hbm>>
        %dma_start3A_178 = arith.constant 0 : i32
        %dma_start3A_179 = arith.constant 0 : i32
        %dma_start3A_180 = tpu.memref_slice %arg5[%dma_start3A_170, %dma_start3A_178, %dma_start3A_179] : memref<2x8x4096xf32, #tpu.memory_space<vmem>> -> memref<1x8x1664xf32, #tpu.memory_space<vmem>>
        %dma_start3A_181 = tpu.memref_squeeze %dma_start3A_180 : memref<1x8x1664xf32, #tpu.memory_space<vmem>> -> memref<8x1664xf32, #tpu.memory_space<vmem>>
        %dma_start3A_182 = arith.constant 0 : i32
        %dma_start3A_183 = tpu.memref_slice %arg2[%add3A_169, %dma_start3A_182, %multiple_of3A_149] : memref<52x8x100000xf32, #tpu.memory_space<hbm>> -> memref<1x8x1664xf32, #tpu.memory_space<hbm>>
        %dma_start3A_184 = tpu.memref_squeeze %dma_start3A_183 : memref<1x8x1664xf32, #tpu.memory_space<hbm>> -> memref<8x1664xf32, #tpu.memory_space<hbm>>
        tpu.enqueue_dma source(%dma_start3A_184 : memref<8x1664xf32, #tpu.memory_space<hbm>>) target(%dma_start3A_181 : memref<8x1664xf32, #tpu.memory_space<vmem>>) target_semaphore(%arg9 : memref<!tpu.dma_semaphore, #tpu.memory_space<semaphore_mem>>)
        %mul3A_185 = arith.constant 2 : i32
        %mul3A_186 = arith.muli %mul3A_185, %select_n3A_126 : i32
        %dma_wait3A = arith.constant 0 : i32
        %dma_wait3A_187 = arith.constant 0 : i32
        %dma_wait3A_188 = arith.constant 0 : i32
        %dma_wait3A_189 = tpu.memref_slice %arg5[%dma_wait3A, %dma_wait3A_187, %dma_wait3A_188] : memref<2x8x4096xf32, #tpu.memory_space<vmem>> -> memref<1x8x1664xf32, #tpu.memory_space<vmem>>
        %dma_wait3A_190 = tpu.memref_squeeze %dma_wait3A_189 : memref<1x8x1664xf32, #tpu.memory_space<vmem>> -> memref<8x1664xf32, #tpu.memory_space<vmem>>
        %dma_wait3A_191 = arith.constant 0 : i32
        %dma_wait3A_192 = tpu.memref_slice %arg2[%mul3A_186, %dma_wait3A_191, %multiple_of3A_149] : memref<52x8x100000xf32, #tpu.memory_space<hbm>> -> memref<1x8x1664xf32, #tpu.memory_space<hbm>>
        %dma_wait3A_193 = tpu.memref_squeeze %dma_wait3A_192 : memref<1x8x1664xf32, #tpu.memory_space<hbm>> -> memref<8x1664xf32, #tpu.memory_space<hbm>>
        %dma_wait3A_194 = arith.constant 0 : i32
        %dma_wait3A_195 = arith.constant 0 : i32
        %dma_wait3A_196 = tpu.memref_slice %arg5[%dma_wait3A, %dma_wait3A_194, %dma_wait3A_195] : memref<2x8x4096xf32, #tpu.memory_space<vmem>> -> memref<1x8x1664xf32, #tpu.memory_space<vmem>>
        %dma_wait3A_197 = tpu.memref_squeeze %dma_wait3A_196 : memref<1x8x1664xf32, #tpu.memory_space<vmem>> -> memref<8x1664xf32, #tpu.memory_space<vmem>>
        %dma_wait3A_198 = arith.constant 0 : i32
        %dma_wait3A_199 = tpu.memref_slice %arg2[%mul3A_186, %dma_wait3A_198, %multiple_of3A_149] : memref<52x8x100000xf32, #tpu.memory_space<hbm>> -> memref<1x8x1664xf32, #tpu.memory_space<hbm>>
        %dma_wait3A_200 = tpu.memref_squeeze %dma_wait3A_199 : memref<1x8x1664xf32, #tpu.memory_space<hbm>> -> memref<8x1664xf32, #tpu.memory_space<hbm>>
        tpu.wait_dma2 semaphore(%arg9 : memref<!tpu.dma_semaphore, #tpu.memory_space<semaphore_mem>>) src(%dma_wait3A_200 : memref<8x1664xf32, #tpu.memory_space<hbm>>) dst(%dma_wait3A_197 : memref<8x1664xf32, #tpu.memory_space<vmem>>)
        %mul3A_201 = arith.constant 2 : i32
        %mul3A_202 = arith.muli %mul3A_201, %select_n3A_126 : i32
        %add3A_203 = arith.constant 1 : i32
        %add3A_204 = arith.addi %mul3A_202, %add3A_203 : i32
        %dma_wait3A_205 = arith.constant 1 : i32
        %dma_wait3A_206 = arith.constant 0 : i32
        %dma_wait3A_207 = arith.constant 0 : i32
        %dma_wait3A_208 = tpu.memref_slice %arg5[%dma_wait3A_205, %dma_wait3A_206, %dma_wait3A_207] : memref<2x8x4096xf32, #tpu.memory_space<vmem>> -> memref<1x8x1664xf32, #tpu.memory_space<vmem>>
        %dma_wait3A_209 = tpu.memref_squeeze %dma_wait3A_208 : memref<1x8x1664xf32, #tpu.memory_space<vmem>> -> memref<8x1664xf32, #tpu.memory_space<vmem>>
        %dma_wait3A_210 = arith.constant 0 : i32
        %dma_wait3A_211 = tpu.memref_slice %arg2[%add3A_204, %dma_wait3A_210, %multiple_of3A_149] : memref<52x8x100000xf32, #tpu.memory_space<hbm>> -> memref<1x8x1664xf32, #tpu.memory_space<hbm>>
        %dma_wait3A_212 = tpu.memref_squeeze %dma_wait3A_211 : memref<1x8x1664xf32, #tpu.memory_space<hbm>> -> memref<8x1664xf32, #tpu.memory_space<hbm>>
        %dma_wait3A_213 = arith.constant 0 : i32
        %dma_wait3A_214 = arith.constant 0 : i32
        %dma_wait3A_215 = tpu.memref_slice %arg5[%dma_wait3A_205, %dma_wait3A_213, %dma_wait3A_214] : memref<2x8x4096xf32, #tpu.memory_space<vmem>> -> memref<1x8x1664xf32, #tpu.memory_space<vmem>>
        %dma_wait3A_216 = tpu.memref_squeeze %dma_wait3A_215 : memref<1x8x1664xf32, #tpu.memory_space<vmem>> -> memref<8x1664xf32, #tpu.memory_space<vmem>>
        %dma_wait3A_217 = arith.constant 0 : i32
        %dma_wait3A_218 = tpu.memref_slice %arg2[%add3A_204, %dma_wait3A_217, %multiple_of3A_149] : memref<52x8x100000xf32, #tpu.memory_space<hbm>> -> memref<1x8x1664xf32, #tpu.memory_space<hbm>>
        %dma_wait3A_219 = tpu.memref_squeeze %dma_wait3A_218 : memref<1x8x1664xf32, #tpu.memory_space<hbm>> -> memref<8x1664xf32, #tpu.memory_space<hbm>>
        tpu.wait_dma2 semaphore(%arg9 : memref<!tpu.dma_semaphore, #tpu.memory_space<semaphore_mem>>) src(%dma_wait3A_219 : memref<8x1664xf32, #tpu.memory_space<hbm>>) dst(%dma_wait3A_216 : memref<8x1664xf32, #tpu.memory_space<vmem>>)
        %ge3A_220 = arith.constant 1 : i32
        %ge3A_221 = arith.cmpi sge, %while3A_101, %ge3A_220 : i32
        %convert_element_type3A_222 = arith.extui %ge3A_221 : i1 to i32
        %cond3A_223 = arith.constant 0 : i32
        %cond3A_224 = arith.cmpi ne, %convert_element_type3A_222, %cond3A_223 : i32
        scf.if %cond3A_224 {
          %dma_wait3A_269 = arith.constant 0 : i32
          %dma_wait3A_270 = tpu.memref_slice %arg4[%dma_wait3A_269] : memref<41613312xf32, #tpu.memory_space<hbm>> -> memref<16384xf32, #tpu.memory_space<hbm>>
          %dma_wait3A_271 = arith.constant 0 : i32
          %dma_wait3A_272 = tpu.memref_slice %arg4[%dma_wait3A_271] : memref<41613312xf32, #tpu.memory_space<hbm>> -> memref<16384xf32, #tpu.memory_space<hbm>>
          tpu.wait_dma2 semaphore(%arg10 : memref<!tpu.dma_semaphore, #tpu.memory_space<semaphore_mem>>) src(%arg7 : memref<16384xf32, #tpu.memory_space<vmem>>) dst(%dma_wait3A_272 : memref<16384xf32, #tpu.memory_space<hbm>>)
        } else {
        }
        %scan3A = arith.constant 0 : i32
        %scan3A_225 = arith.constant 0 : i32
        %scan3A_226 = arith.constant 64 : i32
        %scan3A_227 = arith.addi %scan3A_225, %scan3A_226 : i32
        %scan3A_228 = arith.constant 1 : i32
        scf.for %scan3A_269 = %scan3A_225 to %scan3A_227 step %scan3A_228  : i32 {
          %mul3A_270 = arith.constant 16 : i32
          %mul3A_271 = arith.muli %scan3A_269, %mul3A_270 : i32
          %add3A_272 = vector.broadcast %mul3A_271 : i32 to vector<16xi32>
          %add3A_273 = arith.addi %add3A_272, %iota3A : vector<16xi32>
          %add3A_274 = arith.constant 0 : i32
          %add3A_275 = vector.broadcast %add3A_274 : i32 to vector<16xi32>
          %add3A_276 = arith.addi %add3A_275, %add3A_273 : vector<16xi32>
          %add3A_277 = arith.constant 0 : i32
          %add3A_278 = vector.broadcast %add3A_277 : i32 to vector<16xi32>
          %add3A_279 = arith.addi %add3A_278, %add3A_273 : vector<16xi32>
          %shift_right_arithmetic3A = arith.constant 3 : i32
          %shift_right_arithmetic3A_280 = vector.broadcast %shift_right_arithmetic3A : i32 to vector<16xi32>
          %shift_right_arithmetic3A_281 = arith.shrsi %add3A_279, %shift_right_arithmetic3A_280 : vector<16xi32>
          %shift_left3A = arith.constant 7 : i32
          %shift_left3A_282 = vector.broadcast %shift_left3A : i32 to vector<16xi32>
          %shift_left3A_283 = arith.shli %shift_right_arithmetic3A_281, %shift_left3A_282 : vector<16xi32>
          %and3A_284 = arith.constant 7 : i32
          %and3A_285 = vector.broadcast %and3A_284 : i32 to vector<16xi32>
          %and3A_286 = arith.andi %add3A_279, %and3A_285 : vector<16xi32>
          %shift_left3A_287 = arith.constant 4 : i32
          %shift_left3A_288 = vector.broadcast %shift_left3A_287 : i32 to vector<16xi32>
          %shift_left3A_289 = arith.shli %and3A_286, %shift_left3A_288 : vector<16xi32>
          %add3A_290 = arith.addi %shift_left3A_283, %shift_left3A_289 : vector<16xi32>
          %gather3A = arith.constant 0 : i32
          %gather3A_291 = arith.constant 0 : i32
          %gather3A_292 = tpu.memref_slice %arg5[%while3A, %gather3A, %gather3A_291] : memref<2x8x4096xf32, #tpu.memory_space<vmem>> -> memref<1x8x4096xf32, #tpu.memory_space<vmem>>
          %gather3A_293 = tpu.memref_squeeze %gather3A_292 : memref<1x8x4096xf32, #tpu.memory_space<vmem>> -> memref<8x4096xf32, #tpu.memory_space<vmem>>
          %gather3A_294 = tpu.vector_load_idx %gather3A_293[%broadcast_in_dim3A_47, %add3A_276] : memref<8x4096xf32, #tpu.memory_space<vmem>>[vector<16xi32>, vector<16xi32>], vector<16xf32>,
          %add3A_295 = arith.constant 0 : i32
          %add3A_296 = vector.broadcast %add3A_295 : i32 to vector<16xi32>
          %add3A_297 = arith.addi %add3A_290, %add3A_296 : vector<16xi32>
          tpu.vector_store_idx %arg7[%add3A_297], %gather3A_294 : memref<16384xf32, #tpu.memory_space<vmem>>[vector<16xi32>], vector<16xf32>,
          %gather3A_298 = arith.constant 0 : i32
          %gather3A_299 = arith.constant 0 : i32
          %gather3A_300 = tpu.memref_slice %arg5[%while3A, %gather3A_298, %gather3A_299] : memref<2x8x4096xf32, #tpu.memory_space<vmem>> -> memref<1x8x4096xf32, #tpu.memory_space<vmem>>
          %gather3A_301 = tpu.memref_squeeze %gather3A_300 : memref<1x8x4096xf32, #tpu.memory_space<vmem>> -> memref<8x4096xf32, #tpu.memory_space<vmem>>
          %gather3A_302 = tpu.vector_load_idx %gather3A_301[%broadcast_in_dim3A_49, %add3A_276] : memref<8x4096xf32, #tpu.memory_space<vmem>>[vector<16xi32>, vector<16xi32>], vector<16xf32>,
          %add3A_303 = arith.constant 1 : i32
          %add3A_304 = vector.broadcast %add3A_303 : i32 to vector<16xi32>
          %add3A_305 = arith.addi %add3A_290, %add3A_304 : vector<16xi32>
          tpu.vector_store_idx %arg7[%add3A_305], %gather3A_302 : memref<16384xf32, #tpu.memory_space<vmem>>[vector<16xi32>], vector<16xf32>,
          %gather3A_306 = arith.constant 0 : i32
          %gather3A_307 = arith.constant 0 : i32
          %gather3A_308 = tpu.memref_slice %arg5[%while3A, %gather3A_306, %gather3A_307] : memref<2x8x4096xf32, #tpu.memory_space<vmem>> -> memref<1x8x4096xf32, #tpu.memory_space<vmem>>
          %gather3A_309 = tpu.memref_squeeze %gather3A_308 : memref<1x8x4096xf32, #tpu.memory_space<vmem>> -> memref<8x4096xf32, #tpu.memory_space<vmem>>
          %gather3A_310 = tpu.vector_load_idx %gather3A_309[%broadcast_in_dim3A_51, %add3A_276] : memref<8x4096xf32, #tpu.memory_space<vmem>>[vector<16xi32>, vector<16xi32>], vector<16xf32>,
          %add3A_311 = arith.constant 2 : i32
          %add3A_312 = vector.broadcast %add3A_311 : i32 to vector<16xi32>
          %add3A_313 = arith.addi %add3A_290, %add3A_312 : vector<16xi32>
          tpu.vector_store_idx %arg7[%add3A_313], %gather3A_310 : memref<16384xf32, #tpu.memory_space<vmem>>[vector<16xi32>], vector<16xf32>,
          %gather3A_314 = arith.constant 0 : i32
          %gather3A_315 = arith.constant 0 : i32
          %gather3A_316 = tpu.memref_slice %arg5[%while3A, %gather3A_314, %gather3A_315] : memref<2x8x4096xf32, #tpu.memory_space<vmem>> -> memref<1x8x4096xf32, #tpu.memory_space<vmem>>
          %gather3A_317 = tpu.memref_squeeze %gather3A_316 : memref<1x8x4096xf32, #tpu.memory_space<vmem>> -> memref<8x4096xf32, #tpu.memory_space<vmem>>
          %gather3A_318 = tpu.vector_load_idx %gather3A_317[%broadcast_in_dim3A_53, %add3A_276] : memref<8x4096xf32, #tpu.memory_space<vmem>>[vector<16xi32>, vector<16xi32>], vector<16xf32>,
          %add3A_319 = arith.constant 3 : i32
          %add3A_320 = vector.broadcast %add3A_319 : i32 to vector<16xi32>
          %add3A_321 = arith.addi %add3A_290, %add3A_320 : vector<16xi32>
          tpu.vector_store_idx %arg7[%add3A_321], %gather3A_318 : memref<16384xf32, #tpu.memory_space<vmem>>[vector<16xi32>], vector<16xf32>,
          %gather3A_322 = arith.constant 0 : i32
          %gather3A_323 = arith.constant 0 : i32
          %gather3A_324 = tpu.memref_slice %arg5[%while3A, %gather3A_322, %gather3A_323] : memref<2x8x4096xf32, #tpu.memory_space<vmem>> -> memref<1x8x4096xf32, #tpu.memory_space<vmem>>
          %gather3A_325 = tpu.memref_squeeze %gather3A_324 : memref<1x8x4096xf32, #tpu.memory_space<vmem>> -> memref<8x4096xf32, #tpu.memory_space<vmem>>
          %gather3A_326 = tpu.vector_load_idx %gather3A_325[%broadcast_in_dim3A_55, %add3A_276] : memref<8x4096xf32, #tpu.memory_space<vmem>>[vector<16xi32>, vector<16xi32>], vector<16xf32>,
          %add3A_327 = arith.constant 4 : i32
          %add3A_328 = vector.broadcast %add3A_327 : i32 to vector<16xi32>
          %add3A_329 = arith.addi %add3A_290, %add3A_328 : vector<16xi32>
          tpu.vector_store_idx %arg7[%add3A_329], %gather3A_326 : memref<16384xf32, #tpu.memory_space<vmem>>[vector<16xi32>], vector<16xf32>,
          %gather3A_330 = arith.constant 0 : i32
          %gather3A_331 = arith.constant 0 : i32
          %gather3A_332 = tpu.memref_slice %arg5[%while3A, %gather3A_330, %gather3A_331] : memref<2x8x4096xf32, #tpu.memory_space<vmem>> -> memref<1x8x4096xf32, #tpu.memory_space<vmem>>
          %gather3A_333 = tpu.memref_squeeze %gather3A_332 : memref<1x8x4096xf32, #tpu.memory_space<vmem>> -> memref<8x4096xf32, #tpu.memory_space<vmem>>
          %gather3A_334 = tpu.vector_load_idx %gather3A_333[%broadcast_in_dim3A_57, %add3A_276] : memref<8x4096xf32, #tpu.memory_space<vmem>>[vector<16xi32>, vector<16xi32>], vector<16xf32>,
          %add3A_335 = arith.constant 5 : i32
          %add3A_336 = vector.broadcast %add3A_335 : i32 to vector<16xi32>
          %add3A_337 = arith.addi %add3A_290, %add3A_336 : vector<16xi32>
          tpu.vector_store_idx %arg7[%add3A_337], %gather3A_334 : memref<16384xf32, #tpu.memory_space<vmem>>[vector<16xi32>], vector<16xf32>,
          %gather3A_338 = arith.constant 0 : i32
          %gather3A_339 = arith.constant 0 : i32
          %gather3A_340 = tpu.memref_slice %arg5[%while3A, %gather3A_338, %gather3A_339] : memref<2x8x4096xf32, #tpu.memory_space<vmem>> -> memref<1x8x4096xf32, #tpu.memory_space<vmem>>
          %gather3A_341 = tpu.memref_squeeze %gather3A_340 : memref<1x8x4096xf32, #tpu.memory_space<vmem>> -> memref<8x4096xf32, #tpu.memory_space<vmem>>
          %gather3A_342 = tpu.vector_load_idx %gather3A_341[%broadcast_in_dim3A_59, %add3A_276] : memref<8x4096xf32, #tpu.memory_space<vmem>>[vector<16xi32>, vector<16xi32>], vector<16xf32>,
          %add3A_343 = arith.constant 6 : i32
          %add3A_344 = vector.broadcast %add3A_343 : i32 to vector<16xi32>
          %add3A_345 = arith.addi %add3A_290, %add3A_344 : vector<16xi32>
          tpu.vector_store_idx %arg7[%add3A_345], %gather3A_342 : memref<16384xf32, #tpu.memory_space<vmem>>[vector<16xi32>], vector<16xf32>,
          %gather3A_346 = arith.constant 0 : i32
          %gather3A_347 = arith.constant 0 : i32
          %gather3A_348 = tpu.memref_slice %arg5[%while3A, %gather3A_346, %gather3A_347] : memref<2x8x4096xf32, #tpu.memory_space<vmem>> -> memref<1x8x4096xf32, #tpu.memory_space<vmem>>
          %gather3A_349 = tpu.memref_squeeze %gather3A_348 : memref<1x8x4096xf32, #tpu.memory_space<vmem>> -> memref<8x4096xf32, #tpu.memory_space<vmem>>
          %gather3A_350 = tpu.vector_load_idx %gather3A_349[%broadcast_in_dim3A_61, %add3A_276] : memref<8x4096xf32, #tpu.memory_space<vmem>>[vector<16xi32>, vector<16xi32>], vector<16xf32>,
          %add3A_351 = arith.constant 7 : i32
          %add3A_352 = vector.broadcast %add3A_351 : i32 to vector<16xi32>
          %add3A_353 = arith.addi %add3A_290, %add3A_352 : vector<16xi32>
          tpu.vector_store_idx %arg7[%add3A_353], %gather3A_350 : memref<16384xf32, #tpu.memory_space<vmem>>[vector<16xi32>], vector<16xf32>,
          %gather3A_354 = arith.constant 0 : i32
          %gather3A_355 = arith.constant 0 : i32
          %gather3A_356 = tpu.memref_slice %arg5[%while3A_78, %gather3A_354, %gather3A_355] : memref<2x8x4096xf32, #tpu.memory_space<vmem>> -> memref<1x8x4096xf32, #tpu.memory_space<vmem>>
          %gather3A_357 = tpu.memref_squeeze %gather3A_356 : memref<1x8x4096xf32, #tpu.memory_space<vmem>> -> memref<8x4096xf32, #tpu.memory_space<vmem>>
          %gather3A_358 = tpu.vector_load_idx %gather3A_357[%broadcast_in_dim3A_63, %add3A_276] : memref<8x4096xf32, #tpu.memory_space<vmem>>[vector<16xi32>, vector<16xi32>], vector<16xf32>,
          %add3A_359 = arith.constant 8 : i32
          %add3A_360 = vector.broadcast %add3A_359 : i32 to vector<16xi32>
          %add3A_361 = arith.addi %add3A_290, %add3A_360 : vector<16xi32>
          tpu.vector_store_idx %arg7[%add3A_361], %gather3A_358 : memref<16384xf32, #tpu.memory_space<vmem>>[vector<16xi32>], vector<16xf32>,
          %gather3A_362 = arith.constant 0 : i32
          %gather3A_363 = arith.constant 0 : i32
          %gather3A_364 = tpu.memref_slice %arg5[%while3A_78, %gather3A_362, %gather3A_363] : memref<2x8x4096xf32, #tpu.memory_space<vmem>> -> memref<1x8x4096xf32, #tpu.memory_space<vmem>>
          %gather3A_365 = tpu.memref_squeeze %gather3A_364 : memref<1x8x4096xf32, #tpu.memory_space<vmem>> -> memref<8x4096xf32, #tpu.memory_space<vmem>>
          %gather3A_366 = tpu.vector_load_idx %gather3A_365[%broadcast_in_dim3A_65, %add3A_276] : memref<8x4096xf32, #tpu.memory_space<vmem>>[vector<16xi32>, vector<16xi32>], vector<16xf32>,
          %add3A_367 = arith.constant 9 : i32
          %add3A_368 = vector.broadcast %add3A_367 : i32 to vector<16xi32>
          %add3A_369 = arith.addi %add3A_290, %add3A_368 : vector<16xi32>
          tpu.vector_store_idx %arg7[%add3A_369], %gather3A_366 : memref<16384xf32, #tpu.memory_space<vmem>>[vector<16xi32>], vector<16xf32>,
          %gather3A_370 = arith.constant 0 : i32
          %gather3A_371 = arith.constant 0 : i32
          %gather3A_372 = tpu.memref_slice %arg5[%while3A_78, %gather3A_370, %gather3A_371] : memref<2x8x4096xf32, #tpu.memory_space<vmem>> -> memref<1x8x4096xf32, #tpu.memory_space<vmem>>
          %gather3A_373 = tpu.memref_squeeze %gather3A_372 : memref<1x8x4096xf32, #tpu.memory_space<vmem>> -> memref<8x4096xf32, #tpu.memory_space<vmem>>
          %gather3A_374 = tpu.vector_load_idx %gather3A_373[%broadcast_in_dim3A_67, %add3A_276] : memref<8x4096xf32, #tpu.memory_space<vmem>>[vector<16xi32>, vector<16xi32>], vector<16xf32>,
          %add3A_375 = arith.constant 10 : i32
          %add3A_376 = vector.broadcast %add3A_375 : i32 to vector<16xi32>
          %add3A_377 = arith.addi %add3A_290, %add3A_376 : vector<16xi32>
          tpu.vector_store_idx %arg7[%add3A_377], %gather3A_374 : memref<16384xf32, #tpu.memory_space<vmem>>[vector<16xi32>], vector<16xf32>,
          %gather3A_378 = arith.constant 0 : i32
          %gather3A_379 = arith.constant 0 : i32
          %gather3A_380 = tpu.memref_slice %arg5[%while3A_78, %gather3A_378, %gather3A_379] : memref<2x8x4096xf32, #tpu.memory_space<vmem>> -> memref<1x8x4096xf32, #tpu.memory_space<vmem>>
          %gather3A_381 = tpu.memref_squeeze %gather3A_380 : memref<1x8x4096xf32, #tpu.memory_space<vmem>> -> memref<8x4096xf32, #tpu.memory_space<vmem>>
          %gather3A_382 = tpu.vector_load_idx %gather3A_381[%broadcast_in_dim3A_69, %add3A_276] : memref<8x4096xf32, #tpu.memory_space<vmem>>[vector<16xi32>, vector<16xi32>], vector<16xf32>,
          %add3A_383 = arith.constant 11 : i32
          %add3A_384 = vector.broadcast %add3A_383 : i32 to vector<16xi32>
          %add3A_385 = arith.addi %add3A_290, %add3A_384 : vector<16xi32>
          tpu.vector_store_idx %arg7[%add3A_385], %gather3A_382 : memref<16384xf32, #tpu.memory_space<vmem>>[vector<16xi32>], vector<16xf32>,
          %gather3A_386 = arith.constant 0 : i32
          %gather3A_387 = arith.constant 0 : i32
          %gather3A_388 = tpu.memref_slice %arg5[%while3A_78, %gather3A_386, %gather3A_387] : memref<2x8x4096xf32, #tpu.memory_space<vmem>> -> memref<1x8x4096xf32, #tpu.memory_space<vmem>>
          %gather3A_389 = tpu.memref_squeeze %gather3A_388 : memref<1x8x4096xf32, #tpu.memory_space<vmem>> -> memref<8x4096xf32, #tpu.memory_space<vmem>>
          %gather3A_390 = tpu.vector_load_idx %gather3A_389[%broadcast_in_dim3A_71, %add3A_276] : memref<8x4096xf32, #tpu.memory_space<vmem>>[vector<16xi32>, vector<16xi32>], vector<16xf32>,
          %add3A_391 = arith.constant 12 : i32
          %add3A_392 = vector.broadcast %add3A_391 : i32 to vector<16xi32>
          %add3A_393 = arith.addi %add3A_290, %add3A_392 : vector<16xi32>
          tpu.vector_store_idx %arg7[%add3A_393], %gather3A_390 : memref<16384xf32, #tpu.memory_space<vmem>>[vector<16xi32>], vector<16xf32>,
          %gather3A_394 = arith.constant 0 : i32
          %gather3A_395 = arith.constant 0 : i32
          %gather3A_396 = tpu.memref_slice %arg5[%while3A_78, %gather3A_394, %gather3A_395] : memref<2x8x4096xf32, #tpu.memory_space<vmem>> -> memref<1x8x4096xf32, #tpu.memory_space<vmem>>
          %gather3A_397 = tpu.memref_squeeze %gather3A_396 : memref<1x8x4096xf32, #tpu.memory_space<vmem>> -> memref<8x4096xf32, #tpu.memory_space<vmem>>
          %gather3A_398 = tpu.vector_load_idx %gather3A_397[%broadcast_in_dim3A_73, %add3A_276] : memref<8x4096xf32, #tpu.memory_space<vmem>>[vector<16xi32>, vector<16xi32>], vector<16xf32>,
          %add3A_399 = arith.constant 13 : i32
          %add3A_400 = vector.broadcast %add3A_399 : i32 to vector<16xi32>
          %add3A_401 = arith.addi %add3A_290, %add3A_400 : vector<16xi32>
          tpu.vector_store_idx %arg7[%add3A_401], %gather3A_398 : memref<16384xf32, #tpu.memory_space<vmem>>[vector<16xi32>], vector<16xf32>,
          %gather3A_402 = arith.constant 0 : i32
          %gather3A_403 = arith.constant 0 : i32
          %gather3A_404 = tpu.memref_slice %arg5[%while3A_78, %gather3A_402, %gather3A_403] : memref<2x8x4096xf32, #tpu.memory_space<vmem>> -> memref<1x8x4096xf32, #tpu.memory_space<vmem>>
          %gather3A_405 = tpu.memref_squeeze %gather3A_404 : memref<1x8x4096xf32, #tpu.memory_space<vmem>> -> memref<8x4096xf32, #tpu.memory_space<vmem>>
          %gather3A_406 = tpu.vector_load_idx %gather3A_405[%broadcast_in_dim3A_75, %add3A_276] : memref<8x4096xf32, #tpu.memory_space<vmem>>[vector<16xi32>, vector<16xi32>], vector<16xf32>,
          %add3A_407 = arith.constant 14 : i32
          %add3A_408 = vector.broadcast %add3A_407 : i32 to vector<16xi32>
          %add3A_409 = arith.addi %add3A_290, %add3A_408 : vector<16xi32>
          tpu.vector_store_idx %arg7[%add3A_409], %gather3A_406 : memref<16384xf32, #tpu.memory_space<vmem>>[vector<16xi32>], vector<16xf32>,
          %gather3A_410 = arith.constant 0 : i32
          %gather3A_411 = arith.constant 0 : i32
          %gather3A_412 = tpu.memref_slice %arg5[%while3A_78, %gather3A_410, %gather3A_411] : memref<2x8x4096xf32, #tpu.memory_space<vmem>> -> memref<1x8x4096xf32, #tpu.memory_space<vmem>>
          %gather3A_413 = tpu.memref_squeeze %gather3A_412 : memref<1x8x4096xf32, #tpu.memory_space<vmem>> -> memref<8x4096xf32, #tpu.memory_space<vmem>>
          %gather3A_414 = tpu.vector_load_idx %gather3A_413[%broadcast_in_dim3A_77, %add3A_276] : memref<8x4096xf32, #tpu.memory_space<vmem>>[vector<16xi32>, vector<16xi32>], vector<16xf32>,
          %add3A_415 = arith.constant 15 : i32
          %add3A_416 = vector.broadcast %add3A_415 : i32 to vector<16xi32>
          %add3A_417 = arith.addi %add3A_290, %add3A_416 : vector<16xi32>
          tpu.vector_store_idx %arg7[%add3A_417], %gather3A_414 : memref<16384xf32, #tpu.memory_space<vmem>>[vector<16xi32>], vector<16xf32>,
        }
        %scan3A_229 = arith.constant 64 : i32
        %mul3A_230 = arith.constant 12504 : i32
        %mul3A_231 = arith.muli %select_n3A_126, %mul3A_230 : i32
        %mul3A_232 = arith.constant 8 : i32
        %mul3A_233 = arith.muli %mul3A_231, %mul3A_232 : i32
        %add3A_234 = arith.addi %mul3A_233, %multiple_of3A_149 : i32
        %mul3A_235 = arith.constant 16 : i32
        %mul3A_236 = arith.muli %add3A_234, %mul3A_235 : i32
        %multiple_of3A_237 = tpu.assume_multiple %mul3A_236, 1024 : i32
        "tpu.region"() ({
          %run_scoped3A_269 = tpu.sem_alloc : memref<!tpu.dma_semaphore, #tpu.memory_space<semaphore_mem>>
          %dma_start3A_270 = tpu.memref_slice %arg4[%multiple_of3A_237] : memref<41613312xf32, #tpu.memory_space<hbm>> -> memref<16384xf32, #tpu.memory_space<hbm>>
          %dma_start3A_271 = tpu.memref_slice %arg4[%multiple_of3A_237] : memref<41613312xf32, #tpu.memory_space<hbm>> -> memref<16384xf32, #tpu.memory_space<hbm>>
          tpu.enqueue_dma source(%arg7 : memref<16384xf32, #tpu.memory_space<vmem>>) target(%dma_start3A_271 : memref<16384xf32, #tpu.memory_space<hbm>>) target_semaphore(%run_scoped3A_269 : memref<!tpu.dma_semaphore, #tpu.memory_space<semaphore_mem>>)
          %dma_wait3A_272 = tpu.memref_slice %arg4[%multiple_of3A_237] : memref<41613312xf32, #tpu.memory_space<hbm>> -> memref<16384xf32, #tpu.memory_space<hbm>>
          %dma_wait3A_273 = tpu.memref_slice %arg4[%multiple_of3A_237] : memref<41613312xf32, #tpu.memory_space<hbm>> -> memref<16384xf32, #tpu.memory_space<hbm>>
          tpu.wait_dma2 semaphore(%run_scoped3A_269 : memref<!tpu.dma_semaphore, #tpu.memory_space<semaphore_mem>>) src(%arg7 : memref<16384xf32, #tpu.memory_space<vmem>>) dst(%dma_wait3A_273 : memref<16384xf32, #tpu.memory_space<hbm>>)
          tpu.yield
        }) : () -> ()
        %scan3A_238 = arith.constant 0 : i32
        %scan3A_239 = arith.constant 0 : i32
        %scan3A_240 = arith.constant 40 : i32
        %scan3A_241 = arith.addi %scan3A_239, %scan3A_240 : i32
        %scan3A_242 = arith.constant 1 : i32
        scf.for %scan3A_269 = %scan3A_239 to %scan3A_241 step %scan3A_242  : i32 {
          %mul3A_270 = arith.constant 16 : i32
          %mul3A_271 = arith.muli %scan3A_269, %mul3A_270 : i32
          %add3A_272 = vector.broadcast %mul3A_271 : i32 to vector<16xi32>
          %add3A_273 = arith.addi %add3A_272, %iota3A : vector<16xi32>
          %add3A_274 = arith.constant 1024 : i32
          %add3A_275 = vector.broadcast %add3A_274 : i32 to vector<16xi32>
          %add3A_276 = arith.addi %add3A_275, %add3A_273 : vector<16xi32>
          %add3A_277 = arith.constant 0 : i32
          %add3A_278 = vector.broadcast %add3A_277 : i32 to vector<16xi32>
          %add3A_279 = arith.addi %add3A_278, %add3A_273 : vector<16xi32>
          %shift_right_arithmetic3A = arith.constant 3 : i32
          %shift_right_arithmetic3A_280 = vector.broadcast %shift_right_arithmetic3A : i32 to vector<16xi32>
          %shift_right_arithmetic3A_281 = arith.shrsi %add3A_279, %shift_right_arithmetic3A_280 : vector<16xi32>
          %shift_left3A = arith.constant 7 : i32
          %shift_left3A_282 = vector.broadcast %shift_left3A : i32 to vector<16xi32>
          %shift_left3A_283 = arith.shli %shift_right_arithmetic3A_281, %shift_left3A_282 : vector<16xi32>
          %and3A_284 = arith.constant 7 : i32
          %and3A_285 = vector.broadcast %and3A_284 : i32 to vector<16xi32>
          %and3A_286 = arith.andi %add3A_279, %and3A_285 : vector<16xi32>
          %shift_left3A_287 = arith.constant 4 : i32
          %shift_left3A_288 = vector.broadcast %shift_left3A_287 : i32 to vector<16xi32>
          %shift_left3A_289 = arith.shli %and3A_286, %shift_left3A_288 : vector<16xi32>
          %add3A_290 = arith.addi %shift_left3A_283, %shift_left3A_289 : vector<16xi32>
          %gather3A = arith.constant 0 : i32
          %gather3A_291 = arith.constant 0 : i32
          %gather3A_292 = tpu.memref_slice %arg5[%while3A, %gather3A, %gather3A_291] : memref<2x8x4096xf32, #tpu.memory_space<vmem>> -> memref<1x8x4096xf32, #tpu.memory_space<vmem>>
          %gather3A_293 = tpu.memref_squeeze %gather3A_292 : memref<1x8x4096xf32, #tpu.memory_space<vmem>> -> memref<8x4096xf32, #tpu.memory_space<vmem>>
          %gather3A_294 = tpu.vector_load_idx %gather3A_293[%broadcast_in_dim3A_47, %add3A_276] : memref<8x4096xf32, #tpu.memory_space<vmem>>[vector<16xi32>, vector<16xi32>], vector<16xf32>,
          %add3A_295 = arith.constant 0 : i32
          %add3A_296 = vector.broadcast %add3A_295 : i32 to vector<16xi32>
          %add3A_297 = arith.addi %add3A_290, %add3A_296 : vector<16xi32>
          tpu.vector_store_idx %arg7[%add3A_297], %gather3A_294 : memref<16384xf32, #tpu.memory_space<vmem>>[vector<16xi32>], vector<16xf32>,
          %gather3A_298 = arith.constant 0 : i32
          %gather3A_299 = arith.constant 0 : i32
          %gather3A_300 = tpu.memref_slice %arg5[%while3A, %gather3A_298, %gather3A_299] : memref<2x8x4096xf32, #tpu.memory_space<vmem>> -> memref<1x8x4096xf32, #tpu.memory_space<vmem>>
          %gather3A_301 = tpu.memref_squeeze %gather3A_300 : memref<1x8x4096xf32, #tpu.memory_space<vmem>> -> memref<8x4096xf32, #tpu.memory_space<vmem>>
          %gather3A_302 = tpu.vector_load_idx %gather3A_301[%broadcast_in_dim3A_49, %add3A_276] : memref<8x4096xf32, #tpu.memory_space<vmem>>[vector<16xi32>, vector<16xi32>], vector<16xf32>,
          %add3A_303 = arith.constant 1 : i32
          %add3A_304 = vector.broadcast %add3A_303 : i32 to vector<16xi32>
          %add3A_305 = arith.addi %add3A_290, %add3A_304 : vector<16xi32>
          tpu.vector_store_idx %arg7[%add3A_305], %gather3A_302 : memref<16384xf32, #tpu.memory_space<vmem>>[vector<16xi32>], vector<16xf32>,
          %gather3A_306 = arith.constant 0 : i32
          %gather3A_307 = arith.constant 0 : i32
          %gather3A_308 = tpu.memref_slice %arg5[%while3A, %gather3A_306, %gather3A_307] : memref<2x8x4096xf32, #tpu.memory_space<vmem>> -> memref<1x8x4096xf32, #tpu.memory_space<vmem>>
          %gather3A_309 = tpu.memref_squeeze %gather3A_308 : memref<1x8x4096xf32, #tpu.memory_space<vmem>> -> memref<8x4096xf32, #tpu.memory_space<vmem>>
          %gather3A_310 = tpu.vector_load_idx %gather3A_309[%broadcast_in_dim3A_51, %add3A_276] : memref<8x4096xf32, #tpu.memory_space<vmem>>[vector<16xi32>, vector<16xi32>], vector<16xf32>,
          %add3A_311 = arith.constant 2 : i32
          %add3A_312 = vector.broadcast %add3A_311 : i32 to vector<16xi32>
          %add3A_313 = arith.addi %add3A_290, %add3A_312 : vector<16xi32>
          tpu.vector_store_idx %arg7[%add3A_313], %gather3A_310 : memref<16384xf32, #tpu.memory_space<vmem>>[vector<16xi32>], vector<16xf32>,
          %gather3A_314 = arith.constant 0 : i32
          %gather3A_315 = arith.constant 0 : i32
          %gather3A_316 = tpu.memref_slice %arg5[%while3A, %gather3A_314, %gather3A_315] : memref<2x8x4096xf32, #tpu.memory_space<vmem>> -> memref<1x8x4096xf32, #tpu.memory_space<vmem>>
          %gather3A_317 = tpu.memref_squeeze %gather3A_316 : memref<1x8x4096xf32, #tpu.memory_space<vmem>> -> memref<8x4096xf32, #tpu.memory_space<vmem>>
          %gather3A_318 = tpu.vector_load_idx %gather3A_317[%broadcast_in_dim3A_53, %add3A_276] : memref<8x4096xf32, #tpu.memory_space<vmem>>[vector<16xi32>, vector<16xi32>], vector<16xf32>,
          %add3A_319 = arith.constant 3 : i32
          %add3A_320 = vector.broadcast %add3A_319 : i32 to vector<16xi32>
          %add3A_321 = arith.addi %add3A_290, %add3A_320 : vector<16xi32>
          tpu.vector_store_idx %arg7[%add3A_321], %gather3A_318 : memref<16384xf32, #tpu.memory_space<vmem>>[vector<16xi32>], vector<16xf32>,
          %gather3A_322 = arith.constant 0 : i32
          %gather3A_323 = arith.constant 0 : i32
          %gather3A_324 = tpu.memref_slice %arg5[%while3A, %gather3A_322, %gather3A_323] : memref<2x8x4096xf32, #tpu.memory_space<vmem>> -> memref<1x8x4096xf32, #tpu.memory_space<vmem>>
          %gather3A_325 = tpu.memref_squeeze %gather3A_324 : memref<1x8x4096xf32, #tpu.memory_space<vmem>> -> memref<8x4096xf32, #tpu.memory_space<vmem>>
          %gather3A_326 = tpu.vector_load_idx %gather3A_325[%broadcast_in_dim3A_55, %add3A_276] : memref<8x4096xf32, #tpu.memory_space<vmem>>[vector<16xi32>, vector<16xi32>], vector<16xf32>,
          %add3A_327 = arith.constant 4 : i32
          %add3A_328 = vector.broadcast %add3A_327 : i32 to vector<16xi32>
          %add3A_329 = arith.addi %add3A_290, %add3A_328 : vector<16xi32>
          tpu.vector_store_idx %arg7[%add3A_329], %gather3A_326 : memref<16384xf32, #tpu.memory_space<vmem>>[vector<16xi32>], vector<16xf32>,
          %gather3A_330 = arith.constant 0 : i32
          %gather3A_331 = arith.constant 0 : i32
          %gather3A_332 = tpu.memref_slice %arg5[%while3A, %gather3A_330, %gather3A_331] : memref<2x8x4096xf32, #tpu.memory_space<vmem>> -> memref<1x8x4096xf32, #tpu.memory_space<vmem>>
          %gather3A_333 = tpu.memref_squeeze %gather3A_332 : memref<1x8x4096xf32, #tpu.memory_space<vmem>> -> memref<8x4096xf32, #tpu.memory_space<vmem>>
          %gather3A_334 = tpu.vector_load_idx %gather3A_333[%broadcast_in_dim3A_57, %add3A_276] : memref<8x4096xf32, #tpu.memory_space<vmem>>[vector<16xi32>, vector<16xi32>], vector<16xf32>,
          %add3A_335 = arith.constant 5 : i32
          %add3A_336 = vector.broadcast %add3A_335 : i32 to vector<16xi32>
          %add3A_337 = arith.addi %add3A_290, %add3A_336 : vector<16xi32>
          tpu.vector_store_idx %arg7[%add3A_337], %gather3A_334 : memref<16384xf32, #tpu.memory_space<vmem>>[vector<16xi32>], vector<16xf32>,
          %gather3A_338 = arith.constant 0 : i32
          %gather3A_339 = arith.constant 0 : i32
          %gather3A_340 = tpu.memref_slice %arg5[%while3A, %gather3A_338, %gather3A_339] : memref<2x8x4096xf32, #tpu.memory_space<vmem>> -> memref<1x8x4096xf32, #tpu.memory_space<vmem>>
          %gather3A_341 = tpu.memref_squeeze %gather3A_340 : memref<1x8x4096xf32, #tpu.memory_space<vmem>> -> memref<8x4096xf32, #tpu.memory_space<vmem>>
          %gather3A_342 = tpu.vector_load_idx %gather3A_341[%broadcast_in_dim3A_59, %add3A_276] : memref<8x4096xf32, #tpu.memory_space<vmem>>[vector<16xi32>, vector<16xi32>], vector<16xf32>,
          %add3A_343 = arith.constant 6 : i32
          %add3A_344 = vector.broadcast %add3A_343 : i32 to vector<16xi32>
          %add3A_345 = arith.addi %add3A_290, %add3A_344 : vector<16xi32>
          tpu.vector_store_idx %arg7[%add3A_345], %gather3A_342 : memref<16384xf32, #tpu.memory_space<vmem>>[vector<16xi32>], vector<16xf32>,
          %gather3A_346 = arith.constant 0 : i32
          %gather3A_347 = arith.constant 0 : i32
          %gather3A_348 = tpu.memref_slice %arg5[%while3A, %gather3A_346, %gather3A_347] : memref<2x8x4096xf32, #tpu.memory_space<vmem>> -> memref<1x8x4096xf32, #tpu.memory_space<vmem>>
          %gather3A_349 = tpu.memref_squeeze %gather3A_348 : memref<1x8x4096xf32, #tpu.memory_space<vmem>> -> memref<8x4096xf32, #tpu.memory_space<vmem>>
          %gather3A_350 = tpu.vector_load_idx %gather3A_349[%broadcast_in_dim3A_61, %add3A_276] : memref<8x4096xf32, #tpu.memory_space<vmem>>[vector<16xi32>, vector<16xi32>], vector<16xf32>,
          %add3A_351 = arith.constant 7 : i32
          %add3A_352 = vector.broadcast %add3A_351 : i32 to vector<16xi32>
          %add3A_353 = arith.addi %add3A_290, %add3A_352 : vector<16xi32>
          tpu.vector_store_idx %arg7[%add3A_353], %gather3A_350 : memref<16384xf32, #tpu.memory_space<vmem>>[vector<16xi32>], vector<16xf32>,
          %gather3A_354 = arith.constant 0 : i32
          %gather3A_355 = arith.constant 0 : i32
          %gather3A_356 = tpu.memref_slice %arg5[%while3A_78, %gather3A_354, %gather3A_355] : memref<2x8x4096xf32, #tpu.memory_space<vmem>> -> memref<1x8x4096xf32, #tpu.memory_space<vmem>>
          %gather3A_357 = tpu.memref_squeeze %gather3A_356 : memref<1x8x4096xf32, #tpu.memory_space<vmem>> -> memref<8x4096xf32, #tpu.memory_space<vmem>>
          %gather3A_358 = tpu.vector_load_idx %gather3A_357[%broadcast_in_dim3A_63, %add3A_276] : memref<8x4096xf32, #tpu.memory_space<vmem>>[vector<16xi32>, vector<16xi32>], vector<16xf32>,
          %add3A_359 = arith.constant 8 : i32
          %add3A_360 = vector.broadcast %add3A_359 : i32 to vector<16xi32>
          %add3A_361 = arith.addi %add3A_290, %add3A_360 : vector<16xi32>
          tpu.vector_store_idx %arg7[%add3A_361], %gather3A_358 : memref<16384xf32, #tpu.memory_space<vmem>>[vector<16xi32>], vector<16xf32>,
          %gather3A_362 = arith.constant 0 : i32
          %gather3A_363 = arith.constant 0 : i32
          %gather3A_364 = tpu.memref_slice %arg5[%while3A_78, %gather3A_362, %gather3A_363] : memref<2x8x4096xf32, #tpu.memory_space<vmem>> -> memref<1x8x4096xf32, #tpu.memory_space<vmem>>
          %gather3A_365 = tpu.memref_squeeze %gather3A_364 : memref<1x8x4096xf32, #tpu.memory_space<vmem>> -> memref<8x4096xf32, #tpu.memory_space<vmem>>
          %gather3A_366 = tpu.vector_load_idx %gather3A_365[%broadcast_in_dim3A_65, %add3A_276] : memref<8x4096xf32, #tpu.memory_space<vmem>>[vector<16xi32>, vector<16xi32>], vector<16xf32>,
          %add3A_367 = arith.constant 9 : i32
          %add3A_368 = vector.broadcast %add3A_367 : i32 to vector<16xi32>
          %add3A_369 = arith.addi %add3A_290, %add3A_368 : vector<16xi32>
          tpu.vector_store_idx %arg7[%add3A_369], %gather3A_366 : memref<16384xf32, #tpu.memory_space<vmem>>[vector<16xi32>], vector<16xf32>,
          %gather3A_370 = arith.constant 0 : i32
          %gather3A_371 = arith.constant 0 : i32
          %gather3A_372 = tpu.memref_slice %arg5[%while3A_78, %gather3A_370, %gather3A_371] : memref<2x8x4096xf32, #tpu.memory_space<vmem>> -> memref<1x8x4096xf32, #tpu.memory_space<vmem>>
          %gather3A_373 = tpu.memref_squeeze %gather3A_372 : memref<1x8x4096xf32, #tpu.memory_space<vmem>> -> memref<8x4096xf32, #tpu.memory_space<vmem>>
          %gather3A_374 = tpu.vector_load_idx %gather3A_373[%broadcast_in_dim3A_67, %add3A_276] : memref<8x4096xf32, #tpu.memory_space<vmem>>[vector<16xi32>, vector<16xi32>], vector<16xf32>,
          %add3A_375 = arith.constant 10 : i32
          %add3A_376 = vector.broadcast %add3A_375 : i32 to vector<16xi32>
          %add3A_377 = arith.addi %add3A_290, %add3A_376 : vector<16xi32>
          tpu.vector_store_idx %arg7[%add3A_377], %gather3A_374 : memref<16384xf32, #tpu.memory_space<vmem>>[vector<16xi32>], vector<16xf32>,
          %gather3A_378 = arith.constant 0 : i32
          %gather3A_379 = arith.constant 0 : i32
          %gather3A_380 = tpu.memref_slice %arg5[%while3A_78, %gather3A_378, %gather3A_379] : memref<2x8x4096xf32, #tpu.memory_space<vmem>> -> memref<1x8x4096xf32, #tpu.memory_space<vmem>>
          %gather3A_381 = tpu.memref_squeeze %gather3A_380 : memref<1x8x4096xf32, #tpu.memory_space<vmem>> -> memref<8x4096xf32, #tpu.memory_space<vmem>>
          %gather3A_382 = tpu.vector_load_idx %gather3A_381[%broadcast_in_dim3A_69, %add3A_276] : memref<8x4096xf32, #tpu.memory_space<vmem>>[vector<16xi32>, vector<16xi32>], vector<16xf32>,
          %add3A_383 = arith.constant 11 : i32
          %add3A_384 = vector.broadcast %add3A_383 : i32 to vector<16xi32>
          %add3A_385 = arith.addi %add3A_290, %add3A_384 : vector<16xi32>
          tpu.vector_store_idx %arg7[%add3A_385], %gather3A_382 : memref<16384xf32, #tpu.memory_space<vmem>>[vector<16xi32>], vector<16xf32>,
          %gather3A_386 = arith.constant 0 : i32
          %gather3A_387 = arith.constant 0 : i32
          %gather3A_388 = tpu.memref_slice %arg5[%while3A_78, %gather3A_386, %gather3A_387] : memref<2x8x4096xf32, #tpu.memory_space<vmem>> -> memref<1x8x4096xf32, #tpu.memory_space<vmem>>
          %gather3A_389 = tpu.memref_squeeze %gather3A_388 : memref<1x8x4096xf32, #tpu.memory_space<vmem>> -> memref<8x4096xf32, #tpu.memory_space<vmem>>
          %gather3A_390 = tpu.vector_load_idx %gather3A_389[%broadcast_in_dim3A_71, %add3A_276] : memref<8x4096xf32, #tpu.memory_space<vmem>>[vector<16xi32>, vector<16xi32>], vector<16xf32>,
          %add3A_391 = arith.constant 12 : i32
          %add3A_392 = vector.broadcast %add3A_391 : i32 to vector<16xi32>
          %add3A_393 = arith.addi %add3A_290, %add3A_392 : vector<16xi32>
          tpu.vector_store_idx %arg7[%add3A_393], %gather3A_390 : memref<16384xf32, #tpu.memory_space<vmem>>[vector<16xi32>], vector<16xf32>,
          %gather3A_394 = arith.constant 0 : i32
          %gather3A_395 = arith.constant 0 : i32
          %gather3A_396 = tpu.memref_slice %arg5[%while3A_78, %gather3A_394, %gather3A_395] : memref<2x8x4096xf32, #tpu.memory_space<vmem>> -> memref<1x8x4096xf32, #tpu.memory_space<vmem>>
          %gather3A_397 = tpu.memref_squeeze %gather3A_396 : memref<1x8x4096xf32, #tpu.memory_space<vmem>> -> memref<8x4096xf32, #tpu.memory_space<vmem>>
          %gather3A_398 = tpu.vector_load_idx %gather3A_397[%broadcast_in_dim3A_73, %add3A_276] : memref<8x4096xf32, #tpu.memory_space<vmem>>[vector<16xi32>, vector<16xi32>], vector<16xf32>,
          %add3A_399 = arith.constant 13 : i32
          %add3A_400 = vector.broadcast %add3A_399 : i32 to vector<16xi32>
          %add3A_401 = arith.addi %add3A_290, %add3A_400 : vector<16xi32>
          tpu.vector_store_idx %arg7[%add3A_401], %gather3A_398 : memref<16384xf32, #tpu.memory_space<vmem>>[vector<16xi32>], vector<16xf32>,
          %gather3A_402 = arith.constant 0 : i32
          %gather3A_403 = arith.constant 0 : i32
          %gather3A_404 = tpu.memref_slice %arg5[%while3A_78, %gather3A_402, %gather3A_403] : memref<2x8x4096xf32, #tpu.memory_space<vmem>> -> memref<1x8x4096xf32, #tpu.memory_space<vmem>>
          %gather3A_405 = tpu.memref_squeeze %gather3A_404 : memref<1x8x4096xf32, #tpu.memory_space<vmem>> -> memref<8x4096xf32, #tpu.memory_space<vmem>>
          %gather3A_406 = tpu.vector_load_idx %gather3A_405[%broadcast_in_dim3A_75, %add3A_276] : memref<8x4096xf32, #tpu.memory_space<vmem>>[vector<16xi32>, vector<16xi32>], vector<16xf32>,
          %add3A_407 = arith.constant 14 : i32
          %add3A_408 = vector.broadcast %add3A_407 : i32 to vector<16xi32>
          %add3A_409 = arith.addi %add3A_290, %add3A_408 : vector<16xi32>
          tpu.vector_store_idx %arg7[%add3A_409], %gather3A_406 : memref<16384xf32, #tpu.memory_space<vmem>>[vector<16xi32>], vector<16xf32>,
          %gather3A_410 = arith.constant 0 : i32
          %gather3A_411 = arith.constant 0 : i32
          %gather3A_412 = tpu.memref_slice %arg5[%while3A_78, %gather3A_410, %gather3A_411] : memref<2x8x4096xf32, #tpu.memory_space<vmem>> -> memref<1x8x4096xf32, #tpu.memory_space<vmem>>
          %gather3A_413 = tpu.memref_squeeze %gather3A_412 : memref<1x8x4096xf32, #tpu.memory_space<vmem>> -> memref<8x4096xf32, #tpu.memory_space<vmem>>
          %gather3A_414 = tpu.vector_load_idx %gather3A_413[%broadcast_in_dim3A_77, %add3A_276] : memref<8x4096xf32, #tpu.memory_space<vmem>>[vector<16xi32>, vector<16xi32>], vector<16xf32>,
          %add3A_415 = arith.constant 15 : i32
          %add3A_416 = vector.broadcast %add3A_415 : i32 to vector<16xi32>
          %add3A_417 = arith.addi %add3A_290, %add3A_416 : vector<16xi32>
          tpu.vector_store_idx %arg7[%add3A_417], %gather3A_414 : memref<16384xf32, #tpu.memory_space<vmem>>[vector<16xi32>], vector<16xf32>,
        }
        %scan3A_243 = arith.constant 40 : i32
        %mul3A_244 = arith.constant 2 : i32
        %mul3A_245 = arith.muli %mul3A_244, %select_n3A_126 : i32
        %run_scoped3A = arith.constant 0 : i32
        "tpu.region"() ({
          %run_scoped3A_269 = tpu.sem_alloc : memref<!tpu.dma_semaphore, #tpu.memory_space<semaphore_mem>>
          %dma_start3A_270 = arith.constant 0 : i32
          %dma_start3A_271 = arith.constant 0 : i32
          %dma_start3A_272 = tpu.memref_slice %arg6[%run_scoped3A, %dma_start3A_270, %dma_start3A_271] : memref<2x8x128xf32, #tpu.memory_space<vmem>> -> memref<1x8x128xf32, #tpu.memory_space<vmem>>
          %dma_start3A_273 = tpu.memref_squeeze %dma_start3A_272 : memref<1x8x128xf32, #tpu.memory_space<vmem>> -> memref<8x128xf32, #tpu.memory_space<vmem>>
          %dma_start3A_274 = arith.constant 0 : i32
          %dma_start3A_275 = arith.constant 0 : i32
          %dma_start3A_276 = tpu.memref_slice %arg3[%mul3A_245, %dma_start3A_274, %dma_start3A_275] : memref<52x8x128xf32, #tpu.memory_space<hbm>> -> memref<1x8x128xf32, #tpu.memory_space<hbm>>
          %dma_start3A_277 = tpu.memref_squeeze %dma_start3A_276 : memref<1x8x128xf32, #tpu.memory_space<hbm>> -> memref<8x128xf32, #tpu.memory_space<hbm>>
          %dma_start3A_278 = arith.constant 0 : i32
          %dma_start3A_279 = arith.constant 0 : i32
          %dma_start3A_280 = tpu.memref_slice %arg6[%run_scoped3A, %dma_start3A_278, %dma_start3A_279] : memref<2x8x128xf32, #tpu.memory_space<vmem>> -> memref<1x8x128xf32, #tpu.memory_space<vmem>>
          %dma_start3A_281 = tpu.memref_squeeze %dma_start3A_280 : memref<1x8x128xf32, #tpu.memory_space<vmem>> -> memref<8x128xf32, #tpu.memory_space<vmem>>
          %dma_start3A_282 = arith.constant 0 : i32
          %dma_start3A_283 = arith.constant 0 : i32
          %dma_start3A_284 = tpu.memref_slice %arg3[%mul3A_245, %dma_start3A_282, %dma_start3A_283] : memref<52x8x128xf32, #tpu.memory_space<hbm>> -> memref<1x8x128xf32, #tpu.memory_space<hbm>>
          %dma_start3A_285 = tpu.memref_squeeze %dma_start3A_284 : memref<1x8x128xf32, #tpu.memory_space<hbm>> -> memref<8x128xf32, #tpu.memory_space<hbm>>
          tpu.enqueue_dma source(%dma_start3A_285 : memref<8x128xf32, #tpu.memory_space<hbm>>) target(%dma_start3A_281 : memref<8x128xf32, #tpu.memory_space<vmem>>) target_semaphore(%run_scoped3A_269 : memref<!tpu.dma_semaphore, #tpu.memory_space<semaphore_mem>>)
          %dma_wait3A_286 = arith.constant 0 : i32
          %dma_wait3A_287 = arith.constant 0 : i32
          %dma_wait3A_288 = tpu.memref_slice %arg6[%run_scoped3A, %dma_wait3A_286, %dma_wait3A_287] : memref<2x8x128xf32, #tpu.memory_space<vmem>> -> memref<1x8x128xf32, #tpu.memory_space<vmem>>
          %dma_wait3A_289 = tpu.memref_squeeze %dma_wait3A_288 : memref<1x8x128xf32, #tpu.memory_space<vmem>> -> memref<8x128xf32, #tpu.memory_space<vmem>>
          %dma_wait3A_290 = arith.constant 0 : i32
          %dma_wait3A_291 = arith.constant 0 : i32
          %dma_wait3A_292 = tpu.memref_slice %arg3[%mul3A_245, %dma_wait3A_290, %dma_wait3A_291] : memref<52x8x128xf32, #tpu.memory_space<hbm>> -> memref<1x8x128xf32, #tpu.memory_space<hbm>>
          %dma_wait3A_293 = tpu.memref_squeeze %dma_wait3A_292 : memref<1x8x128xf32, #tpu.memory_space<hbm>> -> memref<8x128xf32, #tpu.memory_space<hbm>>
          %dma_wait3A_294 = arith.constant 0 : i32
          %dma_wait3A_295 = arith.constant 0 : i32
          %dma_wait3A_296 = tpu.memref_slice %arg6[%run_scoped3A, %dma_wait3A_294, %dma_wait3A_295] : memref<2x8x128xf32, #tpu.memory_space<vmem>> -> memref<1x8x128xf32, #tpu.memory_space<vmem>>
          %dma_wait3A_297 = tpu.memref_squeeze %dma_wait3A_296 : memref<1x8x128xf32, #tpu.memory_space<vmem>> -> memref<8x128xf32, #tpu.memory_space<vmem>>
          %dma_wait3A_298 = arith.constant 0 : i32
          %dma_wait3A_299 = arith.constant 0 : i32
          %dma_wait3A_300 = tpu.memref_slice %arg3[%mul3A_245, %dma_wait3A_298, %dma_wait3A_299] : memref<52x8x128xf32, #tpu.memory_space<hbm>> -> memref<1x8x128xf32, #tpu.memory_space<hbm>>
          %dma_wait3A_301 = tpu.memref_squeeze %dma_wait3A_300 : memref<1x8x128xf32, #tpu.memory_space<hbm>> -> memref<8x128xf32, #tpu.memory_space<hbm>>
          tpu.wait_dma2 semaphore(%run_scoped3A_269 : memref<!tpu.dma_semaphore, #tpu.memory_space<semaphore_mem>>) src(%dma_wait3A_301 : memref<8x128xf32, #tpu.memory_space<hbm>>) dst(%dma_wait3A_297 : memref<8x128xf32, #tpu.memory_space<vmem>>)
          tpu.yield
        }) : () -> ()
        %mul3A_246 = arith.constant 2 : i32
        %mul3A_247 = arith.muli %mul3A_246, %select_n3A_126 : i32
        %add3A_248 = arith.constant 1 : i32
        %add3A_249 = arith.addi %mul3A_247, %add3A_248 : i32
        %run_scoped3A_250 = arith.constant 1 : i32
        "tpu.region"() ({
          %run_scoped3A_269 = tpu.sem_alloc : memref<!tpu.dma_semaphore, #tpu.memory_space<semaphore_mem>>
          %dma_start3A_270 = arith.constant 0 : i32
          %dma_start3A_271 = arith.constant 0 : i32
          %dma_start3A_272 = tpu.memref_slice %arg6[%run_scoped3A_250, %dma_start3A_270, %dma_start3A_271] : memref<2x8x128xf32, #tpu.memory_space<vmem>> -> memref<1x8x128xf32, #tpu.memory_space<vmem>>
          %dma_start3A_273 = tpu.memref_squeeze %dma_start3A_272 : memref<1x8x128xf32, #tpu.memory_space<vmem>> -> memref<8x128xf32, #tpu.memory_space<vmem>>
          %dma_start3A_274 = arith.constant 0 : i32
          %dma_start3A_275 = arith.constant 0 : i32
          %dma_start3A_276 = tpu.memref_slice %arg3[%add3A_249, %dma_start3A_274, %dma_start3A_275] : memref<52x8x128xf32, #tpu.memory_space<hbm>> -> memref<1x8x128xf32, #tpu.memory_space<hbm>>
          %dma_start3A_277 = tpu.memref_squeeze %dma_start3A_276 : memref<1x8x128xf32, #tpu.memory_space<hbm>> -> memref<8x128xf32, #tpu.memory_space<hbm>>
          %dma_start3A_278 = arith.constant 0 : i32
          %dma_start3A_279 = arith.constant 0 : i32
          %dma_start3A_280 = tpu.memref_slice %arg6[%run_scoped3A_250, %dma_start3A_278, %dma_start3A_279] : memref<2x8x128xf32, #tpu.memory_space<vmem>> -> memref<1x8x128xf32, #tpu.memory_space<vmem>>
          %dma_start3A_281 = tpu.memref_squeeze %dma_start3A_280 : memref<1x8x128xf32, #tpu.memory_space<vmem>> -> memref<8x128xf32, #tpu.memory_space<vmem>>
          %dma_start3A_282 = arith.constant 0 : i32
          %dma_start3A_283 = arith.constant 0 : i32
          %dma_start3A_284 = tpu.memref_slice %arg3[%add3A_249, %dma_start3A_282, %dma_start3A_283] : memref<52x8x128xf32, #tpu.memory_space<hbm>> -> memref<1x8x128xf32, #tpu.memory_space<hbm>>
          %dma_start3A_285 = tpu.memref_squeeze %dma_start3A_284 : memref<1x8x128xf32, #tpu.memory_space<hbm>> -> memref<8x128xf32, #tpu.memory_space<hbm>>
          tpu.enqueue_dma source(%dma_start3A_285 : memref<8x128xf32, #tpu.memory_space<hbm>>) target(%dma_start3A_281 : memref<8x128xf32, #tpu.memory_space<vmem>>) target_semaphore(%run_scoped3A_269 : memref<!tpu.dma_semaphore, #tpu.memory_space<semaphore_mem>>)
          %dma_wait3A_286 = arith.constant 0 : i32
          %dma_wait3A_287 = arith.constant 0 : i32
          %dma_wait3A_288 = tpu.memref_slice %arg6[%run_scoped3A_250, %dma_wait3A_286, %dma_wait3A_287] : memref<2x8x128xf32, #tpu.memory_space<vmem>> -> memref<1x8x128xf32, #tpu.memory_space<vmem>>
          %dma_wait3A_289 = tpu.memref_squeeze %dma_wait3A_288 : memref<1x8x128xf32, #tpu.memory_space<vmem>> -> memref<8x128xf32, #tpu.memory_space<vmem>>
          %dma_wait3A_290 = arith.constant 0 : i32
          %dma_wait3A_291 = arith.constant 0 : i32
          %dma_wait3A_292 = tpu.memref_slice %arg3[%add3A_249, %dma_wait3A_290, %dma_wait3A_291] : memref<52x8x128xf32, #tpu.memory_space<hbm>> -> memref<1x8x128xf32, #tpu.memory_space<hbm>>
          %dma_wait3A_293 = tpu.memref_squeeze %dma_wait3A_292 : memref<1x8x128xf32, #tpu.memory_space<hbm>> -> memref<8x128xf32, #tpu.memory_space<hbm>>
          %dma_wait3A_294 = arith.constant 0 : i32
          %dma_wait3A_295 = arith.constant 0 : i32
          %dma_wait3A_296 = tpu.memref_slice %arg6[%run_scoped3A_250, %dma_wait3A_294, %dma_wait3A_295] : memref<2x8x128xf32, #tpu.memory_space<vmem>> -> memref<1x8x128xf32, #tpu.memory_space<vmem>>
          %dma_wait3A_297 = tpu.memref_squeeze %dma_wait3A_296 : memref<1x8x128xf32, #tpu.memory_space<vmem>> -> memref<8x128xf32, #tpu.memory_space<vmem>>
          %dma_wait3A_298 = arith.constant 0 : i32
          %dma_wait3A_299 = arith.constant 0 : i32
          %dma_wait3A_300 = tpu.memref_slice %arg3[%add3A_249, %dma_wait3A_298, %dma_wait3A_299] : memref<52x8x128xf32, #tpu.memory_space<hbm>> -> memref<1x8x128xf32, #tpu.memory_space<hbm>>
          %dma_wait3A_301 = tpu.memref_squeeze %dma_wait3A_300 : memref<1x8x128xf32, #tpu.memory_space<hbm>> -> memref<8x128xf32, #tpu.memory_space<hbm>>
          tpu.wait_dma2 semaphore(%run_scoped3A_269 : memref<!tpu.dma_semaphore, #tpu.memory_space<semaphore_mem>>) src(%dma_wait3A_301 : memref<8x128xf32, #tpu.memory_space<hbm>>) dst(%dma_wait3A_297 : memref<8x128xf32, #tpu.memory_space<vmem>>)
          tpu.yield
        }) : () -> ()
        %scan3A_251 = arith.constant 0 : i32
        %scan3A_252 = arith.constant 0 : i32
        %scan3A_253 = arith.constant 2 : i32
        %scan3A_254 = arith.addi %scan3A_252, %scan3A_253 : i32
        %scan3A_255 = arith.constant 1 : i32
        scf.for %scan3A_269 = %scan3A_252 to %scan3A_254 step %scan3A_255  : i32 {
          %mul3A_270 = arith.constant 16 : i32
          %mul3A_271 = arith.muli %scan3A_269, %mul3A_270 : i32
          %add3A_272 = vector.broadcast %mul3A_271 : i32 to vector<16xi32>
          %add3A_273 = arith.addi %add3A_272, %iota3A : vector<16xi32>
          %add3A_274 = arith.constant 0 : i32
          %add3A_275 = vector.broadcast %add3A_274 : i32 to vector<16xi32>
          %add3A_276 = arith.addi %add3A_275, %add3A_273 : vector<16xi32>
          %add3A_277 = arith.constant 640 : i32
          %add3A_278 = vector.broadcast %add3A_277 : i32 to vector<16xi32>
          %add3A_279 = arith.addi %add3A_278, %add3A_273 : vector<16xi32>
          %shift_right_arithmetic3A = arith.constant 3 : i32
          %shift_right_arithmetic3A_280 = vector.broadcast %shift_right_arithmetic3A : i32 to vector<16xi32>
          %shift_right_arithmetic3A_281 = arith.shrsi %add3A_279, %shift_right_arithmetic3A_280 : vector<16xi32>
          %shift_left3A = arith.constant 7 : i32
          %shift_left3A_282 = vector.broadcast %shift_left3A : i32 to vector<16xi32>
          %shift_left3A_283 = arith.shli %shift_right_arithmetic3A_281, %shift_left3A_282 : vector<16xi32>
          %and3A_284 = arith.constant 7 : i32
          %and3A_285 = vector.broadcast %and3A_284 : i32 to vector<16xi32>
          %and3A_286 = arith.andi %add3A_279, %and3A_285 : vector<16xi32>
          %shift_left3A_287 = arith.constant 4 : i32
          %shift_left3A_288 = vector.broadcast %shift_left3A_287 : i32 to vector<16xi32>
          %shift_left3A_289 = arith.shli %and3A_286, %shift_left3A_288 : vector<16xi32>
          %add3A_290 = arith.addi %shift_left3A_283, %shift_left3A_289 : vector<16xi32>
          %gather3A = arith.constant 0 : i32
          %gather3A_291 = arith.constant 0 : i32
          %gather3A_292 = tpu.memref_slice %arg6[%while3A_79, %gather3A, %gather3A_291] : memref<2x8x128xf32, #tpu.memory_space<vmem>> -> memref<1x8x128xf32, #tpu.memory_space<vmem>>
          %gather3A_293 = tpu.memref_squeeze %gather3A_292 : memref<1x8x128xf32, #tpu.memory_space<vmem>> -> memref<8x128xf32, #tpu.memory_space<vmem>>
          %gather3A_294 = tpu.vector_load_idx %gather3A_293[%broadcast_in_dim3A_47, %add3A_276] : memref<8x128xf32, #tpu.memory_space<vmem>>[vector<16xi32>, vector<16xi32>], vector<16xf32>,
          %add3A_295 = arith.constant 0 : i32
          %add3A_296 = vector.broadcast %add3A_295 : i32 to vector<16xi32>
          %add3A_297 = arith.addi %add3A_290, %add3A_296 : vector<16xi32>
          tpu.vector_store_idx %arg7[%add3A_297], %gather3A_294 : memref<16384xf32, #tpu.memory_space<vmem>>[vector<16xi32>], vector<16xf32>,
          %gather3A_298 = arith.constant 0 : i32
          %gather3A_299 = arith.constant 0 : i32
          %gather3A_300 = tpu.memref_slice %arg6[%while3A_79, %gather3A_298, %gather3A_299] : memref<2x8x128xf32, #tpu.memory_space<vmem>> -> memref<1x8x128xf32, #tpu.memory_space<vmem>>
          %gather3A_301 = tpu.memref_squeeze %gather3A_300 : memref<1x8x128xf32, #tpu.memory_space<vmem>> -> memref<8x128xf32, #tpu.memory_space<vmem>>
          %gather3A_302 = tpu.vector_load_idx %gather3A_301[%broadcast_in_dim3A_49, %add3A_276] : memref<8x128xf32, #tpu.memory_space<vmem>>[vector<16xi32>, vector<16xi32>], vector<16xf32>,
          %add3A_303 = arith.constant 1 : i32
          %add3A_304 = vector.broadcast %add3A_303 : i32 to vector<16xi32>
          %add3A_305 = arith.addi %add3A_290, %add3A_304 : vector<16xi32>
          tpu.vector_store_idx %arg7[%add3A_305], %gather3A_302 : memref<16384xf32, #tpu.memory_space<vmem>>[vector<16xi32>], vector<16xf32>,
          %gather3A_306 = arith.constant 0 : i32
          %gather3A_307 = arith.constant 0 : i32
          %gather3A_308 = tpu.memref_slice %arg6[%while3A_79, %gather3A_306, %gather3A_307] : memref<2x8x128xf32, #tpu.memory_space<vmem>> -> memref<1x8x128xf32, #tpu.memory_space<vmem>>
          %gather3A_309 = tpu.memref_squeeze %gather3A_308 : memref<1x8x128xf32, #tpu.memory_space<vmem>> -> memref<8x128xf32, #tpu.memory_space<vmem>>
          %gather3A_310 = tpu.vector_load_idx %gather3A_309[%broadcast_in_dim3A_51, %add3A_276] : memref<8x128xf32, #tpu.memory_space<vmem>>[vector<16xi32>, vector<16xi32>], vector<16xf32>,
          %add3A_311 = arith.constant 2 : i32
          %add3A_312 = vector.broadcast %add3A_311 : i32 to vector<16xi32>
          %add3A_313 = arith.addi %add3A_290, %add3A_312 : vector<16xi32>
          tpu.vector_store_idx %arg7[%add3A_313], %gather3A_310 : memref<16384xf32, #tpu.memory_space<vmem>>[vector<16xi32>], vector<16xf32>,
          %gather3A_314 = arith.constant 0 : i32
          %gather3A_315 = arith.constant 0 : i32
          %gather3A_316 = tpu.memref_slice %arg6[%while3A_79, %gather3A_314, %gather3A_315] : memref<2x8x128xf32, #tpu.memory_space<vmem>> -> memref<1x8x128xf32, #tpu.memory_space<vmem>>
          %gather3A_317 = tpu.memref_squeeze %gather3A_316 : memref<1x8x128xf32, #tpu.memory_space<vmem>> -> memref<8x128xf32, #tpu.memory_space<vmem>>
          %gather3A_318 = tpu.vector_load_idx %gather3A_317[%broadcast_in_dim3A_53, %add3A_276] : memref<8x128xf32, #tpu.memory_space<vmem>>[vector<16xi32>, vector<16xi32>], vector<16xf32>,
          %add3A_319 = arith.constant 3 : i32
          %add3A_320 = vector.broadcast %add3A_319 : i32 to vector<16xi32>
          %add3A_321 = arith.addi %add3A_290, %add3A_320 : vector<16xi32>
          tpu.vector_store_idx %arg7[%add3A_321], %gather3A_318 : memref<16384xf32, #tpu.memory_space<vmem>>[vector<16xi32>], vector<16xf32>,
          %gather3A_322 = arith.constant 0 : i32
          %gather3A_323 = arith.constant 0 : i32
          %gather3A_324 = tpu.memref_slice %arg6[%while3A_79, %gather3A_322, %gather3A_323] : memref<2x8x128xf32, #tpu.memory_space<vmem>> -> memref<1x8x128xf32, #tpu.memory_space<vmem>>
          %gather3A_325 = tpu.memref_squeeze %gather3A_324 : memref<1x8x128xf32, #tpu.memory_space<vmem>> -> memref<8x128xf32, #tpu.memory_space<vmem>>
          %gather3A_326 = tpu.vector_load_idx %gather3A_325[%broadcast_in_dim3A_55, %add3A_276] : memref<8x128xf32, #tpu.memory_space<vmem>>[vector<16xi32>, vector<16xi32>], vector<16xf32>,
          %add3A_327 = arith.constant 4 : i32
          %add3A_328 = vector.broadcast %add3A_327 : i32 to vector<16xi32>
          %add3A_329 = arith.addi %add3A_290, %add3A_328 : vector<16xi32>
          tpu.vector_store_idx %arg7[%add3A_329], %gather3A_326 : memref<16384xf32, #tpu.memory_space<vmem>>[vector<16xi32>], vector<16xf32>,
          %gather3A_330 = arith.constant 0 : i32
          %gather3A_331 = arith.constant 0 : i32
          %gather3A_332 = tpu.memref_slice %arg6[%while3A_79, %gather3A_330, %gather3A_331] : memref<2x8x128xf32, #tpu.memory_space<vmem>> -> memref<1x8x128xf32, #tpu.memory_space<vmem>>
          %gather3A_333 = tpu.memref_squeeze %gather3A_332 : memref<1x8x128xf32, #tpu.memory_space<vmem>> -> memref<8x128xf32, #tpu.memory_space<vmem>>
          %gather3A_334 = tpu.vector_load_idx %gather3A_333[%broadcast_in_dim3A_57, %add3A_276] : memref<8x128xf32, #tpu.memory_space<vmem>>[vector<16xi32>, vector<16xi32>], vector<16xf32>,
          %add3A_335 = arith.constant 5 : i32
          %add3A_336 = vector.broadcast %add3A_335 : i32 to vector<16xi32>
          %add3A_337 = arith.addi %add3A_290, %add3A_336 : vector<16xi32>
          tpu.vector_store_idx %arg7[%add3A_337], %gather3A_334 : memref<16384xf32, #tpu.memory_space<vmem>>[vector<16xi32>], vector<16xf32>,
          %gather3A_338 = arith.constant 0 : i32
          %gather3A_339 = arith.constant 0 : i32
          %gather3A_340 = tpu.memref_slice %arg6[%while3A_79, %gather3A_338, %gather3A_339] : memref<2x8x128xf32, #tpu.memory_space<vmem>> -> memref<1x8x128xf32, #tpu.memory_space<vmem>>
          %gather3A_341 = tpu.memref_squeeze %gather3A_340 : memref<1x8x128xf32, #tpu.memory_space<vmem>> -> memref<8x128xf32, #tpu.memory_space<vmem>>
          %gather3A_342 = tpu.vector_load_idx %gather3A_341[%broadcast_in_dim3A_59, %add3A_276] : memref<8x128xf32, #tpu.memory_space<vmem>>[vector<16xi32>, vector<16xi32>], vector<16xf32>,
          %add3A_343 = arith.constant 6 : i32
          %add3A_344 = vector.broadcast %add3A_343 : i32 to vector<16xi32>
          %add3A_345 = arith.addi %add3A_290, %add3A_344 : vector<16xi32>
          tpu.vector_store_idx %arg7[%add3A_345], %gather3A_342 : memref<16384xf32, #tpu.memory_space<vmem>>[vector<16xi32>], vector<16xf32>,
          %gather3A_346 = arith.constant 0 : i32
          %gather3A_347 = arith.constant 0 : i32
          %gather3A_348 = tpu.memref_slice %arg6[%while3A_79, %gather3A_346, %gather3A_347] : memref<2x8x128xf32, #tpu.memory_space<vmem>> -> memref<1x8x128xf32, #tpu.memory_space<vmem>>
          %gather3A_349 = tpu.memref_squeeze %gather3A_348 : memref<1x8x128xf32, #tpu.memory_space<vmem>> -> memref<8x128xf32, #tpu.memory_space<vmem>>
          %gather3A_350 = tpu.vector_load_idx %gather3A_349[%broadcast_in_dim3A_61, %add3A_276] : memref<8x128xf32, #tpu.memory_space<vmem>>[vector<16xi32>, vector<16xi32>], vector<16xf32>,
          %add3A_351 = arith.constant 7 : i32
          %add3A_352 = vector.broadcast %add3A_351 : i32 to vector<16xi32>
          %add3A_353 = arith.addi %add3A_290, %add3A_352 : vector<16xi32>
          tpu.vector_store_idx %arg7[%add3A_353], %gather3A_350 : memref<16384xf32, #tpu.memory_space<vmem>>[vector<16xi32>], vector<16xf32>,
          %gather3A_354 = arith.constant 0 : i32
          %gather3A_355 = arith.constant 0 : i32
          %gather3A_356 = tpu.memref_slice %arg6[%while3A_80, %gather3A_354, %gather3A_355] : memref<2x8x128xf32, #tpu.memory_space<vmem>> -> memref<1x8x128xf32, #tpu.memory_space<vmem>>
          %gather3A_357 = tpu.memref_squeeze %gather3A_356 : memref<1x8x128xf32, #tpu.memory_space<vmem>> -> memref<8x128xf32, #tpu.memory_space<vmem>>
          %gather3A_358 = tpu.vector_load_idx %gather3A_357[%broadcast_in_dim3A_63, %add3A_276] : memref<8x128xf32, #tpu.memory_space<vmem>>[vector<16xi32>, vector<16xi32>], vector<16xf32>,
          %add3A_359 = arith.constant 8 : i32
          %add3A_360 = vector.broadcast %add3A_359 : i32 to vector<16xi32>
          %add3A_361 = arith.addi %add3A_290, %add3A_360 : vector<16xi32>
          tpu.vector_store_idx %arg7[%add3A_361], %gather3A_358 : memref<16384xf32, #tpu.memory_space<vmem>>[vector<16xi32>], vector<16xf32>,
          %gather3A_362 = arith.constant 0 : i32
          %gather3A_363 = arith.constant 0 : i32
          %gather3A_364 = tpu.memref_slice %arg6[%while3A_80, %gather3A_362, %gather3A_363] : memref<2x8x128xf32, #tpu.memory_space<vmem>> -> memref<1x8x128xf32, #tpu.memory_space<vmem>>
          %gather3A_365 = tpu.memref_squeeze %gather3A_364 : memref<1x8x128xf32, #tpu.memory_space<vmem>> -> memref<8x128xf32, #tpu.memory_space<vmem>>
          %gather3A_366 = tpu.vector_load_idx %gather3A_365[%broadcast_in_dim3A_65, %add3A_276] : memref<8x128xf32, #tpu.memory_space<vmem>>[vector<16xi32>, vector<16xi32>], vector<16xf32>,
          %add3A_367 = arith.constant 9 : i32
          %add3A_368 = vector.broadcast %add3A_367 : i32 to vector<16xi32>
          %add3A_369 = arith.addi %add3A_290, %add3A_368 : vector<16xi32>
          tpu.vector_store_idx %arg7[%add3A_369], %gather3A_366 : memref<16384xf32, #tpu.memory_space<vmem>>[vector<16xi32>], vector<16xf32>,
          %gather3A_370 = arith.constant 0 : i32
          %gather3A_371 = arith.constant 0 : i32
          %gather3A_372 = tpu.memref_slice %arg6[%while3A_80, %gather3A_370, %gather3A_371] : memref<2x8x128xf32, #tpu.memory_space<vmem>> -> memref<1x8x128xf32, #tpu.memory_space<vmem>>
          %gather3A_373 = tpu.memref_squeeze %gather3A_372 : memref<1x8x128xf32, #tpu.memory_space<vmem>> -> memref<8x128xf32, #tpu.memory_space<vmem>>
          %gather3A_374 = tpu.vector_load_idx %gather3A_373[%broadcast_in_dim3A_67, %add3A_276] : memref<8x128xf32, #tpu.memory_space<vmem>>[vector<16xi32>, vector<16xi32>], vector<16xf32>,
          %add3A_375 = arith.constant 10 : i32
          %add3A_376 = vector.broadcast %add3A_375 : i32 to vector<16xi32>
          %add3A_377 = arith.addi %add3A_290, %add3A_376 : vector<16xi32>
          tpu.vector_store_idx %arg7[%add3A_377], %gather3A_374 : memref<16384xf32, #tpu.memory_space<vmem>>[vector<16xi32>], vector<16xf32>,
          %gather3A_378 = arith.constant 0 : i32
          %gather3A_379 = arith.constant 0 : i32
          %gather3A_380 = tpu.memref_slice %arg6[%while3A_80, %gather3A_378, %gather3A_379] : memref<2x8x128xf32, #tpu.memory_space<vmem>> -> memref<1x8x128xf32, #tpu.memory_space<vmem>>
          %gather3A_381 = tpu.memref_squeeze %gather3A_380 : memref<1x8x128xf32, #tpu.memory_space<vmem>> -> memref<8x128xf32, #tpu.memory_space<vmem>>
          %gather3A_382 = tpu.vector_load_idx %gather3A_381[%broadcast_in_dim3A_69, %add3A_276] : memref<8x128xf32, #tpu.memory_space<vmem>>[vector<16xi32>, vector<16xi32>], vector<16xf32>,
          %add3A_383 = arith.constant 11 : i32
          %add3A_384 = vector.broadcast %add3A_383 : i32 to vector<16xi32>
          %add3A_385 = arith.addi %add3A_290, %add3A_384 : vector<16xi32>
          tpu.vector_store_idx %arg7[%add3A_385], %gather3A_382 : memref<16384xf32, #tpu.memory_space<vmem>>[vector<16xi32>], vector<16xf32>,
          %gather3A_386 = arith.constant 0 : i32
          %gather3A_387 = arith.constant 0 : i32
          %gather3A_388 = tpu.memref_slice %arg6[%while3A_80, %gather3A_386, %gather3A_387] : memref<2x8x128xf32, #tpu.memory_space<vmem>> -> memref<1x8x128xf32, #tpu.memory_space<vmem>>
          %gather3A_389 = tpu.memref_squeeze %gather3A_388 : memref<1x8x128xf32, #tpu.memory_space<vmem>> -> memref<8x128xf32, #tpu.memory_space<vmem>>
          %gather3A_390 = tpu.vector_load_idx %gather3A_389[%broadcast_in_dim3A_71, %add3A_276] : memref<8x128xf32, #tpu.memory_space<vmem>>[vector<16xi32>, vector<16xi32>], vector<16xf32>,
          %add3A_391 = arith.constant 12 : i32
          %add3A_392 = vector.broadcast %add3A_391 : i32 to vector<16xi32>
          %add3A_393 = arith.addi %add3A_290, %add3A_392 : vector<16xi32>
          tpu.vector_store_idx %arg7[%add3A_393], %gather3A_390 : memref<16384xf32, #tpu.memory_space<vmem>>[vector<16xi32>], vector<16xf32>,
          %gather3A_394 = arith.constant 0 : i32
          %gather3A_395 = arith.constant 0 : i32
          %gather3A_396 = tpu.memref_slice %arg6[%while3A_80, %gather3A_394, %gather3A_395] : memref<2x8x128xf32, #tpu.memory_space<vmem>> -> memref<1x8x128xf32, #tpu.memory_space<vmem>>
          %gather3A_397 = tpu.memref_squeeze %gather3A_396 : memref<1x8x128xf32, #tpu.memory_space<vmem>> -> memref<8x128xf32, #tpu.memory_space<vmem>>
          %gather3A_398 = tpu.vector_load_idx %gather3A_397[%broadcast_in_dim3A_73, %add3A_276] : memref<8x128xf32, #tpu.memory_space<vmem>>[vector<16xi32>, vector<16xi32>], vector<16xf32>,
          %add3A_399 = arith.constant 13 : i32
          %add3A_400 = vector.broadcast %add3A_399 : i32 to vector<16xi32>
          %add3A_401 = arith.addi %add3A_290, %add3A_400 : vector<16xi32>
          tpu.vector_store_idx %arg7[%add3A_401], %gather3A_398 : memref<16384xf32, #tpu.memory_space<vmem>>[vector<16xi32>], vector<16xf32>,
          %gather3A_402 = arith.constant 0 : i32
          %gather3A_403 = arith.constant 0 : i32
          %gather3A_404 = tpu.memref_slice %arg6[%while3A_80, %gather3A_402, %gather3A_403] : memref<2x8x128xf32, #tpu.memory_space<vmem>> -> memref<1x8x128xf32, #tpu.memory_space<vmem>>
          %gather3A_405 = tpu.memref_squeeze %gather3A_404 : memref<1x8x128xf32, #tpu.memory_space<vmem>> -> memref<8x128xf32, #tpu.memory_space<vmem>>
          %gather3A_406 = tpu.vector_load_idx %gather3A_405[%broadcast_in_dim3A_75, %add3A_276] : memref<8x128xf32, #tpu.memory_space<vmem>>[vector<16xi32>, vector<16xi32>], vector<16xf32>,
          %add3A_407 = arith.constant 14 : i32
          %add3A_408 = vector.broadcast %add3A_407 : i32 to vector<16xi32>
          %add3A_409 = arith.addi %add3A_290, %add3A_408 : vector<16xi32>
          tpu.vector_store_idx %arg7[%add3A_409], %gather3A_406 : memref<16384xf32, #tpu.memory_space<vmem>>[vector<16xi32>], vector<16xf32>,
          %gather3A_410 = arith.constant 0 : i32
          %gather3A_411 = arith.constant 0 : i32
          %gather3A_412 = tpu.memref_slice %arg6[%while3A_80, %gather3A_410, %gather3A_411] : memref<2x8x128xf32, #tpu.memory_space<vmem>> -> memref<1x8x128xf32, #tpu.memory_space<vmem>>
          %gather3A_413 = tpu.memref_squeeze %gather3A_412 : memref<1x8x128xf32, #tpu.memory_space<vmem>> -> memref<8x128xf32, #tpu.memory_space<vmem>>
          %gather3A_414 = tpu.vector_load_idx %gather3A_413[%broadcast_in_dim3A_77, %add3A_276] : memref<8x128xf32, #tpu.memory_space<vmem>>[vector<16xi32>, vector<16xi32>], vector<16xf32>,
          %add3A_415 = arith.constant 15 : i32
          %add3A_416 = vector.broadcast %add3A_415 : i32 to vector<16xi32>
          %add3A_417 = arith.addi %add3A_290, %add3A_416 : vector<16xi32>
          tpu.vector_store_idx %arg7[%add3A_417], %gather3A_414 : memref<16384xf32, #tpu.memory_space<vmem>>[vector<16xi32>], vector<16xf32>,
        }
        %scan3A_256 = arith.constant 2 : i32
        %mul3A_257 = arith.constant 12504 : i32
        %mul3A_258 = arith.muli %select_n3A_126, %mul3A_257 : i32
        %mul3A_259 = arith.constant 8 : i32
        %mul3A_260 = arith.muli %mul3A_258, %mul3A_259 : i32
        %add3A_261 = arith.addi %mul3A_260, %multiple_of3A_149 : i32
        %add3A_262 = arith.constant 1024 : i32
        %add3A_263 = arith.addi %add3A_261, %add3A_262 : i32
        %mul3A_264 = arith.constant 16 : i32
        %mul3A_265 = arith.muli %add3A_263, %mul3A_264 : i32
        %multiple_of3A_266 = tpu.assume_multiple %mul3A_265, 1024 : i32
        "tpu.region"() ({
          %run_scoped3A_269 = tpu.sem_alloc : memref<!tpu.dma_semaphore, #tpu.memory_space<semaphore_mem>>
          %dma_start3A_270 = arith.constant 0 : i32
          %dma_start3A_271 = tpu.memref_slice %arg7[%dma_start3A_270] : memref<16384xf32, #tpu.memory_space<vmem>> -> memref<11264xf32, #tpu.memory_space<vmem>>
          %dma_start3A_272 = tpu.memref_slice %arg4[%multiple_of3A_266] : memref<41613312xf32, #tpu.memory_space<hbm>> -> memref<11264xf32, #tpu.memory_space<hbm>>
          %dma_start3A_273 = tpu.memref_slice %arg4[%multiple_of3A_266] : memref<41613312xf32, #tpu.memory_space<hbm>> -> memref<11264xf32, #tpu.memory_space<hbm>>
          %dma_start3A_274 = arith.constant 0 : i32
          %dma_start3A_275 = tpu.memref_slice %arg7[%dma_start3A_274] : memref<16384xf32, #tpu.memory_space<vmem>> -> memref<11264xf32, #tpu.memory_space<vmem>>
          tpu.enqueue_dma source(%dma_start3A_275 : memref<11264xf32, #tpu.memory_space<vmem>>) target(%dma_start3A_273 : memref<11264xf32, #tpu.memory_space<hbm>>) target_semaphore(%run_scoped3A_269 : memref<!tpu.dma_semaphore, #tpu.memory_space<semaphore_mem>>)
          %dma_wait3A_276 = arith.constant 0 : i32
          %dma_wait3A_277 = tpu.memref_slice %arg7[%dma_wait3A_276] : memref<16384xf32, #tpu.memory_space<vmem>> -> memref<11264xf32, #tpu.memory_space<vmem>>
          %dma_wait3A_278 = tpu.memref_slice %arg4[%multiple_of3A_266] : memref<41613312xf32, #tpu.memory_space<hbm>> -> memref<11264xf32, #tpu.memory_space<hbm>>
          %dma_wait3A_279 = tpu.memref_slice %arg4[%multiple_of3A_266] : memref<41613312xf32, #tpu.memory_space<hbm>> -> memref<11264xf32, #tpu.memory_space<hbm>>
          %dma_wait3A_280 = arith.constant 0 : i32
          %dma_wait3A_281 = tpu.memref_slice %arg7[%dma_wait3A_280] : memref<16384xf32, #tpu.memory_space<vmem>> -> memref<11264xf32, #tpu.memory_space<vmem>>
          tpu.wait_dma2 semaphore(%run_scoped3A_269 : memref<!tpu.dma_semaphore, #tpu.memory_space<semaphore_mem>>) src(%dma_wait3A_281 : memref<11264xf32, #tpu.memory_space<vmem>>) dst(%dma_wait3A_279 : memref<11264xf32, #tpu.memory_space<hbm>>)
          tpu.yield
        }) : () -> ()
        %mul3A_267 = arith.constant 0 : i32
        %mul3A_268 = arith.muli %while3A_101, %mul3A_267 : i32
        scf.yield %mul3A_268, %while3A_102 : i32, i32
      } else {
        %multiple_of3A = tpu.assume_multiple %mul3A_144, 1024 : i32
        %mul3A_149 = arith.constant 2 : i32
        %mul3A_150 = arith.muli %mul3A_149, %select_n3A_126 : i32
        %dma_start3A = arith.constant 0 : i32
        %dma_start3A_151 = arith.constant 0 : i32
        %dma_start3A_152 = arith.constant 0 : i32
        %dma_start3A_153 = tpu.memref_slice %arg5[%dma_start3A, %dma_start3A_151, %dma_start3A_152] : memref<2x8x4096xf32, #tpu.memory_space<vmem>> -> memref<1x8x4096xf32, #tpu.memory_space<vmem>>
        %dma_start3A_154 = tpu.memref_squeeze %dma_start3A_153 : memref<1x8x4096xf32, #tpu.memory_space<vmem>> -> memref<8x4096xf32, #tpu.memory_space<vmem>>
        %dma_start3A_155 = arith.constant 0 : i32
        %dma_start3A_156 = tpu.memref_slice %arg2[%mul3A_150, %dma_start3A_155, %multiple_of3A] : memref<52x8x100000xf32, #tpu.memory_space<hbm>> -> memref<1x8x4096xf32, #tpu.memory_space<hbm>>
        %dma_start3A_157 = tpu.memref_squeeze %dma_start3A_156 : memref<1x8x4096xf32, #tpu.memory_space<hbm>> -> memref<8x4096xf32, #tpu.memory_space<hbm>>
        %dma_start3A_158 = arith.constant 0 : i32
        %dma_start3A_159 = arith.constant 0 : i32
        %dma_start3A_160 = tpu.memref_slice %arg5[%dma_start3A, %dma_start3A_158, %dma_start3A_159] : memref<2x8x4096xf32, #tpu.memory_space<vmem>> -> memref<1x8x4096xf32, #tpu.memory_space<vmem>>
        %dma_start3A_161 = tpu.memref_squeeze %dma_start3A_160 : memref<1x8x4096xf32, #tpu.memory_space<vmem>> -> memref<8x4096xf32, #tpu.memory_space<vmem>>
        %dma_start3A_162 = arith.constant 0 : i32
        %dma_start3A_163 = tpu.memref_slice %arg2[%mul3A_150, %dma_start3A_162, %multiple_of3A] : memref<52x8x100000xf32, #tpu.memory_space<hbm>> -> memref<1x8x4096xf32, #tpu.memory_space<hbm>>
        %dma_start3A_164 = tpu.memref_squeeze %dma_start3A_163 : memref<1x8x4096xf32, #tpu.memory_space<hbm>> -> memref<8x4096xf32, #tpu.memory_space<hbm>>
        tpu.enqueue_dma source(%dma_start3A_164 : memref<8x4096xf32, #tpu.memory_space<hbm>>) target(%dma_start3A_161 : memref<8x4096xf32, #tpu.memory_space<vmem>>) target_semaphore(%arg9 : memref<!tpu.dma_semaphore, #tpu.memory_space<semaphore_mem>>)
        %mul3A_165 = arith.constant 2 : i32
        %mul3A_166 = arith.muli %mul3A_165, %select_n3A_126 : i32
        %add3A_167 = arith.constant 1 : i32
        %add3A_168 = arith.addi %mul3A_166, %add3A_167 : i32
        %dma_start3A_169 = arith.constant 1 : i32
        %dma_start3A_170 = arith.constant 0 : i32
        %dma_start3A_171 = arith.constant 0 : i32
        %dma_start3A_172 = tpu.memref_slice %arg5[%dma_start3A_169, %dma_start3A_170, %dma_start3A_171] : memref<2x8x4096xf32, #tpu.memory_space<vmem>> -> memref<1x8x4096xf32, #tpu.memory_space<vmem>>
        %dma_start3A_173 = tpu.memref_squeeze %dma_start3A_172 : memref<1x8x4096xf32, #tpu.memory_space<vmem>> -> memref<8x4096xf32, #tpu.memory_space<vmem>>
        %dma_start3A_174 = arith.constant 0 : i32
        %dma_start3A_175 = tpu.memref_slice %arg2[%add3A_168, %dma_start3A_174, %multiple_of3A] : memref<52x8x100000xf32, #tpu.memory_space<hbm>> -> memref<1x8x4096xf32, #tpu.memory_space<hbm>>
        %dma_start3A_176 = tpu.memref_squeeze %dma_start3A_175 : memref<1x8x4096xf32, #tpu.memory_space<hbm>> -> memref<8x4096xf32, #tpu.memory_space<hbm>>
        %dma_start3A_177 = arith.constant 0 : i32
        %dma_start3A_178 = arith.constant 0 : i32
        %dma_start3A_179 = tpu.memref_slice %arg5[%dma_start3A_169, %dma_start3A_177, %dma_start3A_178] : memref<2x8x4096xf32, #tpu.memory_space<vmem>> -> memref<1x8x4096xf32, #tpu.memory_space<vmem>>
        %dma_start3A_180 = tpu.memref_squeeze %dma_start3A_179 : memref<1x8x4096xf32, #tpu.memory_space<vmem>> -> memref<8x4096xf32, #tpu.memory_space<vmem>>
        %dma_start3A_181 = arith.constant 0 : i32
        %dma_start3A_182 = tpu.memref_slice %arg2[%add3A_168, %dma_start3A_181, %multiple_of3A] : memref<52x8x100000xf32, #tpu.memory_space<hbm>> -> memref<1x8x4096xf32, #tpu.memory_space<hbm>>
        %dma_start3A_183 = tpu.memref_squeeze %dma_start3A_182 : memref<1x8x4096xf32, #tpu.memory_space<hbm>> -> memref<8x4096xf32, #tpu.memory_space<hbm>>
        tpu.enqueue_dma source(%dma_start3A_183 : memref<8x4096xf32, #tpu.memory_space<hbm>>) target(%dma_start3A_180 : memref<8x4096xf32, #tpu.memory_space<vmem>>) target_semaphore(%arg9 : memref<!tpu.dma_semaphore, #tpu.memory_space<semaphore_mem>>)
        %mul3A_184 = arith.constant 2 : i32
        %mul3A_185 = arith.muli %mul3A_184, %select_n3A_126 : i32
        %dma_wait3A = arith.constant 0 : i32
        %dma_wait3A_186 = arith.constant 0 : i32
        %dma_wait3A_187 = arith.constant 0 : i32
        %dma_wait3A_188 = tpu.memref_slice %arg5[%dma_wait3A, %dma_wait3A_186, %dma_wait3A_187] : memref<2x8x4096xf32, #tpu.memory_space<vmem>> -> memref<1x8x4096xf32, #tpu.memory_space<vmem>>
        %dma_wait3A_189 = tpu.memref_squeeze %dma_wait3A_188 : memref<1x8x4096xf32, #tpu.memory_space<vmem>> -> memref<8x4096xf32, #tpu.memory_space<vmem>>
        %dma_wait3A_190 = arith.constant 0 : i32
        %dma_wait3A_191 = tpu.memref_slice %arg2[%mul3A_185, %dma_wait3A_190, %multiple_of3A] : memref<52x8x100000xf32, #tpu.memory_space<hbm>> -> memref<1x8x4096xf32, #tpu.memory_space<hbm>>
        %dma_wait3A_192 = tpu.memref_squeeze %dma_wait3A_191 : memref<1x8x4096xf32, #tpu.memory_space<hbm>> -> memref<8x4096xf32, #tpu.memory_space<hbm>>
        %dma_wait3A_193 = arith.constant 0 : i32
        %dma_wait3A_194 = arith.constant 0 : i32
        %dma_wait3A_195 = tpu.memref_slice %arg5[%dma_wait3A, %dma_wait3A_193, %dma_wait3A_194] : memref<2x8x4096xf32, #tpu.memory_space<vmem>> -> memref<1x8x4096xf32, #tpu.memory_space<vmem>>
        %dma_wait3A_196 = tpu.memref_squeeze %dma_wait3A_195 : memref<1x8x4096xf32, #tpu.memory_space<vmem>> -> memref<8x4096xf32, #tpu.memory_space<vmem>>
        %dma_wait3A_197 = arith.constant 0 : i32
        %dma_wait3A_198 = tpu.memref_slice %arg2[%mul3A_185, %dma_wait3A_197, %multiple_of3A] : memref<52x8x100000xf32, #tpu.memory_space<hbm>> -> memref<1x8x4096xf32, #tpu.memory_space<hbm>>
        %dma_wait3A_199 = tpu.memref_squeeze %dma_wait3A_198 : memref<1x8x4096xf32, #tpu.memory_space<hbm>> -> memref<8x4096xf32, #tpu.memory_space<hbm>>
        tpu.wait_dma2 semaphore(%arg9 : memref<!tpu.dma_semaphore, #tpu.memory_space<semaphore_mem>>) src(%dma_wait3A_199 : memref<8x4096xf32, #tpu.memory_space<hbm>>) dst(%dma_wait3A_196 : memref<8x4096xf32, #tpu.memory_space<vmem>>)
        %mul3A_200 = arith.constant 2 : i32
        %mul3A_201 = arith.muli %mul3A_200, %select_n3A_126 : i32
        %add3A_202 = arith.constant 1 : i32
        %add3A_203 = arith.addi %mul3A_201, %add3A_202 : i32
        %dma_wait3A_204 = arith.constant 1 : i32
        %dma_wait3A_205 = arith.constant 0 : i32
        %dma_wait3A_206 = arith.constant 0 : i32
        %dma_wait3A_207 = tpu.memref_slice %arg5[%dma_wait3A_204, %dma_wait3A_205, %dma_wait3A_206] : memref<2x8x4096xf32, #tpu.memory_space<vmem>> -> memref<1x8x4096xf32, #tpu.memory_space<vmem>>
        %dma_wait3A_208 = tpu.memref_squeeze %dma_wait3A_207 : memref<1x8x4096xf32, #tpu.memory_space<vmem>> -> memref<8x4096xf32, #tpu.memory_space<vmem>>
        %dma_wait3A_209 = arith.constant 0 : i32
        %dma_wait3A_210 = tpu.memref_slice %arg2[%add3A_203, %dma_wait3A_209, %multiple_of3A] : memref<52x8x100000xf32, #tpu.memory_space<hbm>> -> memref<1x8x4096xf32, #tpu.memory_space<hbm>>
        %dma_wait3A_211 = tpu.memref_squeeze %dma_wait3A_210 : memref<1x8x4096xf32, #tpu.memory_space<hbm>> -> memref<8x4096xf32, #tpu.memory_space<hbm>>
        %dma_wait3A_212 = arith.constant 0 : i32
        %dma_wait3A_213 = arith.constant 0 : i32
        %dma_wait3A_214 = tpu.memref_slice %arg5[%dma_wait3A_204, %dma_wait3A_212, %dma_wait3A_213] : memref<2x8x4096xf32, #tpu.memory_space<vmem>> -> memref<1x8x4096xf32, #tpu.memory_space<vmem>>
        %dma_wait3A_215 = tpu.memref_squeeze %dma_wait3A_214 : memref<1x8x4096xf32, #tpu.memory_space<vmem>> -> memref<8x4096xf32, #tpu.memory_space<vmem>>
        %dma_wait3A_216 = arith.constant 0 : i32
        %dma_wait3A_217 = tpu.memref_slice %arg2[%add3A_203, %dma_wait3A_216, %multiple_of3A] : memref<52x8x100000xf32, #tpu.memory_space<hbm>> -> memref<1x8x4096xf32, #tpu.memory_space<hbm>>
        %dma_wait3A_218 = tpu.memref_squeeze %dma_wait3A_217 : memref<1x8x4096xf32, #tpu.memory_space<hbm>> -> memref<8x4096xf32, #tpu.memory_space<hbm>>
        tpu.wait_dma2 semaphore(%arg9 : memref<!tpu.dma_semaphore, #tpu.memory_space<semaphore_mem>>) src(%dma_wait3A_218 : memref<8x4096xf32, #tpu.memory_space<hbm>>) dst(%dma_wait3A_215 : memref<8x4096xf32, #tpu.memory_space<vmem>>)
        %ge3A_219 = arith.constant 1 : i32
        %ge3A_220 = arith.cmpi sge, %while3A_101, %ge3A_219 : i32
        %convert_element_type3A_221 = arith.extui %ge3A_220 : i1 to i32
        %cond3A_222 = arith.constant 0 : i32
        %cond3A_223 = arith.cmpi ne, %convert_element_type3A_221, %cond3A_222 : i32
        scf.if %cond3A_223 {
          %dma_wait3A_318 = arith.constant 0 : i32
          %dma_wait3A_319 = tpu.memref_slice %arg4[%dma_wait3A_318] : memref<41613312xf32, #tpu.memory_space<hbm>> -> memref<16384xf32, #tpu.memory_space<hbm>>
          %dma_wait3A_320 = arith.constant 0 : i32
          %dma_wait3A_321 = tpu.memref_slice %arg4[%dma_wait3A_320] : memref<41613312xf32, #tpu.memory_space<hbm>> -> memref<16384xf32, #tpu.memory_space<hbm>>
          tpu.wait_dma2 semaphore(%arg10 : memref<!tpu.dma_semaphore, #tpu.memory_space<semaphore_mem>>) src(%arg7 : memref<16384xf32, #tpu.memory_space<vmem>>) dst(%dma_wait3A_321 : memref<16384xf32, #tpu.memory_space<hbm>>)
        } else {
        }
        %scan3A = arith.constant 0 : i32
        %scan3A_224 = arith.constant 0 : i32
        %scan3A_225 = arith.constant 64 : i32
        %scan3A_226 = arith.addi %scan3A_224, %scan3A_225 : i32
        %scan3A_227 = arith.constant 1 : i32
        scf.for %scan3A_318 = %scan3A_224 to %scan3A_226 step %scan3A_227  : i32 {
          %mul3A_319 = arith.constant 16 : i32
          %mul3A_320 = arith.muli %scan3A_318, %mul3A_319 : i32
          %add3A_321 = vector.broadcast %mul3A_320 : i32 to vector<16xi32>
          %add3A_322 = arith.addi %add3A_321, %iota3A : vector<16xi32>
          %add3A_323 = arith.constant 0 : i32
          %add3A_324 = vector.broadcast %add3A_323 : i32 to vector<16xi32>
          %add3A_325 = arith.addi %add3A_324, %add3A_322 : vector<16xi32>
          %add3A_326 = arith.constant 0 : i32
          %add3A_327 = vector.broadcast %add3A_326 : i32 to vector<16xi32>
          %add3A_328 = arith.addi %add3A_327, %add3A_322 : vector<16xi32>
          %shift_right_arithmetic3A = arith.constant 3 : i32
          %shift_right_arithmetic3A_329 = vector.broadcast %shift_right_arithmetic3A : i32 to vector<16xi32>
          %shift_right_arithmetic3A_330 = arith.shrsi %add3A_328, %shift_right_arithmetic3A_329 : vector<16xi32>
          %shift_left3A = arith.constant 7 : i32
          %shift_left3A_331 = vector.broadcast %shift_left3A : i32 to vector<16xi32>
          %shift_left3A_332 = arith.shli %shift_right_arithmetic3A_330, %shift_left3A_331 : vector<16xi32>
          %and3A_333 = arith.constant 7 : i32
          %and3A_334 = vector.broadcast %and3A_333 : i32 to vector<16xi32>
          %and3A_335 = arith.andi %add3A_328, %and3A_334 : vector<16xi32>
          %shift_left3A_336 = arith.constant 4 : i32
          %shift_left3A_337 = vector.broadcast %shift_left3A_336 : i32 to vector<16xi32>
          %shift_left3A_338 = arith.shli %and3A_335, %shift_left3A_337 : vector<16xi32>
          %add3A_339 = arith.addi %shift_left3A_332, %shift_left3A_338 : vector<16xi32>
          %gather3A = arith.constant 0 : i32
          %gather3A_340 = arith.constant 0 : i32
          %gather3A_341 = tpu.memref_slice %arg5[%while3A, %gather3A, %gather3A_340] : memref<2x8x4096xf32, #tpu.memory_space<vmem>> -> memref<1x8x4096xf32, #tpu.memory_space<vmem>>
          %gather3A_342 = tpu.memref_squeeze %gather3A_341 : memref<1x8x4096xf32, #tpu.memory_space<vmem>> -> memref<8x4096xf32, #tpu.memory_space<vmem>>
          %gather3A_343 = tpu.vector_load_idx %gather3A_342[%broadcast_in_dim3A_47, %add3A_325] : memref<8x4096xf32, #tpu.memory_space<vmem>>[vector<16xi32>, vector<16xi32>], vector<16xf32>,
          %add3A_344 = arith.constant 0 : i32
          %add3A_345 = vector.broadcast %add3A_344 : i32 to vector<16xi32>
          %add3A_346 = arith.addi %add3A_339, %add3A_345 : vector<16xi32>
          tpu.vector_store_idx %arg7[%add3A_346], %gather3A_343 : memref<16384xf32, #tpu.memory_space<vmem>>[vector<16xi32>], vector<16xf32>,
          %gather3A_347 = arith.constant 0 : i32
          %gather3A_348 = arith.constant 0 : i32
          %gather3A_349 = tpu.memref_slice %arg5[%while3A, %gather3A_347, %gather3A_348] : memref<2x8x4096xf32, #tpu.memory_space<vmem>> -> memref<1x8x4096xf32, #tpu.memory_space<vmem>>
          %gather3A_350 = tpu.memref_squeeze %gather3A_349 : memref<1x8x4096xf32, #tpu.memory_space<vmem>> -> memref<8x4096xf32, #tpu.memory_space<vmem>>
          %gather3A_351 = tpu.vector_load_idx %gather3A_350[%broadcast_in_dim3A_49, %add3A_325] : memref<8x4096xf32, #tpu.memory_space<vmem>>[vector<16xi32>, vector<16xi32>], vector<16xf32>,
          %add3A_352 = arith.constant 1 : i32
          %add3A_353 = vector.broadcast %add3A_352 : i32 to vector<16xi32>
          %add3A_354 = arith.addi %add3A_339, %add3A_353 : vector<16xi32>
          tpu.vector_store_idx %arg7[%add3A_354], %gather3A_351 : memref<16384xf32, #tpu.memory_space<vmem>>[vector<16xi32>], vector<16xf32>,
          %gather3A_355 = arith.constant 0 : i32
          %gather3A_356 = arith.constant 0 : i32
          %gather3A_357 = tpu.memref_slice %arg5[%while3A, %gather3A_355, %gather3A_356] : memref<2x8x4096xf32, #tpu.memory_space<vmem>> -> memref<1x8x4096xf32, #tpu.memory_space<vmem>>
          %gather3A_358 = tpu.memref_squeeze %gather3A_357 : memref<1x8x4096xf32, #tpu.memory_space<vmem>> -> memref<8x4096xf32, #tpu.memory_space<vmem>>
          %gather3A_359 = tpu.vector_load_idx %gather3A_358[%broadcast_in_dim3A_51, %add3A_325] : memref<8x4096xf32, #tpu.memory_space<vmem>>[vector<16xi32>, vector<16xi32>], vector<16xf32>,
          %add3A_360 = arith.constant 2 : i32
          %add3A_361 = vector.broadcast %add3A_360 : i32 to vector<16xi32>
          %add3A_362 = arith.addi %add3A_339, %add3A_361 : vector<16xi32>
          tpu.vector_store_idx %arg7[%add3A_362], %gather3A_359 : memref<16384xf32, #tpu.memory_space<vmem>>[vector<16xi32>], vector<16xf32>,
          %gather3A_363 = arith.constant 0 : i32
          %gather3A_364 = arith.constant 0 : i32
          %gather3A_365 = tpu.memref_slice %arg5[%while3A, %gather3A_363, %gather3A_364] : memref<2x8x4096xf32, #tpu.memory_space<vmem>> -> memref<1x8x4096xf32, #tpu.memory_space<vmem>>
          %gather3A_366 = tpu.memref_squeeze %gather3A_365 : memref<1x8x4096xf32, #tpu.memory_space<vmem>> -> memref<8x4096xf32, #tpu.memory_space<vmem>>
          %gather3A_367 = tpu.vector_load_idx %gather3A_366[%broadcast_in_dim3A_53, %add3A_325] : memref<8x4096xf32, #tpu.memory_space<vmem>>[vector<16xi32>, vector<16xi32>], vector<16xf32>,
          %add3A_368 = arith.constant 3 : i32
          %add3A_369 = vector.broadcast %add3A_368 : i32 to vector<16xi32>
          %add3A_370 = arith.addi %add3A_339, %add3A_369 : vector<16xi32>
          tpu.vector_store_idx %arg7[%add3A_370], %gather3A_367 : memref<16384xf32, #tpu.memory_space<vmem>>[vector<16xi32>], vector<16xf32>,
          %gather3A_371 = arith.constant 0 : i32
          %gather3A_372 = arith.constant 0 : i32
          %gather3A_373 = tpu.memref_slice %arg5[%while3A, %gather3A_371, %gather3A_372] : memref<2x8x4096xf32, #tpu.memory_space<vmem>> -> memref<1x8x4096xf32, #tpu.memory_space<vmem>>
          %gather3A_374 = tpu.memref_squeeze %gather3A_373 : memref<1x8x4096xf32, #tpu.memory_space<vmem>> -> memref<8x4096xf32, #tpu.memory_space<vmem>>
          %gather3A_375 = tpu.vector_load_idx %gather3A_374[%broadcast_in_dim3A_55, %add3A_325] : memref<8x4096xf32, #tpu.memory_space<vmem>>[vector<16xi32>, vector<16xi32>], vector<16xf32>,
          %add3A_376 = arith.constant 4 : i32
          %add3A_377 = vector.broadcast %add3A_376 : i32 to vector<16xi32>
          %add3A_378 = arith.addi %add3A_339, %add3A_377 : vector<16xi32>
          tpu.vector_store_idx %arg7[%add3A_378], %gather3A_375 : memref<16384xf32, #tpu.memory_space<vmem>>[vector<16xi32>], vector<16xf32>,
          %gather3A_379 = arith.constant 0 : i32
          %gather3A_380 = arith.constant 0 : i32
          %gather3A_381 = tpu.memref_slice %arg5[%while3A, %gather3A_379, %gather3A_380] : memref<2x8x4096xf32, #tpu.memory_space<vmem>> -> memref<1x8x4096xf32, #tpu.memory_space<vmem>>
          %gather3A_382 = tpu.memref_squeeze %gather3A_381 : memref<1x8x4096xf32, #tpu.memory_space<vmem>> -> memref<8x4096xf32, #tpu.memory_space<vmem>>
          %gather3A_383 = tpu.vector_load_idx %gather3A_382[%broadcast_in_dim3A_57, %add3A_325] : memref<8x4096xf32, #tpu.memory_space<vmem>>[vector<16xi32>, vector<16xi32>], vector<16xf32>,
          %add3A_384 = arith.constant 5 : i32
          %add3A_385 = vector.broadcast %add3A_384 : i32 to vector<16xi32>
          %add3A_386 = arith.addi %add3A_339, %add3A_385 : vector<16xi32>
          tpu.vector_store_idx %arg7[%add3A_386], %gather3A_383 : memref<16384xf32, #tpu.memory_space<vmem>>[vector<16xi32>], vector<16xf32>,
          %gather3A_387 = arith.constant 0 : i32
          %gather3A_388 = arith.constant 0 : i32
          %gather3A_389 = tpu.memref_slice %arg5[%while3A, %gather3A_387, %gather3A_388] : memref<2x8x4096xf32, #tpu.memory_space<vmem>> -> memref<1x8x4096xf32, #tpu.memory_space<vmem>>
          %gather3A_390 = tpu.memref_squeeze %gather3A_389 : memref<1x8x4096xf32, #tpu.memory_space<vmem>> -> memref<8x4096xf32, #tpu.memory_space<vmem>>
          %gather3A_391 = tpu.vector_load_idx %gather3A_390[%broadcast_in_dim3A_59, %add3A_325] : memref<8x4096xf32, #tpu.memory_space<vmem>>[vector<16xi32>, vector<16xi32>], vector<16xf32>,
          %add3A_392 = arith.constant 6 : i32
          %add3A_393 = vector.broadcast %add3A_392 : i32 to vector<16xi32>
          %add3A_394 = arith.addi %add3A_339, %add3A_393 : vector<16xi32>
          tpu.vector_store_idx %arg7[%add3A_394], %gather3A_391 : memref<16384xf32, #tpu.memory_space<vmem>>[vector<16xi32>], vector<16xf32>,
          %gather3A_395 = arith.constant 0 : i32
          %gather3A_396 = arith.constant 0 : i32
          %gather3A_397 = tpu.memref_slice %arg5[%while3A, %gather3A_395, %gather3A_396] : memref<2x8x4096xf32, #tpu.memory_space<vmem>> -> memref<1x8x4096xf32, #tpu.memory_space<vmem>>
          %gather3A_398 = tpu.memref_squeeze %gather3A_397 : memref<1x8x4096xf32, #tpu.memory_space<vmem>> -> memref<8x4096xf32, #tpu.memory_space<vmem>>
          %gather3A_399 = tpu.vector_load_idx %gather3A_398[%broadcast_in_dim3A_61, %add3A_325] : memref<8x4096xf32, #tpu.memory_space<vmem>>[vector<16xi32>, vector<16xi32>], vector<16xf32>,
          %add3A_400 = arith.constant 7 : i32
          %add3A_401 = vector.broadcast %add3A_400 : i32 to vector<16xi32>
          %add3A_402 = arith.addi %add3A_339, %add3A_401 : vector<16xi32>
          tpu.vector_store_idx %arg7[%add3A_402], %gather3A_399 : memref<16384xf32, #tpu.memory_space<vmem>>[vector<16xi32>], vector<16xf32>,
          %gather3A_403 = arith.constant 0 : i32
          %gather3A_404 = arith.constant 0 : i32
          %gather3A_405 = tpu.memref_slice %arg5[%while3A_78, %gather3A_403, %gather3A_404] : memref<2x8x4096xf32, #tpu.memory_space<vmem>> -> memref<1x8x4096xf32, #tpu.memory_space<vmem>>
          %gather3A_406 = tpu.memref_squeeze %gather3A_405 : memref<1x8x4096xf32, #tpu.memory_space<vmem>> -> memref<8x4096xf32, #tpu.memory_space<vmem>>
          %gather3A_407 = tpu.vector_load_idx %gather3A_406[%broadcast_in_dim3A_63, %add3A_325] : memref<8x4096xf32, #tpu.memory_space<vmem>>[vector<16xi32>, vector<16xi32>], vector<16xf32>,
          %add3A_408 = arith.constant 8 : i32
          %add3A_409 = vector.broadcast %add3A_408 : i32 to vector<16xi32>
          %add3A_410 = arith.addi %add3A_339, %add3A_409 : vector<16xi32>
          tpu.vector_store_idx %arg7[%add3A_410], %gather3A_407 : memref<16384xf32, #tpu.memory_space<vmem>>[vector<16xi32>], vector<16xf32>,
          %gather3A_411 = arith.constant 0 : i32
          %gather3A_412 = arith.constant 0 : i32
          %gather3A_413 = tpu.memref_slice %arg5[%while3A_78, %gather3A_411, %gather3A_412] : memref<2x8x4096xf32, #tpu.memory_space<vmem>> -> memref<1x8x4096xf32, #tpu.memory_space<vmem>>
          %gather3A_414 = tpu.memref_squeeze %gather3A_413 : memref<1x8x4096xf32, #tpu.memory_space<vmem>> -> memref<8x4096xf32, #tpu.memory_space<vmem>>
          %gather3A_415 = tpu.vector_load_idx %gather3A_414[%broadcast_in_dim3A_65, %add3A_325] : memref<8x4096xf32, #tpu.memory_space<vmem>>[vector<16xi32>, vector<16xi32>], vector<16xf32>,
          %add3A_416 = arith.constant 9 : i32
          %add3A_417 = vector.broadcast %add3A_416 : i32 to vector<16xi32>
          %add3A_418 = arith.addi %add3A_339, %add3A_417 : vector<16xi32>
          tpu.vector_store_idx %arg7[%add3A_418], %gather3A_415 : memref<16384xf32, #tpu.memory_space<vmem>>[vector<16xi32>], vector<16xf32>,
          %gather3A_419 = arith.constant 0 : i32
          %gather3A_420 = arith.constant 0 : i32
          %gather3A_421 = tpu.memref_slice %arg5[%while3A_78, %gather3A_419, %gather3A_420] : memref<2x8x4096xf32, #tpu.memory_space<vmem>> -> memref<1x8x4096xf32, #tpu.memory_space<vmem>>
          %gather3A_422 = tpu.memref_squeeze %gather3A_421 : memref<1x8x4096xf32, #tpu.memory_space<vmem>> -> memref<8x4096xf32, #tpu.memory_space<vmem>>
          %gather3A_423 = tpu.vector_load_idx %gather3A_422[%broadcast_in_dim3A_67, %add3A_325] : memref<8x4096xf32, #tpu.memory_space<vmem>>[vector<16xi32>, vector<16xi32>], vector<16xf32>,
          %add3A_424 = arith.constant 10 : i32
          %add3A_425 = vector.broadcast %add3A_424 : i32 to vector<16xi32>
          %add3A_426 = arith.addi %add3A_339, %add3A_425 : vector<16xi32>
          tpu.vector_store_idx %arg7[%add3A_426], %gather3A_423 : memref<16384xf32, #tpu.memory_space<vmem>>[vector<16xi32>], vector<16xf32>,
          %gather3A_427 = arith.constant 0 : i32
          %gather3A_428 = arith.constant 0 : i32
          %gather3A_429 = tpu.memref_slice %arg5[%while3A_78, %gather3A_427, %gather3A_428] : memref<2x8x4096xf32, #tpu.memory_space<vmem>> -> memref<1x8x4096xf32, #tpu.memory_space<vmem>>
          %gather3A_430 = tpu.memref_squeeze %gather3A_429 : memref<1x8x4096xf32, #tpu.memory_space<vmem>> -> memref<8x4096xf32, #tpu.memory_space<vmem>>
          %gather3A_431 = tpu.vector_load_idx %gather3A_430[%broadcast_in_dim3A_69, %add3A_325] : memref<8x4096xf32, #tpu.memory_space<vmem>>[vector<16xi32>, vector<16xi32>], vector<16xf32>,
          %add3A_432 = arith.constant 11 : i32
          %add3A_433 = vector.broadcast %add3A_432 : i32 to vector<16xi32>
          %add3A_434 = arith.addi %add3A_339, %add3A_433 : vector<16xi32>
          tpu.vector_store_idx %arg7[%add3A_434], %gather3A_431 : memref<16384xf32, #tpu.memory_space<vmem>>[vector<16xi32>], vector<16xf32>,
          %gather3A_435 = arith.constant 0 : i32
          %gather3A_436 = arith.constant 0 : i32
          %gather3A_437 = tpu.memref_slice %arg5[%while3A_78, %gather3A_435, %gather3A_436] : memref<2x8x4096xf32, #tpu.memory_space<vmem>> -> memref<1x8x4096xf32, #tpu.memory_space<vmem>>
          %gather3A_438 = tpu.memref_squeeze %gather3A_437 : memref<1x8x4096xf32, #tpu.memory_space<vmem>> -> memref<8x4096xf32, #tpu.memory_space<vmem>>
          %gather3A_439 = tpu.vector_load_idx %gather3A_438[%broadcast_in_dim3A_71, %add3A_325] : memref<8x4096xf32, #tpu.memory_space<vmem>>[vector<16xi32>, vector<16xi32>], vector<16xf32>,
          %add3A_440 = arith.constant 12 : i32
          %add3A_441 = vector.broadcast %add3A_440 : i32 to vector<16xi32>
          %add3A_442 = arith.addi %add3A_339, %add3A_441 : vector<16xi32>
          tpu.vector_store_idx %arg7[%add3A_442], %gather3A_439 : memref<16384xf32, #tpu.memory_space<vmem>>[vector<16xi32>], vector<16xf32>,
          %gather3A_443 = arith.constant 0 : i32
          %gather3A_444 = arith.constant 0 : i32
          %gather3A_445 = tpu.memref_slice %arg5[%while3A_78, %gather3A_443, %gather3A_444] : memref<2x8x4096xf32, #tpu.memory_space<vmem>> -> memref<1x8x4096xf32, #tpu.memory_space<vmem>>
          %gather3A_446 = tpu.memref_squeeze %gather3A_445 : memref<1x8x4096xf32, #tpu.memory_space<vmem>> -> memref<8x4096xf32, #tpu.memory_space<vmem>>
          %gather3A_447 = tpu.vector_load_idx %gather3A_446[%broadcast_in_dim3A_73, %add3A_325] : memref<8x4096xf32, #tpu.memory_space<vmem>>[vector<16xi32>, vector<16xi32>], vector<16xf32>,
          %add3A_448 = arith.constant 13 : i32
          %add3A_449 = vector.broadcast %add3A_448 : i32 to vector<16xi32>
          %add3A_450 = arith.addi %add3A_339, %add3A_449 : vector<16xi32>
          tpu.vector_store_idx %arg7[%add3A_450], %gather3A_447 : memref<16384xf32, #tpu.memory_space<vmem>>[vector<16xi32>], vector<16xf32>,
          %gather3A_451 = arith.constant 0 : i32
          %gather3A_452 = arith.constant 0 : i32
          %gather3A_453 = tpu.memref_slice %arg5[%while3A_78, %gather3A_451, %gather3A_452] : memref<2x8x4096xf32, #tpu.memory_space<vmem>> -> memref<1x8x4096xf32, #tpu.memory_space<vmem>>
          %gather3A_454 = tpu.memref_squeeze %gather3A_453 : memref<1x8x4096xf32, #tpu.memory_space<vmem>> -> memref<8x4096xf32, #tpu.memory_space<vmem>>
          %gather3A_455 = tpu.vector_load_idx %gather3A_454[%broadcast_in_dim3A_75, %add3A_325] : memref<8x4096xf32, #tpu.memory_space<vmem>>[vector<16xi32>, vector<16xi32>], vector<16xf32>,
          %add3A_456 = arith.constant 14 : i32
          %add3A_457 = vector.broadcast %add3A_456 : i32 to vector<16xi32>
          %add3A_458 = arith.addi %add3A_339, %add3A_457 : vector<16xi32>
          tpu.vector_store_idx %arg7[%add3A_458], %gather3A_455 : memref<16384xf32, #tpu.memory_space<vmem>>[vector<16xi32>], vector<16xf32>,
          %gather3A_459 = arith.constant 0 : i32
          %gather3A_460 = arith.constant 0 : i32
          %gather3A_461 = tpu.memref_slice %arg5[%while3A_78, %gather3A_459, %gather3A_460] : memref<2x8x4096xf32, #tpu.memory_space<vmem>> -> memref<1x8x4096xf32, #tpu.memory_space<vmem>>
          %gather3A_462 = tpu.memref_squeeze %gather3A_461 : memref<1x8x4096xf32, #tpu.memory_space<vmem>> -> memref<8x4096xf32, #tpu.memory_space<vmem>>
          %gather3A_463 = tpu.vector_load_idx %gather3A_462[%broadcast_in_dim3A_77, %add3A_325] : memref<8x4096xf32, #tpu.memory_space<vmem>>[vector<16xi32>, vector<16xi32>], vector<16xf32>,
          %add3A_464 = arith.constant 15 : i32
          %add3A_465 = vector.broadcast %add3A_464 : i32 to vector<16xi32>
          %add3A_466 = arith.addi %add3A_339, %add3A_465 : vector<16xi32>
          tpu.vector_store_idx %arg7[%add3A_466], %gather3A_463 : memref<16384xf32, #tpu.memory_space<vmem>>[vector<16xi32>], vector<16xf32>,
        }
        %scan3A_228 = arith.constant 64 : i32
        %mul3A_229 = arith.constant 12504 : i32
        %mul3A_230 = arith.muli %select_n3A_126, %mul3A_229 : i32
        %mul3A_231 = arith.constant 8 : i32
        %mul3A_232 = arith.muli %mul3A_230, %mul3A_231 : i32
        %add3A_233 = arith.addi %mul3A_232, %multiple_of3A : i32
        %add3A_234 = arith.constant 0 : i32
        %add3A_235 = arith.addi %add3A_233, %add3A_234 : i32
        %mul3A_236 = arith.constant 16 : i32
        %mul3A_237 = arith.muli %add3A_235, %mul3A_236 : i32
        %multiple_of3A_238 = tpu.assume_multiple %mul3A_237, 1024 : i32
        %dma_start3A_239 = tpu.memref_slice %arg4[%multiple_of3A_238] : memref<41613312xf32, #tpu.memory_space<hbm>> -> memref<16384xf32, #tpu.memory_space<hbm>>
        %dma_start3A_240 = tpu.memref_slice %arg4[%multiple_of3A_238] : memref<41613312xf32, #tpu.memory_space<hbm>> -> memref<16384xf32, #tpu.memory_space<hbm>>
        tpu.enqueue_dma source(%arg7 : memref<16384xf32, #tpu.memory_space<vmem>>) target(%dma_start3A_240 : memref<16384xf32, #tpu.memory_space<hbm>>) target_semaphore(%arg10 : memref<!tpu.dma_semaphore, #tpu.memory_space<semaphore_mem>>)
        %add3A_241 = arith.constant 1 : i32
        %add3A_242 = arith.addi %while3A_101, %add3A_241 : i32
        %ge3A_243 = arith.constant 1 : i32
        %ge3A_244 = arith.cmpi sge, %while3A_102, %ge3A_243 : i32
        %convert_element_type3A_245 = arith.extui %ge3A_244 : i1 to i32
        %cond3A_246 = arith.constant 0 : i32
        %cond3A_247 = arith.cmpi ne, %convert_element_type3A_245, %cond3A_246 : i32
        scf.if %cond3A_247 {
          %dma_wait3A_318 = arith.constant 0 : i32
          %dma_wait3A_319 = tpu.memref_slice %arg4[%dma_wait3A_318] : memref<41613312xf32, #tpu.memory_space<hbm>> -> memref<16384xf32, #tpu.memory_space<hbm>>
          %dma_wait3A_320 = arith.constant 0 : i32
          %dma_wait3A_321 = tpu.memref_slice %arg4[%dma_wait3A_320] : memref<41613312xf32, #tpu.memory_space<hbm>> -> memref<16384xf32, #tpu.memory_space<hbm>>
          tpu.wait_dma2 semaphore(%arg11 : memref<!tpu.dma_semaphore, #tpu.memory_space<semaphore_mem>>) src(%arg8 : memref<16384xf32, #tpu.memory_space<vmem>>) dst(%dma_wait3A_321 : memref<16384xf32, #tpu.memory_space<hbm>>)
        } else {
        }
        %scan3A_248 = arith.constant 0 : i32
        %scan3A_249 = arith.constant 0 : i32
        %scan3A_250 = arith.constant 64 : i32
        %scan3A_251 = arith.addi %scan3A_249, %scan3A_250 : i32
        %scan3A_252 = arith.constant 1 : i32
        scf.for %scan3A_318 = %scan3A_249 to %scan3A_251 step %scan3A_252  : i32 {
          %mul3A_319 = arith.constant 16 : i32
          %mul3A_320 = arith.muli %scan3A_318, %mul3A_319 : i32
          %add3A_321 = vector.broadcast %mul3A_320 : i32 to vector<16xi32>
          %add3A_322 = arith.addi %add3A_321, %iota3A : vector<16xi32>
          %add3A_323 = arith.constant 1024 : i32
          %add3A_324 = vector.broadcast %add3A_323 : i32 to vector<16xi32>
          %add3A_325 = arith.addi %add3A_324, %add3A_322 : vector<16xi32>
          %add3A_326 = arith.constant 0 : i32
          %add3A_327 = vector.broadcast %add3A_326 : i32 to vector<16xi32>
          %add3A_328 = arith.addi %add3A_327, %add3A_322 : vector<16xi32>
          %shift_right_arithmetic3A = arith.constant 3 : i32
          %shift_right_arithmetic3A_329 = vector.broadcast %shift_right_arithmetic3A : i32 to vector<16xi32>
          %shift_right_arithmetic3A_330 = arith.shrsi %add3A_328, %shift_right_arithmetic3A_329 : vector<16xi32>
          %shift_left3A = arith.constant 7 : i32
          %shift_left3A_331 = vector.broadcast %shift_left3A : i32 to vector<16xi32>
          %shift_left3A_332 = arith.shli %shift_right_arithmetic3A_330, %shift_left3A_331 : vector<16xi32>
          %and3A_333 = arith.constant 7 : i32
          %and3A_334 = vector.broadcast %and3A_333 : i32 to vector<16xi32>
          %and3A_335 = arith.andi %add3A_328, %and3A_334 : vector<16xi32>
          %shift_left3A_336 = arith.constant 4 : i32
          %shift_left3A_337 = vector.broadcast %shift_left3A_336 : i32 to vector<16xi32>
          %shift_left3A_338 = arith.shli %and3A_335, %shift_left3A_337 : vector<16xi32>
          %add3A_339 = arith.addi %shift_left3A_332, %shift_left3A_338 : vector<16xi32>
          %gather3A = arith.constant 0 : i32
          %gather3A_340 = arith.constant 0 : i32
          %gather3A_341 = tpu.memref_slice %arg5[%while3A, %gather3A, %gather3A_340] : memref<2x8x4096xf32, #tpu.memory_space<vmem>> -> memref<1x8x4096xf32, #tpu.memory_space<vmem>>
          %gather3A_342 = tpu.memref_squeeze %gather3A_341 : memref<1x8x4096xf32, #tpu.memory_space<vmem>> -> memref<8x4096xf32, #tpu.memory_space<vmem>>
          %gather3A_343 = tpu.vector_load_idx %gather3A_342[%broadcast_in_dim3A_47, %add3A_325] : memref<8x4096xf32, #tpu.memory_space<vmem>>[vector<16xi32>, vector<16xi32>], vector<16xf32>,
          %add3A_344 = arith.constant 0 : i32
          %add3A_345 = vector.broadcast %add3A_344 : i32 to vector<16xi32>
          %add3A_346 = arith.addi %add3A_339, %add3A_345 : vector<16xi32>
          tpu.vector_store_idx %arg8[%add3A_346], %gather3A_343 : memref<16384xf32, #tpu.memory_space<vmem>>[vector<16xi32>], vector<16xf32>,
          %gather3A_347 = arith.constant 0 : i32
          %gather3A_348 = arith.constant 0 : i32
          %gather3A_349 = tpu.memref_slice %arg5[%while3A, %gather3A_347, %gather3A_348] : memref<2x8x4096xf32, #tpu.memory_space<vmem>> -> memref<1x8x4096xf32, #tpu.memory_space<vmem>>
          %gather3A_350 = tpu.memref_squeeze %gather3A_349 : memref<1x8x4096xf32, #tpu.memory_space<vmem>> -> memref<8x4096xf32, #tpu.memory_space<vmem>>
          %gather3A_351 = tpu.vector_load_idx %gather3A_350[%broadcast_in_dim3A_49, %add3A_325] : memref<8x4096xf32, #tpu.memory_space<vmem>>[vector<16xi32>, vector<16xi32>], vector<16xf32>,
          %add3A_352 = arith.constant 1 : i32
          %add3A_353 = vector.broadcast %add3A_352 : i32 to vector<16xi32>
          %add3A_354 = arith.addi %add3A_339, %add3A_353 : vector<16xi32>
          tpu.vector_store_idx %arg8[%add3A_354], %gather3A_351 : memref<16384xf32, #tpu.memory_space<vmem>>[vector<16xi32>], vector<16xf32>,
          %gather3A_355 = arith.constant 0 : i32
          %gather3A_356 = arith.constant 0 : i32
          %gather3A_357 = tpu.memref_slice %arg5[%while3A, %gather3A_355, %gather3A_356] : memref<2x8x4096xf32, #tpu.memory_space<vmem>> -> memref<1x8x4096xf32, #tpu.memory_space<vmem>>
          %gather3A_358 = tpu.memref_squeeze %gather3A_357 : memref<1x8x4096xf32, #tpu.memory_space<vmem>> -> memref<8x4096xf32, #tpu.memory_space<vmem>>
          %gather3A_359 = tpu.vector_load_idx %gather3A_358[%broadcast_in_dim3A_51, %add3A_325] : memref<8x4096xf32, #tpu.memory_space<vmem>>[vector<16xi32>, vector<16xi32>], vector<16xf32>,
          %add3A_360 = arith.constant 2 : i32
          %add3A_361 = vector.broadcast %add3A_360 : i32 to vector<16xi32>
          %add3A_362 = arith.addi %add3A_339, %add3A_361 : vector<16xi32>
          tpu.vector_store_idx %arg8[%add3A_362], %gather3A_359 : memref<16384xf32, #tpu.memory_space<vmem>>[vector<16xi32>], vector<16xf32>,
          %gather3A_363 = arith.constant 0 : i32
          %gather3A_364 = arith.constant 0 : i32
          %gather3A_365 = tpu.memref_slice %arg5[%while3A, %gather3A_363, %gather3A_364] : memref<2x8x4096xf32, #tpu.memory_space<vmem>> -> memref<1x8x4096xf32, #tpu.memory_space<vmem>>
          %gather3A_366 = tpu.memref_squeeze %gather3A_365 : memref<1x8x4096xf32, #tpu.memory_space<vmem>> -> memref<8x4096xf32, #tpu.memory_space<vmem>>
          %gather3A_367 = tpu.vector_load_idx %gather3A_366[%broadcast_in_dim3A_53, %add3A_325] : memref<8x4096xf32, #tpu.memory_space<vmem>>[vector<16xi32>, vector<16xi32>], vector<16xf32>,
          %add3A_368 = arith.constant 3 : i32
          %add3A_369 = vector.broadcast %add3A_368 : i32 to vector<16xi32>
          %add3A_370 = arith.addi %add3A_339, %add3A_369 : vector<16xi32>
          tpu.vector_store_idx %arg8[%add3A_370], %gather3A_367 : memref<16384xf32, #tpu.memory_space<vmem>>[vector<16xi32>], vector<16xf32>,
          %gather3A_371 = arith.constant 0 : i32
          %gather3A_372 = arith.constant 0 : i32
          %gather3A_373 = tpu.memref_slice %arg5[%while3A, %gather3A_371, %gather3A_372] : memref<2x8x4096xf32, #tpu.memory_space<vmem>> -> memref<1x8x4096xf32, #tpu.memory_space<vmem>>
          %gather3A_374 = tpu.memref_squeeze %gather3A_373 : memref<1x8x4096xf32, #tpu.memory_space<vmem>> -> memref<8x4096xf32, #tpu.memory_space<vmem>>
          %gather3A_375 = tpu.vector_load_idx %gather3A_374[%broadcast_in_dim3A_55, %add3A_325] : memref<8x4096xf32, #tpu.memory_space<vmem>>[vector<16xi32>, vector<16xi32>], vector<16xf32>,
          %add3A_376 = arith.constant 4 : i32
          %add3A_377 = vector.broadcast %add3A_376 : i32 to vector<16xi32>
          %add3A_378 = arith.addi %add3A_339, %add3A_377 : vector<16xi32>
          tpu.vector_store_idx %arg8[%add3A_378], %gather3A_375 : memref<16384xf32, #tpu.memory_space<vmem>>[vector<16xi32>], vector<16xf32>,
          %gather3A_379 = arith.constant 0 : i32
          %gather3A_380 = arith.constant 0 : i32
          %gather3A_381 = tpu.memref_slice %arg5[%while3A, %gather3A_379, %gather3A_380] : memref<2x8x4096xf32, #tpu.memory_space<vmem>> -> memref<1x8x4096xf32, #tpu.memory_space<vmem>>
          %gather3A_382 = tpu.memref_squeeze %gather3A_381 : memref<1x8x4096xf32, #tpu.memory_space<vmem>> -> memref<8x4096xf32, #tpu.memory_space<vmem>>
          %gather3A_383 = tpu.vector_load_idx %gather3A_382[%broadcast_in_dim3A_57, %add3A_325] : memref<8x4096xf32, #tpu.memory_space<vmem>>[vector<16xi32>, vector<16xi32>], vector<16xf32>,
          %add3A_384 = arith.constant 5 : i32
          %add3A_385 = vector.broadcast %add3A_384 : i32 to vector<16xi32>
          %add3A_386 = arith.addi %add3A_339, %add3A_385 : vector<16xi32>
          tpu.vector_store_idx %arg8[%add3A_386], %gather3A_383 : memref<16384xf32, #tpu.memory_space<vmem>>[vector<16xi32>], vector<16xf32>,
          %gather3A_387 = arith.constant 0 : i32
          %gather3A_388 = arith.constant 0 : i32
          %gather3A_389 = tpu.memref_slice %arg5[%while3A, %gather3A_387, %gather3A_388] : memref<2x8x4096xf32, #tpu.memory_space<vmem>> -> memref<1x8x4096xf32, #tpu.memory_space<vmem>>
          %gather3A_390 = tpu.memref_squeeze %gather3A_389 : memref<1x8x4096xf32, #tpu.memory_space<vmem>> -> memref<8x4096xf32, #tpu.memory_space<vmem>>
          %gather3A_391 = tpu.vector_load_idx %gather3A_390[%broadcast_in_dim3A_59, %add3A_325] : memref<8x4096xf32, #tpu.memory_space<vmem>>[vector<16xi32>, vector<16xi32>], vector<16xf32>,
          %add3A_392 = arith.constant 6 : i32
          %add3A_393 = vector.broadcast %add3A_392 : i32 to vector<16xi32>
          %add3A_394 = arith.addi %add3A_339, %add3A_393 : vector<16xi32>
          tpu.vector_store_idx %arg8[%add3A_394], %gather3A_391 : memref<16384xf32, #tpu.memory_space<vmem>>[vector<16xi32>], vector<16xf32>,
          %gather3A_395 = arith.constant 0 : i32
          %gather3A_396 = arith.constant 0 : i32
          %gather3A_397 = tpu.memref_slice %arg5[%while3A, %gather3A_395, %gather3A_396] : memref<2x8x4096xf32, #tpu.memory_space<vmem>> -> memref<1x8x4096xf32, #tpu.memory_space<vmem>>
          %gather3A_398 = tpu.memref_squeeze %gather3A_397 : memref<1x8x4096xf32, #tpu.memory_space<vmem>> -> memref<8x4096xf32, #tpu.memory_space<vmem>>
          %gather3A_399 = tpu.vector_load_idx %gather3A_398[%broadcast_in_dim3A_61, %add3A_325] : memref<8x4096xf32, #tpu.memory_space<vmem>>[vector<16xi32>, vector<16xi32>], vector<16xf32>,
          %add3A_400 = arith.constant 7 : i32
          %add3A_401 = vector.broadcast %add3A_400 : i32 to vector<16xi32>
          %add3A_402 = arith.addi %add3A_339, %add3A_401 : vector<16xi32>
          tpu.vector_store_idx %arg8[%add3A_402], %gather3A_399 : memref<16384xf32, #tpu.memory_space<vmem>>[vector<16xi32>], vector<16xf32>,
          %gather3A_403 = arith.constant 0 : i32
          %gather3A_404 = arith.constant 0 : i32
          %gather3A_405 = tpu.memref_slice %arg5[%while3A_78, %gather3A_403, %gather3A_404] : memref<2x8x4096xf32, #tpu.memory_space<vmem>> -> memref<1x8x4096xf32, #tpu.memory_space<vmem>>
          %gather3A_406 = tpu.memref_squeeze %gather3A_405 : memref<1x8x4096xf32, #tpu.memory_space<vmem>> -> memref<8x4096xf32, #tpu.memory_space<vmem>>
          %gather3A_407 = tpu.vector_load_idx %gather3A_406[%broadcast_in_dim3A_63, %add3A_325] : memref<8x4096xf32, #tpu.memory_space<vmem>>[vector<16xi32>, vector<16xi32>], vector<16xf32>,
          %add3A_408 = arith.constant 8 : i32
          %add3A_409 = vector.broadcast %add3A_408 : i32 to vector<16xi32>
          %add3A_410 = arith.addi %add3A_339, %add3A_409 : vector<16xi32>
          tpu.vector_store_idx %arg8[%add3A_410], %gather3A_407 : memref<16384xf32, #tpu.memory_space<vmem>>[vector<16xi32>], vector<16xf32>,
          %gather3A_411 = arith.constant 0 : i32
          %gather3A_412 = arith.constant 0 : i32
          %gather3A_413 = tpu.memref_slice %arg5[%while3A_78, %gather3A_411, %gather3A_412] : memref<2x8x4096xf32, #tpu.memory_space<vmem>> -> memref<1x8x4096xf32, #tpu.memory_space<vmem>>
          %gather3A_414 = tpu.memref_squeeze %gather3A_413 : memref<1x8x4096xf32, #tpu.memory_space<vmem>> -> memref<8x4096xf32, #tpu.memory_space<vmem>>
          %gather3A_415 = tpu.vector_load_idx %gather3A_414[%broadcast_in_dim3A_65, %add3A_325] : memref<8x4096xf32, #tpu.memory_space<vmem>>[vector<16xi32>, vector<16xi32>], vector<16xf32>,
          %add3A_416 = arith.constant 9 : i32
          %add3A_417 = vector.broadcast %add3A_416 : i32 to vector<16xi32>
          %add3A_418 = arith.addi %add3A_339, %add3A_417 : vector<16xi32>
          tpu.vector_store_idx %arg8[%add3A_418], %gather3A_415 : memref<16384xf32, #tpu.memory_space<vmem>>[vector<16xi32>], vector<16xf32>,
          %gather3A_419 = arith.constant 0 : i32
          %gather3A_420 = arith.constant 0 : i32
          %gather3A_421 = tpu.memref_slice %arg5[%while3A_78, %gather3A_419, %gather3A_420] : memref<2x8x4096xf32, #tpu.memory_space<vmem>> -> memref<1x8x4096xf32, #tpu.memory_space<vmem>>
          %gather3A_422 = tpu.memref_squeeze %gather3A_421 : memref<1x8x4096xf32, #tpu.memory_space<vmem>> -> memref<8x4096xf32, #tpu.memory_space<vmem>>
          %gather3A_423 = tpu.vector_load_idx %gather3A_422[%broadcast_in_dim3A_67, %add3A_325] : memref<8x4096xf32, #tpu.memory_space<vmem>>[vector<16xi32>, vector<16xi32>], vector<16xf32>,
          %add3A_424 = arith.constant 10 : i32
          %add3A_425 = vector.broadcast %add3A_424 : i32 to vector<16xi32>
          %add3A_426 = arith.addi %add3A_339, %add3A_425 : vector<16xi32>
          tpu.vector_store_idx %arg8[%add3A_426], %gather3A_423 : memref<16384xf32, #tpu.memory_space<vmem>>[vector<16xi32>], vector<16xf32>,
          %gather3A_427 = arith.constant 0 : i32
          %gather3A_428 = arith.constant 0 : i32
          %gather3A_429 = tpu.memref_slice %arg5[%while3A_78, %gather3A_427, %gather3A_428] : memref<2x8x4096xf32, #tpu.memory_space<vmem>> -> memref<1x8x4096xf32, #tpu.memory_space<vmem>>
          %gather3A_430 = tpu.memref_squeeze %gather3A_429 : memref<1x8x4096xf32, #tpu.memory_space<vmem>> -> memref<8x4096xf32, #tpu.memory_space<vmem>>
          %gather3A_431 = tpu.vector_load_idx %gather3A_430[%broadcast_in_dim3A_69, %add3A_325] : memref<8x4096xf32, #tpu.memory_space<vmem>>[vector<16xi32>, vector<16xi32>], vector<16xf32>,
          %add3A_432 = arith.constant 11 : i32
          %add3A_433 = vector.broadcast %add3A_432 : i32 to vector<16xi32>
          %add3A_434 = arith.addi %add3A_339, %add3A_433 : vector<16xi32>
          tpu.vector_store_idx %arg8[%add3A_434], %gather3A_431 : memref<16384xf32, #tpu.memory_space<vmem>>[vector<16xi32>], vector<16xf32>,
          %gather3A_435 = arith.constant 0 : i32
          %gather3A_436 = arith.constant 0 : i32
          %gather3A_437 = tpu.memref_slice %arg5[%while3A_78, %gather3A_435, %gather3A_436] : memref<2x8x4096xf32, #tpu.memory_space<vmem>> -> memref<1x8x4096xf32, #tpu.memory_space<vmem>>
          %gather3A_438 = tpu.memref_squeeze %gather3A_437 : memref<1x8x4096xf32, #tpu.memory_space<vmem>> -> memref<8x4096xf32, #tpu.memory_space<vmem>>
          %gather3A_439 = tpu.vector_load_idx %gather3A_438[%broadcast_in_dim3A_71, %add3A_325] : memref<8x4096xf32, #tpu.memory_space<vmem>>[vector<16xi32>, vector<16xi32>], vector<16xf32>,
          %add3A_440 = arith.constant 12 : i32
          %add3A_441 = vector.broadcast %add3A_440 : i32 to vector<16xi32>
          %add3A_442 = arith.addi %add3A_339, %add3A_441 : vector<16xi32>
          tpu.vector_store_idx %arg8[%add3A_442], %gather3A_439 : memref<16384xf32, #tpu.memory_space<vmem>>[vector<16xi32>], vector<16xf32>,
          %gather3A_443 = arith.constant 0 : i32
          %gather3A_444 = arith.constant 0 : i32
          %gather3A_445 = tpu.memref_slice %arg5[%while3A_78, %gather3A_443, %gather3A_444] : memref<2x8x4096xf32, #tpu.memory_space<vmem>> -> memref<1x8x4096xf32, #tpu.memory_space<vmem>>
          %gather3A_446 = tpu.memref_squeeze %gather3A_445 : memref<1x8x4096xf32, #tpu.memory_space<vmem>> -> memref<8x4096xf32, #tpu.memory_space<vmem>>
          %gather3A_447 = tpu.vector_load_idx %gather3A_446[%broadcast_in_dim3A_73, %add3A_325] : memref<8x4096xf32, #tpu.memory_space<vmem>>[vector<16xi32>, vector<16xi32>], vector<16xf32>,
          %add3A_448 = arith.constant 13 : i32
          %add3A_449 = vector.broadcast %add3A_448 : i32 to vector<16xi32>
          %add3A_450 = arith.addi %add3A_339, %add3A_449 : vector<16xi32>
          tpu.vector_store_idx %arg8[%add3A_450], %gather3A_447 : memref<16384xf32, #tpu.memory_space<vmem>>[vector<16xi32>], vector<16xf32>,
          %gather3A_451 = arith.constant 0 : i32
          %gather3A_452 = arith.constant 0 : i32
          %gather3A_453 = tpu.memref_slice %arg5[%while3A_78, %gather3A_451, %gather3A_452] : memref<2x8x4096xf32, #tpu.memory_space<vmem>> -> memref<1x8x4096xf32, #tpu.memory_space<vmem>>
          %gather3A_454 = tpu.memref_squeeze %gather3A_453 : memref<1x8x4096xf32, #tpu.memory_space<vmem>> -> memref<8x4096xf32, #tpu.memory_space<vmem>>
          %gather3A_455 = tpu.vector_load_idx %gather3A_454[%broadcast_in_dim3A_75, %add3A_325] : memref<8x4096xf32, #tpu.memory_space<vmem>>[vector<16xi32>, vector<16xi32>], vector<16xf32>,
          %add3A_456 = arith.constant 14 : i32
          %add3A_457 = vector.broadcast %add3A_456 : i32 to vector<16xi32>
          %add3A_458 = arith.addi %add3A_339, %add3A_457 : vector<16xi32>
          tpu.vector_store_idx %arg8[%add3A_458], %gather3A_455 : memref<16384xf32, #tpu.memory_space<vmem>>[vector<16xi32>], vector<16xf32>,
          %gather3A_459 = arith.constant 0 : i32
          %gather3A_460 = arith.constant 0 : i32
          %gather3A_461 = tpu.memref_slice %arg5[%while3A_78, %gather3A_459, %gather3A_460] : memref<2x8x4096xf32, #tpu.memory_space<vmem>> -> memref<1x8x4096xf32, #tpu.memory_space<vmem>>
          %gather3A_462 = tpu.memref_squeeze %gather3A_461 : memref<1x8x4096xf32, #tpu.memory_space<vmem>> -> memref<8x4096xf32, #tpu.memory_space<vmem>>
          %gather3A_463 = tpu.vector_load_idx %gather3A_462[%broadcast_in_dim3A_77, %add3A_325] : memref<8x4096xf32, #tpu.memory_space<vmem>>[vector<16xi32>, vector<16xi32>], vector<16xf32>,
          %add3A_464 = arith.constant 15 : i32
          %add3A_465 = vector.broadcast %add3A_464 : i32 to vector<16xi32>
          %add3A_466 = arith.addi %add3A_339, %add3A_465 : vector<16xi32>
          tpu.vector_store_idx %arg8[%add3A_466], %gather3A_463 : memref<16384xf32, #tpu.memory_space<vmem>>[vector<16xi32>], vector<16xf32>,
        }
        %scan3A_253 = arith.constant 64 : i32
        %mul3A_254 = arith.constant 12504 : i32
        %mul3A_255 = arith.muli %select_n3A_126, %mul3A_254 : i32
        %mul3A_256 = arith.constant 8 : i32
        %mul3A_257 = arith.muli %mul3A_255, %mul3A_256 : i32
        %add3A_258 = arith.addi %mul3A_257, %multiple_of3A : i32
        %add3A_259 = arith.constant 1024 : i32
        %add3A_260 = arith.addi %add3A_258, %add3A_259 : i32
        %mul3A_261 = arith.constant 16 : i32
        %mul3A_262 = arith.muli %add3A_260, %mul3A_261 : i32
        %multiple_of3A_263 = tpu.assume_multiple %mul3A_262, 1024 : i32
        %dma_start3A_264 = tpu.memref_slice %arg4[%multiple_of3A_263] : memref<41613312xf32, #tpu.memory_space<hbm>> -> memref<16384xf32, #tpu.memory_space<hbm>>
        %dma_start3A_265 = tpu.memref_slice %arg4[%multiple_of3A_263] : memref<41613312xf32, #tpu.memory_space<hbm>> -> memref<16384xf32, #tpu.memory_space<hbm>>
        tpu.enqueue_dma source(%arg8 : memref<16384xf32, #tpu.memory_space<vmem>>) target(%dma_start3A_265 : memref<16384xf32, #tpu.memory_space<hbm>>) target_semaphore(%arg11 : memref<!tpu.dma_semaphore, #tpu.memory_space<semaphore_mem>>)
        %add3A_266 = arith.constant 1 : i32
        %add3A_267 = arith.addi %while3A_102, %add3A_266 : i32
        %ge3A_268 = arith.constant 1 : i32
        %ge3A_269 = arith.cmpi sge, %add3A_242, %ge3A_268 : i32
        %convert_element_type3A_270 = arith.extui %ge3A_269 : i1 to i32
        %cond3A_271 = arith.constant 0 : i32
        %cond3A_272 = arith.cmpi ne, %convert_element_type3A_270, %cond3A_271 : i32
        scf.if %cond3A_272 {
          %dma_wait3A_318 = arith.constant 0 : i32
          %dma_wait3A_319 = tpu.memref_slice %arg4[%dma_wait3A_318] : memref<41613312xf32, #tpu.memory_space<hbm>> -> memref<16384xf32, #tpu.memory_space<hbm>>
          %dma_wait3A_320 = arith.constant 0 : i32
          %dma_wait3A_321 = tpu.memref_slice %arg4[%dma_wait3A_320] : memref<41613312xf32, #tpu.memory_space<hbm>> -> memref<16384xf32, #tpu.memory_space<hbm>>
          tpu.wait_dma2 semaphore(%arg10 : memref<!tpu.dma_semaphore, #tpu.memory_space<semaphore_mem>>) src(%arg7 : memref<16384xf32, #tpu.memory_space<vmem>>) dst(%dma_wait3A_321 : memref<16384xf32, #tpu.memory_space<hbm>>)
        } else {
        }
        %scan3A_273 = arith.constant 0 : i32
        %scan3A_274 = arith.constant 0 : i32
        %scan3A_275 = arith.constant 64 : i32
        %scan3A_276 = arith.addi %scan3A_274, %scan3A_275 : i32
        %scan3A_277 = arith.constant 1 : i32
        scf.for %scan3A_318 = %scan3A_274 to %scan3A_276 step %scan3A_277  : i32 {
          %mul3A_319 = arith.constant 16 : i32
          %mul3A_320 = arith.muli %scan3A_318, %mul3A_319 : i32
          %add3A_321 = vector.broadcast %mul3A_320 : i32 to vector<16xi32>
          %add3A_322 = arith.addi %add3A_321, %iota3A : vector<16xi32>
          %add3A_323 = arith.constant 2048 : i32
          %add3A_324 = vector.broadcast %add3A_323 : i32 to vector<16xi32>
          %add3A_325 = arith.addi %add3A_324, %add3A_322 : vector<16xi32>
          %add3A_326 = arith.constant 0 : i32
          %add3A_327 = vector.broadcast %add3A_326 : i32 to vector<16xi32>
          %add3A_328 = arith.addi %add3A_327, %add3A_322 : vector<16xi32>
          %shift_right_arithmetic3A = arith.constant 3 : i32
          %shift_right_arithmetic3A_329 = vector.broadcast %shift_right_arithmetic3A : i32 to vector<16xi32>
          %shift_right_arithmetic3A_330 = arith.shrsi %add3A_328, %shift_right_arithmetic3A_329 : vector<16xi32>
          %shift_left3A = arith.constant 7 : i32
          %shift_left3A_331 = vector.broadcast %shift_left3A : i32 to vector<16xi32>
          %shift_left3A_332 = arith.shli %shift_right_arithmetic3A_330, %shift_left3A_331 : vector<16xi32>
          %and3A_333 = arith.constant 7 : i32
          %and3A_334 = vector.broadcast %and3A_333 : i32 to vector<16xi32>
          %and3A_335 = arith.andi %add3A_328, %and3A_334 : vector<16xi32>
          %shift_left3A_336 = arith.constant 4 : i32
          %shift_left3A_337 = vector.broadcast %shift_left3A_336 : i32 to vector<16xi32>
          %shift_left3A_338 = arith.shli %and3A_335, %shift_left3A_337 : vector<16xi32>
          %add3A_339 = arith.addi %shift_left3A_332, %shift_left3A_338 : vector<16xi32>
          %gather3A = arith.constant 0 : i32
          %gather3A_340 = arith.constant 0 : i32
          %gather3A_341 = tpu.memref_slice %arg5[%while3A, %gather3A, %gather3A_340] : memref<2x8x4096xf32, #tpu.memory_space<vmem>> -> memref<1x8x4096xf32, #tpu.memory_space<vmem>>
          %gather3A_342 = tpu.memref_squeeze %gather3A_341 : memref<1x8x4096xf32, #tpu.memory_space<vmem>> -> memref<8x4096xf32, #tpu.memory_space<vmem>>
          %gather3A_343 = tpu.vector_load_idx %gather3A_342[%broadcast_in_dim3A_47, %add3A_325] : memref<8x4096xf32, #tpu.memory_space<vmem>>[vector<16xi32>, vector<16xi32>], vector<16xf32>,
          %add3A_344 = arith.constant 0 : i32
          %add3A_345 = vector.broadcast %add3A_344 : i32 to vector<16xi32>
          %add3A_346 = arith.addi %add3A_339, %add3A_345 : vector<16xi32>
          tpu.vector_store_idx %arg7[%add3A_346], %gather3A_343 : memref<16384xf32, #tpu.memory_space<vmem>>[vector<16xi32>], vector<16xf32>,
          %gather3A_347 = arith.constant 0 : i32
          %gather3A_348 = arith.constant 0 : i32
          %gather3A_349 = tpu.memref_slice %arg5[%while3A, %gather3A_347, %gather3A_348] : memref<2x8x4096xf32, #tpu.memory_space<vmem>> -> memref<1x8x4096xf32, #tpu.memory_space<vmem>>
          %gather3A_350 = tpu.memref_squeeze %gather3A_349 : memref<1x8x4096xf32, #tpu.memory_space<vmem>> -> memref<8x4096xf32, #tpu.memory_space<vmem>>
          %gather3A_351 = tpu.vector_load_idx %gather3A_350[%broadcast_in_dim3A_49, %add3A_325] : memref<8x4096xf32, #tpu.memory_space<vmem>>[vector<16xi32>, vector<16xi32>], vector<16xf32>,
          %add3A_352 = arith.constant 1 : i32
          %add3A_353 = vector.broadcast %add3A_352 : i32 to vector<16xi32>
          %add3A_354 = arith.addi %add3A_339, %add3A_353 : vector<16xi32>
          tpu.vector_store_idx %arg7[%add3A_354], %gather3A_351 : memref<16384xf32, #tpu.memory_space<vmem>>[vector<16xi32>], vector<16xf32>,
          %gather3A_355 = arith.constant 0 : i32
          %gather3A_356 = arith.constant 0 : i32
          %gather3A_357 = tpu.memref_slice %arg5[%while3A, %gather3A_355, %gather3A_356] : memref<2x8x4096xf32, #tpu.memory_space<vmem>> -> memref<1x8x4096xf32, #tpu.memory_space<vmem>>
          %gather3A_358 = tpu.memref_squeeze %gather3A_357 : memref<1x8x4096xf32, #tpu.memory_space<vmem>> -> memref<8x4096xf32, #tpu.memory_space<vmem>>
          %gather3A_359 = tpu.vector_load_idx %gather3A_358[%broadcast_in_dim3A_51, %add3A_325] : memref<8x4096xf32, #tpu.memory_space<vmem>>[vector<16xi32>, vector<16xi32>], vector<16xf32>,
          %add3A_360 = arith.constant 2 : i32
          %add3A_361 = vector.broadcast %add3A_360 : i32 to vector<16xi32>
          %add3A_362 = arith.addi %add3A_339, %add3A_361 : vector<16xi32>
          tpu.vector_store_idx %arg7[%add3A_362], %gather3A_359 : memref<16384xf32, #tpu.memory_space<vmem>>[vector<16xi32>], vector<16xf32>,
          %gather3A_363 = arith.constant 0 : i32
          %gather3A_364 = arith.constant 0 : i32
          %gather3A_365 = tpu.memref_slice %arg5[%while3A, %gather3A_363, %gather3A_364] : memref<2x8x4096xf32, #tpu.memory_space<vmem>> -> memref<1x8x4096xf32, #tpu.memory_space<vmem>>
          %gather3A_366 = tpu.memref_squeeze %gather3A_365 : memref<1x8x4096xf32, #tpu.memory_space<vmem>> -> memref<8x4096xf32, #tpu.memory_space<vmem>>
          %gather3A_367 = tpu.vector_load_idx %gather3A_366[%broadcast_in_dim3A_53, %add3A_325] : memref<8x4096xf32, #tpu.memory_space<vmem>>[vector<16xi32>, vector<16xi32>], vector<16xf32>,
          %add3A_368 = arith.constant 3 : i32
          %add3A_369 = vector.broadcast %add3A_368 : i32 to vector<16xi32>
          %add3A_370 = arith.addi %add3A_339, %add3A_369 : vector<16xi32>
          tpu.vector_store_idx %arg7[%add3A_370], %gather3A_367 : memref<16384xf32, #tpu.memory_space<vmem>>[vector<16xi32>], vector<16xf32>,
          %gather3A_371 = arith.constant 0 : i32
          %gather3A_372 = arith.constant 0 : i32
          %gather3A_373 = tpu.memref_slice %arg5[%while3A, %gather3A_371, %gather3A_372] : memref<2x8x4096xf32, #tpu.memory_space<vmem>> -> memref<1x8x4096xf32, #tpu.memory_space<vmem>>
          %gather3A_374 = tpu.memref_squeeze %gather3A_373 : memref<1x8x4096xf32, #tpu.memory_space<vmem>> -> memref<8x4096xf32, #tpu.memory_space<vmem>>
          %gather3A_375 = tpu.vector_load_idx %gather3A_374[%broadcast_in_dim3A_55, %add3A_325] : memref<8x4096xf32, #tpu.memory_space<vmem>>[vector<16xi32>, vector<16xi32>], vector<16xf32>,
          %add3A_376 = arith.constant 4 : i32
          %add3A_377 = vector.broadcast %add3A_376 : i32 to vector<16xi32>
          %add3A_378 = arith.addi %add3A_339, %add3A_377 : vector<16xi32>
          tpu.vector_store_idx %arg7[%add3A_378], %gather3A_375 : memref<16384xf32, #tpu.memory_space<vmem>>[vector<16xi32>], vector<16xf32>,
          %gather3A_379 = arith.constant 0 : i32
          %gather3A_380 = arith.constant 0 : i32
          %gather3A_381 = tpu.memref_slice %arg5[%while3A, %gather3A_379, %gather3A_380] : memref<2x8x4096xf32, #tpu.memory_space<vmem>> -> memref<1x8x4096xf32, #tpu.memory_space<vmem>>
          %gather3A_382 = tpu.memref_squeeze %gather3A_381 : memref<1x8x4096xf32, #tpu.memory_space<vmem>> -> memref<8x4096xf32, #tpu.memory_space<vmem>>
          %gather3A_383 = tpu.vector_load_idx %gather3A_382[%broadcast_in_dim3A_57, %add3A_325] : memref<8x4096xf32, #tpu.memory_space<vmem>>[vector<16xi32>, vector<16xi32>], vector<16xf32>,
          %add3A_384 = arith.constant 5 : i32
          %add3A_385 = vector.broadcast %add3A_384 : i32 to vector<16xi32>
          %add3A_386 = arith.addi %add3A_339, %add3A_385 : vector<16xi32>
          tpu.vector_store_idx %arg7[%add3A_386], %gather3A_383 : memref<16384xf32, #tpu.memory_space<vmem>>[vector<16xi32>], vector<16xf32>,
          %gather3A_387 = arith.constant 0 : i32
          %gather3A_388 = arith.constant 0 : i32
          %gather3A_389 = tpu.memref_slice %arg5[%while3A, %gather3A_387, %gather3A_388] : memref<2x8x4096xf32, #tpu.memory_space<vmem>> -> memref<1x8x4096xf32, #tpu.memory_space<vmem>>
          %gather3A_390 = tpu.memref_squeeze %gather3A_389 : memref<1x8x4096xf32, #tpu.memory_space<vmem>> -> memref<8x4096xf32, #tpu.memory_space<vmem>>
          %gather3A_391 = tpu.vector_load_idx %gather3A_390[%broadcast_in_dim3A_59, %add3A_325] : memref<8x4096xf32, #tpu.memory_space<vmem>>[vector<16xi32>, vector<16xi32>], vector<16xf32>,
          %add3A_392 = arith.constant 6 : i32
          %add3A_393 = vector.broadcast %add3A_392 : i32 to vector<16xi32>
          %add3A_394 = arith.addi %add3A_339, %add3A_393 : vector<16xi32>
          tpu.vector_store_idx %arg7[%add3A_394], %gather3A_391 : memref<16384xf32, #tpu.memory_space<vmem>>[vector<16xi32>], vector<16xf32>,
          %gather3A_395 = arith.constant 0 : i32
          %gather3A_396 = arith.constant 0 : i32
          %gather3A_397 = tpu.memref_slice %arg5[%while3A, %gather3A_395, %gather3A_396] : memref<2x8x4096xf32, #tpu.memory_space<vmem>> -> memref<1x8x4096xf32, #tpu.memory_space<vmem>>
          %gather3A_398 = tpu.memref_squeeze %gather3A_397 : memref<1x8x4096xf32, #tpu.memory_space<vmem>> -> memref<8x4096xf32, #tpu.memory_space<vmem>>
          %gather3A_399 = tpu.vector_load_idx %gather3A_398[%broadcast_in_dim3A_61, %add3A_325] : memref<8x4096xf32, #tpu.memory_space<vmem>>[vector<16xi32>, vector<16xi32>], vector<16xf32>,
          %add3A_400 = arith.constant 7 : i32
          %add3A_401 = vector.broadcast %add3A_400 : i32 to vector<16xi32>
          %add3A_402 = arith.addi %add3A_339, %add3A_401 : vector<16xi32>
          tpu.vector_store_idx %arg7[%add3A_402], %gather3A_399 : memref<16384xf32, #tpu.memory_space<vmem>>[vector<16xi32>], vector<16xf32>,
          %gather3A_403 = arith.constant 0 : i32
          %gather3A_404 = arith.constant 0 : i32
          %gather3A_405 = tpu.memref_slice %arg5[%while3A_78, %gather3A_403, %gather3A_404] : memref<2x8x4096xf32, #tpu.memory_space<vmem>> -> memref<1x8x4096xf32, #tpu.memory_space<vmem>>
          %gather3A_406 = tpu.memref_squeeze %gather3A_405 : memref<1x8x4096xf32, #tpu.memory_space<vmem>> -> memref<8x4096xf32, #tpu.memory_space<vmem>>
          %gather3A_407 = tpu.vector_load_idx %gather3A_406[%broadcast_in_dim3A_63, %add3A_325] : memref<8x4096xf32, #tpu.memory_space<vmem>>[vector<16xi32>, vector<16xi32>], vector<16xf32>,
          %add3A_408 = arith.constant 8 : i32
          %add3A_409 = vector.broadcast %add3A_408 : i32 to vector<16xi32>
          %add3A_410 = arith.addi %add3A_339, %add3A_409 : vector<16xi32>
          tpu.vector_store_idx %arg7[%add3A_410], %gather3A_407 : memref<16384xf32, #tpu.memory_space<vmem>>[vector<16xi32>], vector<16xf32>,
          %gather3A_411 = arith.constant 0 : i32
          %gather3A_412 = arith.constant 0 : i32
          %gather3A_413 = tpu.memref_slice %arg5[%while3A_78, %gather3A_411, %gather3A_412] : memref<2x8x4096xf32, #tpu.memory_space<vmem>> -> memref<1x8x4096xf32, #tpu.memory_space<vmem>>
          %gather3A_414 = tpu.memref_squeeze %gather3A_413 : memref<1x8x4096xf32, #tpu.memory_space<vmem>> -> memref<8x4096xf32, #tpu.memory_space<vmem>>
          %gather3A_415 = tpu.vector_load_idx %gather3A_414[%broadcast_in_dim3A_65, %add3A_325] : memref<8x4096xf32, #tpu.memory_space<vmem>>[vector<16xi32>, vector<16xi32>], vector<16xf32>,
          %add3A_416 = arith.constant 9 : i32
          %add3A_417 = vector.broadcast %add3A_416 : i32 to vector<16xi32>
          %add3A_418 = arith.addi %add3A_339, %add3A_417 : vector<16xi32>
          tpu.vector_store_idx %arg7[%add3A_418], %gather3A_415 : memref<16384xf32, #tpu.memory_space<vmem>>[vector<16xi32>], vector<16xf32>,
          %gather3A_419 = arith.constant 0 : i32
          %gather3A_420 = arith.constant 0 : i32
          %gather3A_421 = tpu.memref_slice %arg5[%while3A_78, %gather3A_419, %gather3A_420] : memref<2x8x4096xf32, #tpu.memory_space<vmem>> -> memref<1x8x4096xf32, #tpu.memory_space<vmem>>
          %gather3A_422 = tpu.memref_squeeze %gather3A_421 : memref<1x8x4096xf32, #tpu.memory_space<vmem>> -> memref<8x4096xf32, #tpu.memory_space<vmem>>
          %gather3A_423 = tpu.vector_load_idx %gather3A_422[%broadcast_in_dim3A_67, %add3A_325] : memref<8x4096xf32, #tpu.memory_space<vmem>>[vector<16xi32>, vector<16xi32>], vector<16xf32>,
          %add3A_424 = arith.constant 10 : i32
          %add3A_425 = vector.broadcast %add3A_424 : i32 to vector<16xi32>
          %add3A_426 = arith.addi %add3A_339, %add3A_425 : vector<16xi32>
          tpu.vector_store_idx %arg7[%add3A_426], %gather3A_423 : memref<16384xf32, #tpu.memory_space<vmem>>[vector<16xi32>], vector<16xf32>,
          %gather3A_427 = arith.constant 0 : i32
          %gather3A_428 = arith.constant 0 : i32
          %gather3A_429 = tpu.memref_slice %arg5[%while3A_78, %gather3A_427, %gather3A_428] : memref<2x8x4096xf32, #tpu.memory_space<vmem>> -> memref<1x8x4096xf32, #tpu.memory_space<vmem>>
          %gather3A_430 = tpu.memref_squeeze %gather3A_429 : memref<1x8x4096xf32, #tpu.memory_space<vmem>> -> memref<8x4096xf32, #tpu.memory_space<vmem>>
          %gather3A_431 = tpu.vector_load_idx %gather3A_430[%broadcast_in_dim3A_69, %add3A_325] : memref<8x4096xf32, #tpu.memory_space<vmem>>[vector<16xi32>, vector<16xi32>], vector<16xf32>,
          %add3A_432 = arith.constant 11 : i32
          %add3A_433 = vector.broadcast %add3A_432 : i32 to vector<16xi32>
          %add3A_434 = arith.addi %add3A_339, %add3A_433 : vector<16xi32>
          tpu.vector_store_idx %arg7[%add3A_434], %gather3A_431 : memref<16384xf32, #tpu.memory_space<vmem>>[vector<16xi32>], vector<16xf32>,
          %gather3A_435 = arith.constant 0 : i32
          %gather3A_436 = arith.constant 0 : i32
          %gather3A_437 = tpu.memref_slice %arg5[%while3A_78, %gather3A_435, %gather3A_436] : memref<2x8x4096xf32, #tpu.memory_space<vmem>> -> memref<1x8x4096xf32, #tpu.memory_space<vmem>>
          %gather3A_438 = tpu.memref_squeeze %gather3A_437 : memref<1x8x4096xf32, #tpu.memory_space<vmem>> -> memref<8x4096xf32, #tpu.memory_space<vmem>>
          %gather3A_439 = tpu.vector_load_idx %gather3A_438[%broadcast_in_dim3A_71, %add3A_325] : memref<8x4096xf32, #tpu.memory_space<vmem>>[vector<16xi32>, vector<16xi32>], vector<16xf32>,
          %add3A_440 = arith.constant 12 : i32
          %add3A_441 = vector.broadcast %add3A_440 : i32 to vector<16xi32>
          %add3A_442 = arith.addi %add3A_339, %add3A_441 : vector<16xi32>
          tpu.vector_store_idx %arg7[%add3A_442], %gather3A_439 : memref<16384xf32, #tpu.memory_space<vmem>>[vector<16xi32>], vector<16xf32>,
          %gather3A_443 = arith.constant 0 : i32
          %gather3A_444 = arith.constant 0 : i32
          %gather3A_445 = tpu.memref_slice %arg5[%while3A_78, %gather3A_443, %gather3A_444] : memref<2x8x4096xf32, #tpu.memory_space<vmem>> -> memref<1x8x4096xf32, #tpu.memory_space<vmem>>
          %gather3A_446 = tpu.memref_squeeze %gather3A_445 : memref<1x8x4096xf32, #tpu.memory_space<vmem>> -> memref<8x4096xf32, #tpu.memory_space<vmem>>
          %gather3A_447 = tpu.vector_load_idx %gather3A_446[%broadcast_in_dim3A_73, %add3A_325] : memref<8x4096xf32, #tpu.memory_space<vmem>>[vector<16xi32>, vector<16xi32>], vector<16xf32>,
          %add3A_448 = arith.constant 13 : i32
          %add3A_449 = vector.broadcast %add3A_448 : i32 to vector<16xi32>
          %add3A_450 = arith.addi %add3A_339, %add3A_449 : vector<16xi32>
          tpu.vector_store_idx %arg7[%add3A_450], %gather3A_447 : memref<16384xf32, #tpu.memory_space<vmem>>[vector<16xi32>], vector<16xf32>,
          %gather3A_451 = arith.constant 0 : i32
          %gather3A_452 = arith.constant 0 : i32
          %gather3A_453 = tpu.memref_slice %arg5[%while3A_78, %gather3A_451, %gather3A_452] : memref<2x8x4096xf32, #tpu.memory_space<vmem>> -> memref<1x8x4096xf32, #tpu.memory_space<vmem>>
          %gather3A_454 = tpu.memref_squeeze %gather3A_453 : memref<1x8x4096xf32, #tpu.memory_space<vmem>> -> memref<8x4096xf32, #tpu.memory_space<vmem>>
          %gather3A_455 = tpu.vector_load_idx %gather3A_454[%broadcast_in_dim3A_75, %add3A_325] : memref<8x4096xf32, #tpu.memory_space<vmem>>[vector<16xi32>, vector<16xi32>], vector<16xf32>,
          %add3A_456 = arith.constant 14 : i32
          %add3A_457 = vector.broadcast %add3A_456 : i32 to vector<16xi32>
          %add3A_458 = arith.addi %add3A_339, %add3A_457 : vector<16xi32>
          tpu.vector_store_idx %arg7[%add3A_458], %gather3A_455 : memref<16384xf32, #tpu.memory_space<vmem>>[vector<16xi32>], vector<16xf32>,
          %gather3A_459 = arith.constant 0 : i32
          %gather3A_460 = arith.constant 0 : i32
          %gather3A_461 = tpu.memref_slice %arg5[%while3A_78, %gather3A_459, %gather3A_460] : memref<2x8x4096xf32, #tpu.memory_space<vmem>> -> memref<1x8x4096xf32, #tpu.memory_space<vmem>>
          %gather3A_462 = tpu.memref_squeeze %gather3A_461 : memref<1x8x4096xf32, #tpu.memory_space<vmem>> -> memref<8x4096xf32, #tpu.memory_space<vmem>>
          %gather3A_463 = tpu.vector_load_idx %gather3A_462[%broadcast_in_dim3A_77, %add3A_325] : memref<8x4096xf32, #tpu.memory_space<vmem>>[vector<16xi32>, vector<16xi32>], vector<16xf32>,
          %add3A_464 = arith.constant 15 : i32
          %add3A_465 = vector.broadcast %add3A_464 : i32 to vector<16xi32>
          %add3A_466 = arith.addi %add3A_339, %add3A_465 : vector<16xi32>
          tpu.vector_store_idx %arg7[%add3A_466], %gather3A_463 : memref<16384xf32, #tpu.memory_space<vmem>>[vector<16xi32>], vector<16xf32>,
        }
        %scan3A_278 = arith.constant 64 : i32
        %mul3A_279 = arith.constant 12504 : i32
        %mul3A_280 = arith.muli %select_n3A_126, %mul3A_279 : i32
        %mul3A_281 = arith.constant 8 : i32
        %mul3A_282 = arith.muli %mul3A_280, %mul3A_281 : i32
        %add3A_283 = arith.addi %mul3A_282, %multiple_of3A : i32
        %add3A_284 = arith.constant 2048 : i32
        %add3A_285 = arith.addi %add3A_283, %add3A_284 : i32
        %mul3A_286 = arith.constant 16 : i32
        %mul3A_287 = arith.muli %add3A_285, %mul3A_286 : i32
        %multiple_of3A_288 = tpu.assume_multiple %mul3A_287, 1024 : i32
        %dma_start3A_289 = tpu.memref_slice %arg4[%multiple_of3A_288] : memref<41613312xf32, #tpu.memory_space<hbm>> -> memref<16384xf32, #tpu.memory_space<hbm>>
        %dma_start3A_290 = tpu.memref_slice %arg4[%multiple_of3A_288] : memref<41613312xf32, #tpu.memory_space<hbm>> -> memref<16384xf32, #tpu.memory_space<hbm>>
        tpu.enqueue_dma source(%arg7 : memref<16384xf32, #tpu.memory_space<vmem>>) target(%dma_start3A_290 : memref<16384xf32, #tpu.memory_space<hbm>>) target_semaphore(%arg10 : memref<!tpu.dma_semaphore, #tpu.memory_space<semaphore_mem>>)
        %add3A_291 = arith.constant 1 : i32
        %add3A_292 = arith.addi %add3A_242, %add3A_291 : i32
        %ge3A_293 = arith.constant 1 : i32
        %ge3A_294 = arith.cmpi sge, %add3A_267, %ge3A_293 : i32
        %convert_element_type3A_295 = arith.extui %ge3A_294 : i1 to i32
        %cond3A_296 = arith.constant 0 : i32
        %cond3A_297 = arith.cmpi ne, %convert_element_type3A_295, %cond3A_296 : i32
        scf.if %cond3A_297 {
          %dma_wait3A_318 = arith.constant 0 : i32
          %dma_wait3A_319 = tpu.memref_slice %arg4[%dma_wait3A_318] : memref<41613312xf32, #tpu.memory_space<hbm>> -> memref<16384xf32, #tpu.memory_space<hbm>>
          %dma_wait3A_320 = arith.constant 0 : i32
          %dma_wait3A_321 = tpu.memref_slice %arg4[%dma_wait3A_320] : memref<41613312xf32, #tpu.memory_space<hbm>> -> memref<16384xf32, #tpu.memory_space<hbm>>
          tpu.wait_dma2 semaphore(%arg11 : memref<!tpu.dma_semaphore, #tpu.memory_space<semaphore_mem>>) src(%arg8 : memref<16384xf32, #tpu.memory_space<vmem>>) dst(%dma_wait3A_321 : memref<16384xf32, #tpu.memory_space<hbm>>)
        } else {
        }
        %scan3A_298 = arith.constant 0 : i32
        %scan3A_299 = arith.constant 0 : i32
        %scan3A_300 = arith.constant 64 : i32
        %scan3A_301 = arith.addi %scan3A_299, %scan3A_300 : i32
        %scan3A_302 = arith.constant 1 : i32
        scf.for %scan3A_318 = %scan3A_299 to %scan3A_301 step %scan3A_302  : i32 {
          %mul3A_319 = arith.constant 16 : i32
          %mul3A_320 = arith.muli %scan3A_318, %mul3A_319 : i32
          %add3A_321 = vector.broadcast %mul3A_320 : i32 to vector<16xi32>
          %add3A_322 = arith.addi %add3A_321, %iota3A : vector<16xi32>
          %add3A_323 = arith.constant 3072 : i32
          %add3A_324 = vector.broadcast %add3A_323 : i32 to vector<16xi32>
          %add3A_325 = arith.addi %add3A_324, %add3A_322 : vector<16xi32>
          %add3A_326 = arith.constant 0 : i32
          %add3A_327 = vector.broadcast %add3A_326 : i32 to vector<16xi32>
          %add3A_328 = arith.addi %add3A_327, %add3A_322 : vector<16xi32>
          %shift_right_arithmetic3A = arith.constant 3 : i32
          %shift_right_arithmetic3A_329 = vector.broadcast %shift_right_arithmetic3A : i32 to vector<16xi32>
          %shift_right_arithmetic3A_330 = arith.shrsi %add3A_328, %shift_right_arithmetic3A_329 : vector<16xi32>
          %shift_left3A = arith.constant 7 : i32
          %shift_left3A_331 = vector.broadcast %shift_left3A : i32 to vector<16xi32>
          %shift_left3A_332 = arith.shli %shift_right_arithmetic3A_330, %shift_left3A_331 : vector<16xi32>
          %and3A_333 = arith.constant 7 : i32
          %and3A_334 = vector.broadcast %and3A_333 : i32 to vector<16xi32>
          %and3A_335 = arith.andi %add3A_328, %and3A_334 : vector<16xi32>
          %shift_left3A_336 = arith.constant 4 : i32
          %shift_left3A_337 = vector.broadcast %shift_left3A_336 : i32 to vector<16xi32>
          %shift_left3A_338 = arith.shli %and3A_335, %shift_left3A_337 : vector<16xi32>
          %add3A_339 = arith.addi %shift_left3A_332, %shift_left3A_338 : vector<16xi32>
          %gather3A = arith.constant 0 : i32
          %gather3A_340 = arith.constant 0 : i32
          %gather3A_341 = tpu.memref_slice %arg5[%while3A, %gather3A, %gather3A_340] : memref<2x8x4096xf32, #tpu.memory_space<vmem>> -> memref<1x8x4096xf32, #tpu.memory_space<vmem>>
          %gather3A_342 = tpu.memref_squeeze %gather3A_341 : memref<1x8x4096xf32, #tpu.memory_space<vmem>> -> memref<8x4096xf32, #tpu.memory_space<vmem>>
          %gather3A_343 = tpu.vector_load_idx %gather3A_342[%broadcast_in_dim3A_47, %add3A_325] : memref<8x4096xf32, #tpu.memory_space<vmem>>[vector<16xi32>, vector<16xi32>], vector<16xf32>,
          %add3A_344 = arith.constant 0 : i32
          %add3A_345 = vector.broadcast %add3A_344 : i32 to vector<16xi32>
          %add3A_346 = arith.addi %add3A_339, %add3A_345 : vector<16xi32>
          tpu.vector_store_idx %arg8[%add3A_346], %gather3A_343 : memref<16384xf32, #tpu.memory_space<vmem>>[vector<16xi32>], vector<16xf32>,
          %gather3A_347 = arith.constant 0 : i32
          %gather3A_348 = arith.constant 0 : i32
          %gather3A_349 = tpu.memref_slice %arg5[%while3A, %gather3A_347, %gather3A_348] : memref<2x8x4096xf32, #tpu.memory_space<vmem>> -> memref<1x8x4096xf32, #tpu.memory_space<vmem>>
          %gather3A_350 = tpu.memref_squeeze %gather3A_349 : memref<1x8x4096xf32, #tpu.memory_space<vmem>> -> memref<8x4096xf32, #tpu.memory_space<vmem>>
          %gather3A_351 = tpu.vector_load_idx %gather3A_350[%broadcast_in_dim3A_49, %add3A_325] : memref<8x4096xf32, #tpu.memory_space<vmem>>[vector<16xi32>, vector<16xi32>], vector<16xf32>,
          %add3A_352 = arith.constant 1 : i32
          %add3A_353 = vector.broadcast %add3A_352 : i32 to vector<16xi32>
          %add3A_354 = arith.addi %add3A_339, %add3A_353 : vector<16xi32>
          tpu.vector_store_idx %arg8[%add3A_354], %gather3A_351 : memref<16384xf32, #tpu.memory_space<vmem>>[vector<16xi32>], vector<16xf32>,
          %gather3A_355 = arith.constant 0 : i32
          %gather3A_356 = arith.constant 0 : i32
          %gather3A_357 = tpu.memref_slice %arg5[%while3A, %gather3A_355, %gather3A_356] : memref<2x8x4096xf32, #tpu.memory_space<vmem>> -> memref<1x8x4096xf32, #tpu.memory_space<vmem>>
          %gather3A_358 = tpu.memref_squeeze %gather3A_357 : memref<1x8x4096xf32, #tpu.memory_space<vmem>> -> memref<8x4096xf32, #tpu.memory_space<vmem>>
          %gather3A_359 = tpu.vector_load_idx %gather3A_358[%broadcast_in_dim3A_51, %add3A_325] : memref<8x4096xf32, #tpu.memory_space<vmem>>[vector<16xi32>, vector<16xi32>], vector<16xf32>,
          %add3A_360 = arith.constant 2 : i32
          %add3A_361 = vector.broadcast %add3A_360 : i32 to vector<16xi32>
          %add3A_362 = arith.addi %add3A_339, %add3A_361 : vector<16xi32>
          tpu.vector_store_idx %arg8[%add3A_362], %gather3A_359 : memref<16384xf32, #tpu.memory_space<vmem>>[vector<16xi32>], vector<16xf32>,
          %gather3A_363 = arith.constant 0 : i32
          %gather3A_364 = arith.constant 0 : i32
          %gather3A_365 = tpu.memref_slice %arg5[%while3A, %gather3A_363, %gather3A_364] : memref<2x8x4096xf32, #tpu.memory_space<vmem>> -> memref<1x8x4096xf32, #tpu.memory_space<vmem>>
          %gather3A_366 = tpu.memref_squeeze %gather3A_365 : memref<1x8x4096xf32, #tpu.memory_space<vmem>> -> memref<8x4096xf32, #tpu.memory_space<vmem>>
          %gather3A_367 = tpu.vector_load_idx %gather3A_366[%broadcast_in_dim3A_53, %add3A_325] : memref<8x4096xf32, #tpu.memory_space<vmem>>[vector<16xi32>, vector<16xi32>], vector<16xf32>,
          %add3A_368 = arith.constant 3 : i32
          %add3A_369 = vector.broadcast %add3A_368 : i32 to vector<16xi32>
          %add3A_370 = arith.addi %add3A_339, %add3A_369 : vector<16xi32>
          tpu.vector_store_idx %arg8[%add3A_370], %gather3A_367 : memref<16384xf32, #tpu.memory_space<vmem>>[vector<16xi32>], vector<16xf32>,
          %gather3A_371 = arith.constant 0 : i32
          %gather3A_372 = arith.constant 0 : i32
          %gather3A_373 = tpu.memref_slice %arg5[%while3A, %gather3A_371, %gather3A_372] : memref<2x8x4096xf32, #tpu.memory_space<vmem>> -> memref<1x8x4096xf32, #tpu.memory_space<vmem>>
          %gather3A_374 = tpu.memref_squeeze %gather3A_373 : memref<1x8x4096xf32, #tpu.memory_space<vmem>> -> memref<8x4096xf32, #tpu.memory_space<vmem>>
          %gather3A_375 = tpu.vector_load_idx %gather3A_374[%broadcast_in_dim3A_55, %add3A_325] : memref<8x4096xf32, #tpu.memory_space<vmem>>[vector<16xi32>, vector<16xi32>], vector<16xf32>,
          %add3A_376 = arith.constant 4 : i32
          %add3A_377 = vector.broadcast %add3A_376 : i32 to vector<16xi32>
          %add3A_378 = arith.addi %add3A_339, %add3A_377 : vector<16xi32>
          tpu.vector_store_idx %arg8[%add3A_378], %gather3A_375 : memref<16384xf32, #tpu.memory_space<vmem>>[vector<16xi32>], vector<16xf32>,
          %gather3A_379 = arith.constant 0 : i32
          %gather3A_380 = arith.constant 0 : i32
          %gather3A_381 = tpu.memref_slice %arg5[%while3A, %gather3A_379, %gather3A_380] : memref<2x8x4096xf32, #tpu.memory_space<vmem>> -> memref<1x8x4096xf32, #tpu.memory_space<vmem>>
          %gather3A_382 = tpu.memref_squeeze %gather3A_381 : memref<1x8x4096xf32, #tpu.memory_space<vmem>> -> memref<8x4096xf32, #tpu.memory_space<vmem>>
          %gather3A_383 = tpu.vector_load_idx %gather3A_382[%broadcast_in_dim3A_57, %add3A_325] : memref<8x4096xf32, #tpu.memory_space<vmem>>[vector<16xi32>, vector<16xi32>], vector<16xf32>,
          %add3A_384 = arith.constant 5 : i32
          %add3A_385 = vector.broadcast %add3A_384 : i32 to vector<16xi32>
          %add3A_386 = arith.addi %add3A_339, %add3A_385 : vector<16xi32>
          tpu.vector_store_idx %arg8[%add3A_386], %gather3A_383 : memref<16384xf32, #tpu.memory_space<vmem>>[vector<16xi32>], vector<16xf32>,
          %gather3A_387 = arith.constant 0 : i32
          %gather3A_388 = arith.constant 0 : i32
          %gather3A_389 = tpu.memref_slice %arg5[%while3A, %gather3A_387, %gather3A_388] : memref<2x8x4096xf32, #tpu.memory_space<vmem>> -> memref<1x8x4096xf32, #tpu.memory_space<vmem>>
          %gather3A_390 = tpu.memref_squeeze %gather3A_389 : memref<1x8x4096xf32, #tpu.memory_space<vmem>> -> memref<8x4096xf32, #tpu.memory_space<vmem>>
          %gather3A_391 = tpu.vector_load_idx %gather3A_390[%broadcast_in_dim3A_59, %add3A_325] : memref<8x4096xf32, #tpu.memory_space<vmem>>[vector<16xi32>, vector<16xi32>], vector<16xf32>,
          %add3A_392 = arith.constant 6 : i32
          %add3A_393 = vector.broadcast %add3A_392 : i32 to vector<16xi32>
          %add3A_394 = arith.addi %add3A_339, %add3A_393 : vector<16xi32>
          tpu.vector_store_idx %arg8[%add3A_394], %gather3A_391 : memref<16384xf32, #tpu.memory_space<vmem>>[vector<16xi32>], vector<16xf32>,
          %gather3A_395 = arith.constant 0 : i32
          %gather3A_396 = arith.constant 0 : i32
          %gather3A_397 = tpu.memref_slice %arg5[%while3A, %gather3A_395, %gather3A_396] : memref<2x8x4096xf32, #tpu.memory_space<vmem>> -> memref<1x8x4096xf32, #tpu.memory_space<vmem>>
          %gather3A_398 = tpu.memref_squeeze %gather3A_397 : memref<1x8x4096xf32, #tpu.memory_space<vmem>> -> memref<8x4096xf32, #tpu.memory_space<vmem>>
          %gather3A_399 = tpu.vector_load_idx %gather3A_398[%broadcast_in_dim3A_61, %add3A_325] : memref<8x4096xf32, #tpu.memory_space<vmem>>[vector<16xi32>, vector<16xi32>], vector<16xf32>,
          %add3A_400 = arith.constant 7 : i32
          %add3A_401 = vector.broadcast %add3A_400 : i32 to vector<16xi32>
          %add3A_402 = arith.addi %add3A_339, %add3A_401 : vector<16xi32>
          tpu.vector_store_idx %arg8[%add3A_402], %gather3A_399 : memref<16384xf32, #tpu.memory_space<vmem>>[vector<16xi32>], vector<16xf32>,
          %gather3A_403 = arith.constant 0 : i32
          %gather3A_404 = arith.constant 0 : i32
          %gather3A_405 = tpu.memref_slice %arg5[%while3A_78, %gather3A_403, %gather3A_404] : memref<2x8x4096xf32, #tpu.memory_space<vmem>> -> memref<1x8x4096xf32, #tpu.memory_space<vmem>>
          %gather3A_406 = tpu.memref_squeeze %gather3A_405 : memref<1x8x4096xf32, #tpu.memory_space<vmem>> -> memref<8x4096xf32, #tpu.memory_space<vmem>>
          %gather3A_407 = tpu.vector_load_idx %gather3A_406[%broadcast_in_dim3A_63, %add3A_325] : memref<8x4096xf32, #tpu.memory_space<vmem>>[vector<16xi32>, vector<16xi32>], vector<16xf32>,
          %add3A_408 = arith.constant 8 : i32
          %add3A_409 = vector.broadcast %add3A_408 : i32 to vector<16xi32>
          %add3A_410 = arith.addi %add3A_339, %add3A_409 : vector<16xi32>
          tpu.vector_store_idx %arg8[%add3A_410], %gather3A_407 : memref<16384xf32, #tpu.memory_space<vmem>>[vector<16xi32>], vector<16xf32>,
          %gather3A_411 = arith.constant 0 : i32
          %gather3A_412 = arith.constant 0 : i32
          %gather3A_413 = tpu.memref_slice %arg5[%while3A_78, %gather3A_411, %gather3A_412] : memref<2x8x4096xf32, #tpu.memory_space<vmem>> -> memref<1x8x4096xf32, #tpu.memory_space<vmem>>
          %gather3A_414 = tpu.memref_squeeze %gather3A_413 : memref<1x8x4096xf32, #tpu.memory_space<vmem>> -> memref<8x4096xf32, #tpu.memory_space<vmem>>
          %gather3A_415 = tpu.vector_load_idx %gather3A_414[%broadcast_in_dim3A_65, %add3A_325] : memref<8x4096xf32, #tpu.memory_space<vmem>>[vector<16xi32>, vector<16xi32>], vector<16xf32>,
          %add3A_416 = arith.constant 9 : i32
          %add3A_417 = vector.broadcast %add3A_416 : i32 to vector<16xi32>
          %add3A_418 = arith.addi %add3A_339, %add3A_417 : vector<16xi32>
          tpu.vector_store_idx %arg8[%add3A_418], %gather3A_415 : memref<16384xf32, #tpu.memory_space<vmem>>[vector<16xi32>], vector<16xf32>,
          %gather3A_419 = arith.constant 0 : i32
          %gather3A_420 = arith.constant 0 : i32
          %gather3A_421 = tpu.memref_slice %arg5[%while3A_78, %gather3A_419, %gather3A_420] : memref<2x8x4096xf32, #tpu.memory_space<vmem>> -> memref<1x8x4096xf32, #tpu.memory_space<vmem>>
          %gather3A_422 = tpu.memref_squeeze %gather3A_421 : memref<1x8x4096xf32, #tpu.memory_space<vmem>> -> memref<8x4096xf32, #tpu.memory_space<vmem>>
          %gather3A_423 = tpu.vector_load_idx %gather3A_422[%broadcast_in_dim3A_67, %add3A_325] : memref<8x4096xf32, #tpu.memory_space<vmem>>[vector<16xi32>, vector<16xi32>], vector<16xf32>,
          %add3A_424 = arith.constant 10 : i32
          %add3A_425 = vector.broadcast %add3A_424 : i32 to vector<16xi32>
          %add3A_426 = arith.addi %add3A_339, %add3A_425 : vector<16xi32>
          tpu.vector_store_idx %arg8[%add3A_426], %gather3A_423 : memref<16384xf32, #tpu.memory_space<vmem>>[vector<16xi32>], vector<16xf32>,
          %gather3A_427 = arith.constant 0 : i32
          %gather3A_428 = arith.constant 0 : i32
          %gather3A_429 = tpu.memref_slice %arg5[%while3A_78, %gather3A_427, %gather3A_428] : memref<2x8x4096xf32, #tpu.memory_space<vmem>> -> memref<1x8x4096xf32, #tpu.memory_space<vmem>>
          %gather3A_430 = tpu.memref_squeeze %gather3A_429 : memref<1x8x4096xf32, #tpu.memory_space<vmem>> -> memref<8x4096xf32, #tpu.memory_space<vmem>>
          %gather3A_431 = tpu.vector_load_idx %gather3A_430[%broadcast_in_dim3A_69, %add3A_325] : memref<8x4096xf32, #tpu.memory_space<vmem>>[vector<16xi32>, vector<16xi32>], vector<16xf32>,
          %add3A_432 = arith.constant 11 : i32
          %add3A_433 = vector.broadcast %add3A_432 : i32 to vector<16xi32>
          %add3A_434 = arith.addi %add3A_339, %add3A_433 : vector<16xi32>
          tpu.vector_store_idx %arg8[%add3A_434], %gather3A_431 : memref<16384xf32, #tpu.memory_space<vmem>>[vector<16xi32>], vector<16xf32>,
          %gather3A_435 = arith.constant 0 : i32
          %gather3A_436 = arith.constant 0 : i32
          %gather3A_437 = tpu.memref_slice %arg5[%while3A_78, %gather3A_435, %gather3A_436] : memref<2x8x4096xf32, #tpu.memory_space<vmem>> -> memref<1x8x4096xf32, #tpu.memory_space<vmem>>
          %gather3A_438 = tpu.memref_squeeze %gather3A_437 : memref<1x8x4096xf32, #tpu.memory_space<vmem>> -> memref<8x4096xf32, #tpu.memory_space<vmem>>
          %gather3A_439 = tpu.vector_load_idx %gather3A_438[%broadcast_in_dim3A_71, %add3A_325] : memref<8x4096xf32, #tpu.memory_space<vmem>>[vector<16xi32>, vector<16xi32>], vector<16xf32>,
          %add3A_440 = arith.constant 12 : i32
          %add3A_441 = vector.broadcast %add3A_440 : i32 to vector<16xi32>
          %add3A_442 = arith.addi %add3A_339, %add3A_441 : vector<16xi32>
          tpu.vector_store_idx %arg8[%add3A_442], %gather3A_439 : memref<16384xf32, #tpu.memory_space<vmem>>[vector<16xi32>], vector<16xf32>,
          %gather3A_443 = arith.constant 0 : i32
          %gather3A_444 = arith.constant 0 : i32
          %gather3A_445 = tpu.memref_slice %arg5[%while3A_78, %gather3A_443, %gather3A_444] : memref<2x8x4096xf32, #tpu.memory_space<vmem>> -> memref<1x8x4096xf32, #tpu.memory_space<vmem>>
          %gather3A_446 = tpu.memref_squeeze %gather3A_445 : memref<1x8x4096xf32, #tpu.memory_space<vmem>> -> memref<8x4096xf32, #tpu.memory_space<vmem>>
          %gather3A_447 = tpu.vector_load_idx %gather3A_446[%broadcast_in_dim3A_73, %add3A_325] : memref<8x4096xf32, #tpu.memory_space<vmem>>[vector<16xi32>, vector<16xi32>], vector<16xf32>,
          %add3A_448 = arith.constant 13 : i32
          %add3A_449 = vector.broadcast %add3A_448 : i32 to vector<16xi32>
          %add3A_450 = arith.addi %add3A_339, %add3A_449 : vector<16xi32>
          tpu.vector_store_idx %arg8[%add3A_450], %gather3A_447 : memref<16384xf32, #tpu.memory_space<vmem>>[vector<16xi32>], vector<16xf32>,
          %gather3A_451 = arith.constant 0 : i32
          %gather3A_452 = arith.constant 0 : i32
          %gather3A_453 = tpu.memref_slice %arg5[%while3A_78, %gather3A_451, %gather3A_452] : memref<2x8x4096xf32, #tpu.memory_space<vmem>> -> memref<1x8x4096xf32, #tpu.memory_space<vmem>>
          %gather3A_454 = tpu.memref_squeeze %gather3A_453 : memref<1x8x4096xf32, #tpu.memory_space<vmem>> -> memref<8x4096xf32, #tpu.memory_space<vmem>>
          %gather3A_455 = tpu.vector_load_idx %gather3A_454[%broadcast_in_dim3A_75, %add3A_325] : memref<8x4096xf32, #tpu.memory_space<vmem>>[vector<16xi32>, vector<16xi32>], vector<16xf32>,
          %add3A_456 = arith.constant 14 : i32
          %add3A_457 = vector.broadcast %add3A_456 : i32 to vector<16xi32>
          %add3A_458 = arith.addi %add3A_339, %add3A_457 : vector<16xi32>
          tpu.vector_store_idx %arg8[%add3A_458], %gather3A_455 : memref<16384xf32, #tpu.memory_space<vmem>>[vector<16xi32>], vector<16xf32>,
          %gather3A_459 = arith.constant 0 : i32
          %gather3A_460 = arith.constant 0 : i32
          %gather3A_461 = tpu.memref_slice %arg5[%while3A_78, %gather3A_459, %gather3A_460] : memref<2x8x4096xf32, #tpu.memory_space<vmem>> -> memref<1x8x4096xf32, #tpu.memory_space<vmem>>
          %gather3A_462 = tpu.memref_squeeze %gather3A_461 : memref<1x8x4096xf32, #tpu.memory_space<vmem>> -> memref<8x4096xf32, #tpu.memory_space<vmem>>
          %gather3A_463 = tpu.vector_load_idx %gather3A_462[%broadcast_in_dim3A_77, %add3A_325] : memref<8x4096xf32, #tpu.memory_space<vmem>>[vector<16xi32>, vector<16xi32>], vector<16xf32>,
          %add3A_464 = arith.constant 15 : i32
          %add3A_465 = vector.broadcast %add3A_464 : i32 to vector<16xi32>
          %add3A_466 = arith.addi %add3A_339, %add3A_465 : vector<16xi32>
          tpu.vector_store_idx %arg8[%add3A_466], %gather3A_463 : memref<16384xf32, #tpu.memory_space<vmem>>[vector<16xi32>], vector<16xf32>,
        }
        %scan3A_303 = arith.constant 64 : i32
        %mul3A_304 = arith.constant 12504 : i32
        %mul3A_305 = arith.muli %select_n3A_126, %mul3A_304 : i32
        %mul3A_306 = arith.constant 8 : i32
        %mul3A_307 = arith.muli %mul3A_305, %mul3A_306 : i32
        %add3A_308 = arith.addi %mul3A_307, %multiple_of3A : i32
        %add3A_309 = arith.constant 3072 : i32
        %add3A_310 = arith.addi %add3A_308, %add3A_309 : i32
        %mul3A_311 = arith.constant 16 : i32
        %mul3A_312 = arith.muli %add3A_310, %mul3A_311 : i32
        %multiple_of3A_313 = tpu.assume_multiple %mul3A_312, 1024 : i32
        %dma_start3A_314 = tpu.memref_slice %arg4[%multiple_of3A_313] : memref<41613312xf32, #tpu.memory_space<hbm>> -> memref<16384xf32, #tpu.memory_space<hbm>>
        %dma_start3A_315 = tpu.memref_slice %arg4[%multiple_of3A_313] : memref<41613312xf32, #tpu.memory_space<hbm>> -> memref<16384xf32, #tpu.memory_space<hbm>>
        tpu.enqueue_dma source(%arg8 : memref<16384xf32, #tpu.memory_space<vmem>>) target(%dma_start3A_315 : memref<16384xf32, #tpu.memory_space<hbm>>) target_semaphore(%arg11 : memref<!tpu.dma_semaphore, #tpu.memory_space<semaphore_mem>>)
        %add3A_316 = arith.constant 1 : i32
        %add3A_317 = arith.addi %add3A_267, %add3A_316 : i32
        scf.yield %add3A_292, %add3A_317 : i32, i32
      }
      scf.yield %cond3A_148#0, %cond3A_148#1 : i32, i32
    }
    %while3A_91 = arith.constant 1 : i32
    %while3A_92:2 = scf.for %while3A_100 = %while3A_88 to %while3A_84 step %while3A_91 iter_args(%while3A_101 = %while3A_90#0, %while3A_102 = %while3A_90#1) -> (i32, i32)  : i32 {
      %jit3A_103 = arith.constant 25 : i32
      %div3A_104 = arith.divsi %while3A_100, %jit3A_103 : i32
      %sign3A_105 = arith.constant 0 : i32
      %sign3A_106 = arith.cmpi sgt, %while3A_100, %sign3A_105 : i32
      %sign3A_107 = arith.extui %sign3A_106 : i1 to i32
      %sign3A_108 = arith.constant 0 : i32
      %sign3A_109 = arith.cmpi slt, %while3A_100, %sign3A_108 : i32
      %sign3A_110 = arith.extui %sign3A_109 : i1 to i32
      %sign3A_111 = arith.subi %sign3A_107, %sign3A_110 : i32
      %sign3A_112 = arith.constant 0 : i32
      %sign3A_113 = arith.cmpi sgt, %jit3A_103, %sign3A_112 : i32
      %sign3A_114 = arith.extui %sign3A_113 : i1 to i32
      %sign3A_115 = arith.constant 0 : i32
      %sign3A_116 = arith.cmpi slt, %jit3A_103, %sign3A_115 : i32
      %sign3A_117 = arith.extui %sign3A_116 : i1 to i32
      %sign3A_118 = arith.subi %sign3A_114, %sign3A_117 : i32
      %ne3A_119 = arith.cmpi ne, %sign3A_111, %sign3A_118 : i32
      %rem3A_120 = arith.remsi %while3A_100, %jit3A_103 : i32
      %ne3A_121 = arith.constant 0 : i32
      %ne3A_122 = arith.cmpi ne, %rem3A_120, %ne3A_121 : i32
      %and3A_123 = arith.andi %ne3A_119, %ne3A_122 : i1
      %sub3A_124 = arith.constant 1 : i32
      %sub3A_125 = arith.subi %div3A_104, %sub3A_124 : i32
      %select_n3A_126 = arith.select %and3A_123, %sub3A_125, %div3A_104 : i32
      %jit3A_127 = arith.constant 25 : i32
      %eq3A = arith.constant 0 : i32
      %eq3A_128 = arith.cmpi eq, %jit3A_127, %eq3A : i32
      %jit3A_129 = arith.constant 1 : i32
      %select_n3A_130 = arith.select %eq3A_128, %jit3A_129, %jit3A_127 : i32
      %rem3A_131 = arith.remsi %while3A_100, %select_n3A_130 : i32
      %ne3A_132 = arith.constant 0 : i32
      %ne3A_133 = arith.cmpi ne, %rem3A_131, %ne3A_132 : i32
      %lt3A = arith.constant 0 : i32
      %lt3A_134 = arith.cmpi slt, %rem3A_131, %lt3A : i32
      %lt3A_135 = arith.constant 0 : i32
      %lt3A_136 = arith.cmpi slt, %select_n3A_130, %lt3A_135 : i32
      %ne3A_137 = arith.xori %lt3A_134, %lt3A_136 : i1
      %and3A_138 = arith.andi %ne3A_137, %ne3A_133 : i1
      %add3A_139 = arith.addi %rem3A_131, %select_n3A_130 : i32
      %select_n3A_140 = arith.select %and3A_138, %add3A_139, %rem3A_131 : i32
      %eq3A_141 = arith.constant 24 : i32
      %eq3A_142 = arith.cmpi eq, %select_n3A_140, %eq3A_141 : i32
      %mul3A_143 = arith.constant 4096 : i32
      %mul3A_144 = arith.muli %select_n3A_140, %mul3A_143 : i32
      %convert_element_type3A_145 = arith.extui %eq3A_142 : i1 to i32
      %cond3A_146 = arith.constant 0 : i32
      %cond3A_147 = arith.cmpi ne, %convert_element_type3A_145, %cond3A_146 : i32
      %cond3A_148:2 = scf.if %cond3A_147 -> (i32, i32) {
        %multiple_of3A = arith.constant 98304 : i32
        %multiple_of3A_149 = tpu.assume_multiple %multiple_of3A, 1024 : i32
        %mul3A_150 = arith.constant 2 : i32
        %mul3A_151 = arith.muli %mul3A_150, %select_n3A_126 : i32
        %dma_start3A = arith.constant 0 : i32
        %dma_start3A_152 = arith.constant 0 : i32
        %dma_start3A_153 = arith.constant 0 : i32
        %dma_start3A_154 = tpu.memref_slice %arg5[%dma_start3A, %dma_start3A_152, %dma_start3A_153] : memref<2x8x4096xf32, #tpu.memory_space<vmem>> -> memref<1x8x1664xf32, #tpu.memory_space<vmem>>
        %dma_start3A_155 = tpu.memref_squeeze %dma_start3A_154 : memref<1x8x1664xf32, #tpu.memory_space<vmem>> -> memref<8x1664xf32, #tpu.memory_space<vmem>>
        %dma_start3A_156 = arith.constant 0 : i32
        %dma_start3A_157 = tpu.memref_slice %arg2[%mul3A_151, %dma_start3A_156, %multiple_of3A_149] : memref<52x8x100000xf32, #tpu.memory_space<hbm>> -> memref<1x8x1664xf32, #tpu.memory_space<hbm>>
        %dma_start3A_158 = tpu.memref_squeeze %dma_start3A_157 : memref<1x8x1664xf32, #tpu.memory_space<hbm>> -> memref<8x1664xf32, #tpu.memory_space<hbm>>
        %dma_start3A_159 = arith.constant 0 : i32
        %dma_start3A_160 = arith.constant 0 : i32
        %dma_start3A_161 = tpu.memref_slice %arg5[%dma_start3A, %dma_start3A_159, %dma_start3A_160] : memref<2x8x4096xf32, #tpu.memory_space<vmem>> -> memref<1x8x1664xf32, #tpu.memory_space<vmem>>
        %dma_start3A_162 = tpu.memref_squeeze %dma_start3A_161 : memref<1x8x1664xf32, #tpu.memory_space<vmem>> -> memref<8x1664xf32, #tpu.memory_space<vmem>>
        %dma_start3A_163 = arith.constant 0 : i32
        %dma_start3A_164 = tpu.memref_slice %arg2[%mul3A_151, %dma_start3A_163, %multiple_of3A_149] : memref<52x8x100000xf32, #tpu.memory_space<hbm>> -> memref<1x8x1664xf32, #tpu.memory_space<hbm>>
        %dma_start3A_165 = tpu.memref_squeeze %dma_start3A_164 : memref<1x8x1664xf32, #tpu.memory_space<hbm>> -> memref<8x1664xf32, #tpu.memory_space<hbm>>
        tpu.enqueue_dma source(%dma_start3A_165 : memref<8x1664xf32, #tpu.memory_space<hbm>>) target(%dma_start3A_162 : memref<8x1664xf32, #tpu.memory_space<vmem>>) target_semaphore(%arg9 : memref<!tpu.dma_semaphore, #tpu.memory_space<semaphore_mem>>)
        %mul3A_166 = arith.constant 2 : i32
        %mul3A_167 = arith.muli %mul3A_166, %select_n3A_126 : i32
        %add3A_168 = arith.constant 1 : i32
        %add3A_169 = arith.addi %mul3A_167, %add3A_168 : i32
        %dma_start3A_170 = arith.constant 1 : i32
        %dma_start3A_171 = arith.constant 0 : i32
        %dma_start3A_172 = arith.constant 0 : i32
        %dma_start3A_173 = tpu.memref_slice %arg5[%dma_start3A_170, %dma_start3A_171, %dma_start3A_172] : memref<2x8x4096xf32, #tpu.memory_space<vmem>> -> memref<1x8x1664xf32, #tpu.memory_space<vmem>>
        %dma_start3A_174 = tpu.memref_squeeze %dma_start3A_173 : memref<1x8x1664xf32, #tpu.memory_space<vmem>> -> memref<8x1664xf32, #tpu.memory_space<vmem>>
        %dma_start3A_175 = arith.constant 0 : i32
        %dma_start3A_176 = tpu.memref_slice %arg2[%add3A_169, %dma_start3A_175, %multiple_of3A_149] : memref<52x8x100000xf32, #tpu.memory_space<hbm>> -> memref<1x8x1664xf32, #tpu.memory_space<hbm>>
        %dma_start3A_177 = tpu.memref_squeeze %dma_start3A_176 : memref<1x8x1664xf32, #tpu.memory_space<hbm>> -> memref<8x1664xf32, #tpu.memory_space<hbm>>
        %dma_start3A_178 = arith.constant 0 : i32
        %dma_start3A_179 = arith.constant 0 : i32
        %dma_start3A_180 = tpu.memref_slice %arg5[%dma_start3A_170, %dma_start3A_178, %dma_start3A_179] : memref<2x8x4096xf32, #tpu.memory_space<vmem>> -> memref<1x8x1664xf32, #tpu.memory_space<vmem>>
        %dma_start3A_181 = tpu.memref_squeeze %dma_start3A_180 : memref<1x8x1664xf32, #tpu.memory_space<vmem>> -> memref<8x1664xf32, #tpu.memory_space<vmem>>
        %dma_start3A_182 = arith.constant 0 : i32
        %dma_start3A_183 = tpu.memref_slice %arg2[%add3A_169, %dma_start3A_182, %multiple_of3A_149] : memref<52x8x100000xf32, #tpu.memory_space<hbm>> -> memref<1x8x1664xf32, #tpu.memory_space<hbm>>
        %dma_start3A_184 = tpu.memref_squeeze %dma_start3A_183 : memref<1x8x1664xf32, #tpu.memory_space<hbm>> -> memref<8x1664xf32, #tpu.memory_space<hbm>>
        tpu.enqueue_dma source(%dma_start3A_184 : memref<8x1664xf32, #tpu.memory_space<hbm>>) target(%dma_start3A_181 : memref<8x1664xf32, #tpu.memory_space<vmem>>) target_semaphore(%arg9 : memref<!tpu.dma_semaphore, #tpu.memory_space<semaphore_mem>>)
        %mul3A_185 = arith.constant 2 : i32
        %mul3A_186 = arith.muli %mul3A_185, %select_n3A_126 : i32
        %dma_wait3A = arith.constant 0 : i32
        %dma_wait3A_187 = arith.constant 0 : i32
        %dma_wait3A_188 = arith.constant 0 : i32
        %dma_wait3A_189 = tpu.memref_slice %arg5[%dma_wait3A, %dma_wait3A_187, %dma_wait3A_188] : memref<2x8x4096xf32, #tpu.memory_space<vmem>> -> memref<1x8x1664xf32, #tpu.memory_space<vmem>>
        %dma_wait3A_190 = tpu.memref_squeeze %dma_wait3A_189 : memref<1x8x1664xf32, #tpu.memory_space<vmem>> -> memref<8x1664xf32, #tpu.memory_space<vmem>>
        %dma_wait3A_191 = arith.constant 0 : i32
        %dma_wait3A_192 = tpu.memref_slice %arg2[%mul3A_186, %dma_wait3A_191, %multiple_of3A_149] : memref<52x8x100000xf32, #tpu.memory_space<hbm>> -> memref<1x8x1664xf32, #tpu.memory_space<hbm>>
        %dma_wait3A_193 = tpu.memref_squeeze %dma_wait3A_192 : memref<1x8x1664xf32, #tpu.memory_space<hbm>> -> memref<8x1664xf32, #tpu.memory_space<hbm>>
        %dma_wait3A_194 = arith.constant 0 : i32
        %dma_wait3A_195 = arith.constant 0 : i32
        %dma_wait3A_196 = tpu.memref_slice %arg5[%dma_wait3A, %dma_wait3A_194, %dma_wait3A_195] : memref<2x8x4096xf32, #tpu.memory_space<vmem>> -> memref<1x8x1664xf32, #tpu.memory_space<vmem>>
        %dma_wait3A_197 = tpu.memref_squeeze %dma_wait3A_196 : memref<1x8x1664xf32, #tpu.memory_space<vmem>> -> memref<8x1664xf32, #tpu.memory_space<vmem>>
        %dma_wait3A_198 = arith.constant 0 : i32
        %dma_wait3A_199 = tpu.memref_slice %arg2[%mul3A_186, %dma_wait3A_198, %multiple_of3A_149] : memref<52x8x100000xf32, #tpu.memory_space<hbm>> -> memref<1x8x1664xf32, #tpu.memory_space<hbm>>
        %dma_wait3A_200 = tpu.memref_squeeze %dma_wait3A_199 : memref<1x8x1664xf32, #tpu.memory_space<hbm>> -> memref<8x1664xf32, #tpu.memory_space<hbm>>
        tpu.wait_dma2 semaphore(%arg9 : memref<!tpu.dma_semaphore, #tpu.memory_space<semaphore_mem>>) src(%dma_wait3A_200 : memref<8x1664xf32, #tpu.memory_space<hbm>>) dst(%dma_wait3A_197 : memref<8x1664xf32, #tpu.memory_space<vmem>>)
        %mul3A_201 = arith.constant 2 : i32
        %mul3A_202 = arith.muli %mul3A_201, %select_n3A_126 : i32
        %add3A_203 = arith.constant 1 : i32
        %add3A_204 = arith.addi %mul3A_202, %add3A_203 : i32
        %dma_wait3A_205 = arith.constant 1 : i32
        %dma_wait3A_206 = arith.constant 0 : i32
        %dma_wait3A_207 = arith.constant 0 : i32
        %dma_wait3A_208 = tpu.memref_slice %arg5[%dma_wait3A_205, %dma_wait3A_206, %dma_wait3A_207] : memref<2x8x4096xf32, #tpu.memory_space<vmem>> -> memref<1x8x1664xf32, #tpu.memory_space<vmem>>
        %dma_wait3A_209 = tpu.memref_squeeze %dma_wait3A_208 : memref<1x8x1664xf32, #tpu.memory_space<vmem>> -> memref<8x1664xf32, #tpu.memory_space<vmem>>
        %dma_wait3A_210 = arith.constant 0 : i32
        %dma_wait3A_211 = tpu.memref_slice %arg2[%add3A_204, %dma_wait3A_210, %multiple_of3A_149] : memref<52x8x100000xf32, #tpu.memory_space<hbm>> -> memref<1x8x1664xf32, #tpu.memory_space<hbm>>
        %dma_wait3A_212 = tpu.memref_squeeze %dma_wait3A_211 : memref<1x8x1664xf32, #tpu.memory_space<hbm>> -> memref<8x1664xf32, #tpu.memory_space<hbm>>
        %dma_wait3A_213 = arith.constant 0 : i32
        %dma_wait3A_214 = arith.constant 0 : i32
        %dma_wait3A_215 = tpu.memref_slice %arg5[%dma_wait3A_205, %dma_wait3A_213, %dma_wait3A_214] : memref<2x8x4096xf32, #tpu.memory_space<vmem>> -> memref<1x8x1664xf32, #tpu.memory_space<vmem>>
        %dma_wait3A_216 = tpu.memref_squeeze %dma_wait3A_215 : memref<1x8x1664xf32, #tpu.memory_space<vmem>> -> memref<8x1664xf32, #tpu.memory_space<vmem>>
        %dma_wait3A_217 = arith.constant 0 : i32
        %dma_wait3A_218 = tpu.memref_slice %arg2[%add3A_204, %dma_wait3A_217, %multiple_of3A_149] : memref<52x8x100000xf32, #tpu.memory_space<hbm>> -> memref<1x8x1664xf32, #tpu.memory_space<hbm>>
        %dma_wait3A_219 = tpu.memref_squeeze %dma_wait3A_218 : memref<1x8x1664xf32, #tpu.memory_space<hbm>> -> memref<8x1664xf32, #tpu.memory_space<hbm>>
        tpu.wait_dma2 semaphore(%arg9 : memref<!tpu.dma_semaphore, #tpu.memory_space<semaphore_mem>>) src(%dma_wait3A_219 : memref<8x1664xf32, #tpu.memory_space<hbm>>) dst(%dma_wait3A_216 : memref<8x1664xf32, #tpu.memory_space<vmem>>)
        %ge3A_220 = arith.constant 1 : i32
        %ge3A_221 = arith.cmpi sge, %while3A_101, %ge3A_220 : i32
        %convert_element_type3A_222 = arith.extui %ge3A_221 : i1 to i32
        %cond3A_223 = arith.constant 0 : i32
        %cond3A_224 = arith.cmpi ne, %convert_element_type3A_222, %cond3A_223 : i32
        scf.if %cond3A_224 {
          %dma_wait3A_269 = arith.constant 0 : i32
          %dma_wait3A_270 = tpu.memref_slice %arg4[%dma_wait3A_269] : memref<41613312xf32, #tpu.memory_space<hbm>> -> memref<16384xf32, #tpu.memory_space<hbm>>
          %dma_wait3A_271 = arith.constant 0 : i32
          %dma_wait3A_272 = tpu.memref_slice %arg4[%dma_wait3A_271] : memref<41613312xf32, #tpu.memory_space<hbm>> -> memref<16384xf32, #tpu.memory_space<hbm>>
          tpu.wait_dma2 semaphore(%arg10 : memref<!tpu.dma_semaphore, #tpu.memory_space<semaphore_mem>>) src(%arg7 : memref<16384xf32, #tpu.memory_space<vmem>>) dst(%dma_wait3A_272 : memref<16384xf32, #tpu.memory_space<hbm>>)
        } else {
        }
        %scan3A = arith.constant 0 : i32
        %scan3A_225 = arith.constant 0 : i32
        %scan3A_226 = arith.constant 64 : i32
        %scan3A_227 = arith.addi %scan3A_225, %scan3A_226 : i32
        %scan3A_228 = arith.constant 1 : i32
        scf.for %scan3A_269 = %scan3A_225 to %scan3A_227 step %scan3A_228  : i32 {
          %mul3A_270 = arith.constant 16 : i32
          %mul3A_271 = arith.muli %scan3A_269, %mul3A_270 : i32
          %add3A_272 = vector.broadcast %mul3A_271 : i32 to vector<16xi32>
          %add3A_273 = arith.addi %add3A_272, %iota3A : vector<16xi32>
          %add3A_274 = arith.constant 0 : i32
          %add3A_275 = vector.broadcast %add3A_274 : i32 to vector<16xi32>
          %add3A_276 = arith.addi %add3A_275, %add3A_273 : vector<16xi32>
          %add3A_277 = arith.constant 0 : i32
          %add3A_278 = vector.broadcast %add3A_277 : i32 to vector<16xi32>
          %add3A_279 = arith.addi %add3A_278, %add3A_273 : vector<16xi32>
          %shift_right_arithmetic3A = arith.constant 3 : i32
          %shift_right_arithmetic3A_280 = vector.broadcast %shift_right_arithmetic3A : i32 to vector<16xi32>
          %shift_right_arithmetic3A_281 = arith.shrsi %add3A_279, %shift_right_arithmetic3A_280 : vector<16xi32>
          %shift_left3A = arith.constant 7 : i32
          %shift_left3A_282 = vector.broadcast %shift_left3A : i32 to vector<16xi32>
          %shift_left3A_283 = arith.shli %shift_right_arithmetic3A_281, %shift_left3A_282 : vector<16xi32>
          %and3A_284 = arith.constant 7 : i32
          %and3A_285 = vector.broadcast %and3A_284 : i32 to vector<16xi32>
          %and3A_286 = arith.andi %add3A_279, %and3A_285 : vector<16xi32>
          %shift_left3A_287 = arith.constant 4 : i32
          %shift_left3A_288 = vector.broadcast %shift_left3A_287 : i32 to vector<16xi32>
          %shift_left3A_289 = arith.shli %and3A_286, %shift_left3A_288 : vector<16xi32>
          %add3A_290 = arith.addi %shift_left3A_283, %shift_left3A_289 : vector<16xi32>
          %gather3A = arith.constant 0 : i32
          %gather3A_291 = arith.constant 0 : i32
          %gather3A_292 = tpu.memref_slice %arg5[%while3A, %gather3A, %gather3A_291] : memref<2x8x4096xf32, #tpu.memory_space<vmem>> -> memref<1x8x4096xf32, #tpu.memory_space<vmem>>
          %gather3A_293 = tpu.memref_squeeze %gather3A_292 : memref<1x8x4096xf32, #tpu.memory_space<vmem>> -> memref<8x4096xf32, #tpu.memory_space<vmem>>
          %gather3A_294 = tpu.vector_load_idx %gather3A_293[%broadcast_in_dim3A_47, %add3A_276] : memref<8x4096xf32, #tpu.memory_space<vmem>>[vector<16xi32>, vector<16xi32>], vector<16xf32>,
          %add3A_295 = arith.constant 0 : i32
          %add3A_296 = vector.broadcast %add3A_295 : i32 to vector<16xi32>
          %add3A_297 = arith.addi %add3A_290, %add3A_296 : vector<16xi32>
          tpu.vector_store_idx %arg7[%add3A_297], %gather3A_294 : memref<16384xf32, #tpu.memory_space<vmem>>[vector<16xi32>], vector<16xf32>,
          %gather3A_298 = arith.constant 0 : i32
          %gather3A_299 = arith.constant 0 : i32
          %gather3A_300 = tpu.memref_slice %arg5[%while3A, %gather3A_298, %gather3A_299] : memref<2x8x4096xf32, #tpu.memory_space<vmem>> -> memref<1x8x4096xf32, #tpu.memory_space<vmem>>
          %gather3A_301 = tpu.memref_squeeze %gather3A_300 : memref<1x8x4096xf32, #tpu.memory_space<vmem>> -> memref<8x4096xf32, #tpu.memory_space<vmem>>
          %gather3A_302 = tpu.vector_load_idx %gather3A_301[%broadcast_in_dim3A_49, %add3A_276] : memref<8x4096xf32, #tpu.memory_space<vmem>>[vector<16xi32>, vector<16xi32>], vector<16xf32>,
          %add3A_303 = arith.constant 1 : i32
          %add3A_304 = vector.broadcast %add3A_303 : i32 to vector<16xi32>
          %add3A_305 = arith.addi %add3A_290, %add3A_304 : vector<16xi32>
          tpu.vector_store_idx %arg7[%add3A_305], %gather3A_302 : memref<16384xf32, #tpu.memory_space<vmem>>[vector<16xi32>], vector<16xf32>,
          %gather3A_306 = arith.constant 0 : i32
          %gather3A_307 = arith.constant 0 : i32
          %gather3A_308 = tpu.memref_slice %arg5[%while3A, %gather3A_306, %gather3A_307] : memref<2x8x4096xf32, #tpu.memory_space<vmem>> -> memref<1x8x4096xf32, #tpu.memory_space<vmem>>
          %gather3A_309 = tpu.memref_squeeze %gather3A_308 : memref<1x8x4096xf32, #tpu.memory_space<vmem>> -> memref<8x4096xf32, #tpu.memory_space<vmem>>
          %gather3A_310 = tpu.vector_load_idx %gather3A_309[%broadcast_in_dim3A_51, %add3A_276] : memref<8x4096xf32, #tpu.memory_space<vmem>>[vector<16xi32>, vector<16xi32>], vector<16xf32>,
          %add3A_311 = arith.constant 2 : i32
          %add3A_312 = vector.broadcast %add3A_311 : i32 to vector<16xi32>
          %add3A_313 = arith.addi %add3A_290, %add3A_312 : vector<16xi32>
          tpu.vector_store_idx %arg7[%add3A_313], %gather3A_310 : memref<16384xf32, #tpu.memory_space<vmem>>[vector<16xi32>], vector<16xf32>,
          %gather3A_314 = arith.constant 0 : i32
          %gather3A_315 = arith.constant 0 : i32
          %gather3A_316 = tpu.memref_slice %arg5[%while3A, %gather3A_314, %gather3A_315] : memref<2x8x4096xf32, #tpu.memory_space<vmem>> -> memref<1x8x4096xf32, #tpu.memory_space<vmem>>
          %gather3A_317 = tpu.memref_squeeze %gather3A_316 : memref<1x8x4096xf32, #tpu.memory_space<vmem>> -> memref<8x4096xf32, #tpu.memory_space<vmem>>
          %gather3A_318 = tpu.vector_load_idx %gather3A_317[%broadcast_in_dim3A_53, %add3A_276] : memref<8x4096xf32, #tpu.memory_space<vmem>>[vector<16xi32>, vector<16xi32>], vector<16xf32>,
          %add3A_319 = arith.constant 3 : i32
          %add3A_320 = vector.broadcast %add3A_319 : i32 to vector<16xi32>
          %add3A_321 = arith.addi %add3A_290, %add3A_320 : vector<16xi32>
          tpu.vector_store_idx %arg7[%add3A_321], %gather3A_318 : memref<16384xf32, #tpu.memory_space<vmem>>[vector<16xi32>], vector<16xf32>,
          %gather3A_322 = arith.constant 0 : i32
          %gather3A_323 = arith.constant 0 : i32
          %gather3A_324 = tpu.memref_slice %arg5[%while3A, %gather3A_322, %gather3A_323] : memref<2x8x4096xf32, #tpu.memory_space<vmem>> -> memref<1x8x4096xf32, #tpu.memory_space<vmem>>
          %gather3A_325 = tpu.memref_squeeze %gather3A_324 : memref<1x8x4096xf32, #tpu.memory_space<vmem>> -> memref<8x4096xf32, #tpu.memory_space<vmem>>
          %gather3A_326 = tpu.vector_load_idx %gather3A_325[%broadcast_in_dim3A_55, %add3A_276] : memref<8x4096xf32, #tpu.memory_space<vmem>>[vector<16xi32>, vector<16xi32>], vector<16xf32>,
          %add3A_327 = arith.constant 4 : i32
          %add3A_328 = vector.broadcast %add3A_327 : i32 to vector<16xi32>
          %add3A_329 = arith.addi %add3A_290, %add3A_328 : vector<16xi32>
          tpu.vector_store_idx %arg7[%add3A_329], %gather3A_326 : memref<16384xf32, #tpu.memory_space<vmem>>[vector<16xi32>], vector<16xf32>,
          %gather3A_330 = arith.constant 0 : i32
          %gather3A_331 = arith.constant 0 : i32
          %gather3A_332 = tpu.memref_slice %arg5[%while3A, %gather3A_330, %gather3A_331] : memref<2x8x4096xf32, #tpu.memory_space<vmem>> -> memref<1x8x4096xf32, #tpu.memory_space<vmem>>
          %gather3A_333 = tpu.memref_squeeze %gather3A_332 : memref<1x8x4096xf32, #tpu.memory_space<vmem>> -> memref<8x4096xf32, #tpu.memory_space<vmem>>
          %gather3A_334 = tpu.vector_load_idx %gather3A_333[%broadcast_in_dim3A_57, %add3A_276] : memref<8x4096xf32, #tpu.memory_space<vmem>>[vector<16xi32>, vector<16xi32>], vector<16xf32>,
          %add3A_335 = arith.constant 5 : i32
          %add3A_336 = vector.broadcast %add3A_335 : i32 to vector<16xi32>
          %add3A_337 = arith.addi %add3A_290, %add3A_336 : vector<16xi32>
          tpu.vector_store_idx %arg7[%add3A_337], %gather3A_334 : memref<16384xf32, #tpu.memory_space<vmem>>[vector<16xi32>], vector<16xf32>,
          %gather3A_338 = arith.constant 0 : i32
          %gather3A_339 = arith.constant 0 : i32
          %gather3A_340 = tpu.memref_slice %arg5[%while3A, %gather3A_338, %gather3A_339] : memref<2x8x4096xf32, #tpu.memory_space<vmem>> -> memref<1x8x4096xf32, #tpu.memory_space<vmem>>
          %gather3A_341 = tpu.memref_squeeze %gather3A_340 : memref<1x8x4096xf32, #tpu.memory_space<vmem>> -> memref<8x4096xf32, #tpu.memory_space<vmem>>
          %gather3A_342 = tpu.vector_load_idx %gather3A_341[%broadcast_in_dim3A_59, %add3A_276] : memref<8x4096xf32, #tpu.memory_space<vmem>>[vector<16xi32>, vector<16xi32>], vector<16xf32>,
          %add3A_343 = arith.constant 6 : i32
          %add3A_344 = vector.broadcast %add3A_343 : i32 to vector<16xi32>
          %add3A_345 = arith.addi %add3A_290, %add3A_344 : vector<16xi32>
          tpu.vector_store_idx %arg7[%add3A_345], %gather3A_342 : memref<16384xf32, #tpu.memory_space<vmem>>[vector<16xi32>], vector<16xf32>,
          %gather3A_346 = arith.constant 0 : i32
          %gather3A_347 = arith.constant 0 : i32
          %gather3A_348 = tpu.memref_slice %arg5[%while3A, %gather3A_346, %gather3A_347] : memref<2x8x4096xf32, #tpu.memory_space<vmem>> -> memref<1x8x4096xf32, #tpu.memory_space<vmem>>
          %gather3A_349 = tpu.memref_squeeze %gather3A_348 : memref<1x8x4096xf32, #tpu.memory_space<vmem>> -> memref<8x4096xf32, #tpu.memory_space<vmem>>
          %gather3A_350 = tpu.vector_load_idx %gather3A_349[%broadcast_in_dim3A_61, %add3A_276] : memref<8x4096xf32, #tpu.memory_space<vmem>>[vector<16xi32>, vector<16xi32>], vector<16xf32>,
          %add3A_351 = arith.constant 7 : i32
          %add3A_352 = vector.broadcast %add3A_351 : i32 to vector<16xi32>
          %add3A_353 = arith.addi %add3A_290, %add3A_352 : vector<16xi32>
          tpu.vector_store_idx %arg7[%add3A_353], %gather3A_350 : memref<16384xf32, #tpu.memory_space<vmem>>[vector<16xi32>], vector<16xf32>,
          %gather3A_354 = arith.constant 0 : i32
          %gather3A_355 = arith.constant 0 : i32
          %gather3A_356 = tpu.memref_slice %arg5[%while3A_78, %gather3A_354, %gather3A_355] : memref<2x8x4096xf32, #tpu.memory_space<vmem>> -> memref<1x8x4096xf32, #tpu.memory_space<vmem>>
          %gather3A_357 = tpu.memref_squeeze %gather3A_356 : memref<1x8x4096xf32, #tpu.memory_space<vmem>> -> memref<8x4096xf32, #tpu.memory_space<vmem>>
          %gather3A_358 = tpu.vector_load_idx %gather3A_357[%broadcast_in_dim3A_63, %add3A_276] : memref<8x4096xf32, #tpu.memory_space<vmem>>[vector<16xi32>, vector<16xi32>], vector<16xf32>,
          %add3A_359 = arith.constant 8 : i32
          %add3A_360 = vector.broadcast %add3A_359 : i32 to vector<16xi32>
          %add3A_361 = arith.addi %add3A_290, %add3A_360 : vector<16xi32>
          tpu.vector_store_idx %arg7[%add3A_361], %gather3A_358 : memref<16384xf32, #tpu.memory_space<vmem>>[vector<16xi32>], vector<16xf32>,
          %gather3A_362 = arith.constant 0 : i32
          %gather3A_363 = arith.constant 0 : i32
          %gather3A_364 = tpu.memref_slice %arg5[%while3A_78, %gather3A_362, %gather3A_363] : memref<2x8x4096xf32, #tpu.memory_space<vmem>> -> memref<1x8x4096xf32, #tpu.memory_space<vmem>>
          %gather3A_365 = tpu.memref_squeeze %gather3A_364 : memref<1x8x4096xf32, #tpu.memory_space<vmem>> -> memref<8x4096xf32, #tpu.memory_space<vmem>>
          %gather3A_366 = tpu.vector_load_idx %gather3A_365[%broadcast_in_dim3A_65, %add3A_276] : memref<8x4096xf32, #tpu.memory_space<vmem>>[vector<16xi32>, vector<16xi32>], vector<16xf32>,
          %add3A_367 = arith.constant 9 : i32
          %add3A_368 = vector.broadcast %add3A_367 : i32 to vector<16xi32>
          %add3A_369 = arith.addi %add3A_290, %add3A_368 : vector<16xi32>
          tpu.vector_store_idx %arg7[%add3A_369], %gather3A_366 : memref<16384xf32, #tpu.memory_space<vmem>>[vector<16xi32>], vector<16xf32>,
          %gather3A_370 = arith.constant 0 : i32
          %gather3A_371 = arith.constant 0 : i32
          %gather3A_372 = tpu.memref_slice %arg5[%while3A_78, %gather3A_370, %gather3A_371] : memref<2x8x4096xf32, #tpu.memory_space<vmem>> -> memref<1x8x4096xf32, #tpu.memory_space<vmem>>
          %gather3A_373 = tpu.memref_squeeze %gather3A_372 : memref<1x8x4096xf32, #tpu.memory_space<vmem>> -> memref<8x4096xf32, #tpu.memory_space<vmem>>
          %gather3A_374 = tpu.vector_load_idx %gather3A_373[%broadcast_in_dim3A_67, %add3A_276] : memref<8x4096xf32, #tpu.memory_space<vmem>>[vector<16xi32>, vector<16xi32>], vector<16xf32>,
          %add3A_375 = arith.constant 10 : i32
          %add3A_376 = vector.broadcast %add3A_375 : i32 to vector<16xi32>
          %add3A_377 = arith.addi %add3A_290, %add3A_376 : vector<16xi32>
          tpu.vector_store_idx %arg7[%add3A_377], %gather3A_374 : memref<16384xf32, #tpu.memory_space<vmem>>[vector<16xi32>], vector<16xf32>,
          %gather3A_378 = arith.constant 0 : i32
          %gather3A_379 = arith.constant 0 : i32
          %gather3A_380 = tpu.memref_slice %arg5[%while3A_78, %gather3A_378, %gather3A_379] : memref<2x8x4096xf32, #tpu.memory_space<vmem>> -> memref<1x8x4096xf32, #tpu.memory_space<vmem>>
          %gather3A_381 = tpu.memref_squeeze %gather3A_380 : memref<1x8x4096xf32, #tpu.memory_space<vmem>> -> memref<8x4096xf32, #tpu.memory_space<vmem>>
          %gather3A_382 = tpu.vector_load_idx %gather3A_381[%broadcast_in_dim3A_69, %add3A_276] : memref<8x4096xf32, #tpu.memory_space<vmem>>[vector<16xi32>, vector<16xi32>], vector<16xf32>,
          %add3A_383 = arith.constant 11 : i32
          %add3A_384 = vector.broadcast %add3A_383 : i32 to vector<16xi32>
          %add3A_385 = arith.addi %add3A_290, %add3A_384 : vector<16xi32>
          tpu.vector_store_idx %arg7[%add3A_385], %gather3A_382 : memref<16384xf32, #tpu.memory_space<vmem>>[vector<16xi32>], vector<16xf32>,
          %gather3A_386 = arith.constant 0 : i32
          %gather3A_387 = arith.constant 0 : i32
          %gather3A_388 = tpu.memref_slice %arg5[%while3A_78, %gather3A_386, %gather3A_387] : memref<2x8x4096xf32, #tpu.memory_space<vmem>> -> memref<1x8x4096xf32, #tpu.memory_space<vmem>>
          %gather3A_389 = tpu.memref_squeeze %gather3A_388 : memref<1x8x4096xf32, #tpu.memory_space<vmem>> -> memref<8x4096xf32, #tpu.memory_space<vmem>>
          %gather3A_390 = tpu.vector_load_idx %gather3A_389[%broadcast_in_dim3A_71, %add3A_276] : memref<8x4096xf32, #tpu.memory_space<vmem>>[vector<16xi32>, vector<16xi32>], vector<16xf32>,
          %add3A_391 = arith.constant 12 : i32
          %add3A_392 = vector.broadcast %add3A_391 : i32 to vector<16xi32>
          %add3A_393 = arith.addi %add3A_290, %add3A_392 : vector<16xi32>
          tpu.vector_store_idx %arg7[%add3A_393], %gather3A_390 : memref<16384xf32, #tpu.memory_space<vmem>>[vector<16xi32>], vector<16xf32>,
          %gather3A_394 = arith.constant 0 : i32
          %gather3A_395 = arith.constant 0 : i32
          %gather3A_396 = tpu.memref_slice %arg5[%while3A_78, %gather3A_394, %gather3A_395] : memref<2x8x4096xf32, #tpu.memory_space<vmem>> -> memref<1x8x4096xf32, #tpu.memory_space<vmem>>
          %gather3A_397 = tpu.memref_squeeze %gather3A_396 : memref<1x8x4096xf32, #tpu.memory_space<vmem>> -> memref<8x4096xf32, #tpu.memory_space<vmem>>
          %gather3A_398 = tpu.vector_load_idx %gather3A_397[%broadcast_in_dim3A_73, %add3A_276] : memref<8x4096xf32, #tpu.memory_space<vmem>>[vector<16xi32>, vector<16xi32>], vector<16xf32>,
          %add3A_399 = arith.constant 13 : i32
          %add3A_400 = vector.broadcast %add3A_399 : i32 to vector<16xi32>
          %add3A_401 = arith.addi %add3A_290, %add3A_400 : vector<16xi32>
          tpu.vector_store_idx %arg7[%add3A_401], %gather3A_398 : memref<16384xf32, #tpu.memory_space<vmem>>[vector<16xi32>], vector<16xf32>,
          %gather3A_402 = arith.constant 0 : i32
          %gather3A_403 = arith.constant 0 : i32
          %gather3A_404 = tpu.memref_slice %arg5[%while3A_78, %gather3A_402, %gather3A_403] : memref<2x8x4096xf32, #tpu.memory_space<vmem>> -> memref<1x8x4096xf32, #tpu.memory_space<vmem>>
          %gather3A_405 = tpu.memref_squeeze %gather3A_404 : memref<1x8x4096xf32, #tpu.memory_space<vmem>> -> memref<8x4096xf32, #tpu.memory_space<vmem>>
          %gather3A_406 = tpu.vector_load_idx %gather3A_405[%broadcast_in_dim3A_75, %add3A_276] : memref<8x4096xf32, #tpu.memory_space<vmem>>[vector<16xi32>, vector<16xi32>], vector<16xf32>,
          %add3A_407 = arith.constant 14 : i32
          %add3A_408 = vector.broadcast %add3A_407 : i32 to vector<16xi32>
          %add3A_409 = arith.addi %add3A_290, %add3A_408 : vector<16xi32>
          tpu.vector_store_idx %arg7[%add3A_409], %gather3A_406 : memref<16384xf32, #tpu.memory_space<vmem>>[vector<16xi32>], vector<16xf32>,
          %gather3A_410 = arith.constant 0 : i32
          %gather3A_411 = arith.constant 0 : i32
          %gather3A_412 = tpu.memref_slice %arg5[%while3A_78, %gather3A_410, %gather3A_411] : memref<2x8x4096xf32, #tpu.memory_space<vmem>> -> memref<1x8x4096xf32, #tpu.memory_space<vmem>>
          %gather3A_413 = tpu.memref_squeeze %gather3A_412 : memref<1x8x4096xf32, #tpu.memory_space<vmem>> -> memref<8x4096xf32, #tpu.memory_space<vmem>>
          %gather3A_414 = tpu.vector_load_idx %gather3A_413[%broadcast_in_dim3A_77, %add3A_276] : memref<8x4096xf32, #tpu.memory_space<vmem>>[vector<16xi32>, vector<16xi32>], vector<16xf32>,
          %add3A_415 = arith.constant 15 : i32
          %add3A_416 = vector.broadcast %add3A_415 : i32 to vector<16xi32>
          %add3A_417 = arith.addi %add3A_290, %add3A_416 : vector<16xi32>
          tpu.vector_store_idx %arg7[%add3A_417], %gather3A_414 : memref<16384xf32, #tpu.memory_space<vmem>>[vector<16xi32>], vector<16xf32>,
        }
        %scan3A_229 = arith.constant 64 : i32
        %mul3A_230 = arith.constant 12504 : i32
        %mul3A_231 = arith.muli %select_n3A_126, %mul3A_230 : i32
        %mul3A_232 = arith.constant 8 : i32
        %mul3A_233 = arith.muli %mul3A_231, %mul3A_232 : i32
        %add3A_234 = arith.addi %mul3A_233, %multiple_of3A_149 : i32
        %mul3A_235 = arith.constant 16 : i32
        %mul3A_236 = arith.muli %add3A_234, %mul3A_235 : i32
        %multiple_of3A_237 = tpu.assume_multiple %mul3A_236, 1024 : i32
        "tpu.region"() ({
          %run_scoped3A_269 = tpu.sem_alloc : memref<!tpu.dma_semaphore, #tpu.memory_space<semaphore_mem>>
          %dma_start3A_270 = tpu.memref_slice %arg4[%multiple_of3A_237] : memref<41613312xf32, #tpu.memory_space<hbm>> -> memref<16384xf32, #tpu.memory_space<hbm>>
          %dma_start3A_271 = tpu.memref_slice %arg4[%multiple_of3A_237] : memref<41613312xf32, #tpu.memory_space<hbm>> -> memref<16384xf32, #tpu.memory_space<hbm>>
          tpu.enqueue_dma source(%arg7 : memref<16384xf32, #tpu.memory_space<vmem>>) target(%dma_start3A_271 : memref<16384xf32, #tpu.memory_space<hbm>>) target_semaphore(%run_scoped3A_269 : memref<!tpu.dma_semaphore, #tpu.memory_space<semaphore_mem>>)
          %dma_wait3A_272 = tpu.memref_slice %arg4[%multiple_of3A_237] : memref<41613312xf32, #tpu.memory_space<hbm>> -> memref<16384xf32, #tpu.memory_space<hbm>>
          %dma_wait3A_273 = tpu.memref_slice %arg4[%multiple_of3A_237] : memref<41613312xf32, #tpu.memory_space<hbm>> -> memref<16384xf32, #tpu.memory_space<hbm>>
          tpu.wait_dma2 semaphore(%run_scoped3A_269 : memref<!tpu.dma_semaphore, #tpu.memory_space<semaphore_mem>>) src(%arg7 : memref<16384xf32, #tpu.memory_space<vmem>>) dst(%dma_wait3A_273 : memref<16384xf32, #tpu.memory_space<hbm>>)
          tpu.yield
        }) : () -> ()
        %scan3A_238 = arith.constant 0 : i32
        %scan3A_239 = arith.constant 0 : i32
        %scan3A_240 = arith.constant 40 : i32
        %scan3A_241 = arith.addi %scan3A_239, %scan3A_240 : i32
        %scan3A_242 = arith.constant 1 : i32
        scf.for %scan3A_269 = %scan3A_239 to %scan3A_241 step %scan3A_242  : i32 {
          %mul3A_270 = arith.constant 16 : i32
          %mul3A_271 = arith.muli %scan3A_269, %mul3A_270 : i32
          %add3A_272 = vector.broadcast %mul3A_271 : i32 to vector<16xi32>
          %add3A_273 = arith.addi %add3A_272, %iota3A : vector<16xi32>
          %add3A_274 = arith.constant 1024 : i32
          %add3A_275 = vector.broadcast %add3A_274 : i32 to vector<16xi32>
          %add3A_276 = arith.addi %add3A_275, %add3A_273 : vector<16xi32>
          %add3A_277 = arith.constant 0 : i32
          %add3A_278 = vector.broadcast %add3A_277 : i32 to vector<16xi32>
          %add3A_279 = arith.addi %add3A_278, %add3A_273 : vector<16xi32>
          %shift_right_arithmetic3A = arith.constant 3 : i32
          %shift_right_arithmetic3A_280 = vector.broadcast %shift_right_arithmetic3A : i32 to vector<16xi32>
          %shift_right_arithmetic3A_281 = arith.shrsi %add3A_279, %shift_right_arithmetic3A_280 : vector<16xi32>
          %shift_left3A = arith.constant 7 : i32
          %shift_left3A_282 = vector.broadcast %shift_left3A : i32 to vector<16xi32>
          %shift_left3A_283 = arith.shli %shift_right_arithmetic3A_281, %shift_left3A_282 : vector<16xi32>
          %and3A_284 = arith.constant 7 : i32
          %and3A_285 = vector.broadcast %and3A_284 : i32 to vector<16xi32>
          %and3A_286 = arith.andi %add3A_279, %and3A_285 : vector<16xi32>
          %shift_left3A_287 = arith.constant 4 : i32
          %shift_left3A_288 = vector.broadcast %shift_left3A_287 : i32 to vector<16xi32>
          %shift_left3A_289 = arith.shli %and3A_286, %shift_left3A_288 : vector<16xi32>
          %add3A_290 = arith.addi %shift_left3A_283, %shift_left3A_289 : vector<16xi32>
          %gather3A = arith.constant 0 : i32
          %gather3A_291 = arith.constant 0 : i32
          %gather3A_292 = tpu.memref_slice %arg5[%while3A, %gather3A, %gather3A_291] : memref<2x8x4096xf32, #tpu.memory_space<vmem>> -> memref<1x8x4096xf32, #tpu.memory_space<vmem>>
          %gather3A_293 = tpu.memref_squeeze %gather3A_292 : memref<1x8x4096xf32, #tpu.memory_space<vmem>> -> memref<8x4096xf32, #tpu.memory_space<vmem>>
          %gather3A_294 = tpu.vector_load_idx %gather3A_293[%broadcast_in_dim3A_47, %add3A_276] : memref<8x4096xf32, #tpu.memory_space<vmem>>[vector<16xi32>, vector<16xi32>], vector<16xf32>,
          %add3A_295 = arith.constant 0 : i32
          %add3A_296 = vector.broadcast %add3A_295 : i32 to vector<16xi32>
          %add3A_297 = arith.addi %add3A_290, %add3A_296 : vector<16xi32>
          tpu.vector_store_idx %arg7[%add3A_297], %gather3A_294 : memref<16384xf32, #tpu.memory_space<vmem>>[vector<16xi32>], vector<16xf32>,
          %gather3A_298 = arith.constant 0 : i32
          %gather3A_299 = arith.constant 0 : i32
          %gather3A_300 = tpu.memref_slice %arg5[%while3A, %gather3A_298, %gather3A_299] : memref<2x8x4096xf32, #tpu.memory_space<vmem>> -> memref<1x8x4096xf32, #tpu.memory_space<vmem>>
          %gather3A_301 = tpu.memref_squeeze %gather3A_300 : memref<1x8x4096xf32, #tpu.memory_space<vmem>> -> memref<8x4096xf32, #tpu.memory_space<vmem>>
          %gather3A_302 = tpu.vector_load_idx %gather3A_301[%broadcast_in_dim3A_49, %add3A_276] : memref<8x4096xf32, #tpu.memory_space<vmem>>[vector<16xi32>, vector<16xi32>], vector<16xf32>,
          %add3A_303 = arith.constant 1 : i32
          %add3A_304 = vector.broadcast %add3A_303 : i32 to vector<16xi32>
          %add3A_305 = arith.addi %add3A_290, %add3A_304 : vector<16xi32>
          tpu.vector_store_idx %arg7[%add3A_305], %gather3A_302 : memref<16384xf32, #tpu.memory_space<vmem>>[vector<16xi32>], vector<16xf32>,
          %gather3A_306 = arith.constant 0 : i32
          %gather3A_307 = arith.constant 0 : i32
          %gather3A_308 = tpu.memref_slice %arg5[%while3A, %gather3A_306, %gather3A_307] : memref<2x8x4096xf32, #tpu.memory_space<vmem>> -> memref<1x8x4096xf32, #tpu.memory_space<vmem>>
          %gather3A_309 = tpu.memref_squeeze %gather3A_308 : memref<1x8x4096xf32, #tpu.memory_space<vmem>> -> memref<8x4096xf32, #tpu.memory_space<vmem>>
          %gather3A_310 = tpu.vector_load_idx %gather3A_309[%broadcast_in_dim3A_51, %add3A_276] : memref<8x4096xf32, #tpu.memory_space<vmem>>[vector<16xi32>, vector<16xi32>], vector<16xf32>,
          %add3A_311 = arith.constant 2 : i32
          %add3A_312 = vector.broadcast %add3A_311 : i32 to vector<16xi32>
          %add3A_313 = arith.addi %add3A_290, %add3A_312 : vector<16xi32>
          tpu.vector_store_idx %arg7[%add3A_313], %gather3A_310 : memref<16384xf32, #tpu.memory_space<vmem>>[vector<16xi32>], vector<16xf32>,
          %gather3A_314 = arith.constant 0 : i32
          %gather3A_315 = arith.constant 0 : i32
          %gather3A_316 = tpu.memref_slice %arg5[%while3A, %gather3A_314, %gather3A_315] : memref<2x8x4096xf32, #tpu.memory_space<vmem>> -> memref<1x8x4096xf32, #tpu.memory_space<vmem>>
          %gather3A_317 = tpu.memref_squeeze %gather3A_316 : memref<1x8x4096xf32, #tpu.memory_space<vmem>> -> memref<8x4096xf32, #tpu.memory_space<vmem>>
          %gather3A_318 = tpu.vector_load_idx %gather3A_317[%broadcast_in_dim3A_53, %add3A_276] : memref<8x4096xf32, #tpu.memory_space<vmem>>[vector<16xi32>, vector<16xi32>], vector<16xf32>,
          %add3A_319 = arith.constant 3 : i32
          %add3A_320 = vector.broadcast %add3A_319 : i32 to vector<16xi32>
          %add3A_321 = arith.addi %add3A_290, %add3A_320 : vector<16xi32>
          tpu.vector_store_idx %arg7[%add3A_321], %gather3A_318 : memref<16384xf32, #tpu.memory_space<vmem>>[vector<16xi32>], vector<16xf32>,
          %gather3A_322 = arith.constant 0 : i32
          %gather3A_323 = arith.constant 0 : i32
          %gather3A_324 = tpu.memref_slice %arg5[%while3A, %gather3A_322, %gather3A_323] : memref<2x8x4096xf32, #tpu.memory_space<vmem>> -> memref<1x8x4096xf32, #tpu.memory_space<vmem>>
          %gather3A_325 = tpu.memref_squeeze %gather3A_324 : memref<1x8x4096xf32, #tpu.memory_space<vmem>> -> memref<8x4096xf32, #tpu.memory_space<vmem>>
          %gather3A_326 = tpu.vector_load_idx %gather3A_325[%broadcast_in_dim3A_55, %add3A_276] : memref<8x4096xf32, #tpu.memory_space<vmem>>[vector<16xi32>, vector<16xi32>], vector<16xf32>,
          %add3A_327 = arith.constant 4 : i32
          %add3A_328 = vector.broadcast %add3A_327 : i32 to vector<16xi32>
          %add3A_329 = arith.addi %add3A_290, %add3A_328 : vector<16xi32>
          tpu.vector_store_idx %arg7[%add3A_329], %gather3A_326 : memref<16384xf32, #tpu.memory_space<vmem>>[vector<16xi32>], vector<16xf32>,
          %gather3A_330 = arith.constant 0 : i32
          %gather3A_331 = arith.constant 0 : i32
          %gather3A_332 = tpu.memref_slice %arg5[%while3A, %gather3A_330, %gather3A_331] : memref<2x8x4096xf32, #tpu.memory_space<vmem>> -> memref<1x8x4096xf32, #tpu.memory_space<vmem>>
          %gather3A_333 = tpu.memref_squeeze %gather3A_332 : memref<1x8x4096xf32, #tpu.memory_space<vmem>> -> memref<8x4096xf32, #tpu.memory_space<vmem>>
          %gather3A_334 = tpu.vector_load_idx %gather3A_333[%broadcast_in_dim3A_57, %add3A_276] : memref<8x4096xf32, #tpu.memory_space<vmem>>[vector<16xi32>, vector<16xi32>], vector<16xf32>,
          %add3A_335 = arith.constant 5 : i32
          %add3A_336 = vector.broadcast %add3A_335 : i32 to vector<16xi32>
          %add3A_337 = arith.addi %add3A_290, %add3A_336 : vector<16xi32>
          tpu.vector_store_idx %arg7[%add3A_337], %gather3A_334 : memref<16384xf32, #tpu.memory_space<vmem>>[vector<16xi32>], vector<16xf32>,
          %gather3A_338 = arith.constant 0 : i32
          %gather3A_339 = arith.constant 0 : i32
          %gather3A_340 = tpu.memref_slice %arg5[%while3A, %gather3A_338, %gather3A_339] : memref<2x8x4096xf32, #tpu.memory_space<vmem>> -> memref<1x8x4096xf32, #tpu.memory_space<vmem>>
          %gather3A_341 = tpu.memref_squeeze %gather3A_340 : memref<1x8x4096xf32, #tpu.memory_space<vmem>> -> memref<8x4096xf32, #tpu.memory_space<vmem>>
          %gather3A_342 = tpu.vector_load_idx %gather3A_341[%broadcast_in_dim3A_59, %add3A_276] : memref<8x4096xf32, #tpu.memory_space<vmem>>[vector<16xi32>, vector<16xi32>], vector<16xf32>,
          %add3A_343 = arith.constant 6 : i32
          %add3A_344 = vector.broadcast %add3A_343 : i32 to vector<16xi32>
          %add3A_345 = arith.addi %add3A_290, %add3A_344 : vector<16xi32>
          tpu.vector_store_idx %arg7[%add3A_345], %gather3A_342 : memref<16384xf32, #tpu.memory_space<vmem>>[vector<16xi32>], vector<16xf32>,
          %gather3A_346 = arith.constant 0 : i32
          %gather3A_347 = arith.constant 0 : i32
          %gather3A_348 = tpu.memref_slice %arg5[%while3A, %gather3A_346, %gather3A_347] : memref<2x8x4096xf32, #tpu.memory_space<vmem>> -> memref<1x8x4096xf32, #tpu.memory_space<vmem>>
          %gather3A_349 = tpu.memref_squeeze %gather3A_348 : memref<1x8x4096xf32, #tpu.memory_space<vmem>> -> memref<8x4096xf32, #tpu.memory_space<vmem>>
          %gather3A_350 = tpu.vector_load_idx %gather3A_349[%broadcast_in_dim3A_61, %add3A_276] : memref<8x4096xf32, #tpu.memory_space<vmem>>[vector<16xi32>, vector<16xi32>], vector<16xf32>,
          %add3A_351 = arith.constant 7 : i32
          %add3A_352 = vector.broadcast %add3A_351 : i32 to vector<16xi32>
          %add3A_353 = arith.addi %add3A_290, %add3A_352 : vector<16xi32>
          tpu.vector_store_idx %arg7[%add3A_353], %gather3A_350 : memref<16384xf32, #tpu.memory_space<vmem>>[vector<16xi32>], vector<16xf32>,
          %gather3A_354 = arith.constant 0 : i32
          %gather3A_355 = arith.constant 0 : i32
          %gather3A_356 = tpu.memref_slice %arg5[%while3A_78, %gather3A_354, %gather3A_355] : memref<2x8x4096xf32, #tpu.memory_space<vmem>> -> memref<1x8x4096xf32, #tpu.memory_space<vmem>>
          %gather3A_357 = tpu.memref_squeeze %gather3A_356 : memref<1x8x4096xf32, #tpu.memory_space<vmem>> -> memref<8x4096xf32, #tpu.memory_space<vmem>>
          %gather3A_358 = tpu.vector_load_idx %gather3A_357[%broadcast_in_dim3A_63, %add3A_276] : memref<8x4096xf32, #tpu.memory_space<vmem>>[vector<16xi32>, vector<16xi32>], vector<16xf32>,
          %add3A_359 = arith.constant 8 : i32
          %add3A_360 = vector.broadcast %add3A_359 : i32 to vector<16xi32>
          %add3A_361 = arith.addi %add3A_290, %add3A_360 : vector<16xi32>
          tpu.vector_store_idx %arg7[%add3A_361], %gather3A_358 : memref<16384xf32, #tpu.memory_space<vmem>>[vector<16xi32>], vector<16xf32>,
          %gather3A_362 = arith.constant 0 : i32
          %gather3A_363 = arith.constant 0 : i32
          %gather3A_364 = tpu.memref_slice %arg5[%while3A_78, %gather3A_362, %gather3A_363] : memref<2x8x4096xf32, #tpu.memory_space<vmem>> -> memref<1x8x4096xf32, #tpu.memory_space<vmem>>
          %gather3A_365 = tpu.memref_squeeze %gather3A_364 : memref<1x8x4096xf32, #tpu.memory_space<vmem>> -> memref<8x4096xf32, #tpu.memory_space<vmem>>
          %gather3A_366 = tpu.vector_load_idx %gather3A_365[%broadcast_in_dim3A_65, %add3A_276] : memref<8x4096xf32, #tpu.memory_space<vmem>>[vector<16xi32>, vector<16xi32>], vector<16xf32>,
          %add3A_367 = arith.constant 9 : i32
          %add3A_368 = vector.broadcast %add3A_367 : i32 to vector<16xi32>
          %add3A_369 = arith.addi %add3A_290, %add3A_368 : vector<16xi32>
          tpu.vector_store_idx %arg7[%add3A_369], %gather3A_366 : memref<16384xf32, #tpu.memory_space<vmem>>[vector<16xi32>], vector<16xf32>,
          %gather3A_370 = arith.constant 0 : i32
          %gather3A_371 = arith.constant 0 : i32
          %gather3A_372 = tpu.memref_slice %arg5[%while3A_78, %gather3A_370, %gather3A_371] : memref<2x8x4096xf32, #tpu.memory_space<vmem>> -> memref<1x8x4096xf32, #tpu.memory_space<vmem>>
          %gather3A_373 = tpu.memref_squeeze %gather3A_372 : memref<1x8x4096xf32, #tpu.memory_space<vmem>> -> memref<8x4096xf32, #tpu.memory_space<vmem>>
          %gather3A_374 = tpu.vector_load_idx %gather3A_373[%broadcast_in_dim3A_67, %add3A_276] : memref<8x4096xf32, #tpu.memory_space<vmem>>[vector<16xi32>, vector<16xi32>], vector<16xf32>,
          %add3A_375 = arith.constant 10 : i32
          %add3A_376 = vector.broadcast %add3A_375 : i32 to vector<16xi32>
          %add3A_377 = arith.addi %add3A_290, %add3A_376 : vector<16xi32>
          tpu.vector_store_idx %arg7[%add3A_377], %gather3A_374 : memref<16384xf32, #tpu.memory_space<vmem>>[vector<16xi32>], vector<16xf32>,
          %gather3A_378 = arith.constant 0 : i32
          %gather3A_379 = arith.constant 0 : i32
          %gather3A_380 = tpu.memref_slice %arg5[%while3A_78, %gather3A_378, %gather3A_379] : memref<2x8x4096xf32, #tpu.memory_space<vmem>> -> memref<1x8x4096xf32, #tpu.memory_space<vmem>>
          %gather3A_381 = tpu.memref_squeeze %gather3A_380 : memref<1x8x4096xf32, #tpu.memory_space<vmem>> -> memref<8x4096xf32, #tpu.memory_space<vmem>>
          %gather3A_382 = tpu.vector_load_idx %gather3A_381[%broadcast_in_dim3A_69, %add3A_276] : memref<8x4096xf32, #tpu.memory_space<vmem>>[vector<16xi32>, vector<16xi32>], vector<16xf32>,
          %add3A_383 = arith.constant 11 : i32
          %add3A_384 = vector.broadcast %add3A_383 : i32 to vector<16xi32>
          %add3A_385 = arith.addi %add3A_290, %add3A_384 : vector<16xi32>
          tpu.vector_store_idx %arg7[%add3A_385], %gather3A_382 : memref<16384xf32, #tpu.memory_space<vmem>>[vector<16xi32>], vector<16xf32>,
          %gather3A_386 = arith.constant 0 : i32
          %gather3A_387 = arith.constant 0 : i32
          %gather3A_388 = tpu.memref_slice %arg5[%while3A_78, %gather3A_386, %gather3A_387] : memref<2x8x4096xf32, #tpu.memory_space<vmem>> -> memref<1x8x4096xf32, #tpu.memory_space<vmem>>
          %gather3A_389 = tpu.memref_squeeze %gather3A_388 : memref<1x8x4096xf32, #tpu.memory_space<vmem>> -> memref<8x4096xf32, #tpu.memory_space<vmem>>
          %gather3A_390 = tpu.vector_load_idx %gather3A_389[%broadcast_in_dim3A_71, %add3A_276] : memref<8x4096xf32, #tpu.memory_space<vmem>>[vector<16xi32>, vector<16xi32>], vector<16xf32>,
          %add3A_391 = arith.constant 12 : i32
          %add3A_392 = vector.broadcast %add3A_391 : i32 to vector<16xi32>
          %add3A_393 = arith.addi %add3A_290, %add3A_392 : vector<16xi32>
          tpu.vector_store_idx %arg7[%add3A_393], %gather3A_390 : memref<16384xf32, #tpu.memory_space<vmem>>[vector<16xi32>], vector<16xf32>,
          %gather3A_394 = arith.constant 0 : i32
          %gather3A_395 = arith.constant 0 : i32
          %gather3A_396 = tpu.memref_slice %arg5[%while3A_78, %gather3A_394, %gather3A_395] : memref<2x8x4096xf32, #tpu.memory_space<vmem>> -> memref<1x8x4096xf32, #tpu.memory_space<vmem>>
          %gather3A_397 = tpu.memref_squeeze %gather3A_396 : memref<1x8x4096xf32, #tpu.memory_space<vmem>> -> memref<8x4096xf32, #tpu.memory_space<vmem>>
          %gather3A_398 = tpu.vector_load_idx %gather3A_397[%broadcast_in_dim3A_73, %add3A_276] : memref<8x4096xf32, #tpu.memory_space<vmem>>[vector<16xi32>, vector<16xi32>], vector<16xf32>,
          %add3A_399 = arith.constant 13 : i32
          %add3A_400 = vector.broadcast %add3A_399 : i32 to vector<16xi32>
          %add3A_401 = arith.addi %add3A_290, %add3A_400 : vector<16xi32>
          tpu.vector_store_idx %arg7[%add3A_401], %gather3A_398 : memref<16384xf32, #tpu.memory_space<vmem>>[vector<16xi32>], vector<16xf32>,
          %gather3A_402 = arith.constant 0 : i32
          %gather3A_403 = arith.constant 0 : i32
          %gather3A_404 = tpu.memref_slice %arg5[%while3A_78, %gather3A_402, %gather3A_403] : memref<2x8x4096xf32, #tpu.memory_space<vmem>> -> memref<1x8x4096xf32, #tpu.memory_space<vmem>>
          %gather3A_405 = tpu.memref_squeeze %gather3A_404 : memref<1x8x4096xf32, #tpu.memory_space<vmem>> -> memref<8x4096xf32, #tpu.memory_space<vmem>>
          %gather3A_406 = tpu.vector_load_idx %gather3A_405[%broadcast_in_dim3A_75, %add3A_276] : memref<8x4096xf32, #tpu.memory_space<vmem>>[vector<16xi32>, vector<16xi32>], vector<16xf32>,
          %add3A_407 = arith.constant 14 : i32
          %add3A_408 = vector.broadcast %add3A_407 : i32 to vector<16xi32>
          %add3A_409 = arith.addi %add3A_290, %add3A_408 : vector<16xi32>
          tpu.vector_store_idx %arg7[%add3A_409], %gather3A_406 : memref<16384xf32, #tpu.memory_space<vmem>>[vector<16xi32>], vector<16xf32>,
          %gather3A_410 = arith.constant 0 : i32
          %gather3A_411 = arith.constant 0 : i32
          %gather3A_412 = tpu.memref_slice %arg5[%while3A_78, %gather3A_410, %gather3A_411] : memref<2x8x4096xf32, #tpu.memory_space<vmem>> -> memref<1x8x4096xf32, #tpu.memory_space<vmem>>
          %gather3A_413 = tpu.memref_squeeze %gather3A_412 : memref<1x8x4096xf32, #tpu.memory_space<vmem>> -> memref<8x4096xf32, #tpu.memory_space<vmem>>
          %gather3A_414 = tpu.vector_load_idx %gather3A_413[%broadcast_in_dim3A_77, %add3A_276] : memref<8x4096xf32, #tpu.memory_space<vmem>>[vector<16xi32>, vector<16xi32>], vector<16xf32>,
          %add3A_415 = arith.constant 15 : i32
          %add3A_416 = vector.broadcast %add3A_415 : i32 to vector<16xi32>
          %add3A_417 = arith.addi %add3A_290, %add3A_416 : vector<16xi32>
          tpu.vector_store_idx %arg7[%add3A_417], %gather3A_414 : memref<16384xf32, #tpu.memory_space<vmem>>[vector<16xi32>], vector<16xf32>,
        }
        %scan3A_243 = arith.constant 40 : i32
        %mul3A_244 = arith.constant 2 : i32
        %mul3A_245 = arith.muli %mul3A_244, %select_n3A_126 : i32
        %run_scoped3A = arith.constant 0 : i32
        "tpu.region"() ({
          %run_scoped3A_269 = tpu.sem_alloc : memref<!tpu.dma_semaphore, #tpu.memory_space<semaphore_mem>>
          %dma_start3A_270 = arith.constant 0 : i32
          %dma_start3A_271 = arith.constant 0 : i32
          %dma_start3A_272 = tpu.memref_slice %arg6[%run_scoped3A, %dma_start3A_270, %dma_start3A_271] : memref<2x8x128xf32, #tpu.memory_space<vmem>> -> memref<1x8x128xf32, #tpu.memory_space<vmem>>
          %dma_start3A_273 = tpu.memref_squeeze %dma_start3A_272 : memref<1x8x128xf32, #tpu.memory_space<vmem>> -> memref<8x128xf32, #tpu.memory_space<vmem>>
          %dma_start3A_274 = arith.constant 0 : i32
          %dma_start3A_275 = arith.constant 0 : i32
          %dma_start3A_276 = tpu.memref_slice %arg3[%mul3A_245, %dma_start3A_274, %dma_start3A_275] : memref<52x8x128xf32, #tpu.memory_space<hbm>> -> memref<1x8x128xf32, #tpu.memory_space<hbm>>
          %dma_start3A_277 = tpu.memref_squeeze %dma_start3A_276 : memref<1x8x128xf32, #tpu.memory_space<hbm>> -> memref<8x128xf32, #tpu.memory_space<hbm>>
          %dma_start3A_278 = arith.constant 0 : i32
          %dma_start3A_279 = arith.constant 0 : i32
          %dma_start3A_280 = tpu.memref_slice %arg6[%run_scoped3A, %dma_start3A_278, %dma_start3A_279] : memref<2x8x128xf32, #tpu.memory_space<vmem>> -> memref<1x8x128xf32, #tpu.memory_space<vmem>>
          %dma_start3A_281 = tpu.memref_squeeze %dma_start3A_280 : memref<1x8x128xf32, #tpu.memory_space<vmem>> -> memref<8x128xf32, #tpu.memory_space<vmem>>
          %dma_start3A_282 = arith.constant 0 : i32
          %dma_start3A_283 = arith.constant 0 : i32
          %dma_start3A_284 = tpu.memref_slice %arg3[%mul3A_245, %dma_start3A_282, %dma_start3A_283] : memref<52x8x128xf32, #tpu.memory_space<hbm>> -> memref<1x8x128xf32, #tpu.memory_space<hbm>>
          %dma_start3A_285 = tpu.memref_squeeze %dma_start3A_284 : memref<1x8x128xf32, #tpu.memory_space<hbm>> -> memref<8x128xf32, #tpu.memory_space<hbm>>
          tpu.enqueue_dma source(%dma_start3A_285 : memref<8x128xf32, #tpu.memory_space<hbm>>) target(%dma_start3A_281 : memref<8x128xf32, #tpu.memory_space<vmem>>) target_semaphore(%run_scoped3A_269 : memref<!tpu.dma_semaphore, #tpu.memory_space<semaphore_mem>>)
          %dma_wait3A_286 = arith.constant 0 : i32
          %dma_wait3A_287 = arith.constant 0 : i32
          %dma_wait3A_288 = tpu.memref_slice %arg6[%run_scoped3A, %dma_wait3A_286, %dma_wait3A_287] : memref<2x8x128xf32, #tpu.memory_space<vmem>> -> memref<1x8x128xf32, #tpu.memory_space<vmem>>
          %dma_wait3A_289 = tpu.memref_squeeze %dma_wait3A_288 : memref<1x8x128xf32, #tpu.memory_space<vmem>> -> memref<8x128xf32, #tpu.memory_space<vmem>>
          %dma_wait3A_290 = arith.constant 0 : i32
          %dma_wait3A_291 = arith.constant 0 : i32
          %dma_wait3A_292 = tpu.memref_slice %arg3[%mul3A_245, %dma_wait3A_290, %dma_wait3A_291] : memref<52x8x128xf32, #tpu.memory_space<hbm>> -> memref<1x8x128xf32, #tpu.memory_space<hbm>>
          %dma_wait3A_293 = tpu.memref_squeeze %dma_wait3A_292 : memref<1x8x128xf32, #tpu.memory_space<hbm>> -> memref<8x128xf32, #tpu.memory_space<hbm>>
          %dma_wait3A_294 = arith.constant 0 : i32
          %dma_wait3A_295 = arith.constant 0 : i32
          %dma_wait3A_296 = tpu.memref_slice %arg6[%run_scoped3A, %dma_wait3A_294, %dma_wait3A_295] : memref<2x8x128xf32, #tpu.memory_space<vmem>> -> memref<1x8x128xf32, #tpu.memory_space<vmem>>
          %dma_wait3A_297 = tpu.memref_squeeze %dma_wait3A_296 : memref<1x8x128xf32, #tpu.memory_space<vmem>> -> memref<8x128xf32, #tpu.memory_space<vmem>>
          %dma_wait3A_298 = arith.constant 0 : i32
          %dma_wait3A_299 = arith.constant 0 : i32
          %dma_wait3A_300 = tpu.memref_slice %arg3[%mul3A_245, %dma_wait3A_298, %dma_wait3A_299] : memref<52x8x128xf32, #tpu.memory_space<hbm>> -> memref<1x8x128xf32, #tpu.memory_space<hbm>>
          %dma_wait3A_301 = tpu.memref_squeeze %dma_wait3A_300 : memref<1x8x128xf32, #tpu.memory_space<hbm>> -> memref<8x128xf32, #tpu.memory_space<hbm>>
          tpu.wait_dma2 semaphore(%run_scoped3A_269 : memref<!tpu.dma_semaphore, #tpu.memory_space<semaphore_mem>>) src(%dma_wait3A_301 : memref<8x128xf32, #tpu.memory_space<hbm>>) dst(%dma_wait3A_297 : memref<8x128xf32, #tpu.memory_space<vmem>>)
          tpu.yield
        }) : () -> ()
        %mul3A_246 = arith.constant 2 : i32
        %mul3A_247 = arith.muli %mul3A_246, %select_n3A_126 : i32
        %add3A_248 = arith.constant 1 : i32
        %add3A_249 = arith.addi %mul3A_247, %add3A_248 : i32
        %run_scoped3A_250 = arith.constant 1 : i32
        "tpu.region"() ({
          %run_scoped3A_269 = tpu.sem_alloc : memref<!tpu.dma_semaphore, #tpu.memory_space<semaphore_mem>>
          %dma_start3A_270 = arith.constant 0 : i32
          %dma_start3A_271 = arith.constant 0 : i32
          %dma_start3A_272 = tpu.memref_slice %arg6[%run_scoped3A_250, %dma_start3A_270, %dma_start3A_271] : memref<2x8x128xf32, #tpu.memory_space<vmem>> -> memref<1x8x128xf32, #tpu.memory_space<vmem>>
          %dma_start3A_273 = tpu.memref_squeeze %dma_start3A_272 : memref<1x8x128xf32, #tpu.memory_space<vmem>> -> memref<8x128xf32, #tpu.memory_space<vmem>>
          %dma_start3A_274 = arith.constant 0 : i32
          %dma_start3A_275 = arith.constant 0 : i32
          %dma_start3A_276 = tpu.memref_slice %arg3[%add3A_249, %dma_start3A_274, %dma_start3A_275] : memref<52x8x128xf32, #tpu.memory_space<hbm>> -> memref<1x8x128xf32, #tpu.memory_space<hbm>>
          %dma_start3A_277 = tpu.memref_squeeze %dma_start3A_276 : memref<1x8x128xf32, #tpu.memory_space<hbm>> -> memref<8x128xf32, #tpu.memory_space<hbm>>
          %dma_start3A_278 = arith.constant 0 : i32
          %dma_start3A_279 = arith.constant 0 : i32
          %dma_start3A_280 = tpu.memref_slice %arg6[%run_scoped3A_250, %dma_start3A_278, %dma_start3A_279] : memref<2x8x128xf32, #tpu.memory_space<vmem>> -> memref<1x8x128xf32, #tpu.memory_space<vmem>>
          %dma_start3A_281 = tpu.memref_squeeze %dma_start3A_280 : memref<1x8x128xf32, #tpu.memory_space<vmem>> -> memref<8x128xf32, #tpu.memory_space<vmem>>
          %dma_start3A_282 = arith.constant 0 : i32
          %dma_start3A_283 = arith.constant 0 : i32
          %dma_start3A_284 = tpu.memref_slice %arg3[%add3A_249, %dma_start3A_282, %dma_start3A_283] : memref<52x8x128xf32, #tpu.memory_space<hbm>> -> memref<1x8x128xf32, #tpu.memory_space<hbm>>
          %dma_start3A_285 = tpu.memref_squeeze %dma_start3A_284 : memref<1x8x128xf32, #tpu.memory_space<hbm>> -> memref<8x128xf32, #tpu.memory_space<hbm>>
          tpu.enqueue_dma source(%dma_start3A_285 : memref<8x128xf32, #tpu.memory_space<hbm>>) target(%dma_start3A_281 : memref<8x128xf32, #tpu.memory_space<vmem>>) target_semaphore(%run_scoped3A_269 : memref<!tpu.dma_semaphore, #tpu.memory_space<semaphore_mem>>)
          %dma_wait3A_286 = arith.constant 0 : i32
          %dma_wait3A_287 = arith.constant 0 : i32
          %dma_wait3A_288 = tpu.memref_slice %arg6[%run_scoped3A_250, %dma_wait3A_286, %dma_wait3A_287] : memref<2x8x128xf32, #tpu.memory_space<vmem>> -> memref<1x8x128xf32, #tpu.memory_space<vmem>>
          %dma_wait3A_289 = tpu.memref_squeeze %dma_wait3A_288 : memref<1x8x128xf32, #tpu.memory_space<vmem>> -> memref<8x128xf32, #tpu.memory_space<vmem>>
          %dma_wait3A_290 = arith.constant 0 : i32
          %dma_wait3A_291 = arith.constant 0 : i32
          %dma_wait3A_292 = tpu.memref_slice %arg3[%add3A_249, %dma_wait3A_290, %dma_wait3A_291] : memref<52x8x128xf32, #tpu.memory_space<hbm>> -> memref<1x8x128xf32, #tpu.memory_space<hbm>>
          %dma_wait3A_293 = tpu.memref_squeeze %dma_wait3A_292 : memref<1x8x128xf32, #tpu.memory_space<hbm>> -> memref<8x128xf32, #tpu.memory_space<hbm>>
          %dma_wait3A_294 = arith.constant 0 : i32
          %dma_wait3A_295 = arith.constant 0 : i32
          %dma_wait3A_296 = tpu.memref_slice %arg6[%run_scoped3A_250, %dma_wait3A_294, %dma_wait3A_295] : memref<2x8x128xf32, #tpu.memory_space<vmem>> -> memref<1x8x128xf32, #tpu.memory_space<vmem>>
          %dma_wait3A_297 = tpu.memref_squeeze %dma_wait3A_296 : memref<1x8x128xf32, #tpu.memory_space<vmem>> -> memref<8x128xf32, #tpu.memory_space<vmem>>
          %dma_wait3A_298 = arith.constant 0 : i32
          %dma_wait3A_299 = arith.constant 0 : i32
          %dma_wait3A_300 = tpu.memref_slice %arg3[%add3A_249, %dma_wait3A_298, %dma_wait3A_299] : memref<52x8x128xf32, #tpu.memory_space<hbm>> -> memref<1x8x128xf32, #tpu.memory_space<hbm>>
          %dma_wait3A_301 = tpu.memref_squeeze %dma_wait3A_300 : memref<1x8x128xf32, #tpu.memory_space<hbm>> -> memref<8x128xf32, #tpu.memory_space<hbm>>
          tpu.wait_dma2 semaphore(%run_scoped3A_269 : memref<!tpu.dma_semaphore, #tpu.memory_space<semaphore_mem>>) src(%dma_wait3A_301 : memref<8x128xf32, #tpu.memory_space<hbm>>) dst(%dma_wait3A_297 : memref<8x128xf32, #tpu.memory_space<vmem>>)
          tpu.yield
        }) : () -> ()
        %scan3A_251 = arith.constant 0 : i32
        %scan3A_252 = arith.constant 0 : i32
        %scan3A_253 = arith.constant 2 : i32
        %scan3A_254 = arith.addi %scan3A_252, %scan3A_253 : i32
        %scan3A_255 = arith.constant 1 : i32
        scf.for %scan3A_269 = %scan3A_252 to %scan3A_254 step %scan3A_255  : i32 {
          %mul3A_270 = arith.constant 16 : i32
          %mul3A_271 = arith.muli %scan3A_269, %mul3A_270 : i32
          %add3A_272 = vector.broadcast %mul3A_271 : i32 to vector<16xi32>
          %add3A_273 = arith.addi %add3A_272, %iota3A : vector<16xi32>
          %add3A_274 = arith.constant 0 : i32
          %add3A_275 = vector.broadcast %add3A_274 : i32 to vector<16xi32>
          %add3A_276 = arith.addi %add3A_275, %add3A_273 : vector<16xi32>
          %add3A_277 = arith.constant 640 : i32
          %add3A_278 = vector.broadcast %add3A_277 : i32 to vector<16xi32>
          %add3A_279 = arith.addi %add3A_278, %add3A_273 : vector<16xi32>
          %shift_right_arithmetic3A = arith.constant 3 : i32
          %shift_right_arithmetic3A_280 = vector.broadcast %shift_right_arithmetic3A : i32 to vector<16xi32>
          %shift_right_arithmetic3A_281 = arith.shrsi %add3A_279, %shift_right_arithmetic3A_280 : vector<16xi32>
          %shift_left3A = arith.constant 7 : i32
          %shift_left3A_282 = vector.broadcast %shift_left3A : i32 to vector<16xi32>
          %shift_left3A_283 = arith.shli %shift_right_arithmetic3A_281, %shift_left3A_282 : vector<16xi32>
          %and3A_284 = arith.constant 7 : i32
          %and3A_285 = vector.broadcast %and3A_284 : i32 to vector<16xi32>
          %and3A_286 = arith.andi %add3A_279, %and3A_285 : vector<16xi32>
          %shift_left3A_287 = arith.constant 4 : i32
          %shift_left3A_288 = vector.broadcast %shift_left3A_287 : i32 to vector<16xi32>
          %shift_left3A_289 = arith.shli %and3A_286, %shift_left3A_288 : vector<16xi32>
          %add3A_290 = arith.addi %shift_left3A_283, %shift_left3A_289 : vector<16xi32>
          %gather3A = arith.constant 0 : i32
          %gather3A_291 = arith.constant 0 : i32
          %gather3A_292 = tpu.memref_slice %arg6[%while3A_79, %gather3A, %gather3A_291] : memref<2x8x128xf32, #tpu.memory_space<vmem>> -> memref<1x8x128xf32, #tpu.memory_space<vmem>>
          %gather3A_293 = tpu.memref_squeeze %gather3A_292 : memref<1x8x128xf32, #tpu.memory_space<vmem>> -> memref<8x128xf32, #tpu.memory_space<vmem>>
          %gather3A_294 = tpu.vector_load_idx %gather3A_293[%broadcast_in_dim3A_47, %add3A_276] : memref<8x128xf32, #tpu.memory_space<vmem>>[vector<16xi32>, vector<16xi32>], vector<16xf32>,
          %add3A_295 = arith.constant 0 : i32
          %add3A_296 = vector.broadcast %add3A_295 : i32 to vector<16xi32>
          %add3A_297 = arith.addi %add3A_290, %add3A_296 : vector<16xi32>
          tpu.vector_store_idx %arg7[%add3A_297], %gather3A_294 : memref<16384xf32, #tpu.memory_space<vmem>>[vector<16xi32>], vector<16xf32>,
          %gather3A_298 = arith.constant 0 : i32
          %gather3A_299 = arith.constant 0 : i32
          %gather3A_300 = tpu.memref_slice %arg6[%while3A_79, %gather3A_298, %gather3A_299] : memref<2x8x128xf32, #tpu.memory_space<vmem>> -> memref<1x8x128xf32, #tpu.memory_space<vmem>>
          %gather3A_301 = tpu.memref_squeeze %gather3A_300 : memref<1x8x128xf32, #tpu.memory_space<vmem>> -> memref<8x128xf32, #tpu.memory_space<vmem>>
          %gather3A_302 = tpu.vector_load_idx %gather3A_301[%broadcast_in_dim3A_49, %add3A_276] : memref<8x128xf32, #tpu.memory_space<vmem>>[vector<16xi32>, vector<16xi32>], vector<16xf32>,
          %add3A_303 = arith.constant 1 : i32
          %add3A_304 = vector.broadcast %add3A_303 : i32 to vector<16xi32>
          %add3A_305 = arith.addi %add3A_290, %add3A_304 : vector<16xi32>
          tpu.vector_store_idx %arg7[%add3A_305], %gather3A_302 : memref<16384xf32, #tpu.memory_space<vmem>>[vector<16xi32>], vector<16xf32>,
          %gather3A_306 = arith.constant 0 : i32
          %gather3A_307 = arith.constant 0 : i32
          %gather3A_308 = tpu.memref_slice %arg6[%while3A_79, %gather3A_306, %gather3A_307] : memref<2x8x128xf32, #tpu.memory_space<vmem>> -> memref<1x8x128xf32, #tpu.memory_space<vmem>>
          %gather3A_309 = tpu.memref_squeeze %gather3A_308 : memref<1x8x128xf32, #tpu.memory_space<vmem>> -> memref<8x128xf32, #tpu.memory_space<vmem>>
          %gather3A_310 = tpu.vector_load_idx %gather3A_309[%broadcast_in_dim3A_51, %add3A_276] : memref<8x128xf32, #tpu.memory_space<vmem>>[vector<16xi32>, vector<16xi32>], vector<16xf32>,
          %add3A_311 = arith.constant 2 : i32
          %add3A_312 = vector.broadcast %add3A_311 : i32 to vector<16xi32>
          %add3A_313 = arith.addi %add3A_290, %add3A_312 : vector<16xi32>
          tpu.vector_store_idx %arg7[%add3A_313], %gather3A_310 : memref<16384xf32, #tpu.memory_space<vmem>>[vector<16xi32>], vector<16xf32>,
          %gather3A_314 = arith.constant 0 : i32
          %gather3A_315 = arith.constant 0 : i32
          %gather3A_316 = tpu.memref_slice %arg6[%while3A_79, %gather3A_314, %gather3A_315] : memref<2x8x128xf32, #tpu.memory_space<vmem>> -> memref<1x8x128xf32, #tpu.memory_space<vmem>>
          %gather3A_317 = tpu.memref_squeeze %gather3A_316 : memref<1x8x128xf32, #tpu.memory_space<vmem>> -> memref<8x128xf32, #tpu.memory_space<vmem>>
          %gather3A_318 = tpu.vector_load_idx %gather3A_317[%broadcast_in_dim3A_53, %add3A_276] : memref<8x128xf32, #tpu.memory_space<vmem>>[vector<16xi32>, vector<16xi32>], vector<16xf32>,
          %add3A_319 = arith.constant 3 : i32
          %add3A_320 = vector.broadcast %add3A_319 : i32 to vector<16xi32>
          %add3A_321 = arith.addi %add3A_290, %add3A_320 : vector<16xi32>
          tpu.vector_store_idx %arg7[%add3A_321], %gather3A_318 : memref<16384xf32, #tpu.memory_space<vmem>>[vector<16xi32>], vector<16xf32>,
          %gather3A_322 = arith.constant 0 : i32
          %gather3A_323 = arith.constant 0 : i32
          %gather3A_324 = tpu.memref_slice %arg6[%while3A_79, %gather3A_322, %gather3A_323] : memref<2x8x128xf32, #tpu.memory_space<vmem>> -> memref<1x8x128xf32, #tpu.memory_space<vmem>>
          %gather3A_325 = tpu.memref_squeeze %gather3A_324 : memref<1x8x128xf32, #tpu.memory_space<vmem>> -> memref<8x128xf32, #tpu.memory_space<vmem>>
          %gather3A_326 = tpu.vector_load_idx %gather3A_325[%broadcast_in_dim3A_55, %add3A_276] : memref<8x128xf32, #tpu.memory_space<vmem>>[vector<16xi32>, vector<16xi32>], vector<16xf32>,
          %add3A_327 = arith.constant 4 : i32
          %add3A_328 = vector.broadcast %add3A_327 : i32 to vector<16xi32>
          %add3A_329 = arith.addi %add3A_290, %add3A_328 : vector<16xi32>
          tpu.vector_store_idx %arg7[%add3A_329], %gather3A_326 : memref<16384xf32, #tpu.memory_space<vmem>>[vector<16xi32>], vector<16xf32>,
          %gather3A_330 = arith.constant 0 : i32
          %gather3A_331 = arith.constant 0 : i32
          %gather3A_332 = tpu.memref_slice %arg6[%while3A_79, %gather3A_330, %gather3A_331] : memref<2x8x128xf32, #tpu.memory_space<vmem>> -> memref<1x8x128xf32, #tpu.memory_space<vmem>>
          %gather3A_333 = tpu.memref_squeeze %gather3A_332 : memref<1x8x128xf32, #tpu.memory_space<vmem>> -> memref<8x128xf32, #tpu.memory_space<vmem>>
          %gather3A_334 = tpu.vector_load_idx %gather3A_333[%broadcast_in_dim3A_57, %add3A_276] : memref<8x128xf32, #tpu.memory_space<vmem>>[vector<16xi32>, vector<16xi32>], vector<16xf32>,
          %add3A_335 = arith.constant 5 : i32
          %add3A_336 = vector.broadcast %add3A_335 : i32 to vector<16xi32>
          %add3A_337 = arith.addi %add3A_290, %add3A_336 : vector<16xi32>
          tpu.vector_store_idx %arg7[%add3A_337], %gather3A_334 : memref<16384xf32, #tpu.memory_space<vmem>>[vector<16xi32>], vector<16xf32>,
          %gather3A_338 = arith.constant 0 : i32
          %gather3A_339 = arith.constant 0 : i32
          %gather3A_340 = tpu.memref_slice %arg6[%while3A_79, %gather3A_338, %gather3A_339] : memref<2x8x128xf32, #tpu.memory_space<vmem>> -> memref<1x8x128xf32, #tpu.memory_space<vmem>>
          %gather3A_341 = tpu.memref_squeeze %gather3A_340 : memref<1x8x128xf32, #tpu.memory_space<vmem>> -> memref<8x128xf32, #tpu.memory_space<vmem>>
          %gather3A_342 = tpu.vector_load_idx %gather3A_341[%broadcast_in_dim3A_59, %add3A_276] : memref<8x128xf32, #tpu.memory_space<vmem>>[vector<16xi32>, vector<16xi32>], vector<16xf32>,
          %add3A_343 = arith.constant 6 : i32
          %add3A_344 = vector.broadcast %add3A_343 : i32 to vector<16xi32>
          %add3A_345 = arith.addi %add3A_290, %add3A_344 : vector<16xi32>
          tpu.vector_store_idx %arg7[%add3A_345], %gather3A_342 : memref<16384xf32, #tpu.memory_space<vmem>>[vector<16xi32>], vector<16xf32>,
          %gather3A_346 = arith.constant 0 : i32
          %gather3A_347 = arith.constant 0 : i32
          %gather3A_348 = tpu.memref_slice %arg6[%while3A_79, %gather3A_346, %gather3A_347] : memref<2x8x128xf32, #tpu.memory_space<vmem>> -> memref<1x8x128xf32, #tpu.memory_space<vmem>>
          %gather3A_349 = tpu.memref_squeeze %gather3A_348 : memref<1x8x128xf32, #tpu.memory_space<vmem>> -> memref<8x128xf32, #tpu.memory_space<vmem>>
          %gather3A_350 = tpu.vector_load_idx %gather3A_349[%broadcast_in_dim3A_61, %add3A_276] : memref<8x128xf32, #tpu.memory_space<vmem>>[vector<16xi32>, vector<16xi32>], vector<16xf32>,
          %add3A_351 = arith.constant 7 : i32
          %add3A_352 = vector.broadcast %add3A_351 : i32 to vector<16xi32>
          %add3A_353 = arith.addi %add3A_290, %add3A_352 : vector<16xi32>
          tpu.vector_store_idx %arg7[%add3A_353], %gather3A_350 : memref<16384xf32, #tpu.memory_space<vmem>>[vector<16xi32>], vector<16xf32>,
          %gather3A_354 = arith.constant 0 : i32
          %gather3A_355 = arith.constant 0 : i32
          %gather3A_356 = tpu.memref_slice %arg6[%while3A_80, %gather3A_354, %gather3A_355] : memref<2x8x128xf32, #tpu.memory_space<vmem>> -> memref<1x8x128xf32, #tpu.memory_space<vmem>>
          %gather3A_357 = tpu.memref_squeeze %gather3A_356 : memref<1x8x128xf32, #tpu.memory_space<vmem>> -> memref<8x128xf32, #tpu.memory_space<vmem>>
          %gather3A_358 = tpu.vector_load_idx %gather3A_357[%broadcast_in_dim3A_63, %add3A_276] : memref<8x128xf32, #tpu.memory_space<vmem>>[vector<16xi32>, vector<16xi32>], vector<16xf32>,
          %add3A_359 = arith.constant 8 : i32
          %add3A_360 = vector.broadcast %add3A_359 : i32 to vector<16xi32>
          %add3A_361 = arith.addi %add3A_290, %add3A_360 : vector<16xi32>
          tpu.vector_store_idx %arg7[%add3A_361], %gather3A_358 : memref<16384xf32, #tpu.memory_space<vmem>>[vector<16xi32>], vector<16xf32>,
          %gather3A_362 = arith.constant 0 : i32
          %gather3A_363 = arith.constant 0 : i32
          %gather3A_364 = tpu.memref_slice %arg6[%while3A_80, %gather3A_362, %gather3A_363] : memref<2x8x128xf32, #tpu.memory_space<vmem>> -> memref<1x8x128xf32, #tpu.memory_space<vmem>>
          %gather3A_365 = tpu.memref_squeeze %gather3A_364 : memref<1x8x128xf32, #tpu.memory_space<vmem>> -> memref<8x128xf32, #tpu.memory_space<vmem>>
          %gather3A_366 = tpu.vector_load_idx %gather3A_365[%broadcast_in_dim3A_65, %add3A_276] : memref<8x128xf32, #tpu.memory_space<vmem>>[vector<16xi32>, vector<16xi32>], vector<16xf32>,
          %add3A_367 = arith.constant 9 : i32
          %add3A_368 = vector.broadcast %add3A_367 : i32 to vector<16xi32>
          %add3A_369 = arith.addi %add3A_290, %add3A_368 : vector<16xi32>
          tpu.vector_store_idx %arg7[%add3A_369], %gather3A_366 : memref<16384xf32, #tpu.memory_space<vmem>>[vector<16xi32>], vector<16xf32>,
          %gather3A_370 = arith.constant 0 : i32
          %gather3A_371 = arith.constant 0 : i32
          %gather3A_372 = tpu.memref_slice %arg6[%while3A_80, %gather3A_370, %gather3A_371] : memref<2x8x128xf32, #tpu.memory_space<vmem>> -> memref<1x8x128xf32, #tpu.memory_space<vmem>>
          %gather3A_373 = tpu.memref_squeeze %gather3A_372 : memref<1x8x128xf32, #tpu.memory_space<vmem>> -> memref<8x128xf32, #tpu.memory_space<vmem>>
          %gather3A_374 = tpu.vector_load_idx %gather3A_373[%broadcast_in_dim3A_67, %add3A_276] : memref<8x128xf32, #tpu.memory_space<vmem>>[vector<16xi32>, vector<16xi32>], vector<16xf32>,
          %add3A_375 = arith.constant 10 : i32
          %add3A_376 = vector.broadcast %add3A_375 : i32 to vector<16xi32>
          %add3A_377 = arith.addi %add3A_290, %add3A_376 : vector<16xi32>
          tpu.vector_store_idx %arg7[%add3A_377], %gather3A_374 : memref<16384xf32, #tpu.memory_space<vmem>>[vector<16xi32>], vector<16xf32>,
          %gather3A_378 = arith.constant 0 : i32
          %gather3A_379 = arith.constant 0 : i32
          %gather3A_380 = tpu.memref_slice %arg6[%while3A_80, %gather3A_378, %gather3A_379] : memref<2x8x128xf32, #tpu.memory_space<vmem>> -> memref<1x8x128xf32, #tpu.memory_space<vmem>>
          %gather3A_381 = tpu.memref_squeeze %gather3A_380 : memref<1x8x128xf32, #tpu.memory_space<vmem>> -> memref<8x128xf32, #tpu.memory_space<vmem>>
          %gather3A_382 = tpu.vector_load_idx %gather3A_381[%broadcast_in_dim3A_69, %add3A_276] : memref<8x128xf32, #tpu.memory_space<vmem>>[vector<16xi32>, vector<16xi32>], vector<16xf32>,
          %add3A_383 = arith.constant 11 : i32
          %add3A_384 = vector.broadcast %add3A_383 : i32 to vector<16xi32>
          %add3A_385 = arith.addi %add3A_290, %add3A_384 : vector<16xi32>
          tpu.vector_store_idx %arg7[%add3A_385], %gather3A_382 : memref<16384xf32, #tpu.memory_space<vmem>>[vector<16xi32>], vector<16xf32>,
          %gather3A_386 = arith.constant 0 : i32
          %gather3A_387 = arith.constant 0 : i32
          %gather3A_388 = tpu.memref_slice %arg6[%while3A_80, %gather3A_386, %gather3A_387] : memref<2x8x128xf32, #tpu.memory_space<vmem>> -> memref<1x8x128xf32, #tpu.memory_space<vmem>>
          %gather3A_389 = tpu.memref_squeeze %gather3A_388 : memref<1x8x128xf32, #tpu.memory_space<vmem>> -> memref<8x128xf32, #tpu.memory_space<vmem>>
          %gather3A_390 = tpu.vector_load_idx %gather3A_389[%broadcast_in_dim3A_71, %add3A_276] : memref<8x128xf32, #tpu.memory_space<vmem>>[vector<16xi32>, vector<16xi32>], vector<16xf32>,
          %add3A_391 = arith.constant 12 : i32
          %add3A_392 = vector.broadcast %add3A_391 : i32 to vector<16xi32>
          %add3A_393 = arith.addi %add3A_290, %add3A_392 : vector<16xi32>
          tpu.vector_store_idx %arg7[%add3A_393], %gather3A_390 : memref<16384xf32, #tpu.memory_space<vmem>>[vector<16xi32>], vector<16xf32>,
          %gather3A_394 = arith.constant 0 : i32
          %gather3A_395 = arith.constant 0 : i32
          %gather3A_396 = tpu.memref_slice %arg6[%while3A_80, %gather3A_394, %gather3A_395] : memref<2x8x128xf32, #tpu.memory_space<vmem>> -> memref<1x8x128xf32, #tpu.memory_space<vmem>>
          %gather3A_397 = tpu.memref_squeeze %gather3A_396 : memref<1x8x128xf32, #tpu.memory_space<vmem>> -> memref<8x128xf32, #tpu.memory_space<vmem>>
          %gather3A_398 = tpu.vector_load_idx %gather3A_397[%broadcast_in_dim3A_73, %add3A_276] : memref<8x128xf32, #tpu.memory_space<vmem>>[vector<16xi32>, vector<16xi32>], vector<16xf32>,
          %add3A_399 = arith.constant 13 : i32
          %add3A_400 = vector.broadcast %add3A_399 : i32 to vector<16xi32>
          %add3A_401 = arith.addi %add3A_290, %add3A_400 : vector<16xi32>
          tpu.vector_store_idx %arg7[%add3A_401], %gather3A_398 : memref<16384xf32, #tpu.memory_space<vmem>>[vector<16xi32>], vector<16xf32>,
          %gather3A_402 = arith.constant 0 : i32
          %gather3A_403 = arith.constant 0 : i32
          %gather3A_404 = tpu.memref_slice %arg6[%while3A_80, %gather3A_402, %gather3A_403] : memref<2x8x128xf32, #tpu.memory_space<vmem>> -> memref<1x8x128xf32, #tpu.memory_space<vmem>>
          %gather3A_405 = tpu.memref_squeeze %gather3A_404 : memref<1x8x128xf32, #tpu.memory_space<vmem>> -> memref<8x128xf32, #tpu.memory_space<vmem>>
          %gather3A_406 = tpu.vector_load_idx %gather3A_405[%broadcast_in_dim3A_75, %add3A_276] : memref<8x128xf32, #tpu.memory_space<vmem>>[vector<16xi32>, vector<16xi32>], vector<16xf32>,
          %add3A_407 = arith.constant 14 : i32
          %add3A_408 = vector.broadcast %add3A_407 : i32 to vector<16xi32>
          %add3A_409 = arith.addi %add3A_290, %add3A_408 : vector<16xi32>
          tpu.vector_store_idx %arg7[%add3A_409], %gather3A_406 : memref<16384xf32, #tpu.memory_space<vmem>>[vector<16xi32>], vector<16xf32>,
          %gather3A_410 = arith.constant 0 : i32
          %gather3A_411 = arith.constant 0 : i32
          %gather3A_412 = tpu.memref_slice %arg6[%while3A_80, %gather3A_410, %gather3A_411] : memref<2x8x128xf32, #tpu.memory_space<vmem>> -> memref<1x8x128xf32, #tpu.memory_space<vmem>>
          %gather3A_413 = tpu.memref_squeeze %gather3A_412 : memref<1x8x128xf32, #tpu.memory_space<vmem>> -> memref<8x128xf32, #tpu.memory_space<vmem>>
          %gather3A_414 = tpu.vector_load_idx %gather3A_413[%broadcast_in_dim3A_77, %add3A_276] : memref<8x128xf32, #tpu.memory_space<vmem>>[vector<16xi32>, vector<16xi32>], vector<16xf32>,
          %add3A_415 = arith.constant 15 : i32
          %add3A_416 = vector.broadcast %add3A_415 : i32 to vector<16xi32>
          %add3A_417 = arith.addi %add3A_290, %add3A_416 : vector<16xi32>
          tpu.vector_store_idx %arg7[%add3A_417], %gather3A_414 : memref<16384xf32, #tpu.memory_space<vmem>>[vector<16xi32>], vector<16xf32>,
        }
        %scan3A_256 = arith.constant 2 : i32
        %mul3A_257 = arith.constant 12504 : i32
        %mul3A_258 = arith.muli %select_n3A_126, %mul3A_257 : i32
        %mul3A_259 = arith.constant 8 : i32
        %mul3A_260 = arith.muli %mul3A_258, %mul3A_259 : i32
        %add3A_261 = arith.addi %mul3A_260, %multiple_of3A_149 : i32
        %add3A_262 = arith.constant 1024 : i32
        %add3A_263 = arith.addi %add3A_261, %add3A_262 : i32
        %mul3A_264 = arith.constant 16 : i32
        %mul3A_265 = arith.muli %add3A_263, %mul3A_264 : i32
        %multiple_of3A_266 = tpu.assume_multiple %mul3A_265, 1024 : i32
        "tpu.region"() ({
          %run_scoped3A_269 = tpu.sem_alloc : memref<!tpu.dma_semaphore, #tpu.memory_space<semaphore_mem>>
          %dma_start3A_270 = arith.constant 0 : i32
          %dma_start3A_271 = tpu.memref_slice %arg7[%dma_start3A_270] : memref<16384xf32, #tpu.memory_space<vmem>> -> memref<11264xf32, #tpu.memory_space<vmem>>
          %dma_start3A_272 = tpu.memref_slice %arg4[%multiple_of3A_266] : memref<41613312xf32, #tpu.memory_space<hbm>> -> memref<11264xf32, #tpu.memory_space<hbm>>
          %dma_start3A_273 = tpu.memref_slice %arg4[%multiple_of3A_266] : memref<41613312xf32, #tpu.memory_space<hbm>> -> memref<11264xf32, #tpu.memory_space<hbm>>
          %dma_start3A_274 = arith.constant 0 : i32
          %dma_start3A_275 = tpu.memref_slice %arg7[%dma_start3A_274] : memref<16384xf32, #tpu.memory_space<vmem>> -> memref<11264xf32, #tpu.memory_space<vmem>>
          tpu.enqueue_dma source(%dma_start3A_275 : memref<11264xf32, #tpu.memory_space<vmem>>) target(%dma_start3A_273 : memref<11264xf32, #tpu.memory_space<hbm>>) target_semaphore(%run_scoped3A_269 : memref<!tpu.dma_semaphore, #tpu.memory_space<semaphore_mem>>)
          %dma_wait3A_276 = arith.constant 0 : i32
          %dma_wait3A_277 = tpu.memref_slice %arg7[%dma_wait3A_276] : memref<16384xf32, #tpu.memory_space<vmem>> -> memref<11264xf32, #tpu.memory_space<vmem>>
          %dma_wait3A_278 = tpu.memref_slice %arg4[%multiple_of3A_266] : memref<41613312xf32, #tpu.memory_space<hbm>> -> memref<11264xf32, #tpu.memory_space<hbm>>
          %dma_wait3A_279 = tpu.memref_slice %arg4[%multiple_of3A_266] : memref<41613312xf32, #tpu.memory_space<hbm>> -> memref<11264xf32, #tpu.memory_space<hbm>>
          %dma_wait3A_280 = arith.constant 0 : i32
          %dma_wait3A_281 = tpu.memref_slice %arg7[%dma_wait3A_280] : memref<16384xf32, #tpu.memory_space<vmem>> -> memref<11264xf32, #tpu.memory_space<vmem>>
          tpu.wait_dma2 semaphore(%run_scoped3A_269 : memref<!tpu.dma_semaphore, #tpu.memory_space<semaphore_mem>>) src(%dma_wait3A_281 : memref<11264xf32, #tpu.memory_space<vmem>>) dst(%dma_wait3A_279 : memref<11264xf32, #tpu.memory_space<hbm>>)
          tpu.yield
        }) : () -> ()
        %mul3A_267 = arith.constant 0 : i32
        %mul3A_268 = arith.muli %while3A_101, %mul3A_267 : i32
        scf.yield %mul3A_268, %while3A_102 : i32, i32
      } else {
        %multiple_of3A = tpu.assume_multiple %mul3A_144, 1024 : i32
        %mul3A_149 = arith.constant 2 : i32
        %mul3A_150 = arith.muli %mul3A_149, %select_n3A_126 : i32
        %dma_start3A = arith.constant 0 : i32
        %dma_start3A_151 = arith.constant 0 : i32
        %dma_start3A_152 = arith.constant 0 : i32
        %dma_start3A_153 = tpu.memref_slice %arg5[%dma_start3A, %dma_start3A_151, %dma_start3A_152] : memref<2x8x4096xf32, #tpu.memory_space<vmem>> -> memref<1x8x4096xf32, #tpu.memory_space<vmem>>
        %dma_start3A_154 = tpu.memref_squeeze %dma_start3A_153 : memref<1x8x4096xf32, #tpu.memory_space<vmem>> -> memref<8x4096xf32, #tpu.memory_space<vmem>>
        %dma_start3A_155 = arith.constant 0 : i32
        %dma_start3A_156 = tpu.memref_slice %arg2[%mul3A_150, %dma_start3A_155, %multiple_of3A] : memref<52x8x100000xf32, #tpu.memory_space<hbm>> -> memref<1x8x4096xf32, #tpu.memory_space<hbm>>
        %dma_start3A_157 = tpu.memref_squeeze %dma_start3A_156 : memref<1x8x4096xf32, #tpu.memory_space<hbm>> -> memref<8x4096xf32, #tpu.memory_space<hbm>>
        %dma_start3A_158 = arith.constant 0 : i32
        %dma_start3A_159 = arith.constant 0 : i32
        %dma_start3A_160 = tpu.memref_slice %arg5[%dma_start3A, %dma_start3A_158, %dma_start3A_159] : memref<2x8x4096xf32, #tpu.memory_space<vmem>> -> memref<1x8x4096xf32, #tpu.memory_space<vmem>>
        %dma_start3A_161 = tpu.memref_squeeze %dma_start3A_160 : memref<1x8x4096xf32, #tpu.memory_space<vmem>> -> memref<8x4096xf32, #tpu.memory_space<vmem>>
        %dma_start3A_162 = arith.constant 0 : i32
        %dma_start3A_163 = tpu.memref_slice %arg2[%mul3A_150, %dma_start3A_162, %multiple_of3A] : memref<52x8x100000xf32, #tpu.memory_space<hbm>> -> memref<1x8x4096xf32, #tpu.memory_space<hbm>>
        %dma_start3A_164 = tpu.memref_squeeze %dma_start3A_163 : memref<1x8x4096xf32, #tpu.memory_space<hbm>> -> memref<8x4096xf32, #tpu.memory_space<hbm>>
        tpu.enqueue_dma source(%dma_start3A_164 : memref<8x4096xf32, #tpu.memory_space<hbm>>) target(%dma_start3A_161 : memref<8x4096xf32, #tpu.memory_space<vmem>>) target_semaphore(%arg9 : memref<!tpu.dma_semaphore, #tpu.memory_space<semaphore_mem>>)
        %mul3A_165 = arith.constant 2 : i32
        %mul3A_166 = arith.muli %mul3A_165, %select_n3A_126 : i32
        %add3A_167 = arith.constant 1 : i32
        %add3A_168 = arith.addi %mul3A_166, %add3A_167 : i32
        %dma_start3A_169 = arith.constant 1 : i32
        %dma_start3A_170 = arith.constant 0 : i32
        %dma_start3A_171 = arith.constant 0 : i32
        %dma_start3A_172 = tpu.memref_slice %arg5[%dma_start3A_169, %dma_start3A_170, %dma_start3A_171] : memref<2x8x4096xf32, #tpu.memory_space<vmem>> -> memref<1x8x4096xf32, #tpu.memory_space<vmem>>
        %dma_start3A_173 = tpu.memref_squeeze %dma_start3A_172 : memref<1x8x4096xf32, #tpu.memory_space<vmem>> -> memref<8x4096xf32, #tpu.memory_space<vmem>>
        %dma_start3A_174 = arith.constant 0 : i32
        %dma_start3A_175 = tpu.memref_slice %arg2[%add3A_168, %dma_start3A_174, %multiple_of3A] : memref<52x8x100000xf32, #tpu.memory_space<hbm>> -> memref<1x8x4096xf32, #tpu.memory_space<hbm>>
        %dma_start3A_176 = tpu.memref_squeeze %dma_start3A_175 : memref<1x8x4096xf32, #tpu.memory_space<hbm>> -> memref<8x4096xf32, #tpu.memory_space<hbm>>
        %dma_start3A_177 = arith.constant 0 : i32
        %dma_start3A_178 = arith.constant 0 : i32
        %dma_start3A_179 = tpu.memref_slice %arg5[%dma_start3A_169, %dma_start3A_177, %dma_start3A_178] : memref<2x8x4096xf32, #tpu.memory_space<vmem>> -> memref<1x8x4096xf32, #tpu.memory_space<vmem>>
        %dma_start3A_180 = tpu.memref_squeeze %dma_start3A_179 : memref<1x8x4096xf32, #tpu.memory_space<vmem>> -> memref<8x4096xf32, #tpu.memory_space<vmem>>
        %dma_start3A_181 = arith.constant 0 : i32
        %dma_start3A_182 = tpu.memref_slice %arg2[%add3A_168, %dma_start3A_181, %multiple_of3A] : memref<52x8x100000xf32, #tpu.memory_space<hbm>> -> memref<1x8x4096xf32, #tpu.memory_space<hbm>>
        %dma_start3A_183 = tpu.memref_squeeze %dma_start3A_182 : memref<1x8x4096xf32, #tpu.memory_space<hbm>> -> memref<8x4096xf32, #tpu.memory_space<hbm>>
        tpu.enqueue_dma source(%dma_start3A_183 : memref<8x4096xf32, #tpu.memory_space<hbm>>) target(%dma_start3A_180 : memref<8x4096xf32, #tpu.memory_space<vmem>>) target_semaphore(%arg9 : memref<!tpu.dma_semaphore, #tpu.memory_space<semaphore_mem>>)
        %mul3A_184 = arith.constant 2 : i32
        %mul3A_185 = arith.muli %mul3A_184, %select_n3A_126 : i32
        %dma_wait3A = arith.constant 0 : i32
        %dma_wait3A_186 = arith.constant 0 : i32
        %dma_wait3A_187 = arith.constant 0 : i32
        %dma_wait3A_188 = tpu.memref_slice %arg5[%dma_wait3A, %dma_wait3A_186, %dma_wait3A_187] : memref<2x8x4096xf32, #tpu.memory_space<vmem>> -> memref<1x8x4096xf32, #tpu.memory_space<vmem>>
        %dma_wait3A_189 = tpu.memref_squeeze %dma_wait3A_188 : memref<1x8x4096xf32, #tpu.memory_space<vmem>> -> memref<8x4096xf32, #tpu.memory_space<vmem>>
        %dma_wait3A_190 = arith.constant 0 : i32
        %dma_wait3A_191 = tpu.memref_slice %arg2[%mul3A_185, %dma_wait3A_190, %multiple_of3A] : memref<52x8x100000xf32, #tpu.memory_space<hbm>> -> memref<1x8x4096xf32, #tpu.memory_space<hbm>>
        %dma_wait3A_192 = tpu.memref_squeeze %dma_wait3A_191 : memref<1x8x4096xf32, #tpu.memory_space<hbm>> -> memref<8x4096xf32, #tpu.memory_space<hbm>>
        %dma_wait3A_193 = arith.constant 0 : i32
        %dma_wait3A_194 = arith.constant 0 : i32
        %dma_wait3A_195 = tpu.memref_slice %arg5[%dma_wait3A, %dma_wait3A_193, %dma_wait3A_194] : memref<2x8x4096xf32, #tpu.memory_space<vmem>> -> memref<1x8x4096xf32, #tpu.memory_space<vmem>>
        %dma_wait3A_196 = tpu.memref_squeeze %dma_wait3A_195 : memref<1x8x4096xf32, #tpu.memory_space<vmem>> -> memref<8x4096xf32, #tpu.memory_space<vmem>>
        %dma_wait3A_197 = arith.constant 0 : i32
        %dma_wait3A_198 = tpu.memref_slice %arg2[%mul3A_185, %dma_wait3A_197, %multiple_of3A] : memref<52x8x100000xf32, #tpu.memory_space<hbm>> -> memref<1x8x4096xf32, #tpu.memory_space<hbm>>
        %dma_wait3A_199 = tpu.memref_squeeze %dma_wait3A_198 : memref<1x8x4096xf32, #tpu.memory_space<hbm>> -> memref<8x4096xf32, #tpu.memory_space<hbm>>
        tpu.wait_dma2 semaphore(%arg9 : memref<!tpu.dma_semaphore, #tpu.memory_space<semaphore_mem>>) src(%dma_wait3A_199 : memref<8x4096xf32, #tpu.memory_space<hbm>>) dst(%dma_wait3A_196 : memref<8x4096xf32, #tpu.memory_space<vmem>>)
        %mul3A_200 = arith.constant 2 : i32
        %mul3A_201 = arith.muli %mul3A_200, %select_n3A_126 : i32
        %add3A_202 = arith.constant 1 : i32
        %add3A_203 = arith.addi %mul3A_201, %add3A_202 : i32
        %dma_wait3A_204 = arith.constant 1 : i32
        %dma_wait3A_205 = arith.constant 0 : i32
        %dma_wait3A_206 = arith.constant 0 : i32
        %dma_wait3A_207 = tpu.memref_slice %arg5[%dma_wait3A_204, %dma_wait3A_205, %dma_wait3A_206] : memref<2x8x4096xf32, #tpu.memory_space<vmem>> -> memref<1x8x4096xf32, #tpu.memory_space<vmem>>
        %dma_wait3A_208 = tpu.memref_squeeze %dma_wait3A_207 : memref<1x8x4096xf32, #tpu.memory_space<vmem>> -> memref<8x4096xf32, #tpu.memory_space<vmem>>
        %dma_wait3A_209 = arith.constant 0 : i32
        %dma_wait3A_210 = tpu.memref_slice %arg2[%add3A_203, %dma_wait3A_209, %multiple_of3A] : memref<52x8x100000xf32, #tpu.memory_space<hbm>> -> memref<1x8x4096xf32, #tpu.memory_space<hbm>>
        %dma_wait3A_211 = tpu.memref_squeeze %dma_wait3A_210 : memref<1x8x4096xf32, #tpu.memory_space<hbm>> -> memref<8x4096xf32, #tpu.memory_space<hbm>>
        %dma_wait3A_212 = arith.constant 0 : i32
        %dma_wait3A_213 = arith.constant 0 : i32
        %dma_wait3A_214 = tpu.memref_slice %arg5[%dma_wait3A_204, %dma_wait3A_212, %dma_wait3A_213] : memref<2x8x4096xf32, #tpu.memory_space<vmem>> -> memref<1x8x4096xf32, #tpu.memory_space<vmem>>
        %dma_wait3A_215 = tpu.memref_squeeze %dma_wait3A_214 : memref<1x8x4096xf32, #tpu.memory_space<vmem>> -> memref<8x4096xf32, #tpu.memory_space<vmem>>
        %dma_wait3A_216 = arith.constant 0 : i32
        %dma_wait3A_217 = tpu.memref_slice %arg2[%add3A_203, %dma_wait3A_216, %multiple_of3A] : memref<52x8x100000xf32, #tpu.memory_space<hbm>> -> memref<1x8x4096xf32, #tpu.memory_space<hbm>>
        %dma_wait3A_218 = tpu.memref_squeeze %dma_wait3A_217 : memref<1x8x4096xf32, #tpu.memory_space<hbm>> -> memref<8x4096xf32, #tpu.memory_space<hbm>>
        tpu.wait_dma2 semaphore(%arg9 : memref<!tpu.dma_semaphore, #tpu.memory_space<semaphore_mem>>) src(%dma_wait3A_218 : memref<8x4096xf32, #tpu.memory_space<hbm>>) dst(%dma_wait3A_215 : memref<8x4096xf32, #tpu.memory_space<vmem>>)
        %ge3A_219 = arith.constant 1 : i32
        %ge3A_220 = arith.cmpi sge, %while3A_101, %ge3A_219 : i32
        %convert_element_type3A_221 = arith.extui %ge3A_220 : i1 to i32
        %cond3A_222 = arith.constant 0 : i32
        %cond3A_223 = arith.cmpi ne, %convert_element_type3A_221, %cond3A_222 : i32
        scf.if %cond3A_223 {
          %dma_wait3A_318 = arith.constant 0 : i32
          %dma_wait3A_319 = tpu.memref_slice %arg4[%dma_wait3A_318] : memref<41613312xf32, #tpu.memory_space<hbm>> -> memref<16384xf32, #tpu.memory_space<hbm>>
          %dma_wait3A_320 = arith.constant 0 : i32
          %dma_wait3A_321 = tpu.memref_slice %arg4[%dma_wait3A_320] : memref<41613312xf32, #tpu.memory_space<hbm>> -> memref<16384xf32, #tpu.memory_space<hbm>>
          tpu.wait_dma2 semaphore(%arg10 : memref<!tpu.dma_semaphore, #tpu.memory_space<semaphore_mem>>) src(%arg7 : memref<16384xf32, #tpu.memory_space<vmem>>) dst(%dma_wait3A_321 : memref<16384xf32, #tpu.memory_space<hbm>>)
        } else {
        }
        %scan3A = arith.constant 0 : i32
        %scan3A_224 = arith.constant 0 : i32
        %scan3A_225 = arith.constant 64 : i32
        %scan3A_226 = arith.addi %scan3A_224, %scan3A_225 : i32
        %scan3A_227 = arith.constant 1 : i32
        scf.for %scan3A_318 = %scan3A_224 to %scan3A_226 step %scan3A_227  : i32 {
          %mul3A_319 = arith.constant 16 : i32
          %mul3A_320 = arith.muli %scan3A_318, %mul3A_319 : i32
          %add3A_321 = vector.broadcast %mul3A_320 : i32 to vector<16xi32>
          %add3A_322 = arith.addi %add3A_321, %iota3A : vector<16xi32>
          %add3A_323 = arith.constant 0 : i32
          %add3A_324 = vector.broadcast %add3A_323 : i32 to vector<16xi32>
          %add3A_325 = arith.addi %add3A_324, %add3A_322 : vector<16xi32>
          %add3A_326 = arith.constant 0 : i32
          %add3A_327 = vector.broadcast %add3A_326 : i32 to vector<16xi32>
          %add3A_328 = arith.addi %add3A_327, %add3A_322 : vector<16xi32>
          %shift_right_arithmetic3A = arith.constant 3 : i32
          %shift_right_arithmetic3A_329 = vector.broadcast %shift_right_arithmetic3A : i32 to vector<16xi32>
          %shift_right_arithmetic3A_330 = arith.shrsi %add3A_328, %shift_right_arithmetic3A_329 : vector<16xi32>
          %shift_left3A = arith.constant 7 : i32
          %shift_left3A_331 = vector.broadcast %shift_left3A : i32 to vector<16xi32>
          %shift_left3A_332 = arith.shli %shift_right_arithmetic3A_330, %shift_left3A_331 : vector<16xi32>
          %and3A_333 = arith.constant 7 : i32
          %and3A_334 = vector.broadcast %and3A_333 : i32 to vector<16xi32>
          %and3A_335 = arith.andi %add3A_328, %and3A_334 : vector<16xi32>
          %shift_left3A_336 = arith.constant 4 : i32
          %shift_left3A_337 = vector.broadcast %shift_left3A_336 : i32 to vector<16xi32>
          %shift_left3A_338 = arith.shli %and3A_335, %shift_left3A_337 : vector<16xi32>
          %add3A_339 = arith.addi %shift_left3A_332, %shift_left3A_338 : vector<16xi32>
          %gather3A = arith.constant 0 : i32
          %gather3A_340 = arith.constant 0 : i32
          %gather3A_341 = tpu.memref_slice %arg5[%while3A, %gather3A, %gather3A_340] : memref<2x8x4096xf32, #tpu.memory_space<vmem>> -> memref<1x8x4096xf32, #tpu.memory_space<vmem>>
          %gather3A_342 = tpu.memref_squeeze %gather3A_341 : memref<1x8x4096xf32, #tpu.memory_space<vmem>> -> memref<8x4096xf32, #tpu.memory_space<vmem>>
          %gather3A_343 = tpu.vector_load_idx %gather3A_342[%broadcast_in_dim3A_47, %add3A_325] : memref<8x4096xf32, #tpu.memory_space<vmem>>[vector<16xi32>, vector<16xi32>], vector<16xf32>,
          %add3A_344 = arith.constant 0 : i32
          %add3A_345 = vector.broadcast %add3A_344 : i32 to vector<16xi32>
          %add3A_346 = arith.addi %add3A_339, %add3A_345 : vector<16xi32>
          tpu.vector_store_idx %arg7[%add3A_346], %gather3A_343 : memref<16384xf32, #tpu.memory_space<vmem>>[vector<16xi32>], vector<16xf32>,
          %gather3A_347 = arith.constant 0 : i32
          %gather3A_348 = arith.constant 0 : i32
          %gather3A_349 = tpu.memref_slice %arg5[%while3A, %gather3A_347, %gather3A_348] : memref<2x8x4096xf32, #tpu.memory_space<vmem>> -> memref<1x8x4096xf32, #tpu.memory_space<vmem>>
          %gather3A_350 = tpu.memref_squeeze %gather3A_349 : memref<1x8x4096xf32, #tpu.memory_space<vmem>> -> memref<8x4096xf32, #tpu.memory_space<vmem>>
          %gather3A_351 = tpu.vector_load_idx %gather3A_350[%broadcast_in_dim3A_49, %add3A_325] : memref<8x4096xf32, #tpu.memory_space<vmem>>[vector<16xi32>, vector<16xi32>], vector<16xf32>,
          %add3A_352 = arith.constant 1 : i32
          %add3A_353 = vector.broadcast %add3A_352 : i32 to vector<16xi32>
          %add3A_354 = arith.addi %add3A_339, %add3A_353 : vector<16xi32>
          tpu.vector_store_idx %arg7[%add3A_354], %gather3A_351 : memref<16384xf32, #tpu.memory_space<vmem>>[vector<16xi32>], vector<16xf32>,
          %gather3A_355 = arith.constant 0 : i32
          %gather3A_356 = arith.constant 0 : i32
          %gather3A_357 = tpu.memref_slice %arg5[%while3A, %gather3A_355, %gather3A_356] : memref<2x8x4096xf32, #tpu.memory_space<vmem>> -> memref<1x8x4096xf32, #tpu.memory_space<vmem>>
          %gather3A_358 = tpu.memref_squeeze %gather3A_357 : memref<1x8x4096xf32, #tpu.memory_space<vmem>> -> memref<8x4096xf32, #tpu.memory_space<vmem>>
          %gather3A_359 = tpu.vector_load_idx %gather3A_358[%broadcast_in_dim3A_51, %add3A_325] : memref<8x4096xf32, #tpu.memory_space<vmem>>[vector<16xi32>, vector<16xi32>], vector<16xf32>,
          %add3A_360 = arith.constant 2 : i32
          %add3A_361 = vector.broadcast %add3A_360 : i32 to vector<16xi32>
          %add3A_362 = arith.addi %add3A_339, %add3A_361 : vector<16xi32>
          tpu.vector_store_idx %arg7[%add3A_362], %gather3A_359 : memref<16384xf32, #tpu.memory_space<vmem>>[vector<16xi32>], vector<16xf32>,
          %gather3A_363 = arith.constant 0 : i32
          %gather3A_364 = arith.constant 0 : i32
          %gather3A_365 = tpu.memref_slice %arg5[%while3A, %gather3A_363, %gather3A_364] : memref<2x8x4096xf32, #tpu.memory_space<vmem>> -> memref<1x8x4096xf32, #tpu.memory_space<vmem>>
          %gather3A_366 = tpu.memref_squeeze %gather3A_365 : memref<1x8x4096xf32, #tpu.memory_space<vmem>> -> memref<8x4096xf32, #tpu.memory_space<vmem>>
          %gather3A_367 = tpu.vector_load_idx %gather3A_366[%broadcast_in_dim3A_53, %add3A_325] : memref<8x4096xf32, #tpu.memory_space<vmem>>[vector<16xi32>, vector<16xi32>], vector<16xf32>,
          %add3A_368 = arith.constant 3 : i32
          %add3A_369 = vector.broadcast %add3A_368 : i32 to vector<16xi32>
          %add3A_370 = arith.addi %add3A_339, %add3A_369 : vector<16xi32>
          tpu.vector_store_idx %arg7[%add3A_370], %gather3A_367 : memref<16384xf32, #tpu.memory_space<vmem>>[vector<16xi32>], vector<16xf32>,
          %gather3A_371 = arith.constant 0 : i32
          %gather3A_372 = arith.constant 0 : i32
          %gather3A_373 = tpu.memref_slice %arg5[%while3A, %gather3A_371, %gather3A_372] : memref<2x8x4096xf32, #tpu.memory_space<vmem>> -> memref<1x8x4096xf32, #tpu.memory_space<vmem>>
          %gather3A_374 = tpu.memref_squeeze %gather3A_373 : memref<1x8x4096xf32, #tpu.memory_space<vmem>> -> memref<8x4096xf32, #tpu.memory_space<vmem>>
          %gather3A_375 = tpu.vector_load_idx %gather3A_374[%broadcast_in_dim3A_55, %add3A_325] : memref<8x4096xf32, #tpu.memory_space<vmem>>[vector<16xi32>, vector<16xi32>], vector<16xf32>,
          %add3A_376 = arith.constant 4 : i32
          %add3A_377 = vector.broadcast %add3A_376 : i32 to vector<16xi32>
          %add3A_378 = arith.addi %add3A_339, %add3A_377 : vector<16xi32>
          tpu.vector_store_idx %arg7[%add3A_378], %gather3A_375 : memref<16384xf32, #tpu.memory_space<vmem>>[vector<16xi32>], vector<16xf32>,
          %gather3A_379 = arith.constant 0 : i32
          %gather3A_380 = arith.constant 0 : i32
          %gather3A_381 = tpu.memref_slice %arg5[%while3A, %gather3A_379, %gather3A_380] : memref<2x8x4096xf32, #tpu.memory_space<vmem>> -> memref<1x8x4096xf32, #tpu.memory_space<vmem>>
          %gather3A_382 = tpu.memref_squeeze %gather3A_381 : memref<1x8x4096xf32, #tpu.memory_space<vmem>> -> memref<8x4096xf32, #tpu.memory_space<vmem>>
          %gather3A_383 = tpu.vector_load_idx %gather3A_382[%broadcast_in_dim3A_57, %add3A_325] : memref<8x4096xf32, #tpu.memory_space<vmem>>[vector<16xi32>, vector<16xi32>], vector<16xf32>,
          %add3A_384 = arith.constant 5 : i32
          %add3A_385 = vector.broadcast %add3A_384 : i32 to vector<16xi32>
          %add3A_386 = arith.addi %add3A_339, %add3A_385 : vector<16xi32>
          tpu.vector_store_idx %arg7[%add3A_386], %gather3A_383 : memref<16384xf32, #tpu.memory_space<vmem>>[vector<16xi32>], vector<16xf32>,
          %gather3A_387 = arith.constant 0 : i32
          %gather3A_388 = arith.constant 0 : i32
          %gather3A_389 = tpu.memref_slice %arg5[%while3A, %gather3A_387, %gather3A_388] : memref<2x8x4096xf32, #tpu.memory_space<vmem>> -> memref<1x8x4096xf32, #tpu.memory_space<vmem>>
          %gather3A_390 = tpu.memref_squeeze %gather3A_389 : memref<1x8x4096xf32, #tpu.memory_space<vmem>> -> memref<8x4096xf32, #tpu.memory_space<vmem>>
          %gather3A_391 = tpu.vector_load_idx %gather3A_390[%broadcast_in_dim3A_59, %add3A_325] : memref<8x4096xf32, #tpu.memory_space<vmem>>[vector<16xi32>, vector<16xi32>], vector<16xf32>,
          %add3A_392 = arith.constant 6 : i32
          %add3A_393 = vector.broadcast %add3A_392 : i32 to vector<16xi32>
          %add3A_394 = arith.addi %add3A_339, %add3A_393 : vector<16xi32>
          tpu.vector_store_idx %arg7[%add3A_394], %gather3A_391 : memref<16384xf32, #tpu.memory_space<vmem>>[vector<16xi32>], vector<16xf32>,
          %gather3A_395 = arith.constant 0 : i32
          %gather3A_396 = arith.constant 0 : i32
          %gather3A_397 = tpu.memref_slice %arg5[%while3A, %gather3A_395, %gather3A_396] : memref<2x8x4096xf32, #tpu.memory_space<vmem>> -> memref<1x8x4096xf32, #tpu.memory_space<vmem>>
          %gather3A_398 = tpu.memref_squeeze %gather3A_397 : memref<1x8x4096xf32, #tpu.memory_space<vmem>> -> memref<8x4096xf32, #tpu.memory_space<vmem>>
          %gather3A_399 = tpu.vector_load_idx %gather3A_398[%broadcast_in_dim3A_61, %add3A_325] : memref<8x4096xf32, #tpu.memory_space<vmem>>[vector<16xi32>, vector<16xi32>], vector<16xf32>,
          %add3A_400 = arith.constant 7 : i32
          %add3A_401 = vector.broadcast %add3A_400 : i32 to vector<16xi32>
          %add3A_402 = arith.addi %add3A_339, %add3A_401 : vector<16xi32>
          tpu.vector_store_idx %arg7[%add3A_402], %gather3A_399 : memref<16384xf32, #tpu.memory_space<vmem>>[vector<16xi32>], vector<16xf32>,
          %gather3A_403 = arith.constant 0 : i32
          %gather3A_404 = arith.constant 0 : i32
          %gather3A_405 = tpu.memref_slice %arg5[%while3A_78, %gather3A_403, %gather3A_404] : memref<2x8x4096xf32, #tpu.memory_space<vmem>> -> memref<1x8x4096xf32, #tpu.memory_space<vmem>>
          %gather3A_406 = tpu.memref_squeeze %gather3A_405 : memref<1x8x4096xf32, #tpu.memory_space<vmem>> -> memref<8x4096xf32, #tpu.memory_space<vmem>>
          %gather3A_407 = tpu.vector_load_idx %gather3A_406[%broadcast_in_dim3A_63, %add3A_325] : memref<8x4096xf32, #tpu.memory_space<vmem>>[vector<16xi32>, vector<16xi32>], vector<16xf32>,
          %add3A_408 = arith.constant 8 : i32
          %add3A_409 = vector.broadcast %add3A_408 : i32 to vector<16xi32>
          %add3A_410 = arith.addi %add3A_339, %add3A_409 : vector<16xi32>
          tpu.vector_store_idx %arg7[%add3A_410], %gather3A_407 : memref<16384xf32, #tpu.memory_space<vmem>>[vector<16xi32>], vector<16xf32>,
          %gather3A_411 = arith.constant 0 : i32
          %gather3A_412 = arith.constant 0 : i32
          %gather3A_413 = tpu.memref_slice %arg5[%while3A_78, %gather3A_411, %gather3A_412] : memref<2x8x4096xf32, #tpu.memory_space<vmem>> -> memref<1x8x4096xf32, #tpu.memory_space<vmem>>
          %gather3A_414 = tpu.memref_squeeze %gather3A_413 : memref<1x8x4096xf32, #tpu.memory_space<vmem>> -> memref<8x4096xf32, #tpu.memory_space<vmem>>
          %gather3A_415 = tpu.vector_load_idx %gather3A_414[%broadcast_in_dim3A_65, %add3A_325] : memref<8x4096xf32, #tpu.memory_space<vmem>>[vector<16xi32>, vector<16xi32>], vector<16xf32>,
          %add3A_416 = arith.constant 9 : i32
          %add3A_417 = vector.broadcast %add3A_416 : i32 to vector<16xi32>
          %add3A_418 = arith.addi %add3A_339, %add3A_417 : vector<16xi32>
          tpu.vector_store_idx %arg7[%add3A_418], %gather3A_415 : memref<16384xf32, #tpu.memory_space<vmem>>[vector<16xi32>], vector<16xf32>,
          %gather3A_419 = arith.constant 0 : i32
          %gather3A_420 = arith.constant 0 : i32
          %gather3A_421 = tpu.memref_slice %arg5[%while3A_78, %gather3A_419, %gather3A_420] : memref<2x8x4096xf32, #tpu.memory_space<vmem>> -> memref<1x8x4096xf32, #tpu.memory_space<vmem>>
          %gather3A_422 = tpu.memref_squeeze %gather3A_421 : memref<1x8x4096xf32, #tpu.memory_space<vmem>> -> memref<8x4096xf32, #tpu.memory_space<vmem>>
          %gather3A_423 = tpu.vector_load_idx %gather3A_422[%broadcast_in_dim3A_67, %add3A_325] : memref<8x4096xf32, #tpu.memory_space<vmem>>[vector<16xi32>, vector<16xi32>], vector<16xf32>,
          %add3A_424 = arith.constant 10 : i32
          %add3A_425 = vector.broadcast %add3A_424 : i32 to vector<16xi32>
          %add3A_426 = arith.addi %add3A_339, %add3A_425 : vector<16xi32>
          tpu.vector_store_idx %arg7[%add3A_426], %gather3A_423 : memref<16384xf32, #tpu.memory_space<vmem>>[vector<16xi32>], vector<16xf32>,
          %gather3A_427 = arith.constant 0 : i32
          %gather3A_428 = arith.constant 0 : i32
          %gather3A_429 = tpu.memref_slice %arg5[%while3A_78, %gather3A_427, %gather3A_428] : memref<2x8x4096xf32, #tpu.memory_space<vmem>> -> memref<1x8x4096xf32, #tpu.memory_space<vmem>>
          %gather3A_430 = tpu.memref_squeeze %gather3A_429 : memref<1x8x4096xf32, #tpu.memory_space<vmem>> -> memref<8x4096xf32, #tpu.memory_space<vmem>>
          %gather3A_431 = tpu.vector_load_idx %gather3A_430[%broadcast_in_dim3A_69, %add3A_325] : memref<8x4096xf32, #tpu.memory_space<vmem>>[vector<16xi32>, vector<16xi32>], vector<16xf32>,
          %add3A_432 = arith.constant 11 : i32
          %add3A_433 = vector.broadcast %add3A_432 : i32 to vector<16xi32>
          %add3A_434 = arith.addi %add3A_339, %add3A_433 : vector<16xi32>
          tpu.vector_store_idx %arg7[%add3A_434], %gather3A_431 : memref<16384xf32, #tpu.memory_space<vmem>>[vector<16xi32>], vector<16xf32>,
          %gather3A_435 = arith.constant 0 : i32
          %gather3A_436 = arith.constant 0 : i32
          %gather3A_437 = tpu.memref_slice %arg5[%while3A_78, %gather3A_435, %gather3A_436] : memref<2x8x4096xf32, #tpu.memory_space<vmem>> -> memref<1x8x4096xf32, #tpu.memory_space<vmem>>
          %gather3A_438 = tpu.memref_squeeze %gather3A_437 : memref<1x8x4096xf32, #tpu.memory_space<vmem>> -> memref<8x4096xf32, #tpu.memory_space<vmem>>
          %gather3A_439 = tpu.vector_load_idx %gather3A_438[%broadcast_in_dim3A_71, %add3A_325] : memref<8x4096xf32, #tpu.memory_space<vmem>>[vector<16xi32>, vector<16xi32>], vector<16xf32>,
          %add3A_440 = arith.constant 12 : i32
          %add3A_441 = vector.broadcast %add3A_440 : i32 to vector<16xi32>
          %add3A_442 = arith.addi %add3A_339, %add3A_441 : vector<16xi32>
          tpu.vector_store_idx %arg7[%add3A_442], %gather3A_439 : memref<16384xf32, #tpu.memory_space<vmem>>[vector<16xi32>], vector<16xf32>,
          %gather3A_443 = arith.constant 0 : i32
          %gather3A_444 = arith.constant 0 : i32
          %gather3A_445 = tpu.memref_slice %arg5[%while3A_78, %gather3A_443, %gather3A_444] : memref<2x8x4096xf32, #tpu.memory_space<vmem>> -> memref<1x8x4096xf32, #tpu.memory_space<vmem>>
          %gather3A_446 = tpu.memref_squeeze %gather3A_445 : memref<1x8x4096xf32, #tpu.memory_space<vmem>> -> memref<8x4096xf32, #tpu.memory_space<vmem>>
          %gather3A_447 = tpu.vector_load_idx %gather3A_446[%broadcast_in_dim3A_73, %add3A_325] : memref<8x4096xf32, #tpu.memory_space<vmem>>[vector<16xi32>, vector<16xi32>], vector<16xf32>,
          %add3A_448 = arith.constant 13 : i32
          %add3A_449 = vector.broadcast %add3A_448 : i32 to vector<16xi32>
          %add3A_450 = arith.addi %add3A_339, %add3A_449 : vector<16xi32>
          tpu.vector_store_idx %arg7[%add3A_450], %gather3A_447 : memref<16384xf32, #tpu.memory_space<vmem>>[vector<16xi32>], vector<16xf32>,
          %gather3A_451 = arith.constant 0 : i32
          %gather3A_452 = arith.constant 0 : i32
          %gather3A_453 = tpu.memref_slice %arg5[%while3A_78, %gather3A_451, %gather3A_452] : memref<2x8x4096xf32, #tpu.memory_space<vmem>> -> memref<1x8x4096xf32, #tpu.memory_space<vmem>>
          %gather3A_454 = tpu.memref_squeeze %gather3A_453 : memref<1x8x4096xf32, #tpu.memory_space<vmem>> -> memref<8x4096xf32, #tpu.memory_space<vmem>>
          %gather3A_455 = tpu.vector_load_idx %gather3A_454[%broadcast_in_dim3A_75, %add3A_325] : memref<8x4096xf32, #tpu.memory_space<vmem>>[vector<16xi32>, vector<16xi32>], vector<16xf32>,
          %add3A_456 = arith.constant 14 : i32
          %add3A_457 = vector.broadcast %add3A_456 : i32 to vector<16xi32>
          %add3A_458 = arith.addi %add3A_339, %add3A_457 : vector<16xi32>
          tpu.vector_store_idx %arg7[%add3A_458], %gather3A_455 : memref<16384xf32, #tpu.memory_space<vmem>>[vector<16xi32>], vector<16xf32>,
          %gather3A_459 = arith.constant 0 : i32
          %gather3A_460 = arith.constant 0 : i32
          %gather3A_461 = tpu.memref_slice %arg5[%while3A_78, %gather3A_459, %gather3A_460] : memref<2x8x4096xf32, #tpu.memory_space<vmem>> -> memref<1x8x4096xf32, #tpu.memory_space<vmem>>
          %gather3A_462 = tpu.memref_squeeze %gather3A_461 : memref<1x8x4096xf32, #tpu.memory_space<vmem>> -> memref<8x4096xf32, #tpu.memory_space<vmem>>
          %gather3A_463 = tpu.vector_load_idx %gather3A_462[%broadcast_in_dim3A_77, %add3A_325] : memref<8x4096xf32, #tpu.memory_space<vmem>>[vector<16xi32>, vector<16xi32>], vector<16xf32>,
          %add3A_464 = arith.constant 15 : i32
          %add3A_465 = vector.broadcast %add3A_464 : i32 to vector<16xi32>
          %add3A_466 = arith.addi %add3A_339, %add3A_465 : vector<16xi32>
          tpu.vector_store_idx %arg7[%add3A_466], %gather3A_463 : memref<16384xf32, #tpu.memory_space<vmem>>[vector<16xi32>], vector<16xf32>,
        }
        %scan3A_228 = arith.constant 64 : i32
        %mul3A_229 = arith.constant 12504 : i32
        %mul3A_230 = arith.muli %select_n3A_126, %mul3A_229 : i32
        %mul3A_231 = arith.constant 8 : i32
        %mul3A_232 = arith.muli %mul3A_230, %mul3A_231 : i32
        %add3A_233 = arith.addi %mul3A_232, %multiple_of3A : i32
        %add3A_234 = arith.constant 0 : i32
        %add3A_235 = arith.addi %add3A_233, %add3A_234 : i32
        %mul3A_236 = arith.constant 16 : i32
        %mul3A_237 = arith.muli %add3A_235, %mul3A_236 : i32
        %multiple_of3A_238 = tpu.assume_multiple %mul3A_237, 1024 : i32
        %dma_start3A_239 = tpu.memref_slice %arg4[%multiple_of3A_238] : memref<41613312xf32, #tpu.memory_space<hbm>> -> memref<16384xf32, #tpu.memory_space<hbm>>
        %dma_start3A_240 = tpu.memref_slice %arg4[%multiple_of3A_238] : memref<41613312xf32, #tpu.memory_space<hbm>> -> memref<16384xf32, #tpu.memory_space<hbm>>
        tpu.enqueue_dma source(%arg7 : memref<16384xf32, #tpu.memory_space<vmem>>) target(%dma_start3A_240 : memref<16384xf32, #tpu.memory_space<hbm>>) target_semaphore(%arg10 : memref<!tpu.dma_semaphore, #tpu.memory_space<semaphore_mem>>)
        %add3A_241 = arith.constant 1 : i32
        %add3A_242 = arith.addi %while3A_101, %add3A_241 : i32
        %ge3A_243 = arith.constant 1 : i32
        %ge3A_244 = arith.cmpi sge, %while3A_102, %ge3A_243 : i32
        %convert_element_type3A_245 = arith.extui %ge3A_244 : i1 to i32
        %cond3A_246 = arith.constant 0 : i32
        %cond3A_247 = arith.cmpi ne, %convert_element_type3A_245, %cond3A_246 : i32
        scf.if %cond3A_247 {
          %dma_wait3A_318 = arith.constant 0 : i32
          %dma_wait3A_319 = tpu.memref_slice %arg4[%dma_wait3A_318] : memref<41613312xf32, #tpu.memory_space<hbm>> -> memref<16384xf32, #tpu.memory_space<hbm>>
          %dma_wait3A_320 = arith.constant 0 : i32
          %dma_wait3A_321 = tpu.memref_slice %arg4[%dma_wait3A_320] : memref<41613312xf32, #tpu.memory_space<hbm>> -> memref<16384xf32, #tpu.memory_space<hbm>>
          tpu.wait_dma2 semaphore(%arg11 : memref<!tpu.dma_semaphore, #tpu.memory_space<semaphore_mem>>) src(%arg8 : memref<16384xf32, #tpu.memory_space<vmem>>) dst(%dma_wait3A_321 : memref<16384xf32, #tpu.memory_space<hbm>>)
        } else {
        }
        %scan3A_248 = arith.constant 0 : i32
        %scan3A_249 = arith.constant 0 : i32
        %scan3A_250 = arith.constant 64 : i32
        %scan3A_251 = arith.addi %scan3A_249, %scan3A_250 : i32
        %scan3A_252 = arith.constant 1 : i32
        scf.for %scan3A_318 = %scan3A_249 to %scan3A_251 step %scan3A_252  : i32 {
          %mul3A_319 = arith.constant 16 : i32
          %mul3A_320 = arith.muli %scan3A_318, %mul3A_319 : i32
          %add3A_321 = vector.broadcast %mul3A_320 : i32 to vector<16xi32>
          %add3A_322 = arith.addi %add3A_321, %iota3A : vector<16xi32>
          %add3A_323 = arith.constant 1024 : i32
          %add3A_324 = vector.broadcast %add3A_323 : i32 to vector<16xi32>
          %add3A_325 = arith.addi %add3A_324, %add3A_322 : vector<16xi32>
          %add3A_326 = arith.constant 0 : i32
          %add3A_327 = vector.broadcast %add3A_326 : i32 to vector<16xi32>
          %add3A_328 = arith.addi %add3A_327, %add3A_322 : vector<16xi32>
          %shift_right_arithmetic3A = arith.constant 3 : i32
          %shift_right_arithmetic3A_329 = vector.broadcast %shift_right_arithmetic3A : i32 to vector<16xi32>
          %shift_right_arithmetic3A_330 = arith.shrsi %add3A_328, %shift_right_arithmetic3A_329 : vector<16xi32>
          %shift_left3A = arith.constant 7 : i32
          %shift_left3A_331 = vector.broadcast %shift_left3A : i32 to vector<16xi32>
          %shift_left3A_332 = arith.shli %shift_right_arithmetic3A_330, %shift_left3A_331 : vector<16xi32>
          %and3A_333 = arith.constant 7 : i32
          %and3A_334 = vector.broadcast %and3A_333 : i32 to vector<16xi32>
          %and3A_335 = arith.andi %add3A_328, %and3A_334 : vector<16xi32>
          %shift_left3A_336 = arith.constant 4 : i32
          %shift_left3A_337 = vector.broadcast %shift_left3A_336 : i32 to vector<16xi32>
          %shift_left3A_338 = arith.shli %and3A_335, %shift_left3A_337 : vector<16xi32>
          %add3A_339 = arith.addi %shift_left3A_332, %shift_left3A_338 : vector<16xi32>
          %gather3A = arith.constant 0 : i32
          %gather3A_340 = arith.constant 0 : i32
          %gather3A_341 = tpu.memref_slice %arg5[%while3A, %gather3A, %gather3A_340] : memref<2x8x4096xf32, #tpu.memory_space<vmem>> -> memref<1x8x4096xf32, #tpu.memory_space<vmem>>
          %gather3A_342 = tpu.memref_squeeze %gather3A_341 : memref<1x8x4096xf32, #tpu.memory_space<vmem>> -> memref<8x4096xf32, #tpu.memory_space<vmem>>
          %gather3A_343 = tpu.vector_load_idx %gather3A_342[%broadcast_in_dim3A_47, %add3A_325] : memref<8x4096xf32, #tpu.memory_space<vmem>>[vector<16xi32>, vector<16xi32>], vector<16xf32>,
          %add3A_344 = arith.constant 0 : i32
          %add3A_345 = vector.broadcast %add3A_344 : i32 to vector<16xi32>
          %add3A_346 = arith.addi %add3A_339, %add3A_345 : vector<16xi32>
          tpu.vector_store_idx %arg8[%add3A_346], %gather3A_343 : memref<16384xf32, #tpu.memory_space<vmem>>[vector<16xi32>], vector<16xf32>,
          %gather3A_347 = arith.constant 0 : i32
          %gather3A_348 = arith.constant 0 : i32
          %gather3A_349 = tpu.memref_slice %arg5[%while3A, %gather3A_347, %gather3A_348] : memref<2x8x4096xf32, #tpu.memory_space<vmem>> -> memref<1x8x4096xf32, #tpu.memory_space<vmem>>
          %gather3A_350 = tpu.memref_squeeze %gather3A_349 : memref<1x8x4096xf32, #tpu.memory_space<vmem>> -> memref<8x4096xf32, #tpu.memory_space<vmem>>
          %gather3A_351 = tpu.vector_load_idx %gather3A_350[%broadcast_in_dim3A_49, %add3A_325] : memref<8x4096xf32, #tpu.memory_space<vmem>>[vector<16xi32>, vector<16xi32>], vector<16xf32>,
          %add3A_352 = arith.constant 1 : i32
          %add3A_353 = vector.broadcast %add3A_352 : i32 to vector<16xi32>
          %add3A_354 = arith.addi %add3A_339, %add3A_353 : vector<16xi32>
          tpu.vector_store_idx %arg8[%add3A_354], %gather3A_351 : memref<16384xf32, #tpu.memory_space<vmem>>[vector<16xi32>], vector<16xf32>,
          %gather3A_355 = arith.constant 0 : i32
          %gather3A_356 = arith.constant 0 : i32
          %gather3A_357 = tpu.memref_slice %arg5[%while3A, %gather3A_355, %gather3A_356] : memref<2x8x4096xf32, #tpu.memory_space<vmem>> -> memref<1x8x4096xf32, #tpu.memory_space<vmem>>
          %gather3A_358 = tpu.memref_squeeze %gather3A_357 : memref<1x8x4096xf32, #tpu.memory_space<vmem>> -> memref<8x4096xf32, #tpu.memory_space<vmem>>
          %gather3A_359 = tpu.vector_load_idx %gather3A_358[%broadcast_in_dim3A_51, %add3A_325] : memref<8x4096xf32, #tpu.memory_space<vmem>>[vector<16xi32>, vector<16xi32>], vector<16xf32>,
          %add3A_360 = arith.constant 2 : i32
          %add3A_361 = vector.broadcast %add3A_360 : i32 to vector<16xi32>
          %add3A_362 = arith.addi %add3A_339, %add3A_361 : vector<16xi32>
          tpu.vector_store_idx %arg8[%add3A_362], %gather3A_359 : memref<16384xf32, #tpu.memory_space<vmem>>[vector<16xi32>], vector<16xf32>,
          %gather3A_363 = arith.constant 0 : i32
          %gather3A_364 = arith.constant 0 : i32
          %gather3A_365 = tpu.memref_slice %arg5[%while3A, %gather3A_363, %gather3A_364] : memref<2x8x4096xf32, #tpu.memory_space<vmem>> -> memref<1x8x4096xf32, #tpu.memory_space<vmem>>
          %gather3A_366 = tpu.memref_squeeze %gather3A_365 : memref<1x8x4096xf32, #tpu.memory_space<vmem>> -> memref<8x4096xf32, #tpu.memory_space<vmem>>
          %gather3A_367 = tpu.vector_load_idx %gather3A_366[%broadcast_in_dim3A_53, %add3A_325] : memref<8x4096xf32, #tpu.memory_space<vmem>>[vector<16xi32>, vector<16xi32>], vector<16xf32>,
          %add3A_368 = arith.constant 3 : i32
          %add3A_369 = vector.broadcast %add3A_368 : i32 to vector<16xi32>
          %add3A_370 = arith.addi %add3A_339, %add3A_369 : vector<16xi32>
          tpu.vector_store_idx %arg8[%add3A_370], %gather3A_367 : memref<16384xf32, #tpu.memory_space<vmem>>[vector<16xi32>], vector<16xf32>,
          %gather3A_371 = arith.constant 0 : i32
          %gather3A_372 = arith.constant 0 : i32
          %gather3A_373 = tpu.memref_slice %arg5[%while3A, %gather3A_371, %gather3A_372] : memref<2x8x4096xf32, #tpu.memory_space<vmem>> -> memref<1x8x4096xf32, #tpu.memory_space<vmem>>
          %gather3A_374 = tpu.memref_squeeze %gather3A_373 : memref<1x8x4096xf32, #tpu.memory_space<vmem>> -> memref<8x4096xf32, #tpu.memory_space<vmem>>
          %gather3A_375 = tpu.vector_load_idx %gather3A_374[%broadcast_in_dim3A_55, %add3A_325] : memref<8x4096xf32, #tpu.memory_space<vmem>>[vector<16xi32>, vector<16xi32>], vector<16xf32>,
          %add3A_376 = arith.constant 4 : i32
          %add3A_377 = vector.broadcast %add3A_376 : i32 to vector<16xi32>
          %add3A_378 = arith.addi %add3A_339, %add3A_377 : vector<16xi32>
          tpu.vector_store_idx %arg8[%add3A_378], %gather3A_375 : memref<16384xf32, #tpu.memory_space<vmem>>[vector<16xi32>], vector<16xf32>,
          %gather3A_379 = arith.constant 0 : i32
          %gather3A_380 = arith.constant 0 : i32
          %gather3A_381 = tpu.memref_slice %arg5[%while3A, %gather3A_379, %gather3A_380] : memref<2x8x4096xf32, #tpu.memory_space<vmem>> -> memref<1x8x4096xf32, #tpu.memory_space<vmem>>
          %gather3A_382 = tpu.memref_squeeze %gather3A_381 : memref<1x8x4096xf32, #tpu.memory_space<vmem>> -> memref<8x4096xf32, #tpu.memory_space<vmem>>
          %gather3A_383 = tpu.vector_load_idx %gather3A_382[%broadcast_in_dim3A_57, %add3A_325] : memref<8x4096xf32, #tpu.memory_space<vmem>>[vector<16xi32>, vector<16xi32>], vector<16xf32>,
          %add3A_384 = arith.constant 5 : i32
          %add3A_385 = vector.broadcast %add3A_384 : i32 to vector<16xi32>
          %add3A_386 = arith.addi %add3A_339, %add3A_385 : vector<16xi32>
          tpu.vector_store_idx %arg8[%add3A_386], %gather3A_383 : memref<16384xf32, #tpu.memory_space<vmem>>[vector<16xi32>], vector<16xf32>,
          %gather3A_387 = arith.constant 0 : i32
          %gather3A_388 = arith.constant 0 : i32
          %gather3A_389 = tpu.memref_slice %arg5[%while3A, %gather3A_387, %gather3A_388] : memref<2x8x4096xf32, #tpu.memory_space<vmem>> -> memref<1x8x4096xf32, #tpu.memory_space<vmem>>
          %gather3A_390 = tpu.memref_squeeze %gather3A_389 : memref<1x8x4096xf32, #tpu.memory_space<vmem>> -> memref<8x4096xf32, #tpu.memory_space<vmem>>
          %gather3A_391 = tpu.vector_load_idx %gather3A_390[%broadcast_in_dim3A_59, %add3A_325] : memref<8x4096xf32, #tpu.memory_space<vmem>>[vector<16xi32>, vector<16xi32>], vector<16xf32>,
          %add3A_392 = arith.constant 6 : i32
          %add3A_393 = vector.broadcast %add3A_392 : i32 to vector<16xi32>
          %add3A_394 = arith.addi %add3A_339, %add3A_393 : vector<16xi32>
          tpu.vector_store_idx %arg8[%add3A_394], %gather3A_391 : memref<16384xf32, #tpu.memory_space<vmem>>[vector<16xi32>], vector<16xf32>,
          %gather3A_395 = arith.constant 0 : i32
          %gather3A_396 = arith.constant 0 : i32
          %gather3A_397 = tpu.memref_slice %arg5[%while3A, %gather3A_395, %gather3A_396] : memref<2x8x4096xf32, #tpu.memory_space<vmem>> -> memref<1x8x4096xf32, #tpu.memory_space<vmem>>
          %gather3A_398 = tpu.memref_squeeze %gather3A_397 : memref<1x8x4096xf32, #tpu.memory_space<vmem>> -> memref<8x4096xf32, #tpu.memory_space<vmem>>
          %gather3A_399 = tpu.vector_load_idx %gather3A_398[%broadcast_in_dim3A_61, %add3A_325] : memref<8x4096xf32, #tpu.memory_space<vmem>>[vector<16xi32>, vector<16xi32>], vector<16xf32>,
          %add3A_400 = arith.constant 7 : i32
          %add3A_401 = vector.broadcast %add3A_400 : i32 to vector<16xi32>
          %add3A_402 = arith.addi %add3A_339, %add3A_401 : vector<16xi32>
          tpu.vector_store_idx %arg8[%add3A_402], %gather3A_399 : memref<16384xf32, #tpu.memory_space<vmem>>[vector<16xi32>], vector<16xf32>,
          %gather3A_403 = arith.constant 0 : i32
          %gather3A_404 = arith.constant 0 : i32
          %gather3A_405 = tpu.memref_slice %arg5[%while3A_78, %gather3A_403, %gather3A_404] : memref<2x8x4096xf32, #tpu.memory_space<vmem>> -> memref<1x8x4096xf32, #tpu.memory_space<vmem>>
          %gather3A_406 = tpu.memref_squeeze %gather3A_405 : memref<1x8x4096xf32, #tpu.memory_space<vmem>> -> memref<8x4096xf32, #tpu.memory_space<vmem>>
          %gather3A_407 = tpu.vector_load_idx %gather3A_406[%broadcast_in_dim3A_63, %add3A_325] : memref<8x4096xf32, #tpu.memory_space<vmem>>[vector<16xi32>, vector<16xi32>], vector<16xf32>,
          %add3A_408 = arith.constant 8 : i32
          %add3A_409 = vector.broadcast %add3A_408 : i32 to vector<16xi32>
          %add3A_410 = arith.addi %add3A_339, %add3A_409 : vector<16xi32>
          tpu.vector_store_idx %arg8[%add3A_410], %gather3A_407 : memref<16384xf32, #tpu.memory_space<vmem>>[vector<16xi32>], vector<16xf32>,
          %gather3A_411 = arith.constant 0 : i32
          %gather3A_412 = arith.constant 0 : i32
          %gather3A_413 = tpu.memref_slice %arg5[%while3A_78, %gather3A_411, %gather3A_412] : memref<2x8x4096xf32, #tpu.memory_space<vmem>> -> memref<1x8x4096xf32, #tpu.memory_space<vmem>>
          %gather3A_414 = tpu.memref_squeeze %gather3A_413 : memref<1x8x4096xf32, #tpu.memory_space<vmem>> -> memref<8x4096xf32, #tpu.memory_space<vmem>>
          %gather3A_415 = tpu.vector_load_idx %gather3A_414[%broadcast_in_dim3A_65, %add3A_325] : memref<8x4096xf32, #tpu.memory_space<vmem>>[vector<16xi32>, vector<16xi32>], vector<16xf32>,
          %add3A_416 = arith.constant 9 : i32
          %add3A_417 = vector.broadcast %add3A_416 : i32 to vector<16xi32>
          %add3A_418 = arith.addi %add3A_339, %add3A_417 : vector<16xi32>
          tpu.vector_store_idx %arg8[%add3A_418], %gather3A_415 : memref<16384xf32, #tpu.memory_space<vmem>>[vector<16xi32>], vector<16xf32>,
          %gather3A_419 = arith.constant 0 : i32
          %gather3A_420 = arith.constant 0 : i32
          %gather3A_421 = tpu.memref_slice %arg5[%while3A_78, %gather3A_419, %gather3A_420] : memref<2x8x4096xf32, #tpu.memory_space<vmem>> -> memref<1x8x4096xf32, #tpu.memory_space<vmem>>
          %gather3A_422 = tpu.memref_squeeze %gather3A_421 : memref<1x8x4096xf32, #tpu.memory_space<vmem>> -> memref<8x4096xf32, #tpu.memory_space<vmem>>
          %gather3A_423 = tpu.vector_load_idx %gather3A_422[%broadcast_in_dim3A_67, %add3A_325] : memref<8x4096xf32, #tpu.memory_space<vmem>>[vector<16xi32>, vector<16xi32>], vector<16xf32>,
          %add3A_424 = arith.constant 10 : i32
          %add3A_425 = vector.broadcast %add3A_424 : i32 to vector<16xi32>
          %add3A_426 = arith.addi %add3A_339, %add3A_425 : vector<16xi32>
          tpu.vector_store_idx %arg8[%add3A_426], %gather3A_423 : memref<16384xf32, #tpu.memory_space<vmem>>[vector<16xi32>], vector<16xf32>,
          %gather3A_427 = arith.constant 0 : i32
          %gather3A_428 = arith.constant 0 : i32
          %gather3A_429 = tpu.memref_slice %arg5[%while3A_78, %gather3A_427, %gather3A_428] : memref<2x8x4096xf32, #tpu.memory_space<vmem>> -> memref<1x8x4096xf32, #tpu.memory_space<vmem>>
          %gather3A_430 = tpu.memref_squeeze %gather3A_429 : memref<1x8x4096xf32, #tpu.memory_space<vmem>> -> memref<8x4096xf32, #tpu.memory_space<vmem>>
          %gather3A_431 = tpu.vector_load_idx %gather3A_430[%broadcast_in_dim3A_69, %add3A_325] : memref<8x4096xf32, #tpu.memory_space<vmem>>[vector<16xi32>, vector<16xi32>], vector<16xf32>,
          %add3A_432 = arith.constant 11 : i32
          %add3A_433 = vector.broadcast %add3A_432 : i32 to vector<16xi32>
          %add3A_434 = arith.addi %add3A_339, %add3A_433 : vector<16xi32>
          tpu.vector_store_idx %arg8[%add3A_434], %gather3A_431 : memref<16384xf32, #tpu.memory_space<vmem>>[vector<16xi32>], vector<16xf32>,
          %gather3A_435 = arith.constant 0 : i32
          %gather3A_436 = arith.constant 0 : i32
          %gather3A_437 = tpu.memref_slice %arg5[%while3A_78, %gather3A_435, %gather3A_436] : memref<2x8x4096xf32, #tpu.memory_space<vmem>> -> memref<1x8x4096xf32, #tpu.memory_space<vmem>>
          %gather3A_438 = tpu.memref_squeeze %gather3A_437 : memref<1x8x4096xf32, #tpu.memory_space<vmem>> -> memref<8x4096xf32, #tpu.memory_space<vmem>>
          %gather3A_439 = tpu.vector_load_idx %gather3A_438[%broadcast_in_dim3A_71, %add3A_325] : memref<8x4096xf32, #tpu.memory_space<vmem>>[vector<16xi32>, vector<16xi32>], vector<16xf32>,
          %add3A_440 = arith.constant 12 : i32
          %add3A_441 = vector.broadcast %add3A_440 : i32 to vector<16xi32>
          %add3A_442 = arith.addi %add3A_339, %add3A_441 : vector<16xi32>
          tpu.vector_store_idx %arg8[%add3A_442], %gather3A_439 : memref<16384xf32, #tpu.memory_space<vmem>>[vector<16xi32>], vector<16xf32>,
          %gather3A_443 = arith.constant 0 : i32
          %gather3A_444 = arith.constant 0 : i32
          %gather3A_445 = tpu.memref_slice %arg5[%while3A_78, %gather3A_443, %gather3A_444] : memref<2x8x4096xf32, #tpu.memory_space<vmem>> -> memref<1x8x4096xf32, #tpu.memory_space<vmem>>
          %gather3A_446 = tpu.memref_squeeze %gather3A_445 : memref<1x8x4096xf32, #tpu.memory_space<vmem>> -> memref<8x4096xf32, #tpu.memory_space<vmem>>
          %gather3A_447 = tpu.vector_load_idx %gather3A_446[%broadcast_in_dim3A_73, %add3A_325] : memref<8x4096xf32, #tpu.memory_space<vmem>>[vector<16xi32>, vector<16xi32>], vector<16xf32>,
          %add3A_448 = arith.constant 13 : i32
          %add3A_449 = vector.broadcast %add3A_448 : i32 to vector<16xi32>
          %add3A_450 = arith.addi %add3A_339, %add3A_449 : vector<16xi32>
          tpu.vector_store_idx %arg8[%add3A_450], %gather3A_447 : memref<16384xf32, #tpu.memory_space<vmem>>[vector<16xi32>], vector<16xf32>,
          %gather3A_451 = arith.constant 0 : i32
          %gather3A_452 = arith.constant 0 : i32
          %gather3A_453 = tpu.memref_slice %arg5[%while3A_78, %gather3A_451, %gather3A_452] : memref<2x8x4096xf32, #tpu.memory_space<vmem>> -> memref<1x8x4096xf32, #tpu.memory_space<vmem>>
          %gather3A_454 = tpu.memref_squeeze %gather3A_453 : memref<1x8x4096xf32, #tpu.memory_space<vmem>> -> memref<8x4096xf32, #tpu.memory_space<vmem>>
          %gather3A_455 = tpu.vector_load_idx %gather3A_454[%broadcast_in_dim3A_75, %add3A_325] : memref<8x4096xf32, #tpu.memory_space<vmem>>[vector<16xi32>, vector<16xi32>], vector<16xf32>,
          %add3A_456 = arith.constant 14 : i32
          %add3A_457 = vector.broadcast %add3A_456 : i32 to vector<16xi32>
          %add3A_458 = arith.addi %add3A_339, %add3A_457 : vector<16xi32>
          tpu.vector_store_idx %arg8[%add3A_458], %gather3A_455 : memref<16384xf32, #tpu.memory_space<vmem>>[vector<16xi32>], vector<16xf32>,
          %gather3A_459 = arith.constant 0 : i32
          %gather3A_460 = arith.constant 0 : i32
          %gather3A_461 = tpu.memref_slice %arg5[%while3A_78, %gather3A_459, %gather3A_460] : memref<2x8x4096xf32, #tpu.memory_space<vmem>> -> memref<1x8x4096xf32, #tpu.memory_space<vmem>>
          %gather3A_462 = tpu.memref_squeeze %gather3A_461 : memref<1x8x4096xf32, #tpu.memory_space<vmem>> -> memref<8x4096xf32, #tpu.memory_space<vmem>>
          %gather3A_463 = tpu.vector_load_idx %gather3A_462[%broadcast_in_dim3A_77, %add3A_325] : memref<8x4096xf32, #tpu.memory_space<vmem>>[vector<16xi32>, vector<16xi32>], vector<16xf32>,
          %add3A_464 = arith.constant 15 : i32
          %add3A_465 = vector.broadcast %add3A_464 : i32 to vector<16xi32>
          %add3A_466 = arith.addi %add3A_339, %add3A_465 : vector<16xi32>
          tpu.vector_store_idx %arg8[%add3A_466], %gather3A_463 : memref<16384xf32, #tpu.memory_space<vmem>>[vector<16xi32>], vector<16xf32>,
        }
        %scan3A_253 = arith.constant 64 : i32
        %mul3A_254 = arith.constant 12504 : i32
        %mul3A_255 = arith.muli %select_n3A_126, %mul3A_254 : i32
        %mul3A_256 = arith.constant 8 : i32
        %mul3A_257 = arith.muli %mul3A_255, %mul3A_256 : i32
        %add3A_258 = arith.addi %mul3A_257, %multiple_of3A : i32
        %add3A_259 = arith.constant 1024 : i32
        %add3A_260 = arith.addi %add3A_258, %add3A_259 : i32
        %mul3A_261 = arith.constant 16 : i32
        %mul3A_262 = arith.muli %add3A_260, %mul3A_261 : i32
        %multiple_of3A_263 = tpu.assume_multiple %mul3A_262, 1024 : i32
        %dma_start3A_264 = tpu.memref_slice %arg4[%multiple_of3A_263] : memref<41613312xf32, #tpu.memory_space<hbm>> -> memref<16384xf32, #tpu.memory_space<hbm>>
        %dma_start3A_265 = tpu.memref_slice %arg4[%multiple_of3A_263] : memref<41613312xf32, #tpu.memory_space<hbm>> -> memref<16384xf32, #tpu.memory_space<hbm>>
        tpu.enqueue_dma source(%arg8 : memref<16384xf32, #tpu.memory_space<vmem>>) target(%dma_start3A_265 : memref<16384xf32, #tpu.memory_space<hbm>>) target_semaphore(%arg11 : memref<!tpu.dma_semaphore, #tpu.memory_space<semaphore_mem>>)
        %add3A_266 = arith.constant 1 : i32
        %add3A_267 = arith.addi %while3A_102, %add3A_266 : i32
        %ge3A_268 = arith.constant 1 : i32
        %ge3A_269 = arith.cmpi sge, %add3A_242, %ge3A_268 : i32
        %convert_element_type3A_270 = arith.extui %ge3A_269 : i1 to i32
        %cond3A_271 = arith.constant 0 : i32
        %cond3A_272 = arith.cmpi ne, %convert_element_type3A_270, %cond3A_271 : i32
        scf.if %cond3A_272 {
          %dma_wait3A_318 = arith.constant 0 : i32
          %dma_wait3A_319 = tpu.memref_slice %arg4[%dma_wait3A_318] : memref<41613312xf32, #tpu.memory_space<hbm>> -> memref<16384xf32, #tpu.memory_space<hbm>>
          %dma_wait3A_320 = arith.constant 0 : i32
          %dma_wait3A_321 = tpu.memref_slice %arg4[%dma_wait3A_320] : memref<41613312xf32, #tpu.memory_space<hbm>> -> memref<16384xf32, #tpu.memory_space<hbm>>
          tpu.wait_dma2 semaphore(%arg10 : memref<!tpu.dma_semaphore, #tpu.memory_space<semaphore_mem>>) src(%arg7 : memref<16384xf32, #tpu.memory_space<vmem>>) dst(%dma_wait3A_321 : memref<16384xf32, #tpu.memory_space<hbm>>)
        } else {
        }
        %scan3A_273 = arith.constant 0 : i32
        %scan3A_274 = arith.constant 0 : i32
        %scan3A_275 = arith.constant 64 : i32
        %scan3A_276 = arith.addi %scan3A_274, %scan3A_275 : i32
        %scan3A_277 = arith.constant 1 : i32
        scf.for %scan3A_318 = %scan3A_274 to %scan3A_276 step %scan3A_277  : i32 {
          %mul3A_319 = arith.constant 16 : i32
          %mul3A_320 = arith.muli %scan3A_318, %mul3A_319 : i32
          %add3A_321 = vector.broadcast %mul3A_320 : i32 to vector<16xi32>
          %add3A_322 = arith.addi %add3A_321, %iota3A : vector<16xi32>
          %add3A_323 = arith.constant 2048 : i32
          %add3A_324 = vector.broadcast %add3A_323 : i32 to vector<16xi32>
          %add3A_325 = arith.addi %add3A_324, %add3A_322 : vector<16xi32>
          %add3A_326 = arith.constant 0 : i32
          %add3A_327 = vector.broadcast %add3A_326 : i32 to vector<16xi32>
          %add3A_328 = arith.addi %add3A_327, %add3A_322 : vector<16xi32>
          %shift_right_arithmetic3A = arith.constant 3 : i32
          %shift_right_arithmetic3A_329 = vector.broadcast %shift_right_arithmetic3A : i32 to vector<16xi32>
          %shift_right_arithmetic3A_330 = arith.shrsi %add3A_328, %shift_right_arithmetic3A_329 : vector<16xi32>
          %shift_left3A = arith.constant 7 : i32
          %shift_left3A_331 = vector.broadcast %shift_left3A : i32 to vector<16xi32>
          %shift_left3A_332 = arith.shli %shift_right_arithmetic3A_330, %shift_left3A_331 : vector<16xi32>
          %and3A_333 = arith.constant 7 : i32
          %and3A_334 = vector.broadcast %and3A_333 : i32 to vector<16xi32>
          %and3A_335 = arith.andi %add3A_328, %and3A_334 : vector<16xi32>
          %shift_left3A_336 = arith.constant 4 : i32
          %shift_left3A_337 = vector.broadcast %shift_left3A_336 : i32 to vector<16xi32>
          %shift_left3A_338 = arith.shli %and3A_335, %shift_left3A_337 : vector<16xi32>
          %add3A_339 = arith.addi %shift_left3A_332, %shift_left3A_338 : vector<16xi32>
          %gather3A = arith.constant 0 : i32
          %gather3A_340 = arith.constant 0 : i32
          %gather3A_341 = tpu.memref_slice %arg5[%while3A, %gather3A, %gather3A_340] : memref<2x8x4096xf32, #tpu.memory_space<vmem>> -> memref<1x8x4096xf32, #tpu.memory_space<vmem>>
          %gather3A_342 = tpu.memref_squeeze %gather3A_341 : memref<1x8x4096xf32, #tpu.memory_space<vmem>> -> memref<8x4096xf32, #tpu.memory_space<vmem>>
          %gather3A_343 = tpu.vector_load_idx %gather3A_342[%broadcast_in_dim3A_47, %add3A_325] : memref<8x4096xf32, #tpu.memory_space<vmem>>[vector<16xi32>, vector<16xi32>], vector<16xf32>,
          %add3A_344 = arith.constant 0 : i32
          %add3A_345 = vector.broadcast %add3A_344 : i32 to vector<16xi32>
          %add3A_346 = arith.addi %add3A_339, %add3A_345 : vector<16xi32>
          tpu.vector_store_idx %arg7[%add3A_346], %gather3A_343 : memref<16384xf32, #tpu.memory_space<vmem>>[vector<16xi32>], vector<16xf32>,
          %gather3A_347 = arith.constant 0 : i32
          %gather3A_348 = arith.constant 0 : i32
          %gather3A_349 = tpu.memref_slice %arg5[%while3A, %gather3A_347, %gather3A_348] : memref<2x8x4096xf32, #tpu.memory_space<vmem>> -> memref<1x8x4096xf32, #tpu.memory_space<vmem>>
          %gather3A_350 = tpu.memref_squeeze %gather3A_349 : memref<1x8x4096xf32, #tpu.memory_space<vmem>> -> memref<8x4096xf32, #tpu.memory_space<vmem>>
          %gather3A_351 = tpu.vector_load_idx %gather3A_350[%broadcast_in_dim3A_49, %add3A_325] : memref<8x4096xf32, #tpu.memory_space<vmem>>[vector<16xi32>, vector<16xi32>], vector<16xf32>,
          %add3A_352 = arith.constant 1 : i32
          %add3A_353 = vector.broadcast %add3A_352 : i32 to vector<16xi32>
          %add3A_354 = arith.addi %add3A_339, %add3A_353 : vector<16xi32>
          tpu.vector_store_idx %arg7[%add3A_354], %gather3A_351 : memref<16384xf32, #tpu.memory_space<vmem>>[vector<16xi32>], vector<16xf32>,
          %gather3A_355 = arith.constant 0 : i32
          %gather3A_356 = arith.constant 0 : i32
          %gather3A_357 = tpu.memref_slice %arg5[%while3A, %gather3A_355, %gather3A_356] : memref<2x8x4096xf32, #tpu.memory_space<vmem>> -> memref<1x8x4096xf32, #tpu.memory_space<vmem>>
          %gather3A_358 = tpu.memref_squeeze %gather3A_357 : memref<1x8x4096xf32, #tpu.memory_space<vmem>> -> memref<8x4096xf32, #tpu.memory_space<vmem>>
          %gather3A_359 = tpu.vector_load_idx %gather3A_358[%broadcast_in_dim3A_51, %add3A_325] : memref<8x4096xf32, #tpu.memory_space<vmem>>[vector<16xi32>, vector<16xi32>], vector<16xf32>,
          %add3A_360 = arith.constant 2 : i32
          %add3A_361 = vector.broadcast %add3A_360 : i32 to vector<16xi32>
          %add3A_362 = arith.addi %add3A_339, %add3A_361 : vector<16xi32>
          tpu.vector_store_idx %arg7[%add3A_362], %gather3A_359 : memref<16384xf32, #tpu.memory_space<vmem>>[vector<16xi32>], vector<16xf32>,
          %gather3A_363 = arith.constant 0 : i32
          %gather3A_364 = arith.constant 0 : i32
          %gather3A_365 = tpu.memref_slice %arg5[%while3A, %gather3A_363, %gather3A_364] : memref<2x8x4096xf32, #tpu.memory_space<vmem>> -> memref<1x8x4096xf32, #tpu.memory_space<vmem>>
          %gather3A_366 = tpu.memref_squeeze %gather3A_365 : memref<1x8x4096xf32, #tpu.memory_space<vmem>> -> memref<8x4096xf32, #tpu.memory_space<vmem>>
          %gather3A_367 = tpu.vector_load_idx %gather3A_366[%broadcast_in_dim3A_53, %add3A_325] : memref<8x4096xf32, #tpu.memory_space<vmem>>[vector<16xi32>, vector<16xi32>], vector<16xf32>,
          %add3A_368 = arith.constant 3 : i32
          %add3A_369 = vector.broadcast %add3A_368 : i32 to vector<16xi32>
          %add3A_370 = arith.addi %add3A_339, %add3A_369 : vector<16xi32>
          tpu.vector_store_idx %arg7[%add3A_370], %gather3A_367 : memref<16384xf32, #tpu.memory_space<vmem>>[vector<16xi32>], vector<16xf32>,
          %gather3A_371 = arith.constant 0 : i32
          %gather3A_372 = arith.constant 0 : i32
          %gather3A_373 = tpu.memref_slice %arg5[%while3A, %gather3A_371, %gather3A_372] : memref<2x8x4096xf32, #tpu.memory_space<vmem>> -> memref<1x8x4096xf32, #tpu.memory_space<vmem>>
          %gather3A_374 = tpu.memref_squeeze %gather3A_373 : memref<1x8x4096xf32, #tpu.memory_space<vmem>> -> memref<8x4096xf32, #tpu.memory_space<vmem>>
          %gather3A_375 = tpu.vector_load_idx %gather3A_374[%broadcast_in_dim3A_55, %add3A_325] : memref<8x4096xf32, #tpu.memory_space<vmem>>[vector<16xi32>, vector<16xi32>], vector<16xf32>,
          %add3A_376 = arith.constant 4 : i32
          %add3A_377 = vector.broadcast %add3A_376 : i32 to vector<16xi32>
          %add3A_378 = arith.addi %add3A_339, %add3A_377 : vector<16xi32>
          tpu.vector_store_idx %arg7[%add3A_378], %gather3A_375 : memref<16384xf32, #tpu.memory_space<vmem>>[vector<16xi32>], vector<16xf32>,
          %gather3A_379 = arith.constant 0 : i32
          %gather3A_380 = arith.constant 0 : i32
          %gather3A_381 = tpu.memref_slice %arg5[%while3A, %gather3A_379, %gather3A_380] : memref<2x8x4096xf32, #tpu.memory_space<vmem>> -> memref<1x8x4096xf32, #tpu.memory_space<vmem>>
          %gather3A_382 = tpu.memref_squeeze %gather3A_381 : memref<1x8x4096xf32, #tpu.memory_space<vmem>> -> memref<8x4096xf32, #tpu.memory_space<vmem>>
          %gather3A_383 = tpu.vector_load_idx %gather3A_382[%broadcast_in_dim3A_57, %add3A_325] : memref<8x4096xf32, #tpu.memory_space<vmem>>[vector<16xi32>, vector<16xi32>], vector<16xf32>,
          %add3A_384 = arith.constant 5 : i32
          %add3A_385 = vector.broadcast %add3A_384 : i32 to vector<16xi32>
          %add3A_386 = arith.addi %add3A_339, %add3A_385 : vector<16xi32>
          tpu.vector_store_idx %arg7[%add3A_386], %gather3A_383 : memref<16384xf32, #tpu.memory_space<vmem>>[vector<16xi32>], vector<16xf32>,
          %gather3A_387 = arith.constant 0 : i32
          %gather3A_388 = arith.constant 0 : i32
          %gather3A_389 = tpu.memref_slice %arg5[%while3A, %gather3A_387, %gather3A_388] : memref<2x8x4096xf32, #tpu.memory_space<vmem>> -> memref<1x8x4096xf32, #tpu.memory_space<vmem>>
          %gather3A_390 = tpu.memref_squeeze %gather3A_389 : memref<1x8x4096xf32, #tpu.memory_space<vmem>> -> memref<8x4096xf32, #tpu.memory_space<vmem>>
          %gather3A_391 = tpu.vector_load_idx %gather3A_390[%broadcast_in_dim3A_59, %add3A_325] : memref<8x4096xf32, #tpu.memory_space<vmem>>[vector<16xi32>, vector<16xi32>], vector<16xf32>,
          %add3A_392 = arith.constant 6 : i32
          %add3A_393 = vector.broadcast %add3A_392 : i32 to vector<16xi32>
          %add3A_394 = arith.addi %add3A_339, %add3A_393 : vector<16xi32>
          tpu.vector_store_idx %arg7[%add3A_394], %gather3A_391 : memref<16384xf32, #tpu.memory_space<vmem>>[vector<16xi32>], vector<16xf32>,
          %gather3A_395 = arith.constant 0 : i32
          %gather3A_396 = arith.constant 0 : i32
          %gather3A_397 = tpu.memref_slice %arg5[%while3A, %gather3A_395, %gather3A_396] : memref<2x8x4096xf32, #tpu.memory_space<vmem>> -> memref<1x8x4096xf32, #tpu.memory_space<vmem>>
          %gather3A_398 = tpu.memref_squeeze %gather3A_397 : memref<1x8x4096xf32, #tpu.memory_space<vmem>> -> memref<8x4096xf32, #tpu.memory_space<vmem>>
          %gather3A_399 = tpu.vector_load_idx %gather3A_398[%broadcast_in_dim3A_61, %add3A_325] : memref<8x4096xf32, #tpu.memory_space<vmem>>[vector<16xi32>, vector<16xi32>], vector<16xf32>,
          %add3A_400 = arith.constant 7 : i32
          %add3A_401 = vector.broadcast %add3A_400 : i32 to vector<16xi32>
          %add3A_402 = arith.addi %add3A_339, %add3A_401 : vector<16xi32>
          tpu.vector_store_idx %arg7[%add3A_402], %gather3A_399 : memref<16384xf32, #tpu.memory_space<vmem>>[vector<16xi32>], vector<16xf32>,
          %gather3A_403 = arith.constant 0 : i32
          %gather3A_404 = arith.constant 0 : i32
          %gather3A_405 = tpu.memref_slice %arg5[%while3A_78, %gather3A_403, %gather3A_404] : memref<2x8x4096xf32, #tpu.memory_space<vmem>> -> memref<1x8x4096xf32, #tpu.memory_space<vmem>>
          %gather3A_406 = tpu.memref_squeeze %gather3A_405 : memref<1x8x4096xf32, #tpu.memory_space<vmem>> -> memref<8x4096xf32, #tpu.memory_space<vmem>>
          %gather3A_407 = tpu.vector_load_idx %gather3A_406[%broadcast_in_dim3A_63, %add3A_325] : memref<8x4096xf32, #tpu.memory_space<vmem>>[vector<16xi32>, vector<16xi32>], vector<16xf32>,
          %add3A_408 = arith.constant 8 : i32
          %add3A_409 = vector.broadcast %add3A_408 : i32 to vector<16xi32>
          %add3A_410 = arith.addi %add3A_339, %add3A_409 : vector<16xi32>
          tpu.vector_store_idx %arg7[%add3A_410], %gather3A_407 : memref<16384xf32, #tpu.memory_space<vmem>>[vector<16xi32>], vector<16xf32>,
          %gather3A_411 = arith.constant 0 : i32
          %gather3A_412 = arith.constant 0 : i32
          %gather3A_413 = tpu.memref_slice %arg5[%while3A_78, %gather3A_411, %gather3A_412] : memref<2x8x4096xf32, #tpu.memory_space<vmem>> -> memref<1x8x4096xf32, #tpu.memory_space<vmem>>
          %gather3A_414 = tpu.memref_squeeze %gather3A_413 : memref<1x8x4096xf32, #tpu.memory_space<vmem>> -> memref<8x4096xf32, #tpu.memory_space<vmem>>
          %gather3A_415 = tpu.vector_load_idx %gather3A_414[%broadcast_in_dim3A_65, %add3A_325] : memref<8x4096xf32, #tpu.memory_space<vmem>>[vector<16xi32>, vector<16xi32>], vector<16xf32>,
          %add3A_416 = arith.constant 9 : i32
          %add3A_417 = vector.broadcast %add3A_416 : i32 to vector<16xi32>
          %add3A_418 = arith.addi %add3A_339, %add3A_417 : vector<16xi32>
          tpu.vector_store_idx %arg7[%add3A_418], %gather3A_415 : memref<16384xf32, #tpu.memory_space<vmem>>[vector<16xi32>], vector<16xf32>,
          %gather3A_419 = arith.constant 0 : i32
          %gather3A_420 = arith.constant 0 : i32
          %gather3A_421 = tpu.memref_slice %arg5[%while3A_78, %gather3A_419, %gather3A_420] : memref<2x8x4096xf32, #tpu.memory_space<vmem>> -> memref<1x8x4096xf32, #tpu.memory_space<vmem>>
          %gather3A_422 = tpu.memref_squeeze %gather3A_421 : memref<1x8x4096xf32, #tpu.memory_space<vmem>> -> memref<8x4096xf32, #tpu.memory_space<vmem>>
          %gather3A_423 = tpu.vector_load_idx %gather3A_422[%broadcast_in_dim3A_67, %add3A_325] : memref<8x4096xf32, #tpu.memory_space<vmem>>[vector<16xi32>, vector<16xi32>], vector<16xf32>,
          %add3A_424 = arith.constant 10 : i32
          %add3A_425 = vector.broadcast %add3A_424 : i32 to vector<16xi32>
          %add3A_426 = arith.addi %add3A_339, %add3A_425 : vector<16xi32>
          tpu.vector_store_idx %arg7[%add3A_426], %gather3A_423 : memref<16384xf32, #tpu.memory_space<vmem>>[vector<16xi32>], vector<16xf32>,
          %gather3A_427 = arith.constant 0 : i32
          %gather3A_428 = arith.constant 0 : i32
          %gather3A_429 = tpu.memref_slice %arg5[%while3A_78, %gather3A_427, %gather3A_428] : memref<2x8x4096xf32, #tpu.memory_space<vmem>> -> memref<1x8x4096xf32, #tpu.memory_space<vmem>>
          %gather3A_430 = tpu.memref_squeeze %gather3A_429 : memref<1x8x4096xf32, #tpu.memory_space<vmem>> -> memref<8x4096xf32, #tpu.memory_space<vmem>>
          %gather3A_431 = tpu.vector_load_idx %gather3A_430[%broadcast_in_dim3A_69, %add3A_325] : memref<8x4096xf32, #tpu.memory_space<vmem>>[vector<16xi32>, vector<16xi32>], vector<16xf32>,
          %add3A_432 = arith.constant 11 : i32
          %add3A_433 = vector.broadcast %add3A_432 : i32 to vector<16xi32>
          %add3A_434 = arith.addi %add3A_339, %add3A_433 : vector<16xi32>
          tpu.vector_store_idx %arg7[%add3A_434], %gather3A_431 : memref<16384xf32, #tpu.memory_space<vmem>>[vector<16xi32>], vector<16xf32>,
          %gather3A_435 = arith.constant 0 : i32
          %gather3A_436 = arith.constant 0 : i32
          %gather3A_437 = tpu.memref_slice %arg5[%while3A_78, %gather3A_435, %gather3A_436] : memref<2x8x4096xf32, #tpu.memory_space<vmem>> -> memref<1x8x4096xf32, #tpu.memory_space<vmem>>
          %gather3A_438 = tpu.memref_squeeze %gather3A_437 : memref<1x8x4096xf32, #tpu.memory_space<vmem>> -> memref<8x4096xf32, #tpu.memory_space<vmem>>
          %gather3A_439 = tpu.vector_load_idx %gather3A_438[%broadcast_in_dim3A_71, %add3A_325] : memref<8x4096xf32, #tpu.memory_space<vmem>>[vector<16xi32>, vector<16xi32>], vector<16xf32>,
          %add3A_440 = arith.constant 12 : i32
          %add3A_441 = vector.broadcast %add3A_440 : i32 to vector<16xi32>
          %add3A_442 = arith.addi %add3A_339, %add3A_441 : vector<16xi32>
          tpu.vector_store_idx %arg7[%add3A_442], %gather3A_439 : memref<16384xf32, #tpu.memory_space<vmem>>[vector<16xi32>], vector<16xf32>,
          %gather3A_443 = arith.constant 0 : i32
          %gather3A_444 = arith.constant 0 : i32
          %gather3A_445 = tpu.memref_slice %arg5[%while3A_78, %gather3A_443, %gather3A_444] : memref<2x8x4096xf32, #tpu.memory_space<vmem>> -> memref<1x8x4096xf32, #tpu.memory_space<vmem>>
          %gather3A_446 = tpu.memref_squeeze %gather3A_445 : memref<1x8x4096xf32, #tpu.memory_space<vmem>> -> memref<8x4096xf32, #tpu.memory_space<vmem>>
          %gather3A_447 = tpu.vector_load_idx %gather3A_446[%broadcast_in_dim3A_73, %add3A_325] : memref<8x4096xf32, #tpu.memory_space<vmem>>[vector<16xi32>, vector<16xi32>], vector<16xf32>,
          %add3A_448 = arith.constant 13 : i32
          %add3A_449 = vector.broadcast %add3A_448 : i32 to vector<16xi32>
          %add3A_450 = arith.addi %add3A_339, %add3A_449 : vector<16xi32>
          tpu.vector_store_idx %arg7[%add3A_450], %gather3A_447 : memref<16384xf32, #tpu.memory_space<vmem>>[vector<16xi32>], vector<16xf32>,
          %gather3A_451 = arith.constant 0 : i32
          %gather3A_452 = arith.constant 0 : i32
          %gather3A_453 = tpu.memref_slice %arg5[%while3A_78, %gather3A_451, %gather3A_452] : memref<2x8x4096xf32, #tpu.memory_space<vmem>> -> memref<1x8x4096xf32, #tpu.memory_space<vmem>>
          %gather3A_454 = tpu.memref_squeeze %gather3A_453 : memref<1x8x4096xf32, #tpu.memory_space<vmem>> -> memref<8x4096xf32, #tpu.memory_space<vmem>>
          %gather3A_455 = tpu.vector_load_idx %gather3A_454[%broadcast_in_dim3A_75, %add3A_325] : memref<8x4096xf32, #tpu.memory_space<vmem>>[vector<16xi32>, vector<16xi32>], vector<16xf32>,
          %add3A_456 = arith.constant 14 : i32
          %add3A_457 = vector.broadcast %add3A_456 : i32 to vector<16xi32>
          %add3A_458 = arith.addi %add3A_339, %add3A_457 : vector<16xi32>
          tpu.vector_store_idx %arg7[%add3A_458], %gather3A_455 : memref<16384xf32, #tpu.memory_space<vmem>>[vector<16xi32>], vector<16xf32>,
          %gather3A_459 = arith.constant 0 : i32
          %gather3A_460 = arith.constant 0 : i32
          %gather3A_461 = tpu.memref_slice %arg5[%while3A_78, %gather3A_459, %gather3A_460] : memref<2x8x4096xf32, #tpu.memory_space<vmem>> -> memref<1x8x4096xf32, #tpu.memory_space<vmem>>
          %gather3A_462 = tpu.memref_squeeze %gather3A_461 : memref<1x8x4096xf32, #tpu.memory_space<vmem>> -> memref<8x4096xf32, #tpu.memory_space<vmem>>
          %gather3A_463 = tpu.vector_load_idx %gather3A_462[%broadcast_in_dim3A_77, %add3A_325] : memref<8x4096xf32, #tpu.memory_space<vmem>>[vector<16xi32>, vector<16xi32>], vector<16xf32>,
          %add3A_464 = arith.constant 15 : i32
          %add3A_465 = vector.broadcast %add3A_464 : i32 to vector<16xi32>
          %add3A_466 = arith.addi %add3A_339, %add3A_465 : vector<16xi32>
          tpu.vector_store_idx %arg7[%add3A_466], %gather3A_463 : memref<16384xf32, #tpu.memory_space<vmem>>[vector<16xi32>], vector<16xf32>,
        }
        %scan3A_278 = arith.constant 64 : i32
        %mul3A_279 = arith.constant 12504 : i32
        %mul3A_280 = arith.muli %select_n3A_126, %mul3A_279 : i32
        %mul3A_281 = arith.constant 8 : i32
        %mul3A_282 = arith.muli %mul3A_280, %mul3A_281 : i32
        %add3A_283 = arith.addi %mul3A_282, %multiple_of3A : i32
        %add3A_284 = arith.constant 2048 : i32
        %add3A_285 = arith.addi %add3A_283, %add3A_284 : i32
        %mul3A_286 = arith.constant 16 : i32
        %mul3A_287 = arith.muli %add3A_285, %mul3A_286 : i32
        %multiple_of3A_288 = tpu.assume_multiple %mul3A_287, 1024 : i32
        %dma_start3A_289 = tpu.memref_slice %arg4[%multiple_of3A_288] : memref<41613312xf32, #tpu.memory_space<hbm>> -> memref<16384xf32, #tpu.memory_space<hbm>>
        %dma_start3A_290 = tpu.memref_slice %arg4[%multiple_of3A_288] : memref<41613312xf32, #tpu.memory_space<hbm>> -> memref<16384xf32, #tpu.memory_space<hbm>>
        tpu.enqueue_dma source(%arg7 : memref<16384xf32, #tpu.memory_space<vmem>>) target(%dma_start3A_290 : memref<16384xf32, #tpu.memory_space<hbm>>) target_semaphore(%arg10 : memref<!tpu.dma_semaphore, #tpu.memory_space<semaphore_mem>>)
        %add3A_291 = arith.constant 1 : i32
        %add3A_292 = arith.addi %add3A_242, %add3A_291 : i32
        %ge3A_293 = arith.constant 1 : i32
        %ge3A_294 = arith.cmpi sge, %add3A_267, %ge3A_293 : i32
        %convert_element_type3A_295 = arith.extui %ge3A_294 : i1 to i32
        %cond3A_296 = arith.constant 0 : i32
        %cond3A_297 = arith.cmpi ne, %convert_element_type3A_295, %cond3A_296 : i32
        scf.if %cond3A_297 {
          %dma_wait3A_318 = arith.constant 0 : i32
          %dma_wait3A_319 = tpu.memref_slice %arg4[%dma_wait3A_318] : memref<41613312xf32, #tpu.memory_space<hbm>> -> memref<16384xf32, #tpu.memory_space<hbm>>
          %dma_wait3A_320 = arith.constant 0 : i32
          %dma_wait3A_321 = tpu.memref_slice %arg4[%dma_wait3A_320] : memref<41613312xf32, #tpu.memory_space<hbm>> -> memref<16384xf32, #tpu.memory_space<hbm>>
          tpu.wait_dma2 semaphore(%arg11 : memref<!tpu.dma_semaphore, #tpu.memory_space<semaphore_mem>>) src(%arg8 : memref<16384xf32, #tpu.memory_space<vmem>>) dst(%dma_wait3A_321 : memref<16384xf32, #tpu.memory_space<hbm>>)
        } else {
        }
        %scan3A_298 = arith.constant 0 : i32
        %scan3A_299 = arith.constant 0 : i32
        %scan3A_300 = arith.constant 64 : i32
        %scan3A_301 = arith.addi %scan3A_299, %scan3A_300 : i32
        %scan3A_302 = arith.constant 1 : i32
        scf.for %scan3A_318 = %scan3A_299 to %scan3A_301 step %scan3A_302  : i32 {
          %mul3A_319 = arith.constant 16 : i32
          %mul3A_320 = arith.muli %scan3A_318, %mul3A_319 : i32
          %add3A_321 = vector.broadcast %mul3A_320 : i32 to vector<16xi32>
          %add3A_322 = arith.addi %add3A_321, %iota3A : vector<16xi32>
          %add3A_323 = arith.constant 3072 : i32
          %add3A_324 = vector.broadcast %add3A_323 : i32 to vector<16xi32>
          %add3A_325 = arith.addi %add3A_324, %add3A_322 : vector<16xi32>
          %add3A_326 = arith.constant 0 : i32
          %add3A_327 = vector.broadcast %add3A_326 : i32 to vector<16xi32>
          %add3A_328 = arith.addi %add3A_327, %add3A_322 : vector<16xi32>
          %shift_right_arithmetic3A = arith.constant 3 : i32
          %shift_right_arithmetic3A_329 = vector.broadcast %shift_right_arithmetic3A : i32 to vector<16xi32>
          %shift_right_arithmetic3A_330 = arith.shrsi %add3A_328, %shift_right_arithmetic3A_329 : vector<16xi32>
          %shift_left3A = arith.constant 7 : i32
          %shift_left3A_331 = vector.broadcast %shift_left3A : i32 to vector<16xi32>
          %shift_left3A_332 = arith.shli %shift_right_arithmetic3A_330, %shift_left3A_331 : vector<16xi32>
          %and3A_333 = arith.constant 7 : i32
          %and3A_334 = vector.broadcast %and3A_333 : i32 to vector<16xi32>
          %and3A_335 = arith.andi %add3A_328, %and3A_334 : vector<16xi32>
          %shift_left3A_336 = arith.constant 4 : i32
          %shift_left3A_337 = vector.broadcast %shift_left3A_336 : i32 to vector<16xi32>
          %shift_left3A_338 = arith.shli %and3A_335, %shift_left3A_337 : vector<16xi32>
          %add3A_339 = arith.addi %shift_left3A_332, %shift_left3A_338 : vector<16xi32>
          %gather3A = arith.constant 0 : i32
          %gather3A_340 = arith.constant 0 : i32
          %gather3A_341 = tpu.memref_slice %arg5[%while3A, %gather3A, %gather3A_340] : memref<2x8x4096xf32, #tpu.memory_space<vmem>> -> memref<1x8x4096xf32, #tpu.memory_space<vmem>>
          %gather3A_342 = tpu.memref_squeeze %gather3A_341 : memref<1x8x4096xf32, #tpu.memory_space<vmem>> -> memref<8x4096xf32, #tpu.memory_space<vmem>>
          %gather3A_343 = tpu.vector_load_idx %gather3A_342[%broadcast_in_dim3A_47, %add3A_325] : memref<8x4096xf32, #tpu.memory_space<vmem>>[vector<16xi32>, vector<16xi32>], vector<16xf32>,
          %add3A_344 = arith.constant 0 : i32
          %add3A_345 = vector.broadcast %add3A_344 : i32 to vector<16xi32>
          %add3A_346 = arith.addi %add3A_339, %add3A_345 : vector<16xi32>
          tpu.vector_store_idx %arg8[%add3A_346], %gather3A_343 : memref<16384xf32, #tpu.memory_space<vmem>>[vector<16xi32>], vector<16xf32>,
          %gather3A_347 = arith.constant 0 : i32
          %gather3A_348 = arith.constant 0 : i32
          %gather3A_349 = tpu.memref_slice %arg5[%while3A, %gather3A_347, %gather3A_348] : memref<2x8x4096xf32, #tpu.memory_space<vmem>> -> memref<1x8x4096xf32, #tpu.memory_space<vmem>>
          %gather3A_350 = tpu.memref_squeeze %gather3A_349 : memref<1x8x4096xf32, #tpu.memory_space<vmem>> -> memref<8x4096xf32, #tpu.memory_space<vmem>>
          %gather3A_351 = tpu.vector_load_idx %gather3A_350[%broadcast_in_dim3A_49, %add3A_325] : memref<8x4096xf32, #tpu.memory_space<vmem>>[vector<16xi32>, vector<16xi32>], vector<16xf32>,
          %add3A_352 = arith.constant 1 : i32
          %add3A_353 = vector.broadcast %add3A_352 : i32 to vector<16xi32>
          %add3A_354 = arith.addi %add3A_339, %add3A_353 : vector<16xi32>
          tpu.vector_store_idx %arg8[%add3A_354], %gather3A_351 : memref<16384xf32, #tpu.memory_space<vmem>>[vector<16xi32>], vector<16xf32>,
          %gather3A_355 = arith.constant 0 : i32
          %gather3A_356 = arith.constant 0 : i32
          %gather3A_357 = tpu.memref_slice %arg5[%while3A, %gather3A_355, %gather3A_356] : memref<2x8x4096xf32, #tpu.memory_space<vmem>> -> memref<1x8x4096xf32, #tpu.memory_space<vmem>>
          %gather3A_358 = tpu.memref_squeeze %gather3A_357 : memref<1x8x4096xf32, #tpu.memory_space<vmem>> -> memref<8x4096xf32, #tpu.memory_space<vmem>>
          %gather3A_359 = tpu.vector_load_idx %gather3A_358[%broadcast_in_dim3A_51, %add3A_325] : memref<8x4096xf32, #tpu.memory_space<vmem>>[vector<16xi32>, vector<16xi32>], vector<16xf32>,
          %add3A_360 = arith.constant 2 : i32
          %add3A_361 = vector.broadcast %add3A_360 : i32 to vector<16xi32>
          %add3A_362 = arith.addi %add3A_339, %add3A_361 : vector<16xi32>
          tpu.vector_store_idx %arg8[%add3A_362], %gather3A_359 : memref<16384xf32, #tpu.memory_space<vmem>>[vector<16xi32>], vector<16xf32>,
          %gather3A_363 = arith.constant 0 : i32
          %gather3A_364 = arith.constant 0 : i32
          %gather3A_365 = tpu.memref_slice %arg5[%while3A, %gather3A_363, %gather3A_364] : memref<2x8x4096xf32, #tpu.memory_space<vmem>> -> memref<1x8x4096xf32, #tpu.memory_space<vmem>>
          %gather3A_366 = tpu.memref_squeeze %gather3A_365 : memref<1x8x4096xf32, #tpu.memory_space<vmem>> -> memref<8x4096xf32, #tpu.memory_space<vmem>>
          %gather3A_367 = tpu.vector_load_idx %gather3A_366[%broadcast_in_dim3A_53, %add3A_325] : memref<8x4096xf32, #tpu.memory_space<vmem>>[vector<16xi32>, vector<16xi32>], vector<16xf32>,
          %add3A_368 = arith.constant 3 : i32
          %add3A_369 = vector.broadcast %add3A_368 : i32 to vector<16xi32>
          %add3A_370 = arith.addi %add3A_339, %add3A_369 : vector<16xi32>
          tpu.vector_store_idx %arg8[%add3A_370], %gather3A_367 : memref<16384xf32, #tpu.memory_space<vmem>>[vector<16xi32>], vector<16xf32>,
          %gather3A_371 = arith.constant 0 : i32
          %gather3A_372 = arith.constant 0 : i32
          %gather3A_373 = tpu.memref_slice %arg5[%while3A, %gather3A_371, %gather3A_372] : memref<2x8x4096xf32, #tpu.memory_space<vmem>> -> memref<1x8x4096xf32, #tpu.memory_space<vmem>>
          %gather3A_374 = tpu.memref_squeeze %gather3A_373 : memref<1x8x4096xf32, #tpu.memory_space<vmem>> -> memref<8x4096xf32, #tpu.memory_space<vmem>>
          %gather3A_375 = tpu.vector_load_idx %gather3A_374[%broadcast_in_dim3A_55, %add3A_325] : memref<8x4096xf32, #tpu.memory_space<vmem>>[vector<16xi32>, vector<16xi32>], vector<16xf32>,
          %add3A_376 = arith.constant 4 : i32
          %add3A_377 = vector.broadcast %add3A_376 : i32 to vector<16xi32>
          %add3A_378 = arith.addi %add3A_339, %add3A_377 : vector<16xi32>
          tpu.vector_store_idx %arg8[%add3A_378], %gather3A_375 : memref<16384xf32, #tpu.memory_space<vmem>>[vector<16xi32>], vector<16xf32>,
          %gather3A_379 = arith.constant 0 : i32
          %gather3A_380 = arith.constant 0 : i32
          %gather3A_381 = tpu.memref_slice %arg5[%while3A, %gather3A_379, %gather3A_380] : memref<2x8x4096xf32, #tpu.memory_space<vmem>> -> memref<1x8x4096xf32, #tpu.memory_space<vmem>>
          %gather3A_382 = tpu.memref_squeeze %gather3A_381 : memref<1x8x4096xf32, #tpu.memory_space<vmem>> -> memref<8x4096xf32, #tpu.memory_space<vmem>>
          %gather3A_383 = tpu.vector_load_idx %gather3A_382[%broadcast_in_dim3A_57, %add3A_325] : memref<8x4096xf32, #tpu.memory_space<vmem>>[vector<16xi32>, vector<16xi32>], vector<16xf32>,
          %add3A_384 = arith.constant 5 : i32
          %add3A_385 = vector.broadcast %add3A_384 : i32 to vector<16xi32>
          %add3A_386 = arith.addi %add3A_339, %add3A_385 : vector<16xi32>
          tpu.vector_store_idx %arg8[%add3A_386], %gather3A_383 : memref<16384xf32, #tpu.memory_space<vmem>>[vector<16xi32>], vector<16xf32>,
          %gather3A_387 = arith.constant 0 : i32
          %gather3A_388 = arith.constant 0 : i32
          %gather3A_389 = tpu.memref_slice %arg5[%while3A, %gather3A_387, %gather3A_388] : memref<2x8x4096xf32, #tpu.memory_space<vmem>> -> memref<1x8x4096xf32, #tpu.memory_space<vmem>>
          %gather3A_390 = tpu.memref_squeeze %gather3A_389 : memref<1x8x4096xf32, #tpu.memory_space<vmem>> -> memref<8x4096xf32, #tpu.memory_space<vmem>>
          %gather3A_391 = tpu.vector_load_idx %gather3A_390[%broadcast_in_dim3A_59, %add3A_325] : memref<8x4096xf32, #tpu.memory_space<vmem>>[vector<16xi32>, vector<16xi32>], vector<16xf32>,
          %add3A_392 = arith.constant 6 : i32
          %add3A_393 = vector.broadcast %add3A_392 : i32 to vector<16xi32>
          %add3A_394 = arith.addi %add3A_339, %add3A_393 : vector<16xi32>
          tpu.vector_store_idx %arg8[%add3A_394], %gather3A_391 : memref<16384xf32, #tpu.memory_space<vmem>>[vector<16xi32>], vector<16xf32>,
          %gather3A_395 = arith.constant 0 : i32
          %gather3A_396 = arith.constant 0 : i32
          %gather3A_397 = tpu.memref_slice %arg5[%while3A, %gather3A_395, %gather3A_396] : memref<2x8x4096xf32, #tpu.memory_space<vmem>> -> memref<1x8x4096xf32, #tpu.memory_space<vmem>>
          %gather3A_398 = tpu.memref_squeeze %gather3A_397 : memref<1x8x4096xf32, #tpu.memory_space<vmem>> -> memref<8x4096xf32, #tpu.memory_space<vmem>>
          %gather3A_399 = tpu.vector_load_idx %gather3A_398[%broadcast_in_dim3A_61, %add3A_325] : memref<8x4096xf32, #tpu.memory_space<vmem>>[vector<16xi32>, vector<16xi32>], vector<16xf32>,
          %add3A_400 = arith.constant 7 : i32
          %add3A_401 = vector.broadcast %add3A_400 : i32 to vector<16xi32>
          %add3A_402 = arith.addi %add3A_339, %add3A_401 : vector<16xi32>
          tpu.vector_store_idx %arg8[%add3A_402], %gather3A_399 : memref<16384xf32, #tpu.memory_space<vmem>>[vector<16xi32>], vector<16xf32>,
          %gather3A_403 = arith.constant 0 : i32
          %gather3A_404 = arith.constant 0 : i32
          %gather3A_405 = tpu.memref_slice %arg5[%while3A_78, %gather3A_403, %gather3A_404] : memref<2x8x4096xf32, #tpu.memory_space<vmem>> -> memref<1x8x4096xf32, #tpu.memory_space<vmem>>
          %gather3A_406 = tpu.memref_squeeze %gather3A_405 : memref<1x8x4096xf32, #tpu.memory_space<vmem>> -> memref<8x4096xf32, #tpu.memory_space<vmem>>
          %gather3A_407 = tpu.vector_load_idx %gather3A_406[%broadcast_in_dim3A_63, %add3A_325] : memref<8x4096xf32, #tpu.memory_space<vmem>>[vector<16xi32>, vector<16xi32>], vector<16xf32>,
          %add3A_408 = arith.constant 8 : i32
          %add3A_409 = vector.broadcast %add3A_408 : i32 to vector<16xi32>
          %add3A_410 = arith.addi %add3A_339, %add3A_409 : vector<16xi32>
          tpu.vector_store_idx %arg8[%add3A_410], %gather3A_407 : memref<16384xf32, #tpu.memory_space<vmem>>[vector<16xi32>], vector<16xf32>,
          %gather3A_411 = arith.constant 0 : i32
          %gather3A_412 = arith.constant 0 : i32
          %gather3A_413 = tpu.memref_slice %arg5[%while3A_78, %gather3A_411, %gather3A_412] : memref<2x8x4096xf32, #tpu.memory_space<vmem>> -> memref<1x8x4096xf32, #tpu.memory_space<vmem>>
          %gather3A_414 = tpu.memref_squeeze %gather3A_413 : memref<1x8x4096xf32, #tpu.memory_space<vmem>> -> memref<8x4096xf32, #tpu.memory_space<vmem>>
          %gather3A_415 = tpu.vector_load_idx %gather3A_414[%broadcast_in_dim3A_65, %add3A_325] : memref<8x4096xf32, #tpu.memory_space<vmem>>[vector<16xi32>, vector<16xi32>], vector<16xf32>,
          %add3A_416 = arith.constant 9 : i32
          %add3A_417 = vector.broadcast %add3A_416 : i32 to vector<16xi32>
          %add3A_418 = arith.addi %add3A_339, %add3A_417 : vector<16xi32>
          tpu.vector_store_idx %arg8[%add3A_418], %gather3A_415 : memref<16384xf32, #tpu.memory_space<vmem>>[vector<16xi32>], vector<16xf32>,
          %gather3A_419 = arith.constant 0 : i32
          %gather3A_420 = arith.constant 0 : i32
          %gather3A_421 = tpu.memref_slice %arg5[%while3A_78, %gather3A_419, %gather3A_420] : memref<2x8x4096xf32, #tpu.memory_space<vmem>> -> memref<1x8x4096xf32, #tpu.memory_space<vmem>>
          %gather3A_422 = tpu.memref_squeeze %gather3A_421 : memref<1x8x4096xf32, #tpu.memory_space<vmem>> -> memref<8x4096xf32, #tpu.memory_space<vmem>>
          %gather3A_423 = tpu.vector_load_idx %gather3A_422[%broadcast_in_dim3A_67, %add3A_325] : memref<8x4096xf32, #tpu.memory_space<vmem>>[vector<16xi32>, vector<16xi32>], vector<16xf32>,
          %add3A_424 = arith.constant 10 : i32
          %add3A_425 = vector.broadcast %add3A_424 : i32 to vector<16xi32>
          %add3A_426 = arith.addi %add3A_339, %add3A_425 : vector<16xi32>
          tpu.vector_store_idx %arg8[%add3A_426], %gather3A_423 : memref<16384xf32, #tpu.memory_space<vmem>>[vector<16xi32>], vector<16xf32>,
          %gather3A_427 = arith.constant 0 : i32
          %gather3A_428 = arith.constant 0 : i32
          %gather3A_429 = tpu.memref_slice %arg5[%while3A_78, %gather3A_427, %gather3A_428] : memref<2x8x4096xf32, #tpu.memory_space<vmem>> -> memref<1x8x4096xf32, #tpu.memory_space<vmem>>
          %gather3A_430 = tpu.memref_squeeze %gather3A_429 : memref<1x8x4096xf32, #tpu.memory_space<vmem>> -> memref<8x4096xf32, #tpu.memory_space<vmem>>
          %gather3A_431 = tpu.vector_load_idx %gather3A_430[%broadcast_in_dim3A_69, %add3A_325] : memref<8x4096xf32, #tpu.memory_space<vmem>>[vector<16xi32>, vector<16xi32>], vector<16xf32>,
          %add3A_432 = arith.constant 11 : i32
          %add3A_433 = vector.broadcast %add3A_432 : i32 to vector<16xi32>
          %add3A_434 = arith.addi %add3A_339, %add3A_433 : vector<16xi32>
          tpu.vector_store_idx %arg8[%add3A_434], %gather3A_431 : memref<16384xf32, #tpu.memory_space<vmem>>[vector<16xi32>], vector<16xf32>,
          %gather3A_435 = arith.constant 0 : i32
          %gather3A_436 = arith.constant 0 : i32
          %gather3A_437 = tpu.memref_slice %arg5[%while3A_78, %gather3A_435, %gather3A_436] : memref<2x8x4096xf32, #tpu.memory_space<vmem>> -> memref<1x8x4096xf32, #tpu.memory_space<vmem>>
          %gather3A_438 = tpu.memref_squeeze %gather3A_437 : memref<1x8x4096xf32, #tpu.memory_space<vmem>> -> memref<8x4096xf32, #tpu.memory_space<vmem>>
          %gather3A_439 = tpu.vector_load_idx %gather3A_438[%broadcast_in_dim3A_71, %add3A_325] : memref<8x4096xf32, #tpu.memory_space<vmem>>[vector<16xi32>, vector<16xi32>], vector<16xf32>,
          %add3A_440 = arith.constant 12 : i32
          %add3A_441 = vector.broadcast %add3A_440 : i32 to vector<16xi32>
          %add3A_442 = arith.addi %add3A_339, %add3A_441 : vector<16xi32>
          tpu.vector_store_idx %arg8[%add3A_442], %gather3A_439 : memref<16384xf32, #tpu.memory_space<vmem>>[vector<16xi32>], vector<16xf32>,
          %gather3A_443 = arith.constant 0 : i32
          %gather3A_444 = arith.constant 0 : i32
          %gather3A_445 = tpu.memref_slice %arg5[%while3A_78, %gather3A_443, %gather3A_444] : memref<2x8x4096xf32, #tpu.memory_space<vmem>> -> memref<1x8x4096xf32, #tpu.memory_space<vmem>>
          %gather3A_446 = tpu.memref_squeeze %gather3A_445 : memref<1x8x4096xf32, #tpu.memory_space<vmem>> -> memref<8x4096xf32, #tpu.memory_space<vmem>>
          %gather3A_447 = tpu.vector_load_idx %gather3A_446[%broadcast_in_dim3A_73, %add3A_325] : memref<8x4096xf32, #tpu.memory_space<vmem>>[vector<16xi32>, vector<16xi32>], vector<16xf32>,
          %add3A_448 = arith.constant 13 : i32
          %add3A_449 = vector.broadcast %add3A_448 : i32 to vector<16xi32>
          %add3A_450 = arith.addi %add3A_339, %add3A_449 : vector<16xi32>
          tpu.vector_store_idx %arg8[%add3A_450], %gather3A_447 : memref<16384xf32, #tpu.memory_space<vmem>>[vector<16xi32>], vector<16xf32>,
          %gather3A_451 = arith.constant 0 : i32
          %gather3A_452 = arith.constant 0 : i32
          %gather3A_453 = tpu.memref_slice %arg5[%while3A_78, %gather3A_451, %gather3A_452] : memref<2x8x4096xf32, #tpu.memory_space<vmem>> -> memref<1x8x4096xf32, #tpu.memory_space<vmem>>
          %gather3A_454 = tpu.memref_squeeze %gather3A_453 : memref<1x8x4096xf32, #tpu.memory_space<vmem>> -> memref<8x4096xf32, #tpu.memory_space<vmem>>
          %gather3A_455 = tpu.vector_load_idx %gather3A_454[%broadcast_in_dim3A_75, %add3A_325] : memref<8x4096xf32, #tpu.memory_space<vmem>>[vector<16xi32>, vector<16xi32>], vector<16xf32>,
          %add3A_456 = arith.constant 14 : i32
          %add3A_457 = vector.broadcast %add3A_456 : i32 to vector<16xi32>
          %add3A_458 = arith.addi %add3A_339, %add3A_457 : vector<16xi32>
          tpu.vector_store_idx %arg8[%add3A_458], %gather3A_455 : memref<16384xf32, #tpu.memory_space<vmem>>[vector<16xi32>], vector<16xf32>,
          %gather3A_459 = arith.constant 0 : i32
          %gather3A_460 = arith.constant 0 : i32
          %gather3A_461 = tpu.memref_slice %arg5[%while3A_78, %gather3A_459, %gather3A_460] : memref<2x8x4096xf32, #tpu.memory_space<vmem>> -> memref<1x8x4096xf32, #tpu.memory_space<vmem>>
          %gather3A_462 = tpu.memref_squeeze %gather3A_461 : memref<1x8x4096xf32, #tpu.memory_space<vmem>> -> memref<8x4096xf32, #tpu.memory_space<vmem>>
          %gather3A_463 = tpu.vector_load_idx %gather3A_462[%broadcast_in_dim3A_77, %add3A_325] : memref<8x4096xf32, #tpu.memory_space<vmem>>[vector<16xi32>, vector<16xi32>], vector<16xf32>,
          %add3A_464 = arith.constant 15 : i32
          %add3A_465 = vector.broadcast %add3A_464 : i32 to vector<16xi32>
          %add3A_466 = arith.addi %add3A_339, %add3A_465 : vector<16xi32>
          tpu.vector_store_idx %arg8[%add3A_466], %gather3A_463 : memref<16384xf32, #tpu.memory_space<vmem>>[vector<16xi32>], vector<16xf32>,
        }
        %scan3A_303 = arith.constant 64 : i32
        %mul3A_304 = arith.constant 12504 : i32
        %mul3A_305 = arith.muli %select_n3A_126, %mul3A_304 : i32
        %mul3A_306 = arith.constant 8 : i32
        %mul3A_307 = arith.muli %mul3A_305, %mul3A_306 : i32
        %add3A_308 = arith.addi %mul3A_307, %multiple_of3A : i32
        %add3A_309 = arith.constant 3072 : i32
        %add3A_310 = arith.addi %add3A_308, %add3A_309 : i32
        %mul3A_311 = arith.constant 16 : i32
        %mul3A_312 = arith.muli %add3A_310, %mul3A_311 : i32
        %multiple_of3A_313 = tpu.assume_multiple %mul3A_312, 1024 : i32
        %dma_start3A_314 = tpu.memref_slice %arg4[%multiple_of3A_313] : memref<41613312xf32, #tpu.memory_space<hbm>> -> memref<16384xf32, #tpu.memory_space<hbm>>
        %dma_start3A_315 = tpu.memref_slice %arg4[%multiple_of3A_313] : memref<41613312xf32, #tpu.memory_space<hbm>> -> memref<16384xf32, #tpu.memory_space<hbm>>
        tpu.enqueue_dma source(%arg8 : memref<16384xf32, #tpu.memory_space<vmem>>) target(%dma_start3A_315 : memref<16384xf32, #tpu.memory_space<hbm>>) target_semaphore(%arg11 : memref<!tpu.dma_semaphore, #tpu.memory_space<semaphore_mem>>)
        %add3A_316 = arith.constant 1 : i32
        %add3A_317 = arith.addi %add3A_267, %add3A_316 : i32
        scf.yield %add3A_292, %add3A_317 : i32, i32
      }
      scf.yield %cond3A_148#0, %cond3A_148#1 : i32, i32
    }
    %ge3A = arith.constant 1 : i32
    %ge3A_93 = arith.cmpi sge, %while3A_92#0, %ge3A : i32
    %convert_element_type3A = arith.extui %ge3A_93 : i1 to i32
    %cond3A = arith.constant 0 : i32
    %cond3A_94 = arith.cmpi ne, %convert_element_type3A, %cond3A : i32
    scf.if %cond3A_94 {
      %dma_wait3A = arith.constant 0 : i32
      %dma_wait3A_100 = tpu.memref_slice %arg4[%dma_wait3A] : memref<41613312xf32, #tpu.memory_space<hbm>> -> memref<16384xf32, #tpu.memory_space<hbm>>
      %dma_wait3A_101 = arith.constant 0 : i32
      %dma_wait3A_102 = tpu.memref_slice %arg4[%dma_wait3A_101] : memref<41613312xf32, #tpu.memory_space<hbm>> -> memref<16384xf32, #tpu.memory_space<hbm>>
      tpu.wait_dma2 semaphore(%arg10 : memref<!tpu.dma_semaphore, #tpu.memory_space<semaphore_mem>>) src(%arg7 : memref<16384xf32, #tpu.memory_space<vmem>>) dst(%dma_wait3A_102 : memref<16384xf32, #tpu.memory_space<hbm>>)
    } else {
    }
    %ge3A_95 = arith.constant 1 : i32
    %ge3A_96 = arith.cmpi sge, %while3A_92#1, %ge3A_95 : i32
    %convert_element_type3A_97 = arith.extui %ge3A_96 : i1 to i32
    %cond3A_98 = arith.constant 0 : i32
    %cond3A_99 = arith.cmpi ne, %convert_element_type3A_97, %cond3A_98 : i32
    scf.if %cond3A_99 {
      %dma_wait3A = arith.constant 0 : i32
      %dma_wait3A_100 = tpu.memref_slice %arg4[%dma_wait3A] : memref<41613312xf32, #tpu.memory_space<hbm>> -> memref<16384xf32, #tpu.memory_space<hbm>>
      %dma_wait3A_101 = arith.constant 0 : i32
      %dma_wait3A_102 = tpu.memref_slice %arg4[%dma_wait3A_101] : memref<41613312xf32, #tpu.memory_space<hbm>> -> memref<16384xf32, #tpu.memory_space<hbm>>
      tpu.wait_dma2 semaphore(%arg11 : memref<!tpu.dma_semaphore, #tpu.memory_space<semaphore_mem>>) src(%arg8 : memref<16384xf32, #tpu.memory_space<vmem>>) dst(%dma_wait3A_102 : memref<16384xf32, #tpu.memory_space<hbm>>)
    } else {
    }
    return
  }
}

module attributes {stable_mosaic.version = 14 : i64} {
  func.func @_mlp_body(%arg0: i32, %arg1: memref<1024x13xf32, #tpu.memory_space<vmem>>, %arg2: memref<1024x416xf32, #tpu.memory_space<vmem>>, %arg3: memref<13x128xf32, #tpu.memory_space<vmem>>, %arg4: memref<416x128xf32, #tpu.memory_space<vmem>>, %arg5: memref<1x128xf32, #tpu.memory_space<vmem>>, %arg6: memref<1x128xf32, #tpu.memory_space<vmem>>, %arg7: memref<1x128xf32, #tpu.memory_space<vmem>>, %arg8: memref<1x128xf32, #tpu.memory_space<vmem>>, %arg9: memref<1x128xf32, #tpu.memory_space<vmem>>, %arg10: memref<128x64xf32, #tpu.memory_space<vmem>>, %arg11: memref<1x64xf32, #tpu.memory_space<vmem>>, %arg12: memref<1x64xf32, #tpu.memory_space<vmem>>, %arg13: memref<1x64xf32, #tpu.memory_space<vmem>>, %arg14: memref<1x64xf32, #tpu.memory_space<vmem>>, %arg15: memref<1x64xf32, #tpu.memory_space<vmem>>, %arg16: memref<64x1xf32, #tpu.memory_space<vmem>>, %arg17: memref<1x1xf32, #tpu.memory_space<vmem>>, %arg18: memref<1024x1xf32, #tpu.memory_space<vmem>>) attributes {dimension_semantics = [#tpu.dimension_semantics<arbitrary>], iteration_bounds = array<i64: 16>, scalar_prefetch = 0 : i64, scratch_operands = 0 : i64, tpu.core_type = #tpu.core_type<tc>, window_params = [{transform_indices = @transform_0, window_bounds = array<i64: 1024, 13>}, {transform_indices = @transform_1, window_bounds = array<i64: 1024, 416>}, {pipeline_mode = #tpu.pipeline_mode<synchronous>, transform_indices = @transform_2, window_bounds = array<i64: 13, 128>}, {pipeline_mode = #tpu.pipeline_mode<synchronous>, transform_indices = @transform_3, window_bounds = array<i64: 416, 128>}, {pipeline_mode = #tpu.pipeline_mode<synchronous>, transform_indices = @transform_4, window_bounds = array<i64: 1, 128>}, {pipeline_mode = #tpu.pipeline_mode<synchronous>, transform_indices = @transform_5, window_bounds = array<i64: 1, 128>}, {pipeline_mode = #tpu.pipeline_mode<synchronous>, transform_indices = @transform_6, window_bounds = array<i64: 1, 128>}, {pipeline_mode = #tpu.pipeline_mode<synchronous>, transform_indices = @transform_7, window_bounds = array<i64: 1, 128>}, {pipeline_mode = #tpu.pipeline_mode<synchronous>, transform_indices = @transform_8, window_bounds = array<i64: 1, 128>}, {pipeline_mode = #tpu.pipeline_mode<synchronous>, transform_indices = @transform_9, window_bounds = array<i64: 128, 64>}, {pipeline_mode = #tpu.pipeline_mode<synchronous>, transform_indices = @transform_10, window_bounds = array<i64: 1, 64>}, {pipeline_mode = #tpu.pipeline_mode<synchronous>, transform_indices = @transform_11, window_bounds = array<i64: 1, 64>}, {pipeline_mode = #tpu.pipeline_mode<synchronous>, transform_indices = @transform_12, window_bounds = array<i64: 1, 64>}, {pipeline_mode = #tpu.pipeline_mode<synchronous>, transform_indices = @transform_13, window_bounds = array<i64: 1, 64>}, {pipeline_mode = #tpu.pipeline_mode<synchronous>, transform_indices = @transform_14, window_bounds = array<i64: 1, 64>}, {pipeline_mode = #tpu.pipeline_mode<synchronous>, transform_indices = @transform_15, window_bounds = array<i64: 64, 1>}, {pipeline_mode = #tpu.pipeline_mode<synchronous>, transform_indices = @transform_16, window_bounds = array<i64: 1, 1>}, {transform_indices = @transform_17, window_bounds = array<i64: 1024, 1>}]} {
    %get3A = arith.constant 0 : index
    %get3A_0 = arith.constant 0 : index
    %get3A_1 = vector.load %arg1[%get3A, %get3A_0] : memref<1024x13xf32, #tpu.memory_space<vmem>>, vector<1024x13xf32>
    %get3A_2 = arith.constant 0 : index
    %get3A_3 = arith.constant 0 : index
    %get3A_4 = vector.load %arg3[%get3A_2, %get3A_3] : memref<13x128xf32, #tpu.memory_space<vmem>>, vector<13x128xf32>
    %dot_general3A = arith.constant dense<0.000000e+00> : vector<1024x128xf32>
    %dot_general3A_5 = tpu.matmul %get3A_1, %get3A_4, %dot_general3A {dimension_numbers = #tpu.dot_dimension_numbers<[1], [0], [0], [1], [0, 0, 1, 1], [], []>, transpose_lhs_hint = false} : vector<1024x13xf32>, vector<13x128xf32>, vector<1024x128xf32> -> vector<1024x128xf32>
    %get3A_6 = arith.constant 0 : index
    %get3A_7 = arith.constant 0 : index
    %get3A_8 = vector.load %arg2[%get3A_6, %get3A_7] : memref<1024x416xf32, #tpu.memory_space<vmem>>, vector<1024x416xf32>
    %get3A_9 = arith.constant 0 : index
    %get3A_10 = arith.constant 0 : index
    %get3A_11 = vector.load %arg4[%get3A_9, %get3A_10] : memref<416x128xf32, #tpu.memory_space<vmem>>, vector<416x128xf32>
    %dot_general3A_12 = arith.constant dense<0.000000e+00> : vector<1024x128xf32>
    %dot_general3A_13 = tpu.matmul %get3A_8, %get3A_11, %dot_general3A_12 {dimension_numbers = #tpu.dot_dimension_numbers<[1], [0], [0], [1], [0, 0, 1, 1], [], []>, transpose_lhs_hint = false} : vector<1024x416xf32>, vector<416x128xf32>, vector<1024x128xf32> -> vector<1024x128xf32>
    %add3A = arith.addf %dot_general3A_5, %dot_general3A_13 : vector<1024x128xf32>
    %get3A_14 = arith.constant 0 : index
    %get3A_15 = arith.constant 0 : index
    %get3A_16 = vector.load %arg5[%get3A_14, %get3A_15] : memref<1x128xf32, #tpu.memory_space<vmem>>, vector<1x128xf32>
    %add3A_17 = vector.broadcast %get3A_16 : vector<1x128xf32> to vector<1024x128xf32>
    %add3A_18 = arith.addf %add3A, %add3A_17 : vector<1024x128xf32>
    %max3A = arith.constant 0.000000e+00 : f32
    %max3A_19 = vector.broadcast %max3A : f32 to vector<1024x128xf32>
    %max3A_20 = arith.maximumf %add3A_18, %max3A_19 : vector<1024x128xf32>
    %get3A_21 = arith.constant 0 : index
    %get3A_22 = arith.constant 0 : index
    %get3A_23 = vector.load %arg8[%get3A_21, %get3A_22] : memref<1x128xf32, #tpu.memory_space<vmem>>, vector<1x128xf32>
    %sub3A = vector.broadcast %get3A_23 : vector<1x128xf32> to vector<1024x128xf32>
    %sub3A_24 = arith.subf %max3A_20, %sub3A : vector<1024x128xf32>
    %get3A_25 = arith.constant 0 : index
    %get3A_26 = arith.constant 0 : index
    %get3A_27 = vector.load %arg9[%get3A_25, %get3A_26] : memref<1x128xf32, #tpu.memory_space<vmem>>, vector<1x128xf32>
    %add3A_28 = arith.constant 9.99999974E-6 : f32
    %add3A_29 = vector.broadcast %add3A_28 : f32 to vector<1x128xf32>
    %add3A_30 = arith.addf %get3A_27, %add3A_29 : vector<1x128xf32>
    %sqrt3A = math.sqrt %add3A_30 : vector<1x128xf32>
    %div3A = vector.broadcast %sqrt3A : vector<1x128xf32> to vector<1024x128xf32>
    %div3A_31 = arith.divf %sub3A_24, %div3A : vector<1024x128xf32>
    %get3A_32 = arith.constant 0 : index
    %get3A_33 = arith.constant 0 : index
    %get3A_34 = vector.load %arg6[%get3A_32, %get3A_33] : memref<1x128xf32, #tpu.memory_space<vmem>>, vector<1x128xf32>
    %mul3A = vector.broadcast %get3A_34 : vector<1x128xf32> to vector<1024x128xf32>
    %mul3A_35 = arith.mulf %div3A_31, %mul3A : vector<1024x128xf32>
    %get3A_36 = arith.constant 0 : index
    %get3A_37 = arith.constant 0 : index
    %get3A_38 = vector.load %arg7[%get3A_36, %get3A_37] : memref<1x128xf32, #tpu.memory_space<vmem>>, vector<1x128xf32>
    %add3A_39 = vector.broadcast %get3A_38 : vector<1x128xf32> to vector<1024x128xf32>
    %add3A_40 = arith.addf %mul3A_35, %add3A_39 : vector<1024x128xf32>
    %get3A_41 = arith.constant 0 : index
    %get3A_42 = arith.constant 0 : index
    %get3A_43 = vector.load %arg10[%get3A_41, %get3A_42] : memref<128x64xf32, #tpu.memory_space<vmem>>, vector<128x64xf32>
    %dot_general3A_44 = arith.constant dense<0.000000e+00> : vector<1024x64xf32>
    %dot_general3A_45 = tpu.matmul %add3A_40, %get3A_43, %dot_general3A_44 {dimension_numbers = #tpu.dot_dimension_numbers<[1], [0], [0], [1], [0, 0, 1, 1], [], []>, transpose_lhs_hint = false} : vector<1024x128xf32>, vector<128x64xf32>, vector<1024x64xf32> -> vector<1024x64xf32>
    %get3A_46 = arith.constant 0 : index
    %get3A_47 = arith.constant 0 : index
    %get3A_48 = vector.load %arg11[%get3A_46, %get3A_47] : memref<1x64xf32, #tpu.memory_space<vmem>>, vector<1x64xf32>
    %add3A_49 = vector.broadcast %get3A_48 : vector<1x64xf32> to vector<1024x64xf32>
    %add3A_50 = arith.addf %dot_general3A_45, %add3A_49 : vector<1024x64xf32>
    %max3A_51 = arith.constant 0.000000e+00 : f32
    %max3A_52 = vector.broadcast %max3A_51 : f32 to vector<1024x64xf32>
    %max3A_53 = arith.maximumf %add3A_50, %max3A_52 : vector<1024x64xf32>
    %get3A_54 = arith.constant 0 : index
    %get3A_55 = arith.constant 0 : index
    %get3A_56 = vector.load %arg14[%get3A_54, %get3A_55] : memref<1x64xf32, #tpu.memory_space<vmem>>, vector<1x64xf32>
    %sub3A_57 = vector.broadcast %get3A_56 : vector<1x64xf32> to vector<1024x64xf32>
    %sub3A_58 = arith.subf %max3A_53, %sub3A_57 : vector<1024x64xf32>
    %get3A_59 = arith.constant 0 : index
    %get3A_60 = arith.constant 0 : index
    %get3A_61 = vector.load %arg15[%get3A_59, %get3A_60] : memref<1x64xf32, #tpu.memory_space<vmem>>, vector<1x64xf32>
    %add3A_62 = arith.constant 9.99999974E-6 : f32
    %add3A_63 = vector.broadcast %add3A_62 : f32 to vector<1x64xf32>
    %add3A_64 = arith.addf %get3A_61, %add3A_63 : vector<1x64xf32>
    %sqrt3A_65 = math.sqrt %add3A_64 : vector<1x64xf32>
    %div3A_66 = vector.broadcast %sqrt3A_65 : vector<1x64xf32> to vector<1024x64xf32>
    %div3A_67 = arith.divf %sub3A_58, %div3A_66 : vector<1024x64xf32>
    %get3A_68 = arith.constant 0 : index
    %get3A_69 = arith.constant 0 : index
    %get3A_70 = vector.load %arg12[%get3A_68, %get3A_69] : memref<1x64xf32, #tpu.memory_space<vmem>>, vector<1x64xf32>
    %mul3A_71 = vector.broadcast %get3A_70 : vector<1x64xf32> to vector<1024x64xf32>
    %mul3A_72 = arith.mulf %div3A_67, %mul3A_71 : vector<1024x64xf32>
    %get3A_73 = arith.constant 0 : index
    %get3A_74 = arith.constant 0 : index
    %get3A_75 = vector.load %arg13[%get3A_73, %get3A_74] : memref<1x64xf32, #tpu.memory_space<vmem>>, vector<1x64xf32>
    %add3A_76 = vector.broadcast %get3A_75 : vector<1x64xf32> to vector<1024x64xf32>
    %add3A_77 = arith.addf %mul3A_72, %add3A_76 : vector<1024x64xf32>
    %get3A_78 = arith.constant 0 : index
    %get3A_79 = arith.constant 0 : index
    %get3A_80 = vector.load %arg16[%get3A_78, %get3A_79] : memref<64x1xf32, #tpu.memory_space<vmem>>, vector<64x1xf32>
    %dot_general3A_81 = arith.constant dense<0.000000e+00> : vector<1024x1xf32>
    %dot_general3A_82 = tpu.matmul %add3A_77, %get3A_80, %dot_general3A_81 {dimension_numbers = #tpu.dot_dimension_numbers<[1], [0], [0], [1], [0, 0, 1, 1], [], []>, transpose_lhs_hint = false} : vector<1024x64xf32>, vector<64x1xf32>, vector<1024x1xf32> -> vector<1024x1xf32>
    %get3A_83 = arith.constant 0 : index
    %get3A_84 = arith.constant 0 : index
    %get3A_85 = vector.load %arg17[%get3A_83, %get3A_84] : memref<1x1xf32, #tpu.memory_space<vmem>>, vector<1x1xf32>
    %add3A_86 = vector.broadcast %get3A_85 : vector<1x1xf32> to vector<1024x1xf32>
    %add3A_87 = arith.addf %dot_general3A_82, %add3A_86 : vector<1024x1xf32>
    %swap3A = arith.constant 0 : index
    %swap3A_88 = arith.constant 0 : index
    %swap3A_89 = vector.load %arg18[%swap3A, %swap3A_88] : memref<1024x1xf32, #tpu.memory_space<vmem>>, vector<1024x1xf32>
    tpu.vector_store %arg18[%swap3A, %swap3A_88], %add3A_87 {strides = array<i32>} : memref<1024x1xf32, #tpu.memory_space<vmem>>, vector<1024x1xf32>,
    return
  }
  func.func @transform_0(%arg0: i32) -> (i32, i32) {
    %c0_i32 = arith.constant 0 : i32
    %c0_i32_0 = arith.constant 0 : i32
    return %arg0, %c0_i32 : i32, i32
  }
  func.func @transform_1(%arg0: i32) -> (i32, i32) {
    %c0_i32 = arith.constant 0 : i32
    %c0_i32_0 = arith.constant 0 : i32
    return %arg0, %c0_i32 : i32, i32
  }
  func.func @transform_2(%arg0: i32) -> (i32, i32) {
    %c0_i32 = arith.constant 0 : i32
    %c0_i32_0 = arith.constant 0 : i32
    %c0_i32_1 = arith.constant 0 : i32
    return %c0_i32, %c0_i32_0 : i32, i32
  }
  func.func @transform_3(%arg0: i32) -> (i32, i32) {
    %c0_i32 = arith.constant 0 : i32
    %c0_i32_0 = arith.constant 0 : i32
    %c0_i32_1 = arith.constant 0 : i32
    return %c0_i32, %c0_i32_0 : i32, i32
  }
  func.func @transform_4(%arg0: i32) -> (i32, i32) {
    %c0_i32 = arith.constant 0 : i32
    %c0_i32_0 = arith.constant 0 : i32
    %c0_i32_1 = arith.constant 0 : i32
    return %c0_i32, %c0_i32_0 : i32, i32
  }
  func.func @transform_5(%arg0: i32) -> (i32, i32) {
    %c0_i32 = arith.constant 0 : i32
    %c0_i32_0 = arith.constant 0 : i32
    %c0_i32_1 = arith.constant 0 : i32
    return %c0_i32, %c0_i32_0 : i32, i32
  }
  func.func @transform_6(%arg0: i32) -> (i32, i32) {
    %c0_i32 = arith.constant 0 : i32
    %c0_i32_0 = arith.constant 0 : i32
    %c0_i32_1 = arith.constant 0 : i32
    return %c0_i32, %c0_i32_0 : i32, i32
  }
  func.func @transform_7(%arg0: i32) -> (i32, i32) {
    %c0_i32 = arith.constant 0 : i32
    %c0_i32_0 = arith.constant 0 : i32
    %c0_i32_1 = arith.constant 0 : i32
    return %c0_i32, %c0_i32_0 : i32, i32
  }
  func.func @transform_8(%arg0: i32) -> (i32, i32) {
    %c0_i32 = arith.constant 0 : i32
    %c0_i32_0 = arith.constant 0 : i32
    %c0_i32_1 = arith.constant 0 : i32
    return %c0_i32, %c0_i32_0 : i32, i32
  }
  func.func @transform_9(%arg0: i32) -> (i32, i32) {
    %c0_i32 = arith.constant 0 : i32
    %c0_i32_0 = arith.constant 0 : i32
    %c0_i32_1 = arith.constant 0 : i32
    return %c0_i32, %c0_i32_0 : i32, i32
  }
  func.func @transform_10(%arg0: i32) -> (i32, i32) {
    %c0_i32 = arith.constant 0 : i32
    %c0_i32_0 = arith.constant 0 : i32
    %c0_i32_1 = arith.constant 0 : i32
    return %c0_i32, %c0_i32_0 : i32, i32
  }
  func.func @transform_11(%arg0: i32) -> (i32, i32) {
    %c0_i32 = arith.constant 0 : i32
    %c0_i32_0 = arith.constant 0 : i32
    %c0_i32_1 = arith.constant 0 : i32
    return %c0_i32, %c0_i32_0 : i32, i32
  }
  func.func @transform_12(%arg0: i32) -> (i32, i32) {
    %c0_i32 = arith.constant 0 : i32
    %c0_i32_0 = arith.constant 0 : i32
    %c0_i32_1 = arith.constant 0 : i32
    return %c0_i32, %c0_i32_0 : i32, i32
  }
  func.func @transform_13(%arg0: i32) -> (i32, i32) {
    %c0_i32 = arith.constant 0 : i32
    %c0_i32_0 = arith.constant 0 : i32
    %c0_i32_1 = arith.constant 0 : i32
    return %c0_i32, %c0_i32_0 : i32, i32
  }
  func.func @transform_14(%arg0: i32) -> (i32, i32) {
    %c0_i32 = arith.constant 0 : i32
    %c0_i32_0 = arith.constant 0 : i32
    %c0_i32_1 = arith.constant 0 : i32
    return %c0_i32, %c0_i32_0 : i32, i32
  }
  func.func @transform_15(%arg0: i32) -> (i32, i32) {
    %c0_i32 = arith.constant 0 : i32
    %c0_i32_0 = arith.constant 0 : i32
    %c0_i32_1 = arith.constant 0 : i32
    return %c0_i32, %c0_i32_0 : i32, i32
  }
  func.func @transform_16(%arg0: i32) -> (i32, i32) {
    %c0_i32 = arith.constant 0 : i32
    %c0_i32_0 = arith.constant 0 : i32
    %c0_i32_1 = arith.constant 0 : i32
    return %c0_i32, %c0_i32_0 : i32, i32
  }
  func.func @transform_17(%arg0: i32) -> (i32, i32) {
    %c0_i32 = arith.constant 0 : i32
    %c0_i32_0 = arith.constant 0 : i32
    return %arg0, %c0_i32 : i32, i32
  }
}

</mosaic_0001>

<sc_bundles>
// kernel: kernel.5.cloned.1.call-start
scs
__scs_entry_jumppad:
0x0: {  	(pc) =	sbr.rel $0x88, $3  }
0x1: {  	(tag) =	ssettag $0x0;
	lr =	simm.s32 $0x1  }
0x2: {  	[smem:$0x3F90] =	sst lr;
	_ =	strace $0xD0000000  }
0x3: {  	_ = 	snop  }
0x4: {  	_ = 	snop  }
0x5: {  	_ = 	snop  }
0x6: {  	_ = 	snop  }
0x7: {  	_ = 	snop  }
__scs_overlays_trampoline_lowered:
0x8: {  	[smem:$0x3F9F] =	sst s0  }
0x9: {  	[smem:$0x3FA0] =	sst s1  }
0xa: {  	[smem:$0x3FA1] =	sst s2  }
0xb: {  	[smem:$0x3FA2] =	sst s3  }
0xc: {  	[smem:$0x3FA3] =	sst s4  }
0xd: {  	[smem:$0x3FA4] =	sst s5  }
0xe: {  	[smem:$0x3FA5] =	sst s6  }
0xf: {  	[smem:$0x3FA6] =	sst s7  }
0x10: {  	[smem:$0x3FA7] =	sst s8  }
0x11: {  	[smem:$0x3FA8] =	sst s9;
	s0 =	simm.s32 @!p0 $0x0  }
0x12: {  	s1 =	sld [smem:$0x3F8E];
	s0 =	simm.s32 @p0 $0x1  }
0x13: {  	[smem:$0x3FA9] =	sst s0;
	s0 =	simm.s32 @!p1 $0x0  }
0x14: {  	s2 =	sld [smem:$0x3F8D];
	s0 =	simm.s32 @p1 $0x1  }
0x15: {  	[smem:$0x3FAA] =	sst s0;
	s0 =	simm.s32 @!p2 $0x0  }
0x16: {  	s3 =	sld [smem:$0x3FDB];
	s0 =	simm.s32 @p2 $0x1  }
0x17: {  	s4 =	simm.s32 $0x1BF5;
	[smem:$0x3FAC] =	sst s0  }
0x18: {  	s0 =	sld [smem:$0x3F8F];
	_ =	swait.ge [sflag:s4], $0x0  }
0x19: {  	s7 =	sld [smem:$0x3F90]  }
0x1a: {  	s8 =	sadd.s32 $0xFFFFE003, lr  }
0x1b: {  	s9 =	sadd.s32 $0xFFFFFEF7, lr;
	s5 =	simm.s32 $0xFFFFFFFF;
	p2 =	slt.u32 s8, $0xFFFFF086  }
0x1c: {  	p1 =	slt.u32 s9, $0xF7A;
	s5 =	simm.s32 @!p2 $0x0  }
0x1d: {  	s5 =	simm.s32 @p1 $0x1;
	p0 =	seq.s32 s7, s2  }
0x1e: {  	s7 =	smul.u32 @!p0 $0xF7A, s2;
	p2 =	seq.s32 @!p0 s5, $0x0  }
0x1f: {  	s9 =	smul.u32 $0xF7A, s1;
	s8 =	simm.s32 @!p0 $0x1BF5;
	p2 =	por !p2, p0  }
0x20: {  	[sflag:s8] =	ssyncset.s32 @!p0 $0xFFFFF086;
	s6 =	sadd.s32 @!p0 s3, s7;
	s7 =	simm.s32 @!p0 $0x108  }
0x21: {  	s3 =	sadd.s32 s3, s9;
	s6 =	sadd.s32 @!p0 $0x88, s6;
	s7 =	simm.s32 @p2 $0x1082  }
0x22: {  	[simem:s7], [sflag:s8] =	dma.local @!p0 [hbm:s6], $0xF7A  }
0x23: {  	s9 =	sor.u32 $0xD0000000, s2;
	s6 =	simm.s32 $0x108;
	_ =	swait.ge @!p0 [sflag:s8], $0x0  }
0x24: {  	s3 =	sadd.s32 $0x88, s3;
	s6 =	simm.s32 @!p1 $0x1082;
	[sflag:s4] =	ssyncset.s32 $0xFFFFF086  }
0x25: {  	[simem:s6], [sflag:s4] =	dma.local [hbm:s3], $0xF7A  }
0x26: {  	[smem:$0x3F90] =	sst s1;
	(tag) =	ssettag s2;
	_ =	strace s9  }
0x27: {  	s1 =	sld [smem:$0x3FA0]  }
0x28: {  	s2 =	sld [smem:$0x3FA1]  }
0x29: {  	s4 =	sld [smem:$0x3FA3]  }
0x2a: {  	p0 =	seq.s32 s5, $0x0;
	s5 =	sld [smem:$0x3FA4]  }
0x2b: {  	s6 =	sld [smem:$0x3FA5]  }
0x2c: {  	s7 =	sld [smem:$0x3FA6]  }
0x2d: {  	s3 =	simm.s32 $0x108;
	s8 =	sld [smem:$0x3FA7]  }
0x2e: {  	s3 =	simm.s32 @!p0 $0x1082;
	s9 =	sld [smem:$0x3FA8]  }
0x2f: {  	lr =	sadd.s32 s0, s3;
	s0 =	sld [smem:$0x3F9F]  }
0x30: {  	s3 =	sld [smem:$0x3FA2]  }
0x31: {  	[smem:$0x3FAB] =	sst s10  }
0x32: {  	s10 =	sld [smem:$0x3FA9];
	_ =	sdelay $0x3  }
0x33: {  	p0 =	seq.s32 s10, $0x1;
	s10 =	sld [smem:$0x3FAB];
	_ =	sdelay $0x3  }
0x34: {  	[smem:$0x3FAB] =	sst s10  }
0x35: {  	s10 =	sld [smem:$0x3FAA];
	_ =	sdelay $0x3  }
0x36: {  	p1 =	seq.s32 s10, $0x1;
	s10 =	sld [smem:$0x3FAB];
	_ =	sdelay $0x3  }
0x37: {  	[smem:$0x3FAB] =	sst s10  }
0x38: {  	s10 =	sld [smem:$0x3FAC]  }
0x39: {  	_ = 	snop;
	(pc) =	sbr.ind lr, $3  }
0x3a: {  	_ = 	snop  }
0x3b: {  	_ = 	snop  }
0x3c: {  	p2 =	seq.s32 s10, $0x1;
	s10 =	sld [smem:$0x3FAB]  }
0x3d: {  	_ =	shalt  }
0x3e: {  	_ =	shalt  }
0x3f: {  	_ =	shalt  }
0x40: {  	_ =	shalt  }
0x41: {  	_ =	shalt  }
0x42: {  	_ =	shalt  }
0x43: {  	_ =	shalt  }
0x44: {  	_ =	shalt  }
0x45: {  	_ =	shalt  }
0x46: {  	_ =	shalt  }
0x47: {  	_ =	shalt  }
0x48: {  	_ =	shalt  }
0x49: {  	_ =	shalt  }
0x4a: {  	_ =	shalt  }
0x4b: {  	_ =	shalt  }
0x4c: {  	_ =	shalt  }
0x4d: {  	_ =	shalt  }
0x4e: {  	_ =	shalt  }
0x4f: {  	_ =	shalt  }
0x50: {  	_ =	shalt  }
0x51: {  	_ =	shalt  }
0x52: {  	_ =	shalt  }
0x53: {  	_ =	shalt  }
0x54: {  	_ =	shalt  }
0x55: {  	_ =	shalt  }
0x56: {  	_ =	shalt  }
0x57: {  	_ =	shalt  }
0x58: {  	_ =	shalt  }
0x59: {  	_ =	shalt  }
0x5a: {  	_ =	shalt  }
0x5b: {  	_ =	shalt  }
0x5c: {  	_ =	shalt  }
0x5d: {  	_ =	shalt  }
0x5e: {  	_ =	shalt  }
0x5f: {  	_ =	shalt  }
0x60: {  	_ =	shalt  }
0x61: {  	_ =	shalt  }
0x62: {  	_ =	shalt  }
0x63: {  	_ =	shalt  }
0x64: {  	_ =	shalt  }
0x65: {  	_ =	shalt  }
0x66: {  	_ =	shalt  }
0x67: {  	_ =	shalt  }
0x68: {  	_ =	shalt  }
0x69: {  	_ =	shalt  }
0x6a: {  	_ =	shalt  }
0x6b: {  	_ =	shalt  }
0x6c: {  	_ =	shalt  }
0x6d: {  	_ =	shalt  }
0x6e: {  	_ =	shalt  }
0x6f: {  	_ =	shalt  }
0x70: {  	_ =	shalt  }
0x71: {  	_ =	shalt  }
0x72: {  	_ =	shalt  }
0x73: {  	_ =	shalt  }
0x74: {  	_ =	shalt  }
0x75: {  	_ =	shalt  }
0x76: {  	_ =	shalt  }
0x77: {  	_ =	shalt  }
0x78: {  	_ =	shalt  }
0x79: {  	_ =	shalt  }
0x7a: {  	_ =	shalt  }
0x7b: {  	_ =	shalt  }
0x7c: {  	_ =	shalt  }
0x7d: {  	_ =	shalt  }
0x7e: {  	_ =	shalt  }
0x7f: {  	_ =	shalt  }
0x80: {  	_ =	shalt  }
0x81: {  	_ =	shalt  }
0x82: {  	_ =	shalt  }
0x83: {  	_ =	shalt  }
0x84: {  	_ =	shalt  }
0x85: {  	_ =	shalt  }
0x86: {  	_ =	shalt  }
0x87: {  	_ =	shalt  }
.Lfunc_end0:
.L_simem_size_0:
called_computation_lowered:
.L_overlay_start_0:
0x88: {  	s2 =	sld [smem:$0x3FD9]  }
0x89: {  	s3 =	sld [smem:$0x3FFE];
	_ =	sdelay $0x1  }
0x8a: {  	s1 =	srdreg.scid  }
0x8b: {  	s0 =	sand.u32 $0x1, s1  }
0x8c: {  	s17 =	sshll.u32 s0, $0xA;
	s2 =	sadd.s32 s3, s2  }
0x8d: {  	s2 =	sadd.s32 s2, s17  }
0x8e: {  	[smem:$0x3FB7] =	sst s2  }
0x8f: {  	_ = 	snop  }
0x90: {  	s2 =	sld [smem:$0x3FC7];
	(tm) =	ssettm $0x1  }
0x91: {  	s18 =	sld [smem:$0x3FFB];
	_ =	sdelay $0x3  }
0x92: {  	_ =	strace s18  }
0x93: {  	s3 =	sld [smem:$0x3FFC];
	_ =	sdelay $0x3  }
0x94: {  	_ =	strace s3  }
0x95: {  	s3 =	sld [smem:$0x3FFD];
	_ =	sdelay $0x3  }
0x96: {  	_ =	strace s3  }
0x97: {  	_ =	strace $0x8FFFFFFF  }
0x98: {  	s19 =	sld [smem:$0x3FDB];
	_ =	sdelay $0x1  }
0x99: {  	s4 =	simm.s32 $_scs_section_size  }
0x9a: {  	s5 =	simm.s32 $_size__tile_overlayer_lowered;
	s6 =	simm.s32 $_tile_overlayer_lowered  }
0x9b: {  	s22 =	simm.s32 $0x1BFF;
	s21 =	sshll.u32 s6, $0x1;
	s3 =	sadd.s32 s4, s19  }
0x9c: {  	s7 =	simm.s32 $0x0;
	s20 =	sshll.u32 s5, $0x1;
	s5 =	sadd.s32 s21, s3  }
0x9d: {  	[timem:s7], [sflag:s22] =	dma.local [hbm:s5], s20  }
0x9e: {  	_ =	swait.ge [sflag:s22], s20  }
0x9f: {  	s4 =	ssub.s32 $0x0, s20;
	[sflag:s22] =	ssyncset.done $0x0  }
0xa0: {  	[sflag:s22] =	ssyncadd.s32 s4;
	_ =	sdelay $0x1  }
0xa1: {  	s23 =	simm.s32 $0x1B8B  }
0xa2: {  	_ =	swait.ge [sflag:s23], $0x1  }
0xa3: {  	[sflag:s23] =	ssyncset.done $0x0  }
0xa4: {  	s25 =	simm.s32 $0x1B8E;
	s24 =	sld [smem:$0x3FFE];
	[sflag:s23] =	ssyncadd.s32 $0xFFFFFFFF  }
0xa5: {  	s26 =	simm.s32 $execute0_lowered;
	[smem:$0x3FD2] =	sst s25  }
0xa6: {  	s5 =	sshll.u32 s26, $0x1;
	_ =	strace $0x80000046;
	[dreg:$0x1] =	wrdreg $0xFFFFFFFF  }
0xa7: {  	s28 =	simm.s32 $_size_execute0_lowered;
	s3 =	sadd.s32 s3, s5;
	[dreg:$0x0] =	wrdreg $0x0  }
0xa8: {  	s5 =	sshll.u32 s28, $0x1;
	[dreg:$0x2] =	wrdreg s3  }
0xa9: {  	[dreg:$0x3] =	wrdreg s5  }
0xaa: {  	[dreg:$0x4] =	wrdreg $0xC0  }
0xab: {  	_ =	task [dreg:s7], $0x5FFFF  }
0xac: {  	[dreg:$0x1] =	wrdreg $0xFFFFFFFF  }
0xad: {  	[dreg:$0x0] =	wrdreg $0x60  }
0xae: {  	[dreg:$0x2] =	wrdreg s2  }
0xaf: {  	[dreg:$0x3] =	wrdreg s24  }
0xb0: {  	[dreg:$0x4] =	wrdreg $0x9  }
0xb1: {  	_ =	task.clear_ibuf [dreg:s7], $0x5FFFF;
	_ =	strace $0x90000046  }
0xb2: {  	s29 =	simm.s32 $0x9;
	_ =	strace $0x80000048  }
0xb3: {  	_ =	swait.ge [sflag:s29], $0x1  }
0xb4: {  	[sflag:s29] =	ssyncadd.s32 $0xFFFFFFFF  }
0xb5: {  	_ =	strace $0x90000048  }
0xb6: {  	_ =	sfence  }
0xb7: {  	s30 =	sld [smem:$0x0];
	_ =	sdelay $0x2  }
0xb8: {  	s31 =	sshll.u32 s1, $0xD;
	s1 =	sshrl.u32 s1, $0x2  }
0xb9: {  	s3 =	sand.u32 $0x4000, s31;
	s1 =	sadd.s32 s1, s30  }
0xba: {  	s0 =	sor.u32 s3, s0;
	s1 =	sshll.u32 s1, $0x11  }
0xbb: {  	s0 =	sor.u32 s1, s0  }
0xbc: {  	s0 =	sadd.s32 $0x8F2B, s0  }
0xbd: {  	[sflag:s0] =	ssyncadd.remote.s32 $0x1  }
0xbe: {  	_ =	sfence.sel $0xFFFF  }
0xbf: {  	[dreg:$0x0] =	wrdreg $0xFFFFFFFF;
	(pc) =	sbr.abs _section_cstart, $3  }
0xc0: {  	[dreg:$0x1] =	wrdreg $0xFFFFFFFF  }
0xc1: {  	_ =	task.clear_ibuf [dreg:s7], $0x2FFFF;
	_ =	strace $0x9FFFFFFF  }
0xc2: {  	(tm) =	ssettm $0x7FFFFFFF  }
0xc3: {  	_ =	shalt  }
tec
execute0_lowered:
.L_overlay_start_1:
0x0: {  	(tag) =	ssettag $0x1  }
0x1: {  	v0 =	vlaneseq.u32  }
0x2: {  	v1 =	vand.u32 $0x7, v0;
	v14 =	vmul.u32 $0x10, v0;
	v18 =	vor.u32 $0x400, v0  }
0x3: {  	v20 =	vor.u32 $0x80, v0;
	v22 =	vor.u32 $0x100, v0;
	v24 =	vor.u32 $0x180, v0  }
0x4: {  	v26 =	vor.u32 $0x200, v0;
	v28 =	vor.u32 $0x280, v0;
	v30 =	vor.u32 $0x300, v0  }
0x5: {  	v32 =	vor.u32 $0x380, v0;
	v42 =	vor.u32 $0x10, v0;
	v44 =	vor.u32 $0x90, v0  }
0x6: {  	v46 =	vor.u32 $0x110, v0;
	v48 =	vor.u32 $0x190, v0;
	v50 =	vor.u32 $0x210, v0  }
0x7: {  	v52 =	vor.u32 $0x290, v0;
	v54 =	vor.u32 $0x310, v0;
	v56 =	vor.u32 $0x390, v0  }
0x8: {  	v59 =	vor.u32 $0x800, v0;
	v1 =	vmul.u32 $0x10, v1;
	v19 =	vor.u32 $0x2800, v14  }
0x9: {  	v35 =	vor.u32 $0x2809, v14;
	v36 =	vor.u32 $0x280A, v14;
	v37 =	vor.u32 $0x280B, v14  }
0xa: {  	s0 =	rddreg [dreg:$0x0];
	s2 =	srdreg.scid;
	v38 =	vor.u32 $0x280C, v14;
	v39 =	vor.u32 $0x280D, v14;
	v40 =	vor.u32 $0x280E, v14  }
0xb: {  	s1 =	stileid.u32;
	s5 =	rddreg [dreg:$0x1];
	v41 =	vor.u32 $0x280F, v14;
	v43 =	vor.u32 $0x2900, v14;
	v45 =	vor.u32 $0x2901, v14  }
0xc: {  	s3 =	simm.s32 $0x0;
	s9 =	simm.s32 $0x8000;
	s10 =	simm.s32 $0x1;
	v47 =	vor.u32 $0x2902, v14;
	v49 =	vor.u32 $0x2903, v14;
	[tilespmem:$0x1FF70] =	vst v19;
	v19 =	vor.u32 $0x2801, v14  }
0xd: {  	s11 =	simm.s32 $0x10800;
	s12 =	simm.s32 $0x5;
	s13 =	simm.s32 $0x10000;
	v51 =	vor.u32 $0x2904, v14;
	v53 =	vor.u32 $0x2905, v14;
	[tilespmem:$0x1FF80] =	vst v19;
	v19 =	vor.u32 $0x2802, v14  }
0xe: {  	s14 =	simm.s32 $0x10400;
	s4 =	sand.u32 $0x1, s2;
	s6 =	sshll.u32 s1, $0x1;
	v55 =	vor.u32 $0x2906, v14;
	v57 =	vor.u32 $0x2907, v14;
	[tilespmem:$0x1FF90] =	vst v19;
	v19 =	vor.u32 $0x2803, v14  }
0xf: {  	s15 =	simm.s32 $0x4;
	s16 =	simm.s32 $0x3;
	s6 =	sor.u32 s4, s6;
	v58 =	vor.u32 $0x2908, v14;
	v2 =	vor.u32 $0x1, v1;
	[tilespmem:$0x1FFA0] =	vst v19;
	v19 =	vor.u32 $0x2804, v14  }
0x10: {  	s17 =	simm.s32 $0x14800;
	s18 =	simm.s32 $0x2;
	s6 =	smul.u32 $0x28A, s6;
	v3 =	vor.u32 $0x2, v1;
	v4 =	vor.u32 $0x3, v1;
	[tilespmem:$0x1FFB0] =	vst v19;
	v19 =	vor.u32 $0x2805, v14  }
.Ltmp0:
0x11: {  	s19 =	simm.s32 $0x0;
	s2 =	rddreg [dreg:$0x2];
	v5 =	vor.u32 $0x4, v1;
	v6 =	vor.u32 $0x5, v1;
	[tilespmem:$0x1FFC0] =	vst v19;
	v19 =	vor.u32 $0x2806, v14;
	(pc) =	sbr.rel .LBB2_1-.Ltmp0, $4  }
0x12: {  	[smem:$0x7FF] =	sst s3;
	s7 =	ssub.s32 $0x2, s4;
	s4 =	sadd.s32 $0x2600, s5;
	v7 =	vor.u32 $0x6, v1;
	v8 =	vor.u32 $0x7, v1;
	[tilespmem:$0x1FFD0] =	vst v19;
	v19 =	vor.u32 $0x2807, v14  }
0x13: {  	s5 =	sadd.s32 $0x4000, s5;
	s8 =	sshrl.u32 s7, $0x1;
	v9 =	vor.u32 $0x8, v1;
	v10 =	vor.u32 $0x9, v1;
	s31 =	sadd.s32 $0x28A, s6;
	[tilespmem:$0x1FFE0] =	vst v19;
	v19 =	vor.u32 $0x2808, v14  }
0x14: {  	v11 =	vor.u32 $0xA, v1;
	v12 =	vor.u32 $0xB, v1;
	v13 =	vor.u32 $0xC, v1;
	s8 =	ssub.s32 s7, s8;
	s6 =	sshrl.u32 s6, $0x5;
	s7 =	sshrl.u32 s31, $0x5;
	[tilespmem:$0x1FFF0] =	vst v19  }
0x15: {  	v15 =	vor.u32 $0xD, v1;
	v16 =	vor.u32 $0xE, v1;
	v17 =	vor.u32 $0xF, v1;
	s8 =	smax.u32 s8, $0x1;
	p0 =	sge.u32 s6, s7;
	_ =	strace $0x80000047  }
.LBB2_9:
0x16: {  	p1 =	sgt.s32 s20, $0x0  }
.Ltmp1:
0x17: {  	_ = 	snop;
	(pc) =	sbr.rel @!p1 .LBB2_23-.Ltmp1, $1  }
0x18: {  	_ =	sdelay $0x3  }
.LBB2_22:
0x19: {  	_ =	swait.ge [sflag:s16], $0x4000  }
0x1a: {  	[sflag:s16] =	ssyncset.done $0x0  }
0x1b: {  	[sflag:s16] =	ssyncadd.s32 $0xFFFFC000  }
.LBB2_23:
0x1c: {  	s19 =	sadd.s32 $0x1, s19  }
0x1d: {  	p1 =	sne.s32 s19, s8  }
.Ltmp2:
0x1e: {  	_ = 	snop;
	(pc) =	sbr.rel @!p1 .LBB2_24-.Ltmp2, $1  }
0x1f: {  	_ =	sdelay $0x3  }
.LBB2_1:
.Ltmp3:
0x20: {  	(pc) =	sbr.rel @p0 .LBB2_23-.Ltmp3, $1  }
0x21: {  	_ =	sdelay $0x3  }
0x22: {  	s20 =	simm.s32 $0x0;
	s22 =	simm.s32 $0x0;
	s21 =	smov.u32 s6  }
.LBB2_3:
0x23: {  	s23 =	smulhi.u32 $0x51EB851F, s21;
	_ =	sdelay $0x1  }
0x24: {  	s23 =	sshrl.u32 s23, $0x3  }
0x25: {  	s24 =	smul.u32 $0x19, s23;
	_ =	sdelay $0x1  }
0x26: {  	s24 =	ssub.s32 s21, s24  }
0x27: {  	p1 =	sne.s32 s24, $0x18  }
.Ltmp4:
0x28: {  	_ = 	snop;
	(pc) =	sbr.rel @p1 .LBB2_10-.Ltmp4, $1  }
0x29: {  	_ =	sdelay $0x3  }
0x2a: {  	s24 =	smul.u32 $0x187000, s23;
	_ =	sdelay $0x1  }
0x2b: {  	s24 =	sshrl.u32 s24, $0x3  }
0x2c: {  	s25 =	sadd.s32 s0, s24;
	s24 =	sshllo.u32 s23, $0x1  }
0x2d: {  	s25 =	sadd.s32 $0x18000, s25;
	s26 =	smul.u32 $0xC3800, s24  }
0x2e: {  	[tilespmem:s3], [sflag:$0x1] =	stream.linear.gather [hbm4b:s25+s3], $0x3400, $0x38;
	[tilespmem:$0x18800] =	vst v63  }
0x2f: {  	s30 =	sshrl.u32 s26, $0x3  }
0x30: {  	s25 =	sadd.s32 s0, s30  }
0x31: {  	s25 =	sadd.s32 $0x18000, s25  }
0x32: {  	[tilespmem:s9], [sflag:$0x1] =	stream.linear.gather [hbm4b:s25+s3], $0x3400, $0x38;
	[tilespmem:$0x18800] =	vst v63  }
0x33: {  	s31 =	simm.s32 $0x0;
	_ =	swait.ge [sflag:s10], $0x3400  }
0x34: {  	v19 =	vmov s31;
	[sflag:s10] =	ssyncset.done $0x0  }
0x35: {  	v60 =	vor.u32 s31, v0;
	v19 =	vshll.u32 v19, $0x3;
	[sflag:s10] =	ssyncadd.s32 $0xFFFFCC00  }
0x36: {  	v61 =	vand.u32 $0x7F, v60;
	v62 =	vand.u32 $0x1C00, v19;
	_ =	swait.ge [sflag:s10], $0x3400  }
0x37: {  	p1 =	slt.s32 s22, $0x1;
	v62 =	vor.u32 v61, v62;
	[sflag:s10] =	ssyncset.done $0x0  }
0x38: {  	s22 =	simm.s32 @!p1 $0x2;
	[sflag:s10] =	ssyncadd.s32 $0xFFFFCC00  }
0x39: {  	_ =	swait.ge @!p1 [sflag:s22], $0x4000  }
0x3a: {  	v60 =	vshll.u32 v60, $0x4;
	[sflag:s22] =	ssyncset.done @!p1 $0x0  }
0x3b: {  	v60 =	vand.u32 $0x3F80, v60;
	[sflag:s22] =	ssyncadd.s32 @!p1 $0xFFFFC000  }
0x3c: {  	v21 =	vor.u32 v1, v60;
	v63 =	vld.idx.msk [tilespmem:v62+s3+$0x0], $0xffff  }
0x3d: {  	v23 =	vor.u32 $0x80, v62;
	_ =	sdelay $0x3  }
0x3e: {  	[tilespmem:v21+s11+$0x0] =	vst.idx.msk $0xffff, v63  }
0x3f: {  	v34 =	vor.u32 v2, v60;
	v21 =	vld.idx.msk [tilespmem:v23+s3+$0x0], $0xffff  }
0x40: {  	v25 =	vor.u32 $0x100, v62;
	_ =	sdelay $0x3  }
0x41: {  	[tilespmem:v34+s11+$0x0] =	vst.idx.msk $0xffff, v21  }
0x42: {  	v33 =	vor.u32 v3, v60;
	v21 =	vld.idx.msk [tilespmem:v25+s3+$0x0], $0xffff  }
0x43: {  	v27 =	vor.u32 $0x180, v62;
	_ =	sdelay $0x3  }
0x44: {  	[tilespmem:v33+s11+$0x0] =	vst.idx.msk $0xffff, v21  }
0x45: {  	v34 =	vor.u32 v4, v60;
	v21 =	vld.idx.msk [tilespmem:v27+s3+$0x0], $0xffff  }
0x46: {  	v29 =	vor.u32 $0x200, v62;
	_ =	sdelay $0x3  }
0x47: {  	[tilespmem:v34+s11+$0x0] =	vst.idx.msk $0xffff, v21  }
0x48: {  	v33 =	vor.u32 v5, v60;
	v21 =	vld.idx.msk [tilespmem:v29+s3+$0x0], $0xffff  }
0x49: {  	v31 =	vor.u32 $0x280, v62;
	_ =	sdelay $0x3  }
0x4a: {  	[tilespmem:v33+s11+$0x0] =	vst.idx.msk $0xffff, v21  }
0x4b: {  	v63 =	vor.u32 v6, v60;
	v21 =	vld.idx.msk [tilespmem:v31+s3+$0x0], $0xffff  }
0x4c: {  	v33 =	vor.u32 $0x300, v62;
	_ =	sdelay $0x3  }
0x4d: {  	[tilespmem:v63+s11+$0x0] =	vst.idx.msk $0xffff, v21  }
0x4e: {  	v19 =	vor.u32 v61, v19;
	v34 =	vor.u32 v7, v60;
	v21 =	vld.idx.msk [tilespmem:v33+s3+$0x0], $0xffff  }
0x4f: {  	v61 =	vor.u32 $0x380, v19;
	_ =	sdelay $0x3  }
0x50: {  	[tilespmem:v34+s11+$0x0] =	vst.idx.msk $0xffff, v21  }
0x51: {  	v21 =	vor.u32 v8, v60;
	v19 =	vld.idx.msk [tilespmem:v61+s3+$0x0], $0xffff;
	_ =	sdelay $0x4  }
0x52: {  	[tilespmem:v21+s11+$0x0] =	vst.idx.msk $0xffff, v19  }
0x53: {  	v21 =	vor.u32 v9, v60;
	v19 =	vld.idx.msk [tilespmem:v62+s9+$0x0], $0xffff;
	_ =	sdelay $0x4  }
0x54: {  	[tilespmem:v21+s11+$0x0] =	vst.idx.msk $0xffff, v19  }
0x55: {  	v21 =	vor.u32 v10, v60;
	v19 =	vld.idx.msk [tilespmem:v23+s9+$0x0], $0xffff;
	_ =	sdelay $0x4  }
0x56: {  	[tilespmem:v21+s11+$0x0] =	vst.idx.msk $0xffff, v19  }
0x57: {  	v21 =	vor.u32 v11, v60;
	v19 =	vld.idx.msk [tilespmem:v25+s9+$0x0], $0xffff;
	_ =	sdelay $0x4  }
0x58: {  	[tilespmem:v21+s11+$0x0] =	vst.idx.msk $0xffff, v19  }
0x59: {  	v21 =	vor.u32 v12, v60;
	v19 =	vld.idx.msk [tilespmem:v27+s9+$0x0], $0xffff;
	_ =	sdelay $0x4  }
0x5a: {  	[tilespmem:v21+s11+$0x0] =	vst.idx.msk $0xffff, v19  }
0x5b: {  	v21 =	vor.u32 v13, v60;
	v19 =	vld.idx.msk [tilespmem:v29+s9+$0x0], $0xffff;
	_ =	sdelay $0x4  }
0x5c: {  	[tilespmem:v21+s11+$0x0] =	vst.idx.msk $0xffff, v19  }
0x5d: {  	v21 =	vor.u32 v15, v60;
	v19 =	vld.idx.msk [tilespmem:v31+s9+$0x0], $0xffff;
	_ =	sdelay $0x4  }
0x5e: {  	[tilespmem:v21+s11+$0x0] =	vst.idx.msk $0xffff, v19  }
0x5f: {  	v23 =	vor.u32 v16, v60;
	v21 =	vld.idx.msk [tilespmem:v33+s9+$0x0], $0xffff;
	_ =	sdelay $0x3  }
0x60: {  	s22 =	simm.s32 $0x10  }
0x61: {  	s25 =	simm.s32 $0x20;
	v19 =	vmov s22;
	[tilespmem:v23+s11+$0x0] =	vst.idx.msk $0xffff, v21  }
.LBB2_5:
0x62: {  	p1 =	sne.s32 s25, $0x3F0;
	v21 =	vor.u32 s22, v0;
	v19 =	vshll.u32 v19, $0x3;
	v23 =	vld.idx.msk [tilespmem:v61+s9+$0x0], $0xffff;
	s22 =	smov.u32 s25  }
0x63: {  	v29 =	vor.u32 v17, v60;
	v25 =	vand.u32 $0x7F, v21;
	v27 =	vand.u32 $0x1C00, v19  }
0x64: {  	v27 =	vor.u32 v25, v27;
	_ =	sdelay $0x3  }
0x65: {  	v21 =	vshll.u32 v21, $0x4;
	[tilespmem:v29+s11+$0x0] =	vst.idx.msk $0xffff, v23  }
0x66: {  	v60 =	vand.u32 $0x3F80, v21;
	v23 =	vld.idx.msk [tilespmem:v27+s3+$0x0], $0xffff  }
0x67: {  	v21 =	vor.u32 v1, v60  }
0x68: {  	v29 =	vor.u32 $0x80, v27;
	_ =	sdelay $0x3  }
0x69: {  	[tilespmem:v21+s11+$0x0] =	vst.idx.msk $0xffff, v23  }
0x6a: {  	v21 =	vld.idx.msk [tilespmem:v29+s3+$0x0], $0xffff  }
0x6b: {  	v23 =	vor.u32 v2, v60  }
0x6c: {  	v31 =	vor.u32 $0x100, v27;
	_ =	sdelay $0x3  }
0x6d: {  	[tilespmem:v23+s11+$0x0] =	vst.idx.msk $0xffff, v21  }
0x6e: {  	v21 =	vld.idx.msk [tilespmem:v31+s3+$0x0], $0xffff  }
0x6f: {  	v23 =	vor.u32 v3, v60  }
0x70: {  	v33 =	vor.u32 $0x180, v27;
	_ =	sdelay $0x3  }
0x71: {  	[tilespmem:v23+s11+$0x0] =	vst.idx.msk $0xffff, v21  }
0x72: {  	v21 =	vld.idx.msk [tilespmem:v33+s3+$0x0], $0xffff  }
0x73: {  	v23 =	vor.u32 v4, v60  }
0x74: {  	v62 =	vor.u32 $0x200, v27;
	_ =	sdelay $0x3  }
0x75: {  	[tilespmem:v23+s11+$0x0] =	vst.idx.msk $0xffff, v21  }
0x76: {  	v21 =	vld.idx.msk [tilespmem:v62+s3+$0x0], $0xffff  }
0x77: {  	v23 =	vor.u32 v5, v60  }
0x78: {  	v63 =	vor.u32 $0x280, v27;
	_ =	sdelay $0x3  }
0x79: {  	[tilespmem:v23+s11+$0x0] =	vst.idx.msk $0xffff, v21  }
0x7a: {  	v21 =	vld.idx.msk [tilespmem:v63+s3+$0x0], $0xffff  }
0x7b: {  	v23 =	vor.u32 v6, v60  }
0x7c: {  	v34 =	vor.u32 $0x300, v27;
	_ =	sdelay $0x3  }
0x7d: {  	[tilespmem:v23+s11+$0x0] =	vst.idx.msk $0xffff, v21  }
0x7e: {  	v21 =	vld.idx.msk [tilespmem:v34+s3+$0x0], $0xffff  }
0x7f: {  	v19 =	vor.u32 v25, v19;
	v23 =	vor.u32 v7, v60  }
0x80: {  	v61 =	vor.u32 $0x380, v19;
	_ =	sdelay $0x3  }
0x81: {  	[tilespmem:v23+s11+$0x0] =	vst.idx.msk $0xffff, v21  }
0x82: {  	v19 =	vld.idx.msk [tilespmem:v61+s3+$0x0], $0xffff  }
0x83: {  	v21 =	vor.u32 v8, v60;
	_ =	sdelay $0x4  }
0x84: {  	[tilespmem:v21+s11+$0x0] =	vst.idx.msk $0xffff, v19  }
0x85: {  	v19 =	vld.idx.msk [tilespmem:v27+s9+$0x0], $0xffff  }
0x86: {  	v21 =	vor.u32 v9, v60;
	_ =	sdelay $0x4  }
0x87: {  	[tilespmem:v21+s11+$0x0] =	vst.idx.msk $0xffff, v19  }
0x88: {  	v19 =	vld.idx.msk [tilespmem:v29+s9+$0x0], $0xffff  }
0x89: {  	v21 =	vor.u32 v10, v60;
	_ =	sdelay $0x4  }
0x8a: {  	[tilespmem:v21+s11+$0x0] =	vst.idx.msk $0xffff, v19  }
0x8b: {  	v19 =	vld.idx.msk [tilespmem:v31+s9+$0x0], $0xffff  }
0x8c: {  	v21 =	vor.u32 v11, v60;
	_ =	sdelay $0x4  }
0x8d: {  	[tilespmem:v21+s11+$0x0] =	vst.idx.msk $0xffff, v19  }
0x8e: {  	v19 =	vld.idx.msk [tilespmem:v33+s9+$0x0], $0xffff  }
0x8f: {  	v21 =	vor.u32 v12, v60;
	_ =	sdelay $0x4  }
0x90: {  	[tilespmem:v21+s11+$0x0] =	vst.idx.msk $0xffff, v19  }
0x91: {  	v19 =	vld.idx.msk [tilespmem:v62+s9+$0x0], $0xffff  }
0x92: {  	v21 =	vor.u32 v13, v60;
	_ =	sdelay $0x4  }
0x93: {  	[tilespmem:v21+s11+$0x0] =	vst.idx.msk $0xffff, v19  }
0x94: {  	v19 =	vld.idx.msk [tilespmem:v63+s9+$0x0], $0xffff  }
0x95: {  	v21 =	vor.u32 v15, v60;
	_ =	sdelay $0x4  }
0x96: {  	[tilespmem:v21+s11+$0x0] =	vst.idx.msk $0xffff, v19  }
0x97: {  	v21 =	vld.idx.msk [tilespmem:v34+s9+$0x0], $0xffff  }
0x98: {  	v23 =	vor.u32 v16, v60  }
.Ltmp5:
0x99: {  	(pc) =	sbr.rel @p1 .LBB2_5-.Ltmp5, $2  }
0x9a: {  	_ =	sdelay $0x2  }
0x9b: {  	s25 =	sadd.s32 $0x10, s25;
	v19 =	vmov s22;
	[tilespmem:v23+s11+$0x0] =	vst.idx.msk $0xffff, v21  }
0x9c: {  	_ =	sdelay $0x2  }
0x9d: {  	v21 =	vor.u32 s22, v0;
	v19 =	vshll.u32 v19, $0x3  }
0x9e: {  	v23 =	vld.idx.msk [tilespmem:v61+s9+$0x0], $0xffff;
	v29 =	vor.u32 v17, v60;
	v25 =	vand.u32 $0x7F, v21;
	v27 =	vand.u32 $0x1C00, v19  }
0x9f: {  	v27 =	vor.u32 v25, v27;
	_ =	sdelay $0x2  }
0xa0: {  	v21 =	vshll.u32 v21, $0x4  }
0xa1: {  	v21 =	vand.u32 $0x3F80, v21;
	[tilespmem:v29+s11+$0x0] =	vst.idx.msk $0xffff, v23  }
0xa2: {  	v29 =	vor.u32 v1, v21;
	v23 =	vld.idx.msk [tilespmem:v27+s3+$0x0], $0xffff  }
0xa3: {  	v31 =	vor.u32 $0x80, v27;
	_ =	sdelay $0x3  }
0xa4: {  	[tilespmem:v29+s11+$0x0] =	vst.idx.msk $0xffff, v23  }
0xa5: {  	v29 =	vor.u32 v2, v21;
	v23 =	vld.idx.msk [tilespmem:v31+s3+$0x0], $0xffff  }
0xa6: {  	v33 =	vor.u32 $0x100, v27;
	_ =	sdelay $0x3  }
0xa7: {  	[tilespmem:v29+s11+$0x0] =	vst.idx.msk $0xffff, v23  }
0xa8: {  	v29 =	vor.u32 v3, v21;
	v23 =	vld.idx.msk [tilespmem:v33+s3+$0x0], $0xffff  }
0xa9: {  	v34 =	vor.u32 $0x180, v27;
	_ =	sdelay $0x3  }
0xaa: {  	[tilespmem:v29+s11+$0x0] =	vst.idx.msk $0xffff, v23  }
0xab: {  	v29 =	vor.u32 v4, v21;
	v23 =	vld.idx.msk [tilespmem:v34+s3+$0x0], $0xffff  }
0xac: {  	v60 =	vor.u32 $0x200, v27;
	_ =	sdelay $0x3  }
0xad: {  	[tilespmem:v29+s11+$0x0] =	vst.idx.msk $0xffff, v23  }
0xae: {  	v29 =	vor.u32 v5, v21;
	v23 =	vld.idx.msk [tilespmem:v60+s3+$0x0], $0xffff  }
0xaf: {  	v61 =	vor.u32 $0x280, v27;
	_ =	sdelay $0x3  }
0xb0: {  	[tilespmem:v29+s11+$0x0] =	vst.idx.msk $0xffff, v23  }
0xb1: {  	v29 =	vor.u32 v6, v21;
	v23 =	vld.idx.msk [tilespmem:v61+s3+$0x0], $0xffff  }
0xb2: {  	v62 =	vor.u32 $0x300, v27;
	_ =	sdelay $0x3  }
0xb3: {  	[tilespmem:v29+s11+$0x0] =	vst.idx.msk $0xffff, v23  }
0xb4: {  	v19 =	vor.u32 v25, v19;
	v29 =	vor.u32 v7, v21;
	v23 =	vld.idx.msk [tilespmem:v62+s3+$0x0], $0xffff  }
0xb5: {  	v19 =	vor.u32 $0x380, v19;
	_ =	sdelay $0x3  }
0xb6: {  	[tilespmem:v29+s11+$0x0] =	vst.idx.msk $0xffff, v23  }
0xb7: {  	v25 =	vor.u32 v8, v21;
	v23 =	vld.idx.msk [tilespmem:v19+s3+$0x0], $0xffff;
	_ =	sdelay $0x4  }
0xb8: {  	[tilespmem:v25+s11+$0x0] =	vst.idx.msk $0xffff, v23  }
0xb9: {  	v25 =	vor.u32 v9, v21;
	v23 =	vld.idx.msk [tilespmem:v27+s9+$0x0], $0xffff;
	_ =	sdelay $0x4  }
0xba: {  	[tilespmem:v25+s11+$0x0] =	vst.idx.msk $0xffff, v23  }
0xbb: {  	v25 =	vor.u32 v10, v21;
	v23 =	vld.idx.msk [tilespmem:v31+s9+$0x0], $0xffff;
	_ =	sdelay $0x4  }
0xbc: {  	[tilespmem:v25+s11+$0x0] =	vst.idx.msk $0xffff, v23  }
0xbd: {  	v25 =	vor.u32 v11, v21;
	v23 =	vld.idx.msk [tilespmem:v33+s9+$0x0], $0xffff;
	_ =	sdelay $0x4  }
0xbe: {  	[tilespmem:v25+s11+$0x0] =	vst.idx.msk $0xffff, v23  }
0xbf: {  	v25 =	vor.u32 v12, v21;
	v23 =	vld.idx.msk [tilespmem:v34+s9+$0x0], $0xffff;
	_ =	sdelay $0x4  }
0xc0: {  	[tilespmem:v25+s11+$0x0] =	vst.idx.msk $0xffff, v23  }
0xc1: {  	v25 =	vor.u32 v13, v21;
	v23 =	vld.idx.msk [tilespmem:v60+s9+$0x0], $0xffff;
	_ =	sdelay $0x4  }
0xc2: {  	[tilespmem:v25+s11+$0x0] =	vst.idx.msk $0xffff, v23  }
0xc3: {  	v25 =	vor.u32 v15, v21;
	v23 =	vld.idx.msk [tilespmem:v61+s9+$0x0], $0xffff;
	_ =	sdelay $0x4  }
0xc4: {  	[tilespmem:v25+s11+$0x0] =	vst.idx.msk $0xffff, v23  }
0xc5: {  	v25 =	vor.u32 v16, v21;
	v23 =	vld.idx.msk [tilespmem:v62+s9+$0x0], $0xffff;
	_ =	sdelay $0x4  }
0xc6: {  	[tilespmem:v25+s11+$0x0] =	vst.idx.msk $0xffff, v23  }
0xc7: {  	v21 =	vor.u32 v17, v21;
	v19 =	vld.idx.msk [tilespmem:v19+s9+$0x0], $0xffff  }
0xc8: {  	s31 =	smul.u32 $0x30D80, s23;
	s25 =	simm.s32 $0x0  }
0xc9: {  	v23 =	vor.u32 s25, v18  }
0xca: {  	s22 =	sadd.s32 $0x30000, s31;
	v25 =	vshll.u32 v23, $0x3  }
0xcb: {  	s22 =	sand.u32 $0x1FFFFF80, s22;
	v23 =	vand.u32 $0x7F, v23;
	v25 =	vand.u32 $0x3C00, v25  }
0xcc: {  	s22 =	sadd.s32 s5, s22;
	[tilespmem:v21+s11+$0x0] =	vst.idx.msk $0xffff, v19;
	v19 =	vor.u32 v23, v25  }
0xcd: {  	v21 =	vmov s25;
	[hbm4b:s22+s25] =	stream.linear.scatter [tilespmem:s11], [sflag:$0x5], $0x4000, $0x38;
	[tilespmem:$0x18800] =	vst v63  }
0xce: {  	v21 =	vshll.u32 v21, $0x4;
	_ =	swait.ge [sflag:s12], $0x4000  }
0xcf: {  	v21 =	vor.u32 v14, v21;
	[sflag:s12] =	ssyncset.done $0x0  }
0xd0: {  	v60 =	vand.u32 $0x3F80, v21;
	[sflag:s12] =	ssyncadd.s32 $0xFFFFC000  }
0xd1: {  	v23 =	vor.u32 v1, v60;
	v21 =	vld.idx.msk [tilespmem:v19+s3+$0x0], $0xffff  }
0xd2: {  	v25 =	vor.u32 $0x80, v19;
	_ =	sdelay $0x3  }
0xd3: {  	[tilespmem:v23+s11+$0x0] =	vst.idx.msk $0xffff, v21  }
0xd4: {  	v23 =	vor.u32 v2, v60;
	v21 =	vld.idx.msk [tilespmem:v25+s3+$0x0], $0xffff  }
0xd5: {  	v27 =	vor.u32 $0x100, v19;
	_ =	sdelay $0x3  }
0xd6: {  	[tilespmem:v23+s11+$0x0] =	vst.idx.msk $0xffff, v21  }
0xd7: {  	v23 =	vor.u32 v3, v60;
	v21 =	vld.idx.msk [tilespmem:v27+s3+$0x0], $0xffff  }
0xd8: {  	v29 =	vor.u32 $0x180, v19;
	_ =	sdelay $0x3  }
0xd9: {  	[tilespmem:v23+s11+$0x0] =	vst.idx.msk $0xffff, v21  }
0xda: {  	v23 =	vor.u32 v4, v60;
	v21 =	vld.idx.msk [tilespmem:v29+s3+$0x0], $0xffff  }
0xdb: {  	v31 =	vor.u32 $0x200, v19;
	_ =	sdelay $0x3  }
0xdc: {  	[tilespmem:v23+s11+$0x0] =	vst.idx.msk $0xffff, v21  }
0xdd: {  	v23 =	vor.u32 v5, v60;
	v21 =	vld.idx.msk [tilespmem:v31+s3+$0x0], $0xffff  }
0xde: {  	v33 =	vor.u32 $0x280, v19;
	_ =	sdelay $0x3  }
0xdf: {  	[tilespmem:v23+s11+$0x0] =	vst.idx.msk $0xffff, v21  }
0xe0: {  	v23 =	vor.u32 v6, v60;
	v21 =	vld.idx.msk [tilespmem:v33+s3+$0x0], $0xffff  }
0xe1: {  	v34 =	vor.u32 $0x300, v19;
	_ =	sdelay $0x3  }
0xe2: {  	[tilespmem:v23+s11+$0x0] =	vst.idx.msk $0xffff, v21  }
0xe3: {  	v23 =	vor.u32 v7, v60;
	v21 =	vld.idx.msk [tilespmem:v34+s3+$0x0], $0xffff  }
0xe4: {  	v61 =	vor.u32 $0x380, v19;
	_ =	sdelay $0x3  }
0xe5: {  	[tilespmem:v23+s11+$0x0] =	vst.idx.msk $0xffff, v21  }
0xe6: {  	v23 =	vor.u32 v8, v60;
	v21 =	vld.idx.msk [tilespmem:v61+s3+$0x0], $0xffff;
	_ =	sdelay $0x4  }
0xe7: {  	[tilespmem:v23+s11+$0x0] =	vst.idx.msk $0xffff, v21  }
0xe8: {  	v21 =	vor.u32 v9, v60;
	v19 =	vld.idx.msk [tilespmem:v19+s9+$0x0], $0xffff;
	_ =	sdelay $0x4  }
0xe9: {  	[tilespmem:v21+s11+$0x0] =	vst.idx.msk $0xffff, v19  }
0xea: {  	v21 =	vor.u32 v10, v60;
	v19 =	vld.idx.msk [tilespmem:v25+s9+$0x0], $0xffff;
	_ =	sdelay $0x4  }
0xeb: {  	[tilespmem:v21+s11+$0x0] =	vst.idx.msk $0xffff, v19  }
0xec: {  	v21 =	vor.u32 v11, v60;
	v19 =	vld.idx.msk [tilespmem:v27+s9+$0x0], $0xffff;
	_ =	sdelay $0x4  }
0xed: {  	[tilespmem:v21+s11+$0x0] =	vst.idx.msk $0xffff, v19  }
0xee: {  	v21 =	vor.u32 v12, v60;
	v19 =	vld.idx.msk [tilespmem:v29+s9+$0x0], $0xffff;
	_ =	sdelay $0x4  }
0xef: {  	[tilespmem:v21+s11+$0x0] =	vst.idx.msk $0xffff, v19  }
0xf0: {  	v21 =	vor.u32 v13, v60;
	v19 =	vld.idx.msk [tilespmem:v31+s9+$0x0], $0xffff;
	_ =	sdelay $0x4  }
0xf1: {  	[tilespmem:v21+s11+$0x0] =	vst.idx.msk $0xffff, v19  }
0xf2: {  	v21 =	vor.u32 v15, v60;
	v19 =	vld.idx.msk [tilespmem:v33+s9+$0x0], $0xffff;
	_ =	sdelay $0x4  }
0xf3: {  	[tilespmem:v21+s11+$0x0] =	vst.idx.msk $0xffff, v19  }
0xf4: {  	v21 =	vor.u32 v16, v60;
	v19 =	vld.idx.msk [tilespmem:v34+s9+$0x0], $0xffff;
	_ =	sdelay $0x3  }
0xf5: {  	s22 =	simm.s32 $0x10  }
0xf6: {  	s25 =	simm.s32 $0x20;
	v62 =	vor.u32 s22, v18;
	[tilespmem:v21+s11+$0x0] =	vst.idx.msk $0xffff, v19  }
.LBB2_7:
0xf7: {  	p1 =	seq.s32 s25, $0x270;
	v19 =	vshll.u32 v62, $0x3;
	v21 =	vld.idx.msk [tilespmem:v61+s9+$0x0], $0xffff  }
0xf8: {  	v23 =	vand.u32 $0x7F, v62;
	v25 =	vor.u32 v17, v60;
	v19 =	vand.u32 $0x3C00, v19  }
0xf9: {  	v19 =	vor.u32 v23, v19;
	_ =	sdelay $0x1  }
0xfa: {  	v23 =	vmov s22;
	s22 =	smov.u32 s25  }
0xfb: {  	v23 =	vshll.u32 v23, $0x4  }
0xfc: {  	v23 =	vor.u32 v14, v23;
	[tilespmem:v25+s11+$0x0] =	vst.idx.msk $0xffff, v21  }
0xfd: {  	v60 =	vand.u32 $0x3F80, v23;
	v21 =	vld.idx.msk [tilespmem:v19+s3+$0x0], $0xffff  }
0xfe: {  	v23 =	vor.u32 v1, v60  }
0xff: {  	v25 =	vor.u32 $0x80, v19;
	_ =	sdelay $0x3  }
0x100: {  	[tilespmem:v23+s11+$0x0] =	vst.idx.msk $0xffff, v21  }
0x101: {  	v21 =	vld.idx.msk [tilespmem:v25+s3+$0x0], $0xffff  }
0x102: {  	v23 =	vor.u32 v2, v60  }
0x103: {  	v27 =	vor.u32 $0x100, v19;
	_ =	sdelay $0x3  }
0x104: {  	[tilespmem:v23+s11+$0x0] =	vst.idx.msk $0xffff, v21  }
0x105: {  	v21 =	vld.idx.msk [tilespmem:v27+s3+$0x0], $0xffff  }
0x106: {  	v23 =	vor.u32 v3, v60  }
0x107: {  	v29 =	vor.u32 $0x180, v19;
	_ =	sdelay $0x3  }
0x108: {  	[tilespmem:v23+s11+$0x0] =	vst.idx.msk $0xffff, v21  }
0x109: {  	v21 =	vld.idx.msk [tilespmem:v29+s3+$0x0], $0xffff  }
0x10a: {  	v23 =	vor.u32 v4, v60  }
0x10b: {  	v31 =	vor.u32 $0x200, v19;
	_ =	sdelay $0x3  }
0x10c: {  	[tilespmem:v23+s11+$0x0] =	vst.idx.msk $0xffff, v21  }
0x10d: {  	v21 =	vld.idx.msk [tilespmem:v31+s3+$0x0], $0xffff  }
0x10e: {  	v23 =	vor.u32 v5, v60  }
0x10f: {  	v33 =	vor.u32 $0x280, v19;
	_ =	sdelay $0x3  }
0x110: {  	[tilespmem:v23+s11+$0x0] =	vst.idx.msk $0xffff, v21  }
0x111: {  	v21 =	vld.idx.msk [tilespmem:v33+s3+$0x0], $0xffff  }
0x112: {  	v23 =	vor.u32 v6, v60  }
0x113: {  	v34 =	vor.u32 $0x300, v19;
	_ =	sdelay $0x3  }
0x114: {  	[tilespmem:v23+s11+$0x0] =	vst.idx.msk $0xffff, v21  }
0x115: {  	v21 =	vld.idx.msk [tilespmem:v34+s3+$0x0], $0xffff  }
0x116: {  	v23 =	vor.u32 v7, v60  }
0x117: {  	v61 =	vor.u32 $0x380, v19;
	_ =	sdelay $0x3  }
0x118: {  	[tilespmem:v23+s11+$0x0] =	vst.idx.msk $0xffff, v21  }
0x119: {  	v21 =	vld.idx.msk [tilespmem:v61+s3+$0x0], $0xffff  }
0x11a: {  	v23 =	vor.u32 v8, v60;
	_ =	sdelay $0x4  }
0x11b: {  	[tilespmem:v23+s11+$0x0] =	vst.idx.msk $0xffff, v21  }
0x11c: {  	v19 =	vld.idx.msk [tilespmem:v19+s9+$0x0], $0xffff  }
0x11d: {  	v21 =	vor.u32 v9, v60;
	_ =	sdelay $0x4  }
0x11e: {  	[tilespmem:v21+s11+$0x0] =	vst.idx.msk $0xffff, v19  }
0x11f: {  	v19 =	vld.idx.msk [tilespmem:v25+s9+$0x0], $0xffff  }
0x120: {  	v21 =	vor.u32 v10, v60;
	_ =	sdelay $0x4  }
0x121: {  	[tilespmem:v21+s11+$0x0] =	vst.idx.msk $0xffff, v19  }
0x122: {  	v19 =	vld.idx.msk [tilespmem:v27+s9+$0x0], $0xffff  }
0x123: {  	v21 =	vor.u32 v11, v60;
	_ =	sdelay $0x4  }
0x124: {  	[tilespmem:v21+s11+$0x0] =	vst.idx.msk $0xffff, v19  }
0x125: {  	v19 =	vld.idx.msk [tilespmem:v29+s9+$0x0], $0xffff  }
0x126: {  	v21 =	vor.u32 v12, v60;
	_ =	sdelay $0x4  }
0x127: {  	[tilespmem:v21+s11+$0x0] =	vst.idx.msk $0xffff, v19  }
0x128: {  	v19 =	vld.idx.msk [tilespmem:v31+s9+$0x0], $0xffff  }
0x129: {  	v21 =	vor.u32 v13, v60;
	_ =	sdelay $0x4  }
0x12a: {  	[tilespmem:v21+s11+$0x0] =	vst.idx.msk $0xffff, v19  }
0x12b: {  	v19 =	vld.idx.msk [tilespmem:v33+s9+$0x0], $0xffff  }
0x12c: {  	v21 =	vor.u32 v15, v60;
	_ =	sdelay $0x4  }
0x12d: {  	[tilespmem:v21+s11+$0x0] =	vst.idx.msk $0xffff, v19  }
0x12e: {  	v19 =	vld.idx.msk [tilespmem:v34+s9+$0x0], $0xffff  }
0x12f: {  	v21 =	vor.u32 v16, v60  }
.Ltmp6:
0x130: {  	(pc) =	sbr.rel @!p1 .LBB2_7-.Ltmp6, $2  }
0x131: {  	_ =	sdelay $0x2  }
0x132: {  	s25 =	sadd.s32 $0x10, s25;
	v62 =	vor.u32 s22, v18;
	[tilespmem:v21+s11+$0x0] =	vst.idx.msk $0xffff, v19  }
0x133: {  	_ =	sdelay $0x2  }
0x134: {  	v19 =	vshll.u32 v62, $0x3  }
0x135: {  	v21 =	vld.idx.msk [tilespmem:v61+s9+$0x0], $0xffff;
	v23 =	vand.u32 $0x7F, v62;
	v25 =	vor.u32 v17, v60;
	v19 =	vand.u32 $0x3C00, v19  }
0x136: {  	v19 =	vor.u32 v23, v19  }
0x137: {  	v23 =	vmov s22  }
0x138: {  	v23 =	vshll.u32 v23, $0x4  }
0x139: {  	v23 =	vor.u32 v14, v23  }
0x13a: {  	[tilespmem:v25+s11+$0x0] =	vst.idx.msk $0xffff, v21;
	v21 =	vand.u32 $0x3F80, v23  }
0x13b: {  	v25 =	vor.u32 v1, v21;
	v23 =	vld.idx.msk [tilespmem:v19+s3+$0x0], $0xffff  }
0x13c: {  	v27 =	vor.u32 $0x80, v19;
	_ =	sdelay $0x3  }
0x13d: {  	[tilespmem:v25+s11+$0x0] =	vst.idx.msk $0xffff, v23  }
0x13e: {  	v25 =	vor.u32 v2, v21;
	v23 =	vld.idx.msk [tilespmem:v27+s3+$0x0], $0xffff  }
0x13f: {  	v29 =	vor.u32 $0x100, v19;
	_ =	sdelay $0x3  }
0x140: {  	[tilespmem:v25+s11+$0x0] =	vst.idx.msk $0xffff, v23  }
0x141: {  	v25 =	vor.u32 v3, v21;
	v23 =	vld.idx.msk [tilespmem:v29+s3+$0x0], $0xffff  }
0x142: {  	v31 =	vor.u32 $0x180, v19;
	_ =	sdelay $0x3  }
0x143: {  	[tilespmem:v25+s11+$0x0] =	vst.idx.msk $0xffff, v23  }
0x144: {  	v25 =	vor.u32 v4, v21;
	v23 =	vld.idx.msk [tilespmem:v31+s3+$0x0], $0xffff  }
0x145: {  	v33 =	vor.u32 $0x200, v19;
	_ =	sdelay $0x3  }
0x146: {  	[tilespmem:v25+s11+$0x0] =	vst.idx.msk $0xffff, v23  }
0x147: {  	v25 =	vor.u32 v5, v21;
	v23 =	vld.idx.msk [tilespmem:v33+s3+$0x0], $0xffff  }
0x148: {  	v34 =	vor.u32 $0x280, v19;
	_ =	sdelay $0x3  }
0x149: {  	[tilespmem:v25+s11+$0x0] =	vst.idx.msk $0xffff, v23  }
0x14a: {  	v25 =	vor.u32 v6, v21;
	v23 =	vld.idx.msk [tilespmem:v34+s3+$0x0], $0xffff  }
0x14b: {  	v60 =	vor.u32 $0x300, v19;
	_ =	sdelay $0x3  }
0x14c: {  	[tilespmem:v25+s11+$0x0] =	vst.idx.msk $0xffff, v23  }
0x14d: {  	v25 =	vor.u32 v7, v21;
	v23 =	vld.idx.msk [tilespmem:v60+s3+$0x0], $0xffff  }
0x14e: {  	v61 =	vor.u32 $0x380, v19;
	_ =	sdelay $0x3  }
0x14f: {  	[tilespmem:v25+s11+$0x0] =	vst.idx.msk $0xffff, v23  }
0x150: {  	v25 =	vor.u32 v8, v21;
	v23 =	vld.idx.msk [tilespmem:v61+s3+$0x0], $0xffff;
	_ =	sdelay $0x4  }
0x151: {  	[tilespmem:v25+s11+$0x0] =	vst.idx.msk $0xffff, v23  }
0x152: {  	v23 =	vor.u32 v9, v21;
	v19 =	vld.idx.msk [tilespmem:v19+s9+$0x0], $0xffff;
	_ =	sdelay $0x4  }
0x153: {  	[tilespmem:v23+s11+$0x0] =	vst.idx.msk $0xffff, v19  }
0x154: {  	v23 =	vor.u32 v10, v21;
	v19 =	vld.idx.msk [tilespmem:v27+s9+$0x0], $0xffff;
	_ =	sdelay $0x4  }
0x155: {  	[tilespmem:v23+s11+$0x0] =	vst.idx.msk $0xffff, v19  }
0x156: {  	v23 =	vor.u32 v11, v21;
	v19 =	vld.idx.msk [tilespmem:v29+s9+$0x0], $0xffff;
	_ =	sdelay $0x4  }
0x157: {  	[tilespmem:v23+s11+$0x0] =	vst.idx.msk $0xffff, v19  }
0x158: {  	v23 =	vor.u32 v12, v21;
	v19 =	vld.idx.msk [tilespmem:v31+s9+$0x0], $0xffff;
	_ =	sdelay $0x4  }
0x159: {  	[tilespmem:v23+s11+$0x0] =	vst.idx.msk $0xffff, v19  }
0x15a: {  	v23 =	vor.u32 v13, v21;
	v19 =	vld.idx.msk [tilespmem:v33+s9+$0x0], $0xffff;
	_ =	sdelay $0x4  }
0x15b: {  	[tilespmem:v23+s11+$0x0] =	vst.idx.msk $0xffff, v19  }
0x15c: {  	v23 =	vor.u32 v15, v21;
	v19 =	vld.idx.msk [tilespmem:v34+s9+$0x0], $0xffff;
	_ =	sdelay $0x4  }
0x15d: {  	[tilespmem:v23+s11+$0x0] =	vst.idx.msk $0xffff, v19  }
0x15e: {  	v23 =	vor.u32 v16, v21;
	v19 =	vld.idx.msk [tilespmem:v60+s9+$0x0], $0xffff;
	_ =	sdelay $0x4  }
0x15f: {  	[tilespmem:v23+s11+$0x0] =	vst.idx.msk $0xffff, v19  }
0x160: {  	v21 =	vor.u32 v17, v21;
	v19 =	vld.idx.msk [tilespmem:v61+s9+$0x0], $0xffff;
	_ =	sdelay $0x2  }
0x161: {  	s30 =	sshll.u32 s23, $0x8  }
0x162: {  	s22 =	sand.u32 $0x1FFFFF00, s30  }
0x163: {  	s25 =	sadd.s32 s4, s22;
	s22 =	simm.s32 $0x0;
	[tilespmem:v21+s11+$0x0] =	vst.idx.msk $0xffff, v19  }
0x164: {  	[tilespmem:s13], [sflag:$0x5] =	stream.linear.gather [hbm4b:s25+s22], $0x400, $0x38;
	[tilespmem:$0x18800] =	vst v63  }
0x165: {  	s24 =	sshll.u32 s24, $0x7;
	_ =	swait.ge [sflag:s12], $0x400  }
0x166: {  	s24 =	sand.u32 $0x1FFFFF80, s24;
	[sflag:s12] =	ssyncset.done $0x0  }
0x167: {  	s24 =	sadd.s32 s4, s24;
	[sflag:s12] =	ssyncadd.s32 $0xFFFFFC00  }
0x168: {  	[tilespmem:s14], [sflag:$0x5] =	stream.linear.gather [hbm4b:s24+s22], $0x400, $0x38;
	[tilespmem:$0x18800] =	vst v63  }
0x169: {  	_ =	swait.ge [sflag:s12], $0x400  }
0x16a: {  	v21 =	vld [tilespmem:$0x1FF70]  }
0x16b: {  	[sflag:s12] =	ssyncset.done $0x0  }
0x16c: {  	[sflag:s12] =	ssyncadd.s32 $0xFFFFFC00  }
0x16d: {  	v19 =	vld.idx.msk [tilespmem:v0+s13+$0x0], $0xffff;
	_ =	sdelay $0x4  }
0x16e: {  	[tilespmem:v21+s11+$0x0] =	vst.idx.msk $0xffff, v19;
	v21 =	vld [tilespmem:$0x1FF80];
	_ =	sdelay $0x2  }
0x16f: {  	v19 =	vld.idx.msk [tilespmem:v20+s13+$0x0], $0xffff;
	_ =	sdelay $0x4  }
0x170: {  	[tilespmem:v21+s11+$0x0] =	vst.idx.msk $0xffff, v19;
	v21 =	vld [tilespmem:$0x1FF90];
	_ =	sdelay $0x2  }
0x171: {  	v19 =	vld.idx.msk [tilespmem:v22+s13+$0x0], $0xffff;
	_ =	sdelay $0x4  }
0x172: {  	[tilespmem:v21+s11+$0x0] =	vst.idx.msk $0xffff, v19;
	v21 =	vld [tilespmem:$0x1FFA0];
	_ =	sdelay $0x2  }
0x173: {  	v19 =	vld.idx.msk [tilespmem:v24+s13+$0x0], $0xffff;
	_ =	sdelay $0x4  }
0x174: {  	[tilespmem:v21+s11+$0x0] =	vst.idx.msk $0xffff, v19;
	v21 =	vld [tilespmem:$0x1FFB0];
	_ =	sdelay $0x2  }
0x175: {  	v19 =	vld.idx.msk [tilespmem:v26+s13+$0x0], $0xffff;
	_ =	sdelay $0x4  }
0x176: {  	[tilespmem:v21+s11+$0x0] =	vst.idx.msk $0xffff, v19;
	v21 =	vld [tilespmem:$0x1FFC0];
	_ =	sdelay $0x2  }
0x177: {  	v19 =	vld.idx.msk [tilespmem:v28+s13+$0x0], $0xffff;
	_ =	sdelay $0x4  }
0x178: {  	[tilespmem:v21+s11+$0x0] =	vst.idx.msk $0xffff, v19;
	v21 =	vld [tilespmem:$0x1FFD0];
	_ =	sdelay $0x2  }
0x179: {  	v19 =	vld.idx.msk [tilespmem:v30+s13+$0x0], $0xffff;
	_ =	sdelay $0x4  }
0x17a: {  	[tilespmem:v21+s11+$0x0] =	vst.idx.msk $0xffff, v19;
	v21 =	vld [tilespmem:$0x1FFE0];
	_ =	sdelay $0x2  }
0x17b: {  	v19 =	vld.idx.msk [tilespmem:v32+s13+$0x0], $0xffff;
	_ =	sdelay $0x4  }
0x17c: {  	[tilespmem:v21+s11+$0x0] =	vst.idx.msk $0xffff, v19;
	v21 =	vld [tilespmem:$0x1FFF0];
	_ =	sdelay $0x2  }
0x17d: {  	v19 =	vld.idx.msk [tilespmem:v0+s14+$0x0], $0xffff;
	_ =	sdelay $0x4  }
0x17e: {  	[tilespmem:v21+s11+$0x0] =	vst.idx.msk $0xffff, v19  }
0x17f: {  	v19 =	vld.idx.msk [tilespmem:v20+s14+$0x0], $0xffff;
	_ =	sdelay $0x4  }
0x180: {  	[tilespmem:v35+s11+$0x0] =	vst.idx.msk $0xffff, v19  }
0x181: {  	v19 =	vld.idx.msk [tilespmem:v22+s14+$0x0], $0xffff;
	_ =	sdelay $0x4  }
0x182: {  	[tilespmem:v36+s11+$0x0] =	vst.idx.msk $0xffff, v19  }
0x183: {  	v19 =	vld.idx.msk [tilespmem:v24+s14+$0x0], $0xffff;
	_ =	sdelay $0x4  }
0x184: {  	[tilespmem:v37+s11+$0x0] =	vst.idx.msk $0xffff, v19  }
0x185: {  	v19 =	vld.idx.msk [tilespmem:v26+s14+$0x0], $0xffff;
	_ =	sdelay $0x4  }
0x186: {  	[tilespmem:v38+s11+$0x0] =	vst.idx.msk $0xffff, v19  }
0x187: {  	v19 =	vld.idx.msk [tilespmem:v28+s14+$0x0], $0xffff;
	_ =	sdelay $0x4  }
0x188: {  	[tilespmem:v39+s11+$0x0] =	vst.idx.msk $0xffff, v19  }
0x189: {  	v19 =	vld.idx.msk [tilespmem:v30+s14+$0x0], $0xffff;
	_ =	sdelay $0x4  }
0x18a: {  	[tilespmem:v40+s11+$0x0] =	vst.idx.msk $0xffff, v19  }
0x18b: {  	v19 =	vld.idx.msk [tilespmem:v32+s14+$0x0], $0xffff;
	_ =	sdelay $0x4  }
0x18c: {  	[tilespmem:v41+s11+$0x0] =	vst.idx.msk $0xffff, v19  }
0x18d: {  	v19 =	vld.idx.msk [tilespmem:v42+s13+$0x0], $0xffff;
	_ =	sdelay $0x4  }
0x18e: {  	[tilespmem:v43+s11+$0x0] =	vst.idx.msk $0xffff, v19  }
0x18f: {  	v19 =	vld.idx.msk [tilespmem:v44+s13+$0x0], $0xffff;
	_ =	sdelay $0x4  }
0x190: {  	[tilespmem:v45+s11+$0x0] =	vst.idx.msk $0xffff, v19  }
0x191: {  	v19 =	vld.idx.msk [tilespmem:v46+s13+$0x0], $0xffff;
	_ =	sdelay $0x4  }
0x192: {  	[tilespmem:v47+s11+$0x0] =	vst.idx.msk $0xffff, v19  }
0x193: {  	v19 =	vld.idx.msk [tilespmem:v48+s13+$0x0], $0xffff;
	_ =	sdelay $0x4  }
0x194: {  	[tilespmem:v49+s11+$0x0] =	vst.idx.msk $0xffff, v19  }
0x195: {  	v19 =	vld.idx.msk [tilespmem:v50+s13+$0x0], $0xffff;
	_ =	sdelay $0x4  }
0x196: {  	[tilespmem:v51+s11+$0x0] =	vst.idx.msk $0xffff, v19  }
0x197: {  	v19 =	vld.idx.msk [tilespmem:v52+s13+$0x0], $0xffff;
	_ =	sdelay $0x4  }
0x198: {  	[tilespmem:v53+s11+$0x0] =	vst.idx.msk $0xffff, v19  }
0x199: {  	v19 =	vld.idx.msk [tilespmem:v54+s13+$0x0], $0xffff;
	_ =	sdelay $0x4  }
0x19a: {  	[tilespmem:v55+s11+$0x0] =	vst.idx.msk $0xffff, v19  }
0x19b: {  	v19 =	vld.idx.msk [tilespmem:v56+s13+$0x0], $0xffff;
	_ =	sdelay $0x4  }
0x19c: {  	[tilespmem:v57+s11+$0x0] =	vst.idx.msk $0xffff, v19  }
0x19d: {  	v19 =	vld.idx.msk [tilespmem:v42+s14+$0x0], $0xffff;
	_ =	sdelay $0x4  }
0x19e: {  	[tilespmem:v58+s11+$0x0] =	vst.idx.msk $0xffff, v19  }
0x19f: {  	v21 =	vor.u32 $0x2909, v14;
	v19 =	vld.idx.msk [tilespmem:v44+s14+$0x0], $0xffff;
	_ =	sdelay $0x4  }
0x1a0: {  	[tilespmem:v21+s11+$0x0] =	vst.idx.msk $0xffff, v19  }
0x1a1: {  	v21 =	vor.u32 $0x290A, v14;
	v19 =	vld.idx.msk [tilespmem:v46+s14+$0x0], $0xffff;
	_ =	sdelay $0x4  }
0x1a2: {  	[tilespmem:v21+s11+$0x0] =	vst.idx.msk $0xffff, v19  }
0x1a3: {  	v21 =	vor.u32 $0x290B, v14;
	v19 =	vld.idx.msk [tilespmem:v48+s14+$0x0], $0xffff;
	_ =	sdelay $0x4  }
0x1a4: {  	[tilespmem:v21+s11+$0x0] =	vst.idx.msk $0xffff, v19  }
0x1a5: {  	v21 =	vor.u32 $0x290C, v14;
	v19 =	vld.idx.msk [tilespmem:v50+s14+$0x0], $0xffff;
	_ =	sdelay $0x4  }
0x1a6: {  	[tilespmem:v21+s11+$0x0] =	vst.idx.msk $0xffff, v19  }
0x1a7: {  	v21 =	vor.u32 $0x290D, v14;
	v19 =	vld.idx.msk [tilespmem:v52+s14+$0x0], $0xffff;
	_ =	sdelay $0x4  }
0x1a8: {  	[tilespmem:v21+s11+$0x0] =	vst.idx.msk $0xffff, v19  }
0x1a9: {  	v21 =	vor.u32 $0x290E, v14;
	v19 =	vld.idx.msk [tilespmem:v54+s14+$0x0], $0xffff;
	_ =	sdelay $0x4  }
0x1aa: {  	[tilespmem:v21+s11+$0x0] =	vst.idx.msk $0xffff, v19  }
0x1ab: {  	v21 =	vor.u32 $0x290F, v14;
	v19 =	vld.idx.msk [tilespmem:v56+s14+$0x0], $0xffff  }
0x1ac: {  	s31 =	smul.u32 $0x186C00, s23;
	_ =	sdelay $0x1  }
0x1ad: {  	s23 =	sadd.s32 $0x184000, s31  }
0x1ae: {  	s21 =	sadd.s32 $0x1, s21;
	s23 =	sshrl.u32 s23, $0x3  }
0x1af: {  	p1 =	sne.s32 s21, s7;
	s23 =	sadd.s32 s5, s23;
	[tilespmem:v21+s11+$0x0] =	vst.idx.msk $0xffff, v19  }
0x1b0: {  	[hbm4b:s23+s22] =	stream.linear.scatter [tilespmem:s11], [sflag:$0x4], $0x2C00, $0x38;
	[tilespmem:$0x18800] =	vst v63  }
.Ltmp7:
0x1b1: {  	_ = 	snop;
	(pc) =	sbr.rel @p1 .LBB2_3-.Ltmp7, $4  }
.Ltmp8:
0x1b2: {  	_ = 	snop;
	(pc) =	sbr.rel @!p1 .LBB2_9-.Ltmp8, $4  }
0x1b3: {  	_ =	swait.ge [sflag:s15], $0x2C00  }
0x1b4: {  	[sflag:s15] =	ssyncset.done $0x0  }
0x1b5: {  	[sflag:s15] =	ssyncadd.s32 $0xFFFFD400  }
0x1b6: {  	_ = 	snop  }
.LBB2_10:
0x1b7: {  	s25 =	smul.u32 $0x187000, s23  }
0x1b8: {  	s26 =	sshll.u32 s24, $0xF  }
0x1b9: {  	s25 =	sadd.s32 s26, s25  }
0x1ba: {  	s26 =	sshrl.u32 s25, $0x3;
	s25 =	sadd.s32 $0xC3800, s25  }
0x1bb: {  	s26 =	sadd.s32 s0, s26;
	s25 =	sshrl.u32 s25, $0x3  }
0x1bc: {  	[tilespmem:s3], [sflag:$0x1] =	stream.linear.gather [hbm4b:s26+s3], $0x8000, $0x38;
	[tilespmem:$0x18800] =	vst v63  }
0x1bd: {  	s25 =	sadd.s32 s0, s25  }
0x1be: {  	[tilespmem:s9], [sflag:$0x1] =	stream.linear.gather [hbm4b:s25+s3], $0x8000, $0x38;
	[tilespmem:$0x18800] =	vst v63  }
0x1bf: {  	s31 =	simm.s32 $0x0;
	_ =	swait.ge [sflag:s10], $0x8000  }
0x1c0: {  	v19 =	vmov s31;
	[sflag:s10] =	ssyncset.done $0x0  }
0x1c1: {  	v21 =	vor.u32 s31, v0;
	v19 =	vshll.u32 v19, $0x3;
	[sflag:s10] =	ssyncadd.s32 $0xFFFF8000  }
0x1c2: {  	v23 =	vand.u32 $0x7F, v21;
	v25 =	vand.u32 $0x1C00, v19;
	_ =	swait.ge [sflag:s10], $0x8000  }
0x1c3: {  	p1 =	slt.s32 s22, $0x1;
	v25 =	vor.u32 v23, v25;
	[sflag:s10] =	ssyncset.done $0x0  }
0x1c4: {  	s25 =	simm.s32 @!p1 $0x2;
	[sflag:s10] =	ssyncadd.s32 $0xFFFF8000  }
0x1c5: {  	_ =	swait.ge @!p1 [sflag:s25], $0x4000  }
0x1c6: {  	v21 =	vshll.u32 v21, $0x4;
	[sflag:s25] =	ssyncset.done @!p1 $0x0  }
0x1c7: {  	v60 =	vand.u32 $0x3F80, v21;
	[sflag:s25] =	ssyncadd.s32 @!p1 $0xFFFFC000  }
0x1c8: {  	v27 =	vor.u32 v1, v60;
	v21 =	vld.idx.msk [tilespmem:v25+s3+$0x0], $0xffff  }
0x1c9: {  	v29 =	vor.u32 $0x80, v25;
	_ =	sdelay $0x3  }
0x1ca: {  	[tilespmem:v27+s11+$0x0] =	vst.idx.msk $0xffff, v21  }
0x1cb: {  	v27 =	vor.u32 v2, v60;
	v21 =	vld.idx.msk [tilespmem:v29+s3+$0x0], $0xffff  }
0x1cc: {  	v31 =	vor.u32 $0x100, v25;
	_ =	sdelay $0x3  }
0x1cd: {  	[tilespmem:v27+s11+$0x0] =	vst.idx.msk $0xffff, v21  }
0x1ce: {  	v27 =	vor.u32 v3, v60;
	v21 =	vld.idx.msk [tilespmem:v31+s3+$0x0], $0xffff  }
0x1cf: {  	v33 =	vor.u32 $0x180, v25;
	_ =	sdelay $0x3  }
0x1d0: {  	[tilespmem:v27+s11+$0x0] =	vst.idx.msk $0xffff, v21  }
0x1d1: {  	v27 =	vor.u32 v4, v60;
	v21 =	vld.idx.msk [tilespmem:v33+s3+$0x0], $0xffff  }
0x1d2: {  	v34 =	vor.u32 $0x200, v25;
	_ =	sdelay $0x3  }
0x1d3: {  	[tilespmem:v27+s11+$0x0] =	vst.idx.msk $0xffff, v21  }
0x1d4: {  	v27 =	vor.u32 v5, v60;
	v21 =	vld.idx.msk [tilespmem:v34+s3+$0x0], $0xffff  }
0x1d5: {  	v62 =	vor.u32 $0x280, v25;
	_ =	sdelay $0x3  }
0x1d6: {  	[tilespmem:v27+s11+$0x0] =	vst.idx.msk $0xffff, v21  }
0x1d7: {  	v27 =	vor.u32 v6, v60;
	v21 =	vld.idx.msk [tilespmem:v62+s3+$0x0], $0xffff  }
0x1d8: {  	v63 =	vor.u32 $0x300, v25;
	_ =	sdelay $0x3  }
0x1d9: {  	[tilespmem:v27+s11+$0x0] =	vst.idx.msk $0xffff, v21  }
0x1da: {  	v19 =	vor.u32 v23, v19;
	v27 =	vor.u32 v7, v60;
	v21 =	vld.idx.msk [tilespmem:v63+s3+$0x0], $0xffff  }
0x1db: {  	v61 =	vor.u32 $0x380, v19;
	_ =	sdelay $0x3  }
0x1dc: {  	[tilespmem:v27+s11+$0x0] =	vst.idx.msk $0xffff, v21  }
0x1dd: {  	v21 =	vor.u32 v8, v60;
	v19 =	vld.idx.msk [tilespmem:v61+s3+$0x0], $0xffff;
	_ =	sdelay $0x4  }
0x1de: {  	[tilespmem:v21+s11+$0x0] =	vst.idx.msk $0xffff, v19  }
0x1df: {  	v21 =	vor.u32 v9, v60;
	v19 =	vld.idx.msk [tilespmem:v25+s9+$0x0], $0xffff;
	_ =	sdelay $0x4  }
0x1e0: {  	[tilespmem:v21+s11+$0x0] =	vst.idx.msk $0xffff, v19  }
0x1e1: {  	v21 =	vor.u32 v10, v60;
	v19 =	vld.idx.msk [tilespmem:v29+s9+$0x0], $0xffff;
	_ =	sdelay $0x4  }
0x1e2: {  	[tilespmem:v21+s11+$0x0] =	vst.idx.msk $0xffff, v19  }
0x1e3: {  	v21 =	vor.u32 v11, v60;
	v19 =	vld.idx.msk [tilespmem:v31+s9+$0x0], $0xffff;
	_ =	sdelay $0x4  }
0x1e4: {  	[tilespmem:v21+s11+$0x0] =	vst.idx.msk $0xffff, v19  }
0x1e5: {  	v21 =	vor.u32 v12, v60;
	v19 =	vld.idx.msk [tilespmem:v33+s9+$0x0], $0xffff;
	_ =	sdelay $0x4  }
0x1e6: {  	[tilespmem:v21+s11+$0x0] =	vst.idx.msk $0xffff, v19  }
0x1e7: {  	v21 =	vor.u32 v13, v60;
	v19 =	vld.idx.msk [tilespmem:v34+s9+$0x0], $0xffff;
	_ =	sdelay $0x4  }
0x1e8: {  	[tilespmem:v21+s11+$0x0] =	vst.idx.msk $0xffff, v19  }
0x1e9: {  	v21 =	vor.u32 v15, v60;
	v19 =	vld.idx.msk [tilespmem:v62+s9+$0x0], $0xffff;
	_ =	sdelay $0x4  }
0x1ea: {  	[tilespmem:v21+s11+$0x0] =	vst.idx.msk $0xffff, v19  }
0x1eb: {  	v23 =	vor.u32 v16, v60;
	v21 =	vld.idx.msk [tilespmem:v63+s9+$0x0], $0xffff;
	_ =	sdelay $0x3  }
0x1ec: {  	s25 =	simm.s32 $0x10  }
0x1ed: {  	s24 =	sshll.u32 s24, $0xC;
	s26 =	simm.s32 $0x20;
	v19 =	vmov s25;
	[tilespmem:v23+s11+$0x0] =	vst.idx.msk $0xffff, v21  }
.LBB2_11:
0x1ee: {  	p1 =	sne.s32 s26, $0x3F0;
	v21 =	vor.u32 s25, v0;
	v19 =	vshll.u32 v19, $0x3;
	v23 =	vld.idx.msk [tilespmem:v61+s9+$0x0], $0xffff;
	s25 =	smov.u32 s26  }
0x1ef: {  	v29 =	vor.u32 v17, v60;
	v25 =	vand.u32 $0x7F, v21;
	v27 =	vand.u32 $0x1C00, v19  }
0x1f0: {  	v27 =	vor.u32 v25, v27;
	_ =	sdelay $0x3  }
0x1f1: {  	v21 =	vshll.u32 v21, $0x4;
	[tilespmem:v29+s11+$0x0] =	vst.idx.msk $0xffff, v23  }
0x1f2: {  	v60 =	vand.u32 $0x3F80, v21;
	v23 =	vld.idx.msk [tilespmem:v27+s3+$0x0], $0xffff  }
0x1f3: {  	v21 =	vor.u32 v1, v60  }
0x1f4: {  	v29 =	vor.u32 $0x80, v27;
	_ =	sdelay $0x3  }
0x1f5: {  	[tilespmem:v21+s11+$0x0] =	vst.idx.msk $0xffff, v23  }
0x1f6: {  	v21 =	vld.idx.msk [tilespmem:v29+s3+$0x0], $0xffff  }
0x1f7: {  	v23 =	vor.u32 v2, v60  }
0x1f8: {  	v31 =	vor.u32 $0x100, v27;
	_ =	sdelay $0x3  }
0x1f9: {  	[tilespmem:v23+s11+$0x0] =	vst.idx.msk $0xffff, v21  }
0x1fa: {  	v21 =	vld.idx.msk [tilespmem:v31+s3+$0x0], $0xffff  }
0x1fb: {  	v23 =	vor.u32 v3, v60  }
0x1fc: {  	v33 =	vor.u32 $0x180, v27;
	_ =	sdelay $0x3  }
0x1fd: {  	[tilespmem:v23+s11+$0x0] =	vst.idx.msk $0xffff, v21  }
0x1fe: {  	v21 =	vld.idx.msk [tilespmem:v33+s3+$0x0], $0xffff  }
0x1ff: {  	v23 =	vor.u32 v4, v60  }
0x200: {  	v34 =	vor.u32 $0x200, v27;
	_ =	sdelay $0x3  }
0x201: {  	[tilespmem:v23+s11+$0x0] =	vst.idx.msk $0xffff, v21  }
0x202: {  	v21 =	vld.idx.msk [tilespmem:v34+s3+$0x0], $0xffff  }
0x203: {  	v23 =	vor.u32 v5, v60  }
0x204: {  	v62 =	vor.u32 $0x280, v27;
	_ =	sdelay $0x3  }
0x205: {  	[tilespmem:v23+s11+$0x0] =	vst.idx.msk $0xffff, v21  }
0x206: {  	v21 =	vld.idx.msk [tilespmem:v62+s3+$0x0], $0xffff  }
0x207: {  	v23 =	vor.u32 v6, v60  }
0x208: {  	v63 =	vor.u32 $0x300, v27;
	_ =	sdelay $0x3  }
0x209: {  	[tilespmem:v23+s11+$0x0] =	vst.idx.msk $0xffff, v21  }
0x20a: {  	v21 =	vld.idx.msk [tilespmem:v63+s3+$0x0], $0xffff  }
0x20b: {  	v19 =	vor.u32 v25, v19;
	v23 =	vor.u32 v7, v60  }
0x20c: {  	v61 =	vor.u32 $0x380, v19;
	_ =	sdelay $0x3  }
0x20d: {  	[tilespmem:v23+s11+$0x0] =	vst.idx.msk $0xffff, v21  }
0x20e: {  	v19 =	vld.idx.msk [tilespmem:v61+s3+$0x0], $0xffff  }
0x20f: {  	v21 =	vor.u32 v8, v60;
	_ =	sdelay $0x4  }
0x210: {  	[tilespmem:v21+s11+$0x0] =	vst.idx.msk $0xffff, v19  }
0x211: {  	v19 =	vld.idx.msk [tilespmem:v27+s9+$0x0], $0xffff  }
0x212: {  	v21 =	vor.u32 v9, v60;
	_ =	sdelay $0x4  }
0x213: {  	[tilespmem:v21+s11+$0x0] =	vst.idx.msk $0xffff, v19  }
0x214: {  	v19 =	vld.idx.msk [tilespmem:v29+s9+$0x0], $0xffff  }
0x215: {  	v21 =	vor.u32 v10, v60;
	_ =	sdelay $0x4  }
0x216: {  	[tilespmem:v21+s11+$0x0] =	vst.idx.msk $0xffff, v19  }
0x217: {  	v19 =	vld.idx.msk [tilespmem:v31+s9+$0x0], $0xffff  }
0x218: {  	v21 =	vor.u32 v11, v60;
	_ =	sdelay $0x4  }
0x219: {  	[tilespmem:v21+s11+$0x0] =	vst.idx.msk $0xffff, v19  }
0x21a: {  	v19 =	vld.idx.msk [tilespmem:v33+s9+$0x0], $0xffff  }
0x21b: {  	v21 =	vor.u32 v12, v60;
	_ =	sdelay $0x4  }
0x21c: {  	[tilespmem:v21+s11+$0x0] =	vst.idx.msk $0xffff, v19  }
0x21d: {  	v19 =	vld.idx.msk [tilespmem:v34+s9+$0x0], $0xffff  }
0x21e: {  	v21 =	vor.u32 v13, v60;
	_ =	sdelay $0x4  }
0x21f: {  	[tilespmem:v21+s11+$0x0] =	vst.idx.msk $0xffff, v19  }
0x220: {  	v19 =	vld.idx.msk [tilespmem:v62+s9+$0x0], $0xffff  }
0x221: {  	v21 =	vor.u32 v15, v60;
	_ =	sdelay $0x4  }
0x222: {  	[tilespmem:v21+s11+$0x0] =	vst.idx.msk $0xffff, v19  }
0x223: {  	v21 =	vld.idx.msk [tilespmem:v63+s9+$0x0], $0xffff  }
0x224: {  	v23 =	vor.u32 v16, v60  }
.Ltmp9:
0x225: {  	(pc) =	sbr.rel @p1 .LBB2_11-.Ltmp9, $2  }
0x226: {  	_ =	sdelay $0x2  }
0x227: {  	s26 =	sadd.s32 $0x10, s26;
	v19 =	vmov s25;
	[tilespmem:v23+s11+$0x0] =	vst.idx.msk $0xffff, v21  }
0x228: {  	_ =	sdelay $0x2  }
0x229: {  	v21 =	vor.u32 s25, v0;
	v19 =	vshll.u32 v19, $0x3  }
0x22a: {  	v23 =	vld.idx.msk [tilespmem:v61+s9+$0x0], $0xffff;
	v29 =	vor.u32 v17, v60;
	v25 =	vand.u32 $0x7F, v21;
	v27 =	vand.u32 $0x1C00, v19  }
0x22b: {  	v27 =	vor.u32 v25, v27;
	_ =	sdelay $0x2  }
0x22c: {  	v21 =	vshll.u32 v21, $0x4  }
0x22d: {  	v21 =	vand.u32 $0x3F80, v21;
	[tilespmem:v29+s11+$0x0] =	vst.idx.msk $0xffff, v23  }
0x22e: {  	v29 =	vor.u32 v1, v21;
	v23 =	vld.idx.msk [tilespmem:v27+s3+$0x0], $0xffff  }
0x22f: {  	v31 =	vor.u32 $0x80, v27;
	_ =	sdelay $0x3  }
0x230: {  	[tilespmem:v29+s11+$0x0] =	vst.idx.msk $0xffff, v23  }
0x231: {  	v29 =	vor.u32 v2, v21;
	v23 =	vld.idx.msk [tilespmem:v31+s3+$0x0], $0xffff  }
0x232: {  	v33 =	vor.u32 $0x100, v27;
	_ =	sdelay $0x3  }
0x233: {  	[tilespmem:v29+s11+$0x0] =	vst.idx.msk $0xffff, v23  }
0x234: {  	v29 =	vor.u32 v3, v21;
	v23 =	vld.idx.msk [tilespmem:v33+s3+$0x0], $0xffff  }
0x235: {  	v34 =	vor.u32 $0x180, v27;
	_ =	sdelay $0x3  }
0x236: {  	[tilespmem:v29+s11+$0x0] =	vst.idx.msk $0xffff, v23  }
0x237: {  	v29 =	vor.u32 v4, v21;
	v23 =	vld.idx.msk [tilespmem:v34+s3+$0x0], $0xffff  }
0x238: {  	v60 =	vor.u32 $0x200, v27;
	_ =	sdelay $0x3  }
0x239: {  	[tilespmem:v29+s11+$0x0] =	vst.idx.msk $0xffff, v23  }
0x23a: {  	v29 =	vor.u32 v5, v21;
	v23 =	vld.idx.msk [tilespmem:v60+s3+$0x0], $0xffff  }
0x23b: {  	v61 =	vor.u32 $0x280, v27;
	_ =	sdelay $0x3  }
0x23c: {  	[tilespmem:v29+s11+$0x0] =	vst.idx.msk $0xffff, v23  }
0x23d: {  	v29 =	vor.u32 v6, v21;
	v23 =	vld.idx.msk [tilespmem:v61+s3+$0x0], $0xffff  }
0x23e: {  	v62 =	vor.u32 $0x300, v27;
	_ =	sdelay $0x3  }
0x23f: {  	[tilespmem:v29+s11+$0x0] =	vst.idx.msk $0xffff, v23  }
0x240: {  	v19 =	vor.u32 v25, v19;
	v29 =	vor.u32 v7, v21;
	v23 =	vld.idx.msk [tilespmem:v62+s3+$0x0], $0xffff  }
0x241: {  	v19 =	vor.u32 $0x380, v19;
	_ =	sdelay $0x3  }
0x242: {  	[tilespmem:v29+s11+$0x0] =	vst.idx.msk $0xffff, v23  }
0x243: {  	v25 =	vor.u32 v8, v21;
	v23 =	vld.idx.msk [tilespmem:v19+s3+$0x0], $0xffff;
	_ =	sdelay $0x4  }
0x244: {  	[tilespmem:v25+s11+$0x0] =	vst.idx.msk $0xffff, v23  }
0x245: {  	v25 =	vor.u32 v9, v21;
	v23 =	vld.idx.msk [tilespmem:v27+s9+$0x0], $0xffff;
	_ =	sdelay $0x4  }
0x246: {  	[tilespmem:v25+s11+$0x0] =	vst.idx.msk $0xffff, v23  }
0x247: {  	v25 =	vor.u32 v10, v21;
	v23 =	vld.idx.msk [tilespmem:v31+s9+$0x0], $0xffff;
	_ =	sdelay $0x4  }
0x248: {  	[tilespmem:v25+s11+$0x0] =	vst.idx.msk $0xffff, v23  }
0x249: {  	v25 =	vor.u32 v11, v21;
	v23 =	vld.idx.msk [tilespmem:v33+s9+$0x0], $0xffff;
	_ =	sdelay $0x4  }
0x24a: {  	[tilespmem:v25+s11+$0x0] =	vst.idx.msk $0xffff, v23  }
0x24b: {  	v25 =	vor.u32 v12, v21;
	v23 =	vld.idx.msk [tilespmem:v34+s9+$0x0], $0xffff;
	_ =	sdelay $0x4  }
0x24c: {  	[tilespmem:v25+s11+$0x0] =	vst.idx.msk $0xffff, v23  }
0x24d: {  	v25 =	vor.u32 v13, v21;
	v23 =	vld.idx.msk [tilespmem:v60+s9+$0x0], $0xffff;
	_ =	sdelay $0x4  }
0x24e: {  	[tilespmem:v25+s11+$0x0] =	vst.idx.msk $0xffff, v23  }
0x24f: {  	v25 =	vor.u32 v15, v21;
	v23 =	vld.idx.msk [tilespmem:v61+s9+$0x0], $0xffff;
	_ =	sdelay $0x4  }
0x250: {  	[tilespmem:v25+s11+$0x0] =	vst.idx.msk $0xffff, v23  }
0x251: {  	v25 =	vor.u32 v16, v21;
	v23 =	vld.idx.msk [tilespmem:v62+s9+$0x0], $0xffff;
	_ =	sdelay $0x4  }
0x252: {  	[tilespmem:v25+s11+$0x0] =	vst.idx.msk $0xffff, v23  }
0x253: {  	v21 =	vor.u32 v17, v21;
	v19 =	vld.idx.msk [tilespmem:v19+s9+$0x0], $0xffff  }
0x254: {  	s23 =	smul.u32 $0x186C0, s23;
	_ =	sdelay $0x1  }
0x255: {  	s31 =	simm.s32 $0x0;
	s23 =	sadd.s32 s24, s23  }
0x256: {  	s24 =	sshll.u32 s23, $0x1;
	v23 =	vor.u32 s31, v18  }
0x257: {  	s24 =	sand.u32 $0x1FFFFF80, s24;
	[tilespmem:v21+s11+$0x0] =	vst.idx.msk $0xffff, v19;
	v19 =	vshll.u32 v23, $0x3  }
0x258: {  	p1 =	slt.s32 s20, $0x1;
	s24 =	sadd.s32 s5, s24;
	v21 =	vand.u32 $0x7F, v23;
	v19 =	vand.u32 $0x3C00, v19  }
0x259: {  	[hbm4b:s24+s3] =	stream.linear.scatter [tilespmem:s11], [sflag:$0x2], $0x4000, $0x38;
	v19 =	vor.u32 v21, v19;
	[tilespmem:$0x18800] =	vst v63  }
0x25a: {  	s24 =	simm.s32 @!p1 $0x3;
	v21 =	vmov s31  }
0x25b: {  	_ =	swait.ge @!p1 [sflag:s24], $0x4000;
	v21 =	vshll.u32 v21, $0x4  }
0x25c: {  	[sflag:s24] =	ssyncset.done @!p1 $0x0;
	v21 =	vor.u32 v14, v21  }
0x25d: {  	[sflag:s24] =	ssyncadd.s32 @!p1 $0xFFFFC000;
	v60 =	vand.u32 $0x3F80, v21  }
0x25e: {  	v23 =	vor.u32 v1, v60;
	v21 =	vld.idx.msk [tilespmem:v19+s3+$0x0], $0xffff  }
0x25f: {  	v25 =	vor.u32 $0x80, v19;
	_ =	sdelay $0x3  }
0x260: {  	[tilespmem:v23+s17+$0x0] =	vst.idx.msk $0xffff, v21  }
0x261: {  	v23 =	vor.u32 v2, v60;
	v21 =	vld.idx.msk [tilespmem:v25+s3+$0x0], $0xffff  }
0x262: {  	v27 =	vor.u32 $0x100, v19;
	_ =	sdelay $0x3  }
0x263: {  	[tilespmem:v23+s17+$0x0] =	vst.idx.msk $0xffff, v21  }
0x264: {  	v23 =	vor.u32 v3, v60;
	v21 =	vld.idx.msk [tilespmem:v27+s3+$0x0], $0xffff  }
0x265: {  	v29 =	vor.u32 $0x180, v19;
	_ =	sdelay $0x3  }
0x266: {  	[tilespmem:v23+s17+$0x0] =	vst.idx.msk $0xffff, v21  }
0x267: {  	v23 =	vor.u32 v4, v60;
	v21 =	vld.idx.msk [tilespmem:v29+s3+$0x0], $0xffff  }
0x268: {  	v31 =	vor.u32 $0x200, v19;
	_ =	sdelay $0x3  }
0x269: {  	[tilespmem:v23+s17+$0x0] =	vst.idx.msk $0xffff, v21  }
0x26a: {  	v23 =	vor.u32 v5, v60;
	v21 =	vld.idx.msk [tilespmem:v31+s3+$0x0], $0xffff  }
0x26b: {  	v33 =	vor.u32 $0x280, v19;
	_ =	sdelay $0x3  }
0x26c: {  	[tilespmem:v23+s17+$0x0] =	vst.idx.msk $0xffff, v21  }
0x26d: {  	v23 =	vor.u32 v6, v60;
	v21 =	vld.idx.msk [tilespmem:v33+s3+$0x0], $0xffff  }
0x26e: {  	v34 =	vor.u32 $0x300, v19;
	_ =	sdelay $0x3  }
0x26f: {  	[tilespmem:v23+s17+$0x0] =	vst.idx.msk $0xffff, v21  }
0x270: {  	v23 =	vor.u32 v7, v60;
	v21 =	vld.idx.msk [tilespmem:v34+s3+$0x0], $0xffff  }
0x271: {  	v61 =	vor.u32 $0x380, v19;
	_ =	sdelay $0x3  }
0x272: {  	[tilespmem:v23+s17+$0x0] =	vst.idx.msk $0xffff, v21  }
0x273: {  	v23 =	vor.u32 v8, v60;
	v21 =	vld.idx.msk [tilespmem:v61+s3+$0x0], $0xffff;
	_ =	sdelay $0x4  }
0x274: {  	[tilespmem:v23+s17+$0x0] =	vst.idx.msk $0xffff, v21  }
0x275: {  	v21 =	vor.u32 v9, v60;
	v19 =	vld.idx.msk [tilespmem:v19+s9+$0x0], $0xffff;
	_ =	sdelay $0x4  }
0x276: {  	[tilespmem:v21+s17+$0x0] =	vst.idx.msk $0xffff, v19  }
0x277: {  	v21 =	vor.u32 v10, v60;
	v19 =	vld.idx.msk [tilespmem:v25+s9+$0x0], $0xffff;
	_ =	sdelay $0x4  }
0x278: {  	[tilespmem:v21+s17+$0x0] =	vst.idx.msk $0xffff, v19  }
0x279: {  	v21 =	vor.u32 v11, v60;
	v19 =	vld.idx.msk [tilespmem:v27+s9+$0x0], $0xffff;
	_ =	sdelay $0x4  }
0x27a: {  	[tilespmem:v21+s17+$0x0] =	vst.idx.msk $0xffff, v19  }
0x27b: {  	v21 =	vor.u32 v12, v60;
	v19 =	vld.idx.msk [tilespmem:v29+s9+$0x0], $0xffff;
	_ =	sdelay $0x4  }
0x27c: {  	[tilespmem:v21+s17+$0x0] =	vst.idx.msk $0xffff, v19  }
0x27d: {  	v21 =	vor.u32 v13, v60;
	v19 =	vld.idx.msk [tilespmem:v31+s9+$0x0], $0xffff;
	_ =	sdelay $0x4  }
0x27e: {  	[tilespmem:v21+s17+$0x0] =	vst.idx.msk $0xffff, v19  }
0x27f: {  	v21 =	vor.u32 v15, v60;
	v19 =	vld.idx.msk [tilespmem:v33+s9+$0x0], $0xffff;
	_ =	sdelay $0x4  }
0x280: {  	[tilespmem:v21+s17+$0x0] =	vst.idx.msk $0xffff, v19  }
0x281: {  	v21 =	vor.u32 v16, v60;
	v19 =	vld.idx.msk [tilespmem:v34+s9+$0x0], $0xffff;
	_ =	sdelay $0x3  }
0x282: {  	s24 =	simm.s32 $0x10  }
0x283: {  	s25 =	simm.s32 $0x20;
	v62 =	vor.u32 s24, v18;
	[tilespmem:v21+s17+$0x0] =	vst.idx.msk $0xffff, v19  }
.LBB2_13:
0x284: {  	p1 =	sne.s32 s25, $0x3F0;
	v19 =	vshll.u32 v62, $0x3;
	v21 =	vld.idx.msk [tilespmem:v61+s9+$0x0], $0xffff  }
0x285: {  	v23 =	vand.u32 $0x7F, v62;
	v25 =	vor.u32 v17, v60;
	v19 =	vand.u32 $0x3C00, v19  }
0x286: {  	v19 =	vor.u32 v23, v19;
	_ =	sdelay $0x1  }
0x287: {  	v23 =	vmov s24;
	s24 =	smov.u32 s25  }
0x288: {  	v23 =	vshll.u32 v23, $0x4  }
0x289: {  	v23 =	vor.u32 v14, v23;
	[tilespmem:v25+s17+$0x0] =	vst.idx.msk $0xffff, v21  }
0x28a: {  	v60 =	vand.u32 $0x3F80, v23;
	v21 =	vld.idx.msk [tilespmem:v19+s3+$0x0], $0xffff  }
0x28b: {  	v23 =	vor.u32 v1, v60  }
0x28c: {  	v25 =	vor.u32 $0x80, v19;
	_ =	sdelay $0x3  }
0x28d: {  	[tilespmem:v23+s17+$0x0] =	vst.idx.msk $0xffff, v21  }
0x28e: {  	v21 =	vld.idx.msk [tilespmem:v25+s3+$0x0], $0xffff  }
0x28f: {  	v23 =	vor.u32 v2, v60  }
0x290: {  	v27 =	vor.u32 $0x100, v19;
	_ =	sdelay $0x3  }
0x291: {  	[tilespmem:v23+s17+$0x0] =	vst.idx.msk $0xffff, v21  }
0x292: {  	v21 =	vld.idx.msk [tilespmem:v27+s3+$0x0], $0xffff  }
0x293: {  	v23 =	vor.u32 v3, v60  }
0x294: {  	v29 =	vor.u32 $0x180, v19;
	_ =	sdelay $0x3  }
0x295: {  	[tilespmem:v23+s17+$0x0] =	vst.idx.msk $0xffff, v21  }
0x296: {  	v21 =	vld.idx.msk [tilespmem:v29+s3+$0x0], $0xffff  }
0x297: {  	v23 =	vor.u32 v4, v60  }
0x298: {  	v31 =	vor.u32 $0x200, v19;
	_ =	sdelay $0x3  }
0x299: {  	[tilespmem:v23+s17+$0x0] =	vst.idx.msk $0xffff, v21  }
0x29a: {  	v21 =	vld.idx.msk [tilespmem:v31+s3+$0x0], $0xffff  }
0x29b: {  	v23 =	vor.u32 v5, v60  }
0x29c: {  	v33 =	vor.u32 $0x280, v19;
	_ =	sdelay $0x3  }
0x29d: {  	[tilespmem:v23+s17+$0x0] =	vst.idx.msk $0xffff, v21  }
0x29e: {  	v21 =	vld.idx.msk [tilespmem:v33+s3+$0x0], $0xffff  }
0x29f: {  	v23 =	vor.u32 v6, v60  }
0x2a0: {  	v34 =	vor.u32 $0x300, v19;
	_ =	sdelay $0x3  }
0x2a1: {  	[tilespmem:v23+s17+$0x0] =	vst.idx.msk $0xffff, v21  }
0x2a2: {  	v21 =	vld.idx.msk [tilespmem:v34+s3+$0x0], $0xffff  }
0x2a3: {  	v23 =	vor.u32 v7, v60  }
0x2a4: {  	v61 =	vor.u32 $0x380, v19;
	_ =	sdelay $0x3  }
0x2a5: {  	[tilespmem:v23+s17+$0x0] =	vst.idx.msk $0xffff, v21  }
0x2a6: {  	v21 =	vld.idx.msk [tilespmem:v61+s3+$0x0], $0xffff  }
0x2a7: {  	v23 =	vor.u32 v8, v60;
	_ =	sdelay $0x4  }
0x2a8: {  	[tilespmem:v23+s17+$0x0] =	vst.idx.msk $0xffff, v21  }
0x2a9: {  	v19 =	vld.idx.msk [tilespmem:v19+s9+$0x0], $0xffff  }
0x2aa: {  	v21 =	vor.u32 v9, v60;
	_ =	sdelay $0x4  }
0x2ab: {  	[tilespmem:v21+s17+$0x0] =	vst.idx.msk $0xffff, v19  }
0x2ac: {  	v19 =	vld.idx.msk [tilespmem:v25+s9+$0x0], $0xffff  }
0x2ad: {  	v21 =	vor.u32 v10, v60;
	_ =	sdelay $0x4  }
0x2ae: {  	[tilespmem:v21+s17+$0x0] =	vst.idx.msk $0xffff, v19  }
0x2af: {  	v19 =	vld.idx.msk [tilespmem:v27+s9+$0x0], $0xffff  }
0x2b0: {  	v21 =	vor.u32 v11, v60;
	_ =	sdelay $0x4  }
0x2b1: {  	[tilespmem:v21+s17+$0x0] =	vst.idx.msk $0xffff, v19  }
0x2b2: {  	v19 =	vld.idx.msk [tilespmem:v29+s9+$0x0], $0xffff  }
0x2b3: {  	v21 =	vor.u32 v12, v60;
	_ =	sdelay $0x4  }
0x2b4: {  	[tilespmem:v21+s17+$0x0] =	vst.idx.msk $0xffff, v19  }
0x2b5: {  	v19 =	vld.idx.msk [tilespmem:v31+s9+$0x0], $0xffff  }
0x2b6: {  	v21 =	vor.u32 v13, v60;
	_ =	sdelay $0x4  }
0x2b7: {  	[tilespmem:v21+s17+$0x0] =	vst.idx.msk $0xffff, v19  }
0x2b8: {  	v19 =	vld.idx.msk [tilespmem:v33+s9+$0x0], $0xffff  }
0x2b9: {  	v21 =	vor.u32 v15, v60;
	_ =	sdelay $0x4  }
0x2ba: {  	[tilespmem:v21+s17+$0x0] =	vst.idx.msk $0xffff, v19  }
0x2bb: {  	v19 =	vld.idx.msk [tilespmem:v34+s9+$0x0], $0xffff  }
0x2bc: {  	v21 =	vor.u32 v16, v60  }
.Ltmp10:
0x2bd: {  	(pc) =	sbr.rel @p1 .LBB2_13-.Ltmp10, $2  }
0x2be: {  	_ =	sdelay $0x2  }
0x2bf: {  	s25 =	sadd.s32 $0x10, s25;
	v62 =	vor.u32 s24, v18;
	[tilespmem:v21+s17+$0x0] =	vst.idx.msk $0xffff, v19  }
0x2c0: {  	_ =	sdelay $0x2  }
0x2c1: {  	v19 =	vshll.u32 v62, $0x3  }
0x2c2: {  	v21 =	vld.idx.msk [tilespmem:v61+s9+$0x0], $0xffff;
	v23 =	vand.u32 $0x7F, v62;
	v25 =	vor.u32 v17, v60;
	v19 =	vand.u32 $0x3C00, v19  }
0x2c3: {  	v19 =	vor.u32 v23, v19  }
0x2c4: {  	v23 =	vmov s24  }
0x2c5: {  	v23 =	vshll.u32 v23, $0x4  }
0x2c6: {  	v23 =	vor.u32 v14, v23  }
0x2c7: {  	[tilespmem:v25+s17+$0x0] =	vst.idx.msk $0xffff, v21;
	v21 =	vand.u32 $0x3F80, v23  }
0x2c8: {  	v25 =	vor.u32 v1, v21;
	v23 =	vld.idx.msk [tilespmem:v19+s3+$0x0], $0xffff  }
0x2c9: {  	v27 =	vor.u32 $0x80, v19;
	_ =	sdelay $0x3  }
0x2ca: {  	[tilespmem:v25+s17+$0x0] =	vst.idx.msk $0xffff, v23  }
0x2cb: {  	v25 =	vor.u32 v2, v21;
	v23 =	vld.idx.msk [tilespmem:v27+s3+$0x0], $0xffff  }
0x2cc: {  	v29 =	vor.u32 $0x100, v19;
	_ =	sdelay $0x3  }
0x2cd: {  	[tilespmem:v25+s17+$0x0] =	vst.idx.msk $0xffff, v23  }
0x2ce: {  	v25 =	vor.u32 v3, v21;
	v23 =	vld.idx.msk [tilespmem:v29+s3+$0x0], $0xffff  }
0x2cf: {  	v31 =	vor.u32 $0x180, v19;
	_ =	sdelay $0x3  }
0x2d0: {  	[tilespmem:v25+s17+$0x0] =	vst.idx.msk $0xffff, v23  }
0x2d1: {  	v25 =	vor.u32 v4, v21;
	v23 =	vld.idx.msk [tilespmem:v31+s3+$0x0], $0xffff  }
0x2d2: {  	v33 =	vor.u32 $0x200, v19;
	_ =	sdelay $0x3  }
0x2d3: {  	[tilespmem:v25+s17+$0x0] =	vst.idx.msk $0xffff, v23  }
0x2d4: {  	v25 =	vor.u32 v5, v21;
	v23 =	vld.idx.msk [tilespmem:v33+s3+$0x0], $0xffff  }
0x2d5: {  	v34 =	vor.u32 $0x280, v19;
	_ =	sdelay $0x3  }
0x2d6: {  	[tilespmem:v25+s17+$0x0] =	vst.idx.msk $0xffff, v23  }
0x2d7: {  	v25 =	vor.u32 v6, v21;
	v23 =	vld.idx.msk [tilespmem:v34+s3+$0x0], $0xffff  }
0x2d8: {  	v60 =	vor.u32 $0x300, v19;
	_ =	sdelay $0x3  }
0x2d9: {  	[tilespmem:v25+s17+$0x0] =	vst.idx.msk $0xffff, v23  }
0x2da: {  	v25 =	vor.u32 v7, v21;
	v23 =	vld.idx.msk [tilespmem:v60+s3+$0x0], $0xffff  }
0x2db: {  	v61 =	vor.u32 $0x380, v19;
	_ =	sdelay $0x3  }
0x2dc: {  	[tilespmem:v25+s17+$0x0] =	vst.idx.msk $0xffff, v23  }
0x2dd: {  	v25 =	vor.u32 v8, v21;
	v23 =	vld.idx.msk [tilespmem:v61+s3+$0x0], $0xffff;
	_ =	sdelay $0x4  }
0x2de: {  	[tilespmem:v25+s17+$0x0] =	vst.idx.msk $0xffff, v23  }
0x2df: {  	v23 =	vor.u32 v9, v21;
	v19 =	vld.idx.msk [tilespmem:v19+s9+$0x0], $0xffff;
	_ =	sdelay $0x4  }
0x2e0: {  	[tilespmem:v23+s17+$0x0] =	vst.idx.msk $0xffff, v19  }
0x2e1: {  	v23 =	vor.u32 v10, v21;
	v19 =	vld.idx.msk [tilespmem:v27+s9+$0x0], $0xffff;
	_ =	sdelay $0x4  }
0x2e2: {  	[tilespmem:v23+s17+$0x0] =	vst.idx.msk $0xffff, v19  }
0x2e3: {  	v23 =	vor.u32 v11, v21;
	v19 =	vld.idx.msk [tilespmem:v29+s9+$0x0], $0xffff;
	_ =	sdelay $0x4  }
0x2e4: {  	[tilespmem:v23+s17+$0x0] =	vst.idx.msk $0xffff, v19  }
0x2e5: {  	v23 =	vor.u32 v12, v21;
	v19 =	vld.idx.msk [tilespmem:v31+s9+$0x0], $0xffff;
	_ =	sdelay $0x4  }
0x2e6: {  	[tilespmem:v23+s17+$0x0] =	vst.idx.msk $0xffff, v19  }
0x2e7: {  	v23 =	vor.u32 v13, v21;
	v19 =	vld.idx.msk [tilespmem:v33+s9+$0x0], $0xffff;
	_ =	sdelay $0x4  }
0x2e8: {  	[tilespmem:v23+s17+$0x0] =	vst.idx.msk $0xffff, v19  }
0x2e9: {  	v23 =	vor.u32 v15, v21;
	v19 =	vld.idx.msk [tilespmem:v34+s9+$0x0], $0xffff;
	_ =	sdelay $0x4  }
0x2ea: {  	[tilespmem:v23+s17+$0x0] =	vst.idx.msk $0xffff, v19  }
0x2eb: {  	v23 =	vor.u32 v16, v21;
	v19 =	vld.idx.msk [tilespmem:v60+s9+$0x0], $0xffff;
	_ =	sdelay $0x4  }
0x2ec: {  	[tilespmem:v23+s17+$0x0] =	vst.idx.msk $0xffff, v19  }
0x2ed: {  	v21 =	vor.u32 v17, v21;
	v19 =	vld.idx.msk [tilespmem:v61+s9+$0x0], $0xffff;
	_ =	sdelay $0x2  }
0x2ee: {  	s23 =	sshll.u32 s23, $0x4;
	s25 =	simm.s32 $0x0  }
0x2ef: {  	s31 =	sadd.s32 $0x4000, s23;
	v23 =	vor.u32 s25, v59  }
0x2f0: {  	s24 =	sshrl.u32 s31, $0x3;
	[tilespmem:v21+s17+$0x0] =	vst.idx.msk $0xffff, v19;
	v19 =	vshll.u32 v23, $0x3  }
0x2f1: {  	p1 =	sgt.u32 s22, $0x7FFFFFFE;
	s24 =	sadd.s32 s5, s24;
	v21 =	vand.u32 $0x7F, v23;
	v19 =	vand.u32 $0x5C00, v19  }
0x2f2: {  	[hbm4b:s24+s3] =	stream.linear.scatter [tilespmem:s17], [sflag:$0x3], $0x4000, $0x38;
	v19 =	vor.u32 v21, v19;
	[tilespmem:$0x18800] =	vst v63  }
0x2f3: {  	s24 =	simm.s32 @!p1 $0x2;
	v21 =	vmov s25  }
0x2f4: {  	_ =	swait.ge @!p1 [sflag:s24], $0x4000;
	v21 =	vshll.u32 v21, $0x4  }
0x2f5: {  	[sflag:s24] =	ssyncset.done @!p1 $0x0;
	v21 =	vor.u32 v14, v21  }
0x2f6: {  	[sflag:s24] =	ssyncadd.s32 @!p1 $0xFFFFC000;
	v60 =	vand.u32 $0x3F80, v21  }
0x2f7: {  	v23 =	vor.u32 v1, v60;
	v21 =	vld.idx.msk [tilespmem:v19+s3+$0x0], $0xffff  }
0x2f8: {  	v25 =	vor.u32 $0x80, v19;
	_ =	sdelay $0x3  }
0x2f9: {  	[tilespmem:v23+s11+$0x0] =	vst.idx.msk $0xffff, v21  }
0x2fa: {  	v23 =	vor.u32 v2, v60;
	v21 =	vld.idx.msk [tilespmem:v25+s3+$0x0], $0xffff  }
0x2fb: {  	v27 =	vor.u32 $0x100, v19;
	_ =	sdelay $0x3  }
0x2fc: {  	[tilespmem:v23+s11+$0x0] =	vst.idx.msk $0xffff, v21  }
0x2fd: {  	v23 =	vor.u32 v3, v60;
	v21 =	vld.idx.msk [tilespmem:v27+s3+$0x0], $0xffff  }
0x2fe: {  	v29 =	vor.u32 $0x180, v19;
	_ =	sdelay $0x3  }
0x2ff: {  	[tilespmem:v23+s11+$0x0] =	vst.idx.msk $0xffff, v21  }
0x300: {  	v23 =	vor.u32 v4, v60;
	v21 =	vld.idx.msk [tilespmem:v29+s3+$0x0], $0xffff  }
0x301: {  	v31 =	vor.u32 $0x200, v19;
	_ =	sdelay $0x3  }
0x302: {  	[tilespmem:v23+s11+$0x0] =	vst.idx.msk $0xffff, v21  }
0x303: {  	v23 =	vor.u32 v5, v60;
	v21 =	vld.idx.msk [tilespmem:v31+s3+$0x0], $0xffff  }
0x304: {  	v33 =	vor.u32 $0x280, v19;
	_ =	sdelay $0x3  }
0x305: {  	[tilespmem:v23+s11+$0x0] =	vst.idx.msk $0xffff, v21  }
0x306: {  	v23 =	vor.u32 v6, v60;
	v21 =	vld.idx.msk [tilespmem:v33+s3+$0x0], $0xffff  }
0x307: {  	v34 =	vor.u32 $0x300, v19;
	_ =	sdelay $0x3  }
0x308: {  	[tilespmem:v23+s11+$0x0] =	vst.idx.msk $0xffff, v21  }
0x309: {  	v23 =	vor.u32 v7, v60;
	v21 =	vld.idx.msk [tilespmem:v34+s3+$0x0], $0xffff  }
0x30a: {  	v61 =	vor.u32 $0x380, v19;
	_ =	sdelay $0x3  }
0x30b: {  	[tilespmem:v23+s11+$0x0] =	vst.idx.msk $0xffff, v21  }
0x30c: {  	v23 =	vor.u32 v8, v60;
	v21 =	vld.idx.msk [tilespmem:v61+s3+$0x0], $0xffff;
	_ =	sdelay $0x4  }
0x30d: {  	[tilespmem:v23+s11+$0x0] =	vst.idx.msk $0xffff, v21  }
0x30e: {  	v21 =	vor.u32 v9, v60;
	v19 =	vld.idx.msk [tilespmem:v19+s9+$0x0], $0xffff;
	_ =	sdelay $0x4  }
0x30f: {  	[tilespmem:v21+s11+$0x0] =	vst.idx.msk $0xffff, v19  }
0x310: {  	v21 =	vor.u32 v10, v60;
	v19 =	vld.idx.msk [tilespmem:v25+s9+$0x0], $0xffff;
	_ =	sdelay $0x4  }
0x311: {  	[tilespmem:v21+s11+$0x0] =	vst.idx.msk $0xffff, v19  }
0x312: {  	v21 =	vor.u32 v11, v60;
	v19 =	vld.idx.msk [tilespmem:v27+s9+$0x0], $0xffff;
	_ =	sdelay $0x4  }
0x313: {  	[tilespmem:v21+s11+$0x0] =	vst.idx.msk $0xffff, v19  }
0x314: {  	v21 =	vor.u32 v12, v60;
	v19 =	vld.idx.msk [tilespmem:v29+s9+$0x0], $0xffff;
	_ =	sdelay $0x4  }
0x315: {  	[tilespmem:v21+s11+$0x0] =	vst.idx.msk $0xffff, v19  }
0x316: {  	v21 =	vor.u32 v13, v60;
	v19 =	vld.idx.msk [tilespmem:v31+s9+$0x0], $0xffff;
	_ =	sdelay $0x4  }
0x317: {  	[tilespmem:v21+s11+$0x0] =	vst.idx.msk $0xffff, v19  }
0x318: {  	v21 =	vor.u32 v15, v60;
	v19 =	vld.idx.msk [tilespmem:v33+s9+$0x0], $0xffff;
	_ =	sdelay $0x4  }
0x319: {  	[tilespmem:v21+s11+$0x0] =	vst.idx.msk $0xffff, v19  }
0x31a: {  	v21 =	vor.u32 v16, v60;
	v19 =	vld.idx.msk [tilespmem:v34+s9+$0x0], $0xffff;
	_ =	sdelay $0x3  }
0x31b: {  	s24 =	simm.s32 $0x10  }
0x31c: {  	s25 =	simm.s32 $0x20;
	v62 =	vor.u32 s24, v59;
	[tilespmem:v21+s11+$0x0] =	vst.idx.msk $0xffff, v19  }
.LBB2_15:
0x31d: {  	p1 =	sne.s32 s25, $0x3F0;
	v19 =	vshll.u32 v62, $0x3;
	v21 =	vld.idx.msk [tilespmem:v61+s9+$0x0], $0xffff  }
0x31e: {  	v23 =	vand.u32 $0x7F, v62;
	v25 =	vor.u32 v17, v60;
	v19 =	vand.u32 $0x5C00, v19  }
0x31f: {  	v19 =	vor.u32 v23, v19;
	_ =	sdelay $0x1  }
0x320: {  	v23 =	vmov s24;
	s24 =	smov.u32 s25  }
0x321: {  	v23 =	vshll.u32 v23, $0x4  }
0x322: {  	v23 =	vor.u32 v14, v23;
	[tilespmem:v25+s11+$0x0] =	vst.idx.msk $0xffff, v21  }
0x323: {  	v60 =	vand.u32 $0x3F80, v23;
	v21 =	vld.idx.msk [tilespmem:v19+s3+$0x0], $0xffff  }
0x324: {  	v23 =	vor.u32 v1, v60  }
0x325: {  	v25 =	vor.u32 $0x80, v19;
	_ =	sdelay $0x3  }
0x326: {  	[tilespmem:v23+s11+$0x0] =	vst.idx.msk $0xffff, v21  }
0x327: {  	v21 =	vld.idx.msk [tilespmem:v25+s3+$0x0], $0xffff  }
0x328: {  	v23 =	vor.u32 v2, v60  }
0x329: {  	v27 =	vor.u32 $0x100, v19;
	_ =	sdelay $0x3  }
0x32a: {  	[tilespmem:v23+s11+$0x0] =	vst.idx.msk $0xffff, v21  }
0x32b: {  	v21 =	vld.idx.msk [tilespmem:v27+s3+$0x0], $0xffff  }
0x32c: {  	v23 =	vor.u32 v3, v60  }
0x32d: {  	v29 =	vor.u32 $0x180, v19;
	_ =	sdelay $0x3  }
0x32e: {  	[tilespmem:v23+s11+$0x0] =	vst.idx.msk $0xffff, v21  }
0x32f: {  	v21 =	vld.idx.msk [tilespmem:v29+s3+$0x0], $0xffff  }
0x330: {  	v23 =	vor.u32 v4, v60  }
0x331: {  	v31 =	vor.u32 $0x200, v19;
	_ =	sdelay $0x3  }
0x332: {  	[tilespmem:v23+s11+$0x0] =	vst.idx.msk $0xffff, v21  }
0x333: {  	v21 =	vld.idx.msk [tilespmem:v31+s3+$0x0], $0xffff  }
0x334: {  	v23 =	vor.u32 v5, v60  }
0x335: {  	v33 =	vor.u32 $0x280, v19;
	_ =	sdelay $0x3  }
0x336: {  	[tilespmem:v23+s11+$0x0] =	vst.idx.msk $0xffff, v21  }
0x337: {  	v21 =	vld.idx.msk [tilespmem:v33+s3+$0x0], $0xffff  }
0x338: {  	v23 =	vor.u32 v6, v60  }
0x339: {  	v34 =	vor.u32 $0x300, v19;
	_ =	sdelay $0x3  }
0x33a: {  	[tilespmem:v23+s11+$0x0] =	vst.idx.msk $0xffff, v21  }
0x33b: {  	v21 =	vld.idx.msk [tilespmem:v34+s3+$0x0], $0xffff  }
0x33c: {  	v23 =	vor.u32 v7, v60  }
0x33d: {  	v61 =	vor.u32 $0x380, v19;
	_ =	sdelay $0x3  }
0x33e: {  	[tilespmem:v23+s11+$0x0] =	vst.idx.msk $0xffff, v21  }
0x33f: {  	v21 =	vld.idx.msk [tilespmem:v61+s3+$0x0], $0xffff  }
0x340: {  	v23 =	vor.u32 v8, v60;
	_ =	sdelay $0x4  }
0x341: {  	[tilespmem:v23+s11+$0x0] =	vst.idx.msk $0xffff, v21  }
0x342: {  	v19 =	vld.idx.msk [tilespmem:v19+s9+$0x0], $0xffff  }
0x343: {  	v21 =	vor.u32 v9, v60;
	_ =	sdelay $0x4  }
0x344: {  	[tilespmem:v21+s11+$0x0] =	vst.idx.msk $0xffff, v19  }
0x345: {  	v19 =	vld.idx.msk [tilespmem:v25+s9+$0x0], $0xffff  }
0x346: {  	v21 =	vor.u32 v10, v60;
	_ =	sdelay $0x4  }
0x347: {  	[tilespmem:v21+s11+$0x0] =	vst.idx.msk $0xffff, v19  }
0x348: {  	v19 =	vld.idx.msk [tilespmem:v27+s9+$0x0], $0xffff  }
0x349: {  	v21 =	vor.u32 v11, v60;
	_ =	sdelay $0x4  }
0x34a: {  	[tilespmem:v21+s11+$0x0] =	vst.idx.msk $0xffff, v19  }
0x34b: {  	v19 =	vld.idx.msk [tilespmem:v29+s9+$0x0], $0xffff  }
0x34c: {  	v21 =	vor.u32 v12, v60;
	_ =	sdelay $0x4  }
0x34d: {  	[tilespmem:v21+s11+$0x0] =	vst.idx.msk $0xffff, v19  }
0x34e: {  	v19 =	vld.idx.msk [tilespmem:v31+s9+$0x0], $0xffff  }
0x34f: {  	v21 =	vor.u32 v13, v60;
	_ =	sdelay $0x4  }
0x350: {  	[tilespmem:v21+s11+$0x0] =	vst.idx.msk $0xffff, v19  }
0x351: {  	v19 =	vld.idx.msk [tilespmem:v33+s9+$0x0], $0xffff  }
0x352: {  	v21 =	vor.u32 v15, v60;
	_ =	sdelay $0x4  }
0x353: {  	[tilespmem:v21+s11+$0x0] =	vst.idx.msk $0xffff, v19  }
0x354: {  	v19 =	vld.idx.msk [tilespmem:v34+s9+$0x0], $0xffff  }
0x355: {  	v21 =	vor.u32 v16, v60  }
.Ltmp11:
0x356: {  	(pc) =	sbr.rel @p1 .LBB2_15-.Ltmp11, $2  }
0x357: {  	_ =	sdelay $0x2  }
0x358: {  	s25 =	sadd.s32 $0x10, s25;
	v62 =	vor.u32 s24, v59;
	[tilespmem:v21+s11+$0x0] =	vst.idx.msk $0xffff, v19  }
0x359: {  	_ =	sdelay $0x2  }
0x35a: {  	v19 =	vshll.u32 v62, $0x3  }
0x35b: {  	v21 =	vld.idx.msk [tilespmem:v61+s9+$0x0], $0xffff;
	v23 =	vand.u32 $0x7F, v62;
	v25 =	vor.u32 v17, v60;
	v19 =	vand.u32 $0x5C00, v19  }
0x35c: {  	v19 =	vor.u32 v23, v19  }
0x35d: {  	v23 =	vmov s24  }
0x35e: {  	v23 =	vshll.u32 v23, $0x4  }
0x35f: {  	v23 =	vor.u32 v14, v23  }
0x360: {  	[tilespmem:v25+s11+$0x0] =	vst.idx.msk $0xffff, v21;
	v21 =	vand.u32 $0x3F80, v23  }
0x361: {  	v25 =	vor.u32 v1, v21;
	v23 =	vld.idx.msk [tilespmem:v19+s3+$0x0], $0xffff  }
0x362: {  	v27 =	vor.u32 $0x80, v19;
	_ =	sdelay $0x3  }
0x363: {  	[tilespmem:v25+s11+$0x0] =	vst.idx.msk $0xffff, v23  }
0x364: {  	v25 =	vor.u32 v2, v21;
	v23 =	vld.idx.msk [tilespmem:v27+s3+$0x0], $0xffff  }
0x365: {  	v29 =	vor.u32 $0x100, v19;
	_ =	sdelay $0x3  }
0x366: {  	[tilespmem:v25+s11+$0x0] =	vst.idx.msk $0xffff, v23  }
0x367: {  	v25 =	vor.u32 v3, v21;
	v23 =	vld.idx.msk [tilespmem:v29+s3+$0x0], $0xffff  }
0x368: {  	v31 =	vor.u32 $0x180, v19;
	_ =	sdelay $0x3  }
0x369: {  	[tilespmem:v25+s11+$0x0] =	vst.idx.msk $0xffff, v23  }
0x36a: {  	v25 =	vor.u32 v4, v21;
	v23 =	vld.idx.msk [tilespmem:v31+s3+$0x0], $0xffff  }
0x36b: {  	v33 =	vor.u32 $0x200, v19;
	_ =	sdelay $0x3  }
0x36c: {  	[tilespmem:v25+s11+$0x0] =	vst.idx.msk $0xffff, v23  }
0x36d: {  	v25 =	vor.u32 v5, v21;
	v23 =	vld.idx.msk [tilespmem:v33+s3+$0x0], $0xffff  }
0x36e: {  	v34 =	vor.u32 $0x280, v19;
	_ =	sdelay $0x3  }
0x36f: {  	[tilespmem:v25+s11+$0x0] =	vst.idx.msk $0xffff, v23  }
0x370: {  	v25 =	vor.u32 v6, v21;
	v23 =	vld.idx.msk [tilespmem:v34+s3+$0x0], $0xffff  }
0x371: {  	v60 =	vor.u32 $0x300, v19;
	_ =	sdelay $0x3  }
0x372: {  	[tilespmem:v25+s11+$0x0] =	vst.idx.msk $0xffff, v23  }
0x373: {  	v25 =	vor.u32 v7, v21;
	v23 =	vld.idx.msk [tilespmem:v60+s3+$0x0], $0xffff  }
0x374: {  	v61 =	vor.u32 $0x380, v19;
	_ =	sdelay $0x3  }
0x375: {  	[tilespmem:v25+s11+$0x0] =	vst.idx.msk $0xffff, v23  }
0x376: {  	v25 =	vor.u32 v8, v21;
	v23 =	vld.idx.msk [tilespmem:v61+s3+$0x0], $0xffff;
	_ =	sdelay $0x4  }
0x377: {  	[tilespmem:v25+s11+$0x0] =	vst.idx.msk $0xffff, v23  }
0x378: {  	v23 =	vor.u32 v9, v21;
	v19 =	vld.idx.msk [tilespmem:v19+s9+$0x0], $0xffff;
	_ =	sdelay $0x4  }
0x379: {  	[tilespmem:v23+s11+$0x0] =	vst.idx.msk $0xffff, v19  }
0x37a: {  	v23 =	vor.u32 v10, v21;
	v19 =	vld.idx.msk [tilespmem:v27+s9+$0x0], $0xffff;
	_ =	sdelay $0x4  }
0x37b: {  	[tilespmem:v23+s11+$0x0] =	vst.idx.msk $0xffff, v19  }
0x37c: {  	v23 =	vor.u32 v11, v21;
	v19 =	vld.idx.msk [tilespmem:v29+s9+$0x0], $0xffff;
	_ =	sdelay $0x4  }
0x37d: {  	[tilespmem:v23+s11+$0x0] =	vst.idx.msk $0xffff, v19  }
0x37e: {  	v23 =	vor.u32 v12, v21;
	v19 =	vld.idx.msk [tilespmem:v31+s9+$0x0], $0xffff;
	_ =	sdelay $0x4  }
0x37f: {  	[tilespmem:v23+s11+$0x0] =	vst.idx.msk $0xffff, v19  }
0x380: {  	v23 =	vor.u32 v13, v21;
	v19 =	vld.idx.msk [tilespmem:v33+s9+$0x0], $0xffff;
	_ =	sdelay $0x4  }
0x381: {  	[tilespmem:v23+s11+$0x0] =	vst.idx.msk $0xffff, v19  }
0x382: {  	v23 =	vor.u32 v15, v21;
	v19 =	vld.idx.msk [tilespmem:v34+s9+$0x0], $0xffff;
	_ =	sdelay $0x4  }
0x383: {  	[tilespmem:v23+s11+$0x0] =	vst.idx.msk $0xffff, v19  }
0x384: {  	v23 =	vor.u32 v16, v21;
	v19 =	vld.idx.msk [tilespmem:v60+s9+$0x0], $0xffff;
	_ =	sdelay $0x4  }
0x385: {  	[tilespmem:v23+s11+$0x0] =	vst.idx.msk $0xffff, v19  }
0x386: {  	v21 =	vor.u32 v17, v21;
	v19 =	vld.idx.msk [tilespmem:v61+s9+$0x0], $0xffff;
	_ =	sdelay $0x2  }
0x387: {  	s25 =	simm.s32 $0x0;
	v60 =	vor.u32 $0xC00, v0  }
0x388: {  	s31 =	sadd.s32 $0x8000, s23;
	v23 =	vor.u32 s25, v60  }
0x389: {  	s24 =	sshrl.u32 s31, $0x3;
	[tilespmem:v21+s11+$0x0] =	vst.idx.msk $0xffff, v19;
	v19 =	vshll.u32 v23, $0x3  }
0x38a: {  	p1 =	sgt.u32 s20, $0x7FFFFFFE;
	s24 =	sadd.s32 s5, s24;
	v21 =	vand.u32 $0x7F, v23;
	v19 =	vand.u32 $0x7C00, v19  }
0x38b: {  	[hbm4b:s24+s3] =	stream.linear.scatter [tilespmem:s11], [sflag:$0x2], $0x4000, $0x38;
	v19 =	vor.u32 v21, v19;
	[tilespmem:$0x18800] =	vst v63  }
0x38c: {  	s24 =	simm.s32 @!p1 $0x3;
	v21 =	vmov s25  }
0x38d: {  	_ =	swait.ge @!p1 [sflag:s24], $0x4000;
	v21 =	vshll.u32 v21, $0x4  }
0x38e: {  	[sflag:s24] =	ssyncset.done @!p1 $0x0;
	v21 =	vor.u32 v14, v21  }
0x38f: {  	[sflag:s24] =	ssyncadd.s32 @!p1 $0xFFFFC000;
	v61 =	vand.u32 $0x3F80, v21  }
0x390: {  	v23 =	vor.u32 v1, v61;
	v21 =	vld.idx.msk [tilespmem:v19+s3+$0x0], $0xffff  }
0x391: {  	v25 =	vor.u32 $0x80, v19;
	_ =	sdelay $0x3  }
0x392: {  	[tilespmem:v23+s17+$0x0] =	vst.idx.msk $0xffff, v21  }
0x393: {  	v23 =	vor.u32 v2, v61;
	v21 =	vld.idx.msk [tilespmem:v25+s3+$0x0], $0xffff  }
0x394: {  	v27 =	vor.u32 $0x100, v19;
	_ =	sdelay $0x3  }
0x395: {  	[tilespmem:v23+s17+$0x0] =	vst.idx.msk $0xffff, v21  }
0x396: {  	v23 =	vor.u32 v3, v61;
	v21 =	vld.idx.msk [tilespmem:v27+s3+$0x0], $0xffff  }
0x397: {  	v29 =	vor.u32 $0x180, v19;
	_ =	sdelay $0x3  }
0x398: {  	[tilespmem:v23+s17+$0x0] =	vst.idx.msk $0xffff, v21  }
0x399: {  	v23 =	vor.u32 v4, v61;
	v21 =	vld.idx.msk [tilespmem:v29+s3+$0x0], $0xffff  }
0x39a: {  	v31 =	vor.u32 $0x200, v19;
	_ =	sdelay $0x3  }
0x39b: {  	[tilespmem:v23+s17+$0x0] =	vst.idx.msk $0xffff, v21  }
0x39c: {  	v23 =	vor.u32 v5, v61;
	v21 =	vld.idx.msk [tilespmem:v31+s3+$0x0], $0xffff  }
0x39d: {  	v33 =	vor.u32 $0x280, v19;
	_ =	sdelay $0x3  }
0x39e: {  	[tilespmem:v23+s17+$0x0] =	vst.idx.msk $0xffff, v21  }
0x39f: {  	v23 =	vor.u32 v6, v61;
	v21 =	vld.idx.msk [tilespmem:v33+s3+$0x0], $0xffff  }
0x3a0: {  	v34 =	vor.u32 $0x300, v19;
	_ =	sdelay $0x3  }
0x3a1: {  	[tilespmem:v23+s17+$0x0] =	vst.idx.msk $0xffff, v21  }
0x3a2: {  	v23 =	vor.u32 v7, v61;
	v21 =	vld.idx.msk [tilespmem:v34+s3+$0x0], $0xffff  }
0x3a3: {  	v62 =	vor.u32 $0x380, v19;
	_ =	sdelay $0x3  }
0x3a4: {  	[tilespmem:v23+s17+$0x0] =	vst.idx.msk $0xffff, v21  }
0x3a5: {  	v23 =	vor.u32 v8, v61;
	v21 =	vld.idx.msk [tilespmem:v62+s3+$0x0], $0xffff;
	_ =	sdelay $0x4  }
0x3a6: {  	[tilespmem:v23+s17+$0x0] =	vst.idx.msk $0xffff, v21  }
0x3a7: {  	v21 =	vor.u32 v9, v61;
	v19 =	vld.idx.msk [tilespmem:v19+s9+$0x0], $0xffff;
	_ =	sdelay $0x4  }
0x3a8: {  	[tilespmem:v21+s17+$0x0] =	vst.idx.msk $0xffff, v19  }
0x3a9: {  	v21 =	vor.u32 v10, v61;
	v19 =	vld.idx.msk [tilespmem:v25+s9+$0x0], $0xffff;
	_ =	sdelay $0x4  }
0x3aa: {  	[tilespmem:v21+s17+$0x0] =	vst.idx.msk $0xffff, v19  }
0x3ab: {  	v21 =	vor.u32 v11, v61;
	v19 =	vld.idx.msk [tilespmem:v27+s9+$0x0], $0xffff;
	_ =	sdelay $0x4  }
0x3ac: {  	[tilespmem:v21+s17+$0x0] =	vst.idx.msk $0xffff, v19  }
0x3ad: {  	v21 =	vor.u32 v12, v61;
	v19 =	vld.idx.msk [tilespmem:v29+s9+$0x0], $0xffff;
	_ =	sdelay $0x4  }
0x3ae: {  	[tilespmem:v21+s17+$0x0] =	vst.idx.msk $0xffff, v19  }
0x3af: {  	v21 =	vor.u32 v13, v61;
	v19 =	vld.idx.msk [tilespmem:v31+s9+$0x0], $0xffff;
	_ =	sdelay $0x4  }
0x3b0: {  	[tilespmem:v21+s17+$0x0] =	vst.idx.msk $0xffff, v19  }
0x3b1: {  	v21 =	vor.u32 v15, v61;
	v19 =	vld.idx.msk [tilespmem:v33+s9+$0x0], $0xffff;
	_ =	sdelay $0x4  }
0x3b2: {  	[tilespmem:v21+s17+$0x0] =	vst.idx.msk $0xffff, v19  }
0x3b3: {  	v19 =	vor.u32 v16, v61;
	v63 =	vld.idx.msk [tilespmem:v34+s9+$0x0], $0xffff;
	_ =	sdelay $0x3  }
0x3b4: {  	s22 =	sadd.s32 $0x2, s22;
	s25 =	simm.s32 $0x20;
	s24 =	simm.s32 $0x10  }
.LBB2_17:
0x3b5: {  	p1 =	sne.s32 s25, $0x3F0;
	v21 =	vor.u32 s24, v60;
	[tilespmem:v19+s17+$0x0] =	vst.idx.msk $0xffff, v63  }
0x3b6: {  	v19 =	vshll.u32 v21, $0x3;
	v23 =	vld.idx.msk [tilespmem:v62+s9+$0x0], $0xffff  }
0x3b7: {  	v25 =	vor.u32 v17, v61;
	v21 =	vand.u32 $0x7F, v21;
	v19 =	vand.u32 $0x7C00, v19  }
0x3b8: {  	v19 =	vor.u32 v21, v19;
	_ =	sdelay $0x1  }
0x3b9: {  	v21 =	vmov s24;
	s24 =	smov.u32 s25  }
0x3ba: {  	v21 =	vshll.u32 v21, $0x4  }
0x3bb: {  	v21 =	vor.u32 v14, v21;
	[tilespmem:v25+s17+$0x0] =	vst.idx.msk $0xffff, v23  }
0x3bc: {  	v61 =	vand.u32 $0x3F80, v21;
	v23 =	vld.idx.msk [tilespmem:v19+s3+$0x0], $0xffff  }
0x3bd: {  	v21 =	vor.u32 v1, v61  }
0x3be: {  	v25 =	vor.u32 $0x80, v19;
	_ =	sdelay $0x3  }
0x3bf: {  	[tilespmem:v21+s17+$0x0] =	vst.idx.msk $0xffff, v23  }
0x3c0: {  	v21 =	vld.idx.msk [tilespmem:v25+s3+$0x0], $0xffff  }
0x3c1: {  	v23 =	vor.u32 v2, v61  }
0x3c2: {  	v27 =	vor.u32 $0x100, v19;
	_ =	sdelay $0x3  }
0x3c3: {  	[tilespmem:v23+s17+$0x0] =	vst.idx.msk $0xffff, v21  }
0x3c4: {  	v21 =	vld.idx.msk [tilespmem:v27+s3+$0x0], $0xffff  }
0x3c5: {  	v23 =	vor.u32 v3, v61  }
0x3c6: {  	v29 =	vor.u32 $0x180, v19;
	_ =	sdelay $0x3  }
0x3c7: {  	[tilespmem:v23+s17+$0x0] =	vst.idx.msk $0xffff, v21  }
0x3c8: {  	v21 =	vld.idx.msk [tilespmem:v29+s3+$0x0], $0xffff  }
0x3c9: {  	v23 =	vor.u32 v4, v61  }
0x3ca: {  	v31 =	vor.u32 $0x200, v19;
	_ =	sdelay $0x3  }
0x3cb: {  	[tilespmem:v23+s17+$0x0] =	vst.idx.msk $0xffff, v21  }
0x3cc: {  	v21 =	vld.idx.msk [tilespmem:v31+s3+$0x0], $0xffff  }
0x3cd: {  	v23 =	vor.u32 v5, v61  }
0x3ce: {  	v33 =	vor.u32 $0x280, v19;
	_ =	sdelay $0x3  }
0x3cf: {  	[tilespmem:v23+s17+$0x0] =	vst.idx.msk $0xffff, v21  }
0x3d0: {  	v21 =	vld.idx.msk [tilespmem:v33+s3+$0x0], $0xffff  }
0x3d1: {  	v23 =	vor.u32 v6, v61  }
0x3d2: {  	v34 =	vor.u32 $0x300, v19;
	_ =	sdelay $0x3  }
0x3d3: {  	[tilespmem:v23+s17+$0x0] =	vst.idx.msk $0xffff, v21  }
0x3d4: {  	v21 =	vld.idx.msk [tilespmem:v34+s3+$0x0], $0xffff  }
0x3d5: {  	v23 =	vor.u32 v7, v61  }
0x3d6: {  	v62 =	vor.u32 $0x380, v19;
	_ =	sdelay $0x3  }
0x3d7: {  	[tilespmem:v23+s17+$0x0] =	vst.idx.msk $0xffff, v21  }
0x3d8: {  	v21 =	vld.idx.msk [tilespmem:v62+s3+$0x0], $0xffff  }
0x3d9: {  	v23 =	vor.u32 v8, v61;
	_ =	sdelay $0x4  }
0x3da: {  	[tilespmem:v23+s17+$0x0] =	vst.idx.msk $0xffff, v21  }
0x3db: {  	v19 =	vld.idx.msk [tilespmem:v19+s9+$0x0], $0xffff  }
0x3dc: {  	v21 =	vor.u32 v9, v61;
	_ =	sdelay $0x4  }
0x3dd: {  	[tilespmem:v21+s17+$0x0] =	vst.idx.msk $0xffff, v19  }
0x3de: {  	v19 =	vld.idx.msk [tilespmem:v25+s9+$0x0], $0xffff  }
0x3df: {  	v21 =	vor.u32 v10, v61;
	_ =	sdelay $0x4  }
0x3e0: {  	[tilespmem:v21+s17+$0x0] =	vst.idx.msk $0xffff, v19  }
0x3e1: {  	v19 =	vld.idx.msk [tilespmem:v27+s9+$0x0], $0xffff  }
0x3e2: {  	v21 =	vor.u32 v11, v61;
	_ =	sdelay $0x4  }
0x3e3: {  	[tilespmem:v21+s17+$0x0] =	vst.idx.msk $0xffff, v19  }
0x3e4: {  	v19 =	vld.idx.msk [tilespmem:v29+s9+$0x0], $0xffff  }
0x3e5: {  	v21 =	vor.u32 v12, v61;
	_ =	sdelay $0x4  }
0x3e6: {  	[tilespmem:v21+s17+$0x0] =	vst.idx.msk $0xffff, v19  }
0x3e7: {  	v19 =	vld.idx.msk [tilespmem:v31+s9+$0x0], $0xffff  }
0x3e8: {  	v21 =	vor.u32 v13, v61;
	_ =	sdelay $0x4  }
0x3e9: {  	[tilespmem:v21+s17+$0x0] =	vst.idx.msk $0xffff, v19  }
0x3ea: {  	v19 =	vld.idx.msk [tilespmem:v33+s9+$0x0], $0xffff  }
0x3eb: {  	v21 =	vor.u32 v15, v61;
	_ =	sdelay $0x4  }
0x3ec: {  	[tilespmem:v21+s17+$0x0] =	vst.idx.msk $0xffff, v19  }
0x3ed: {  	v63 =	vld.idx.msk [tilespmem:v34+s9+$0x0], $0xffff  }
.Ltmp12:
0x3ee: {  	v19 =	vor.u32 v16, v61;
	(pc) =	sbr.rel @p1 .LBB2_17-.Ltmp12, $2  }
0x3ef: {  	_ =	sdelay $0x2  }
0x3f0: {  	s25 =	sadd.s32 $0x10, s25  }
0x3f1: {  	_ =	sdelay $0x2  }
0x3f2: {  	v21 =	vor.u32 s24, v60  }
0x3f3: {  	[tilespmem:v19+s17+$0x0] =	vst.idx.msk $0xffff, v63;
	v19 =	vshll.u32 v21, $0x3  }
0x3f4: {  	v25 =	vor.u32 v17, v61;
	v23 =	vld.idx.msk [tilespmem:v62+s9+$0x0], $0xffff;
	v21 =	vand.u32 $0x7F, v21;
	v19 =	vand.u32 $0x7C00, v19  }
0x3f5: {  	v19 =	vor.u32 v21, v19  }
0x3f6: {  	v21 =	vmov s24  }
0x3f7: {  	v21 =	vshll.u32 v21, $0x4  }
0x3f8: {  	v21 =	vor.u32 v14, v21  }
0x3f9: {  	[tilespmem:v25+s17+$0x0] =	vst.idx.msk $0xffff, v23;
	v21 =	vand.u32 $0x3F80, v21  }
0x3fa: {  	v25 =	vor.u32 v1, v21;
	v23 =	vld.idx.msk [tilespmem:v19+s3+$0x0], $0xffff  }
0x3fb: {  	v27 =	vor.u32 $0x80, v19;
	_ =	sdelay $0x3  }
0x3fc: {  	[tilespmem:v25+s17+$0x0] =	vst.idx.msk $0xffff, v23  }
0x3fd: {  	v25 =	vor.u32 v2, v21;
	v23 =	vld.idx.msk [tilespmem:v27+s3+$0x0], $0xffff  }
0x3fe: {  	v29 =	vor.u32 $0x100, v19;
	_ =	sdelay $0x3  }
0x3ff: {  	[tilespmem:v25+s17+$0x0] =	vst.idx.msk $0xffff, v23  }
0x400: {  	v25 =	vor.u32 v3, v21;
	v23 =	vld.idx.msk [tilespmem:v29+s3+$0x0], $0xffff  }
0x401: {  	v31 =	vor.u32 $0x180, v19;
	_ =	sdelay $0x3  }
0x402: {  	[tilespmem:v25+s17+$0x0] =	vst.idx.msk $0xffff, v23  }
0x403: {  	v25 =	vor.u32 v4, v21;
	v23 =	vld.idx.msk [tilespmem:v31+s3+$0x0], $0xffff  }
0x404: {  	v33 =	vor.u32 $0x200, v19;
	_ =	sdelay $0x3  }
0x405: {  	[tilespmem:v25+s17+$0x0] =	vst.idx.msk $0xffff, v23  }
0x406: {  	v25 =	vor.u32 v5, v21;
	v23 =	vld.idx.msk [tilespmem:v33+s3+$0x0], $0xffff  }
0x407: {  	v34 =	vor.u32 $0x280, v19;
	_ =	sdelay $0x3  }
0x408: {  	[tilespmem:v25+s17+$0x0] =	vst.idx.msk $0xffff, v23  }
0x409: {  	v25 =	vor.u32 v6, v21;
	v23 =	vld.idx.msk [tilespmem:v34+s3+$0x0], $0xffff  }
0x40a: {  	v60 =	vor.u32 $0x300, v19;
	_ =	sdelay $0x3  }
0x40b: {  	[tilespmem:v25+s17+$0x0] =	vst.idx.msk $0xffff, v23  }
0x40c: {  	v25 =	vor.u32 v7, v21;
	v23 =	vld.idx.msk [tilespmem:v60+s3+$0x0], $0xffff  }
0x40d: {  	v61 =	vor.u32 $0x380, v19;
	_ =	sdelay $0x3  }
0x40e: {  	[tilespmem:v25+s17+$0x0] =	vst.idx.msk $0xffff, v23  }
0x40f: {  	v25 =	vor.u32 v8, v21;
	v23 =	vld.idx.msk [tilespmem:v61+s3+$0x0], $0xffff;
	_ =	sdelay $0x4  }
0x410: {  	[tilespmem:v25+s17+$0x0] =	vst.idx.msk $0xffff, v23  }
0x411: {  	v23 =	vor.u32 v9, v21;
	v19 =	vld.idx.msk [tilespmem:v19+s9+$0x0], $0xffff;
	_ =	sdelay $0x4  }
0x412: {  	[tilespmem:v23+s17+$0x0] =	vst.idx.msk $0xffff, v19  }
0x413: {  	v23 =	vor.u32 v10, v21;
	v19 =	vld.idx.msk [tilespmem:v27+s9+$0x0], $0xffff;
	_ =	sdelay $0x4  }
0x414: {  	[tilespmem:v23+s17+$0x0] =	vst.idx.msk $0xffff, v19  }
0x415: {  	v23 =	vor.u32 v11, v21;
	v19 =	vld.idx.msk [tilespmem:v29+s9+$0x0], $0xffff;
	_ =	sdelay $0x4  }
0x416: {  	[tilespmem:v23+s17+$0x0] =	vst.idx.msk $0xffff, v19  }
0x417: {  	v23 =	vor.u32 v12, v21;
	v19 =	vld.idx.msk [tilespmem:v31+s9+$0x0], $0xffff;
	_ =	sdelay $0x4  }
0x418: {  	[tilespmem:v23+s17+$0x0] =	vst.idx.msk $0xffff, v19  }
0x419: {  	v23 =	vor.u32 v13, v21;
	v19 =	vld.idx.msk [tilespmem:v33+s9+$0x0], $0xffff;
	_ =	sdelay $0x4  }
0x41a: {  	[tilespmem:v23+s17+$0x0] =	vst.idx.msk $0xffff, v19  }
0x41b: {  	v23 =	vor.u32 v15, v21;
	v19 =	vld.idx.msk [tilespmem:v34+s9+$0x0], $0xffff;
	_ =	sdelay $0x4  }
0x41c: {  	[tilespmem:v23+s17+$0x0] =	vst.idx.msk $0xffff, v19  }
0x41d: {  	v23 =	vor.u32 v16, v21;
	v19 =	vld.idx.msk [tilespmem:v60+s9+$0x0], $0xffff;
	_ =	sdelay $0x4  }
0x41e: {  	[tilespmem:v23+s17+$0x0] =	vst.idx.msk $0xffff, v19  }
0x41f: {  	s21 =	sadd.s32 $0x1, s21;
	v21 =	vor.u32 v17, v21;
	v19 =	vld.idx.msk [tilespmem:v61+s9+$0x0], $0xffff  }
0x420: {  	p1 =	seq.s32 s21, s7  }
.Ltmp13:
0x421: {  	_ = 	snop;
	(pc) =	sbr.rel @!p1 .LBB2_3-.Ltmp13, $4  }
0x422: {  	s23 =	sadd.s32 $0xC000, s23  }
0x423: {  	s23 =	sshrl.u32 s23, $0x3  }
0x424: {  	s20 =	sadd.s32 $0x2, s20;
	s23 =	sadd.s32 s5, s23;
	[tilespmem:v21+s17+$0x0] =	vst.idx.msk $0xffff, v19  }
0x425: {  	[hbm4b:s23+s3] =	stream.linear.scatter [tilespmem:s17], [sflag:$0x3], $0x4000, $0x38;
	[tilespmem:$0x18800] =	vst v63  }
0x426: {  	p1 =	slt.s32 s22, $0x1  }
.Ltmp14:
0x427: {  	_ = 	snop;
	(pc) =	sbr.rel @p1 .LBB2_21-.Ltmp14, $1  }
0x428: {  	_ =	sdelay $0x3  }
0x429: {  	p1 =	sgt.s32 s20, $0x0  }
.Ltmp15:
0x42a: {  	_ = 	snop;
	(pc) =	sbr.rel @p1 .LBB2_22-.Ltmp15, $4  }
.Ltmp16:
0x42b: {  	_ = 	snop;
	(pc) =	sbr.rel @!p1 .LBB2_23-.Ltmp16, $4  }
0x42c: {  	_ =	swait.ge [sflag:s18], $0x4000  }
0x42d: {  	[sflag:s18] =	ssyncset.done $0x0  }
0x42e: {  	[sflag:s18] =	ssyncadd.s32 $0xFFFFC000  }
0x42f: {  	_ = 	snop  }
.LBB2_21:
0x430: {  	p1 =	slt.s32 s20, $0x1  }
.Ltmp17:
0x431: {  	_ = 	snop;
	(pc) =	sbr.rel @!p1 .LBB2_22-.Ltmp17, $4  }
.Ltmp18:
0x432: {  	_ = 	snop;
	(pc) =	sbr.rel @p1 .LBB2_23-.Ltmp18, $4  }
0x433: {  	_ = 	snop  }
0x434: {  	_ = 	snop  }
0x435: {  	_ = 	snop  }
0x436: {  	_ = 	snop  }
.LBB2_24:
0x437: {  	_ =	sfence.sel $0x180000  }
0x438: {  	[bflag:$0x0] =	sbarrier.arrive $0xFFFF  }
0x439: {  	p0 =	sne.s32 s1, $0x0;
	_ =	strace $0x90000047  }
0x43a: {  	s0 =	sadd.s32 @!p0 $0x100000, s2;
	[bflag:$0x2] =	sbarrier.arrive $0xFFFF  }
0x43b: {  	[sflag:s0] =	ssyncadd.tile.s32 @!p0 $0x1;
	_ =	shalt  }
.Lfunc_end2:
_tile_overlayer_lowered:
.L_overlay_start_2:
0x43c: {  	(tag) =	ssettag $0x2  }
0x43d: {  	s0 =	rddreg [dreg:$0x0];
	s2 =	stileid.u32  }
0x43e: {  	s1 =	rddreg [dreg:$0x1];
	p0 =	sne.s32 s2, $0x0  }
0x43f: {  	s3 =	rddreg [dreg:$0x2];
	[bflag:$0x3] =	sbarrier.arrive $0xFFFF;
	s2 =	simm.s32 @!p0 $0x1C04  }
0x440: {  	[timem:s3], [sflag:s2] =	dma.local @!p0 [hbm:s0], s1  }
0x441: {  	s0 =	simm.s32 @!p0 $0x4  }
0x442: {  	_ =	swait.ge @!p0 [sflag:s0], s1  }
0x443: {  	s1 =	ssub.s32 @!p0 $0x0, s1;
	[sflag:s0] =	ssyncset.done @!p0 $0x0  }
0x444: {  	[sflag:s0] =	ssyncadd.s32 @!p0 s1  }
0x445: {  	[bflag:$0x3] =	sbarrier.arrive $0xFFFF  }
0x446: {  	_ =	shalt  }

// kernel: kernel.8.cloned.1.call-start
scs
__scs_entry_jumppad:
0x0: {  	(pc) =	sbr.rel $0x88, $3  }
0x1: {  	(tag) =	ssettag $0x0;
	lr =	simm.s32 $0x1  }
0x2: {  	[smem:$0x3F90] =	sst lr;
	_ =	strace $0xD0000000  }
0x3: {  	_ = 	snop  }
0x4: {  	_ = 	snop  }
0x5: {  	_ = 	snop  }
0x6: {  	_ = 	snop  }
0x7: {  	_ = 	snop  }
__scs_overlays_trampoline_lowered:
0x8: {  	[smem:$0x3F9F] =	sst s0  }
0x9: {  	[smem:$0x3FA0] =	sst s1  }
0xa: {  	[smem:$0x3FA1] =	sst s2  }
0xb: {  	[smem:$0x3FA2] =	sst s3  }
0xc: {  	[smem:$0x3FA3] =	sst s4  }
0xd: {  	[smem:$0x3FA4] =	sst s5  }
0xe: {  	[smem:$0x3FA5] =	sst s6  }
0xf: {  	[smem:$0x3FA6] =	sst s7  }
0x10: {  	[smem:$0x3FA7] =	sst s8  }
0x11: {  	[smem:$0x3FA8] =	sst s9;
	s0 =	simm.s32 @!p0 $0x0  }
0x12: {  	s1 =	sld [smem:$0x3F8E];
	s0 =	simm.s32 @p0 $0x1  }
0x13: {  	[smem:$0x3FA9] =	sst s0;
	s0 =	simm.s32 @!p1 $0x0  }
0x14: {  	s2 =	sld [smem:$0x3F8D];
	s0 =	simm.s32 @p1 $0x1  }
0x15: {  	[smem:$0x3FAA] =	sst s0;
	s0 =	simm.s32 @!p2 $0x0  }
0x16: {  	s3 =	sld [smem:$0x3FDB];
	s0 =	simm.s32 @p2 $0x1  }
0x17: {  	s4 =	simm.s32 $0x1BF5;
	[smem:$0x3FAC] =	sst s0  }
0x18: {  	s0 =	sld [smem:$0x3F8F];
	_ =	swait.ge [sflag:s4], $0x0  }
0x19: {  	s7 =	sld [smem:$0x3F90]  }
0x1a: {  	s8 =	sadd.s32 $0xFFFFE003, lr  }
0x1b: {  	s9 =	sadd.s32 $0xFFFFFEF7, lr;
	s5 =	simm.s32 $0xFFFFFFFF;
	p2 =	slt.u32 s8, $0xFFFFF086  }
0x1c: {  	p1 =	slt.u32 s9, $0xF7A;
	s5 =	simm.s32 @!p2 $0x0  }
0x1d: {  	s5 =	simm.s32 @p1 $0x1;
	p0 =	seq.s32 s7, s2  }
0x1e: {  	s7 =	smul.u32 @!p0 $0xF7A, s2;
	p2 =	seq.s32 @!p0 s5, $0x0  }
0x1f: {  	s9 =	smul.u32 $0xF7A, s1;
	s8 =	simm.s32 @!p0 $0x1BF5;
	p2 =	por !p2, p0  }
0x20: {  	[sflag:s8] =	ssyncset.s32 @!p0 $0xFFFFF086;
	s6 =	sadd.s32 @!p0 s3, s7;
	s7 =	simm.s32 @!p0 $0x108  }
0x21: {  	s3 =	sadd.s32 s3, s9;
	s6 =	sadd.s32 @!p0 $0x88, s6;
	s7 =	simm.s32 @p2 $0x1082  }
0x22: {  	[simem:s7], [sflag:s8] =	dma.local @!p0 [hbm:s6], $0xF7A  }
0x23: {  	s9 =	sor.u32 $0xD0000000, s2;
	s6 =	simm.s32 $0x108;
	_ =	swait.ge @!p0 [sflag:s8], $0x0  }
0x24: {  	s3 =	sadd.s32 $0x88, s3;
	s6 =	simm.s32 @!p1 $0x1082;
	[sflag:s4] =	ssyncset.s32 $0xFFFFF086  }
0x25: {  	[simem:s6], [sflag:s4] =	dma.local [hbm:s3], $0xF7A  }
0x26: {  	[smem:$0x3F90] =	sst s1;
	(tag) =	ssettag s2;
	_ =	strace s9  }
0x27: {  	s1 =	sld [smem:$0x3FA0]  }
0x28: {  	s2 =	sld [smem:$0x3FA1]  }
0x29: {  	s4 =	sld [smem:$0x3FA3]  }
0x2a: {  	p0 =	seq.s32 s5, $0x0;
	s5 =	sld [smem:$0x3FA4]  }
0x2b: {  	s6 =	sld [smem:$0x3FA5]  }
0x2c: {  	s7 =	sld [smem:$0x3FA6]  }
0x2d: {  	s3 =	simm.s32 $0x108;
	s8 =	sld [smem:$0x3FA7]  }
0x2e: {  	s3 =	simm.s32 @!p0 $0x1082;
	s9 =	sld [smem:$0x3FA8]  }
0x2f: {  	lr =	sadd.s32 s0, s3;
	s0 =	sld [smem:$0x3F9F]  }
0x30: {  	s3 =	sld [smem:$0x3FA2]  }
0x31: {  	[smem:$0x3FAB] =	sst s10  }
0x32: {  	s10 =	sld [smem:$0x3FA9];
	_ =	sdelay $0x3  }
0x33: {  	p0 =	seq.s32 s10, $0x1;
	s10 =	sld [smem:$0x3FAB];
	_ =	sdelay $0x3  }
0x34: {  	[smem:$0x3FAB] =	sst s10  }
0x35: {  	s10 =	sld [smem:$0x3FAA];
	_ =	sdelay $0x3  }
0x36: {  	p1 =	seq.s32 s10, $0x1;
	s10 =	sld [smem:$0x3FAB];
	_ =	sdelay $0x3  }
0x37: {  	[smem:$0x3FAB] =	sst s10  }
0x38: {  	s10 =	sld [smem:$0x3FAC]  }
0x39: {  	_ = 	snop;
	(pc) =	sbr.ind lr, $3  }
0x3a: {  	_ = 	snop  }
0x3b: {  	_ = 	snop  }
0x3c: {  	p2 =	seq.s32 s10, $0x1;
	s10 =	sld [smem:$0x3FAB]  }
0x3d: {  	_ =	shalt  }
0x3e: {  	_ =	shalt  }
0x3f: {  	_ =	shalt  }
0x40: {  	_ =	shalt  }
0x41: {  	_ =	shalt  }
0x42: {  	_ =	shalt  }
0x43: {  	_ =	shalt  }
0x44: {  	_ =	shalt  }
0x45: {  	_ =	shalt  }
0x46: {  	_ =	shalt  }
0x47: {  	_ =	shalt  }
0x48: {  	_ =	shalt  }
0x49: {  	_ =	shalt  }
0x4a: {  	_ =	shalt  }
0x4b: {  	_ =	shalt  }
0x4c: {  	_ =	shalt  }
0x4d: {  	_ =	shalt  }
0x4e: {  	_ =	shalt  }
0x4f: {  	_ =	shalt  }
0x50: {  	_ =	shalt  }
0x51: {  	_ =	shalt  }
0x52: {  	_ =	shalt  }
0x53: {  	_ =	shalt  }
0x54: {  	_ =	shalt  }
0x55: {  	_ =	shalt  }
0x56: {  	_ =	shalt  }
0x57: {  	_ =	shalt  }
0x58: {  	_ =	shalt  }
0x59: {  	_ =	shalt  }
0x5a: {  	_ =	shalt  }
0x5b: {  	_ =	shalt  }
0x5c: {  	_ =	shalt  }
0x5d: {  	_ =	shalt  }
0x5e: {  	_ =	shalt  }
0x5f: {  	_ =	shalt  }
0x60: {  	_ =	shalt  }
0x61: {  	_ =	shalt  }
0x62: {  	_ =	shalt  }
0x63: {  	_ =	shalt  }
0x64: {  	_ =	shalt  }
0x65: {  	_ =	shalt  }
0x66: {  	_ =	shalt  }
0x67: {  	_ =	shalt  }
0x68: {  	_ =	shalt  }
0x69: {  	_ =	shalt  }
0x6a: {  	_ =	shalt  }
0x6b: {  	_ =	shalt  }
0x6c: {  	_ =	shalt  }
0x6d: {  	_ =	shalt  }
0x6e: {  	_ =	shalt  }
0x6f: {  	_ =	shalt  }
0x70: {  	_ =	shalt  }
0x71: {  	_ =	shalt  }
0x72: {  	_ =	shalt  }
0x73: {  	_ =	shalt  }
0x74: {  	_ =	shalt  }
0x75: {  	_ =	shalt  }
0x76: {  	_ =	shalt  }
0x77: {  	_ =	shalt  }
0x78: {  	_ =	shalt  }
0x79: {  	_ =	shalt  }
0x7a: {  	_ =	shalt  }
0x7b: {  	_ =	shalt  }
0x7c: {  	_ =	shalt  }
0x7d: {  	_ =	shalt  }
0x7e: {  	_ =	shalt  }
0x7f: {  	_ =	shalt  }
0x80: {  	_ =	shalt  }
0x81: {  	_ =	shalt  }
0x82: {  	_ =	shalt  }
0x83: {  	_ =	shalt  }
0x84: {  	_ =	shalt  }
0x85: {  	_ =	shalt  }
0x86: {  	_ =	shalt  }
0x87: {  	_ =	shalt  }
.Lfunc_end0:
.L_simem_size_0:
called_computation.1_lowered:
.L_overlay_start_0:
0x88: {  	s2 =	sld [smem:$0x3FD9]  }
0x89: {  	s3 =	sld [smem:$0x3FFE];
	_ =	sdelay $0x1  }
0x8a: {  	s1 =	srdreg.scid  }
0x8b: {  	s0 =	sand.u32 $0x1, s1  }
0x8c: {  	s16 =	sshll.u32 s0, $0xA;
	s2 =	sadd.s32 s3, s2  }
0x8d: {  	s2 =	sadd.s32 s2, s16  }
0x8e: {  	[smem:$0x3FB7] =	sst s2  }
0x8f: {  	_ = 	snop  }
0x90: {  	(tm) =	ssettm $0x1  }
0x91: {  	s17 =	sld [smem:$0x3FFB];
	_ =	sdelay $0x3  }
0x92: {  	_ =	strace s17  }
0x93: {  	s2 =	sld [smem:$0x3FFC];
	_ =	sdelay $0x3  }
0x94: {  	_ =	strace s2  }
0x95: {  	s2 =	sld [smem:$0x3FFD];
	_ =	sdelay $0x3  }
0x96: {  	_ =	strace s2  }
0x97: {  	_ =	strace $0x8FFFFFFF  }
0x98: {  	s18 =	sld [smem:$0x3FDB];
	_ =	sdelay $0x1  }
0x99: {  	s19 =	simm.s32 $_scs_section_size  }
0x9a: {  	s4 =	simm.s32 $_size__tile_overlayer_lowered;
	s5 =	simm.s32 $_tile_overlayer_lowered  }
0x9b: {  	s22 =	simm.s32 $0x1BFF;
	s21 =	sshll.u32 s5, $0x1;
	s2 =	sadd.s32 s19, s18  }
0x9c: {  	s6 =	simm.s32 $0x0;
	s20 =	sshll.u32 s4, $0x1;
	s4 =	sadd.s32 s21, s2  }
0x9d: {  	[timem:s6], [sflag:s22] =	dma.local [hbm:s4], s20  }
0x9e: {  	_ =	swait.ge [sflag:s22], s20  }
0x9f: {  	s3 =	ssub.s32 $0x0, s20;
	[sflag:s22] =	ssyncset.done $0x0  }
0xa0: {  	[sflag:s22] =	ssyncadd.s32 s3;
	_ =	sdelay $0x1  }
0xa1: {  	s23 =	simm.s32 $0x1B8B  }
0xa2: {  	_ =	swait.ge [sflag:s23], $0x1  }
0xa3: {  	[sflag:s23] =	ssyncset.done $0x0  }
0xa4: {  	s25 =	simm.s32 $0x1B8E;
	s24 =	sld [smem:$0x3FFE];
	[sflag:s23] =	ssyncadd.s32 $0xFFFFFFFF  }
0xa5: {  	s26 =	simm.s32 $execute0_lowered;
	[smem:$0x3FD2] =	sst s25  }
0xa6: {  	s4 =	sshll.u32 s26, $0x1;
	_ =	strace $0x80000049;
	[dreg:$0x1] =	wrdreg $0xFFFFFFFF  }
0xa7: {  	s28 =	simm.s32 $_size_execute0_lowered;
	s2 =	sadd.s32 s2, s4;
	[dreg:$0x0] =	wrdreg $0x0  }
0xa8: {  	s4 =	sshll.u32 s28, $0x1;
	[dreg:$0x2] =	wrdreg s2  }
0xa9: {  	[dreg:$0x3] =	wrdreg s4  }
0xaa: {  	[dreg:$0x4] =	wrdreg $0xC0  }
0xab: {  	_ =	task [dreg:s6], $0x5FFFF  }
0xac: {  	[dreg:$0x1] =	wrdreg $0xFFFFFFFF  }
0xad: {  	[dreg:$0x0] =	wrdreg $0x60  }
0xae: {  	[dreg:$0x2] =	wrdreg s24  }
0xaf: {  	[dreg:$0x3] =	wrdreg $0x9  }
0xb0: {  	_ =	task.clear_ibuf [dreg:s6], $0x4FFFF;
	_ =	strace $0x90000049  }
0xb1: {  	s29 =	simm.s32 $0x9;
	_ =	strace $0x8000004B  }
0xb2: {  	_ =	swait.ge [sflag:s29], $0x1  }
0xb3: {  	[sflag:s29] =	ssyncadd.s32 $0xFFFFFFFF  }
0xb4: {  	_ =	strace $0x9000004B  }
0xb5: {  	_ =	sfence  }
0xb6: {  	s30 =	sld [smem:$0x0];
	_ =	sdelay $0x2  }
0xb7: {  	s31 =	sshll.u32 s1, $0xD;
	s1 =	sshrl.u32 s1, $0x2  }
0xb8: {  	s3 =	sand.u32 $0x4000, s31;
	s1 =	sadd.s32 s1, s30  }
0xb9: {  	s0 =	sor.u32 s3, s0;
	s1 =	sshll.u32 s1, $0x11  }
0xba: {  	s0 =	sor.u32 s1, s0  }
0xbb: {  	s0 =	sadd.s32 $0x8F2B, s0  }
0xbc: {  	[sflag:s0] =	ssyncadd.remote.s32 $0x1  }
0xbd: {  	_ =	sfence.sel $0xFFFF  }
0xbe: {  	[dreg:$0x0] =	wrdreg $0xFFFFFFFF;
	(pc) =	sbr.abs _section_cstart, $3  }
0xbf: {  	[dreg:$0x1] =	wrdreg $0xFFFFFFFF  }
0xc0: {  	_ =	task.clear_ibuf [dreg:s6], $0x2FFFF;
	_ =	strace $0x9FFFFFFF  }
0xc1: {  	(tm) =	ssettm $0x7FFFFFFF  }
tec
execute0_lowered:
.L_overlay_start_1:
0x0: {  	(tag) =	ssettag $0x1  }
0x1: {  	s1 =	srdreg.scid;
	s0 =	stileid.u32  }
0x2: {  	s24 =	sand.u32 $0x1, s1;
	s30 =	sshll.u32 s0, $0x1  }
0x3: {  	s11 =	sor.u32 s24, s30  }
0x4: {  	s3 =	smul.u32 $0x680, s11  }
0x5: {  	s9 =	rddreg [dreg:$0x0];
	s2 =	simm.s32 $0x0  }
0x6: {  	s4 =	simm.s32 $0x3;
	[smem:$0x7FF] =	sst s2;
	s3 =	sadd.s32 s3, s9  }
0x7: {  	s1 =	rddreg [dreg:$0x1];
	_ =	strace $0x8000004A;
	s3 =	sadd.s32 $0x4FA000, s3  }
0x8: {  	[tilespmem:s2], [sflag:$0x3] =	stream.linear.gather [hbm4b:s3+s2], $0x3400, $0x38;
	[tilespmem:$0x10400] =	vst v63  }
0x9: {  	_ =	swait.ge [sflag:s4], $0x3400  }
0xa: {  	s6 =	simm.s32 $0x680;
	s7 =	simm.s32 $0x3400;
	[sflag:s4] =	ssyncset.done $0x0  }
0xb: {  	s8 =	simm.s32 $0x1;
	s5 =	sadd.s32 $0x4000, s9;
	[sflag:s4] =	ssyncadd.s32 $0xFFFFCC00  }
0xc: {  	[tilespmem:s7], [sflag:$0x1] =	stream.indirect.gather [hbm4b:s5+s6], $0x10, s2, s6, $0xb8;
	[tilespmem:$0x10400] =	vst v63  }
0xd: {  	_ =	swait.ge [sflag:s8], $0x6800  }
0xe: {  	s12 =	sadd.s32 $0x507000, s9;
	[sflag:s8] =	ssyncset.done $0x0  }
0xf: {  	s10 =	smul.u32 $0x6800, s11;
	s9 =	simm.s32 $0x9C00;
	[sflag:s8] =	ssyncadd.s32 $0xFFFF9800  }
0x10: {  	[tilespmem:s9], [sflag:$0x1] =	stream.indirect.gather [hbm4b:s5+s6], $0x10, s6, s6, $0xb8;
	[tilespmem:$0x10400] =	vst v63  }
0x11: {  	s10 =	sadd.s32 s12, s10  }
0x12: {  	[hbm4b:s10+s2] =	stream.linear.scatter [tilespmem:s7], [sflag:$0x2], $0x6800, $0x38;
	[tilespmem:$0x10400] =	vst v63  }
0x13: {  	_ =	swait.ge [sflag:s8], $0x6800  }
0x14: {  	[sflag:s8] =	ssyncset.done $0x0  }
0x15: {  	s13 =	smul.u32 $0x34000, s11;
	s11 =	simm.s32 $0x2;
	[sflag:s8] =	ssyncadd.s32 $0xFFFF9800  }
0x16: {  	_ =	swait.ge [sflag:s11], $0x6800  }
0x17: {  	s13 =	sshrl.u32 s13, $0x3;
	[sflag:s11] =	ssyncset.done $0x0  }
0x18: {  	s25 =	sadd.s32 s12, s13;
	s12 =	simm.s32 $0xD00;
	[sflag:s11] =	ssyncadd.s32 $0xFFFF9800  }
0x19: {  	[tilespmem:s7], [sflag:$0x1] =	stream.indirect.gather [hbm4b:s5+s6], $0x10, s12, s6, $0xb8;
	[tilespmem:$0x10400] =	vst v63  }
0x1a: {  	s13 =	sadd.s32 $0xD00, s25  }
0x1b: {  	[hbm4b:s13+s2] =	stream.linear.scatter [tilespmem:s9], [sflag:$0x2], $0x6800, $0x38;
	[tilespmem:$0x10400] =	vst v63  }
0x1c: {  	_ =	swait.ge [sflag:s8], $0x6800  }
0x1d: {  	[sflag:s8] =	ssyncset.done $0x0  }
0x1e: {  	[sflag:s8] =	ssyncadd.s32 $0xFFFF9800  }
0x1f: {  	_ =	swait.ge [sflag:s11], $0x6800  }
0x20: {  	[sflag:s11] =	ssyncset.done $0x0  }
0x21: {  	s14 =	simm.s32 $0x1380;
	[sflag:s11] =	ssyncadd.s32 $0xFFFF9800  }
0x22: {  	[tilespmem:s9], [sflag:$0x1] =	stream.indirect.gather [hbm4b:s5+s6], $0x10, s14, s6, $0xb8;
	[tilespmem:$0x10400] =	vst v63  }
0x23: {  	s15 =	sadd.s32 $0x1A00, s25  }
0x24: {  	[hbm4b:s15+s2] =	stream.linear.scatter [tilespmem:s7], [sflag:$0x2], $0x6800, $0x38;
	[tilespmem:$0x10400] =	vst v63  }
0x25: {  	_ =	swait.ge [sflag:s8], $0x6800  }
0x26: {  	[sflag:s8] =	ssyncset.done $0x0  }
0x27: {  	[sflag:s8] =	ssyncadd.s32 $0xFFFF9800  }
0x28: {  	_ =	swait.ge [sflag:s11], $0x6800  }
0x29: {  	[sflag:s11] =	ssyncset.done $0x0  }
0x2a: {  	s16 =	simm.s32 $0x1A00;
	[sflag:s11] =	ssyncadd.s32 $0xFFFF9800  }
0x2b: {  	[tilespmem:s7], [sflag:$0x1] =	stream.indirect.gather [hbm4b:s5+s6], $0x10, s16, s6, $0xb8;
	[tilespmem:$0x10400] =	vst v63  }
0x2c: {  	s17 =	sadd.s32 $0x2700, s25  }
0x2d: {  	[hbm4b:s17+s2] =	stream.linear.scatter [tilespmem:s9], [sflag:$0x2], $0x6800, $0x38;
	[tilespmem:$0x10400] =	vst v63  }
0x2e: {  	_ =	swait.ge [sflag:s8], $0x6800  }
0x2f: {  	[sflag:s8] =	ssyncset.done $0x0  }
0x30: {  	[sflag:s8] =	ssyncadd.s32 $0xFFFF9800  }
0x31: {  	_ =	swait.ge [sflag:s11], $0x6800  }
0x32: {  	[sflag:s11] =	ssyncset.done $0x0  }
0x33: {  	s18 =	simm.s32 $0x2080;
	[sflag:s11] =	ssyncadd.s32 $0xFFFF9800  }
0x34: {  	[tilespmem:s9], [sflag:$0x1] =	stream.indirect.gather [hbm4b:s5+s6], $0x10, s18, s6, $0xb8;
	[tilespmem:$0x10400] =	vst v63  }
0x35: {  	s19 =	sadd.s32 $0x3400, s25  }
0x36: {  	[hbm4b:s19+s2] =	stream.linear.scatter [tilespmem:s7], [sflag:$0x2], $0x6800, $0x38;
	[tilespmem:$0x10400] =	vst v63  }
0x37: {  	_ =	swait.ge [sflag:s8], $0x6800  }
0x38: {  	[sflag:s8] =	ssyncset.done $0x0  }
0x39: {  	[sflag:s8] =	ssyncadd.s32 $0xFFFF9800  }
0x3a: {  	_ =	swait.ge [sflag:s11], $0x6800  }
0x3b: {  	[sflag:s11] =	ssyncset.done $0x0  }
0x3c: {  	s20 =	simm.s32 $0x2700;
	[sflag:s11] =	ssyncadd.s32 $0xFFFF9800  }
0x3d: {  	[tilespmem:s7], [sflag:$0x1] =	stream.indirect.gather [hbm4b:s5+s6], $0x10, s20, s6, $0xb8;
	[tilespmem:$0x10400] =	vst v63  }
0x3e: {  	s21 =	sadd.s32 $0x4100, s25  }
0x3f: {  	[hbm4b:s21+s2] =	stream.linear.scatter [tilespmem:s9], [sflag:$0x2], $0x6800, $0x38;
	[tilespmem:$0x10400] =	vst v63  }
0x40: {  	_ =	swait.ge [sflag:s8], $0x6800  }
0x41: {  	[sflag:s8] =	ssyncset.done $0x0  }
0x42: {  	[sflag:s8] =	ssyncadd.s32 $0xFFFF9800  }
0x43: {  	_ =	swait.ge [sflag:s11], $0x6800  }
0x44: {  	[sflag:s11] =	ssyncset.done $0x0  }
0x45: {  	s22 =	simm.s32 $0x2D80;
	[sflag:s11] =	ssyncadd.s32 $0xFFFF9800  }
0x46: {  	[tilespmem:s9], [sflag:$0x1] =	stream.indirect.gather [hbm4b:s5+s6], $0x10, s22, s6, $0xb8;
	[tilespmem:$0x10400] =	vst v63  }
0x47: {  	s24 =	ssub.s32 $0x2, s24;
	s23 =	sadd.s32 $0x4E00, s25  }
0x48: {  	[hbm4b:s23+s2] =	stream.linear.scatter [tilespmem:s7], [sflag:$0x2], $0x6800, $0x38;
	[tilespmem:$0x10400] =	vst v63  }
0x49: {  	s26 =	sshrl.u32 s24, $0x1;
	_ =	swait.ge [sflag:s8], $0x6800  }
0x4a: {  	s26 =	ssub.s32 s24, s26;
	[sflag:s8] =	ssyncset.done $0x0  }
0x4b: {  	s31 =	smax.u32 s26, $0x1;
	[sflag:s8] =	ssyncadd.s32 $0xFFFF9800  }
0x4c: {  	p0 =	sne.s32 s31, $0x1;
	_ =	swait.ge [sflag:s11], $0x6800  }
.Ltmp0:
0x4d: {  	[sflag:s11] =	ssyncset.done $0x0;
	(pc) =	sbr.rel @!p0 .LBB2_2-.Ltmp0, $4  }
0x4e: {  	s24 =	sadd.s32 $0x5B00, s25;
	[sflag:s11] =	ssyncadd.s32 $0xFFFF9800  }
0x4f: {  	[hbm4b:s24+s2] =	stream.linear.scatter [tilespmem:s9], [sflag:$0x2], $0x6800, $0x38;
	[tilespmem:$0x10400] =	vst v63  }
0x50: {  	_ =	swait.ge [sflag:s11], $0x6800  }
0x51: {  	s25 =	sadd.s32 $0xFFFFFFFF, s31;
	[sflag:s11] =	ssyncset.done $0x0  }
.LBB2_1:
0x52: {  	p0 =	sne.s32 s25, $0x1;
	s25 =	sadd.s32 $0xFFFFFFFF, s25;
	[sflag:s11] =	ssyncadd.s32 $0xFFFF9800  }
0x53: {  	[tilespmem:s2], [sflag:$0x3] =	stream.linear.gather [hbm4b:s3+s2], $0x3400, $0x38;
	[tilespmem:$0x10400] =	vst v63  }
0x54: {  	_ =	swait.ge [sflag:s4], $0x3400  }
0x55: {  	[sflag:s4] =	ssyncset.done $0x0  }
0x56: {  	[sflag:s4] =	ssyncadd.s32 $0xFFFFCC00  }
0x57: {  	[tilespmem:s7], [sflag:$0x1] =	stream.indirect.gather [hbm4b:s5+s6], $0x10, s2, s6, $0xb8;
	[tilespmem:$0x10400] =	vst v63  }
0x58: {  	_ =	swait.ge [sflag:s8], $0x6800  }
0x59: {  	[sflag:s8] =	ssyncset.done $0x0  }
0x5a: {  	[sflag:s8] =	ssyncadd.s32 $0xFFFF9800  }
0x5b: {  	[tilespmem:s9], [sflag:$0x1] =	stream.indirect.gather [hbm4b:s5+s6], $0x10, s6, s6, $0xb8;
	[tilespmem:$0x10400] =	vst v63  }
0x5c: {  	_ = 	snop  }
0x5d: {  	[hbm4b:s10+s2] =	stream.linear.scatter [tilespmem:s7], [sflag:$0x2], $0x6800, $0x38;
	[tilespmem:$0x10400] =	vst v63  }
0x5e: {  	_ =	swait.ge [sflag:s8], $0x6800  }
0x5f: {  	[sflag:s8] =	ssyncset.done $0x0  }
0x60: {  	[sflag:s8] =	ssyncadd.s32 $0xFFFF9800  }
0x61: {  	_ =	swait.ge [sflag:s11], $0x6800  }
0x62: {  	[sflag:s11] =	ssyncset.done $0x0  }
0x63: {  	[sflag:s11] =	ssyncadd.s32 $0xFFFF9800  }
0x64: {  	[tilespmem:s7], [sflag:$0x1] =	stream.indirect.gather [hbm4b:s5+s6], $0x10, s12, s6, $0xb8;
	[tilespmem:$0x10400] =	vst v63  }
0x65: {  	_ = 	snop  }
0x66: {  	[hbm4b:s13+s2] =	stream.linear.scatter [tilespmem:s9], [sflag:$0x2], $0x6800, $0x38;
	[tilespmem:$0x10400] =	vst v63  }
0x67: {  	_ =	swait.ge [sflag:s8], $0x6800  }
0x68: {  	[sflag:s8] =	ssyncset.done $0x0  }
0x69: {  	[sflag:s8] =	ssyncadd.s32 $0xFFFF9800  }
0x6a: {  	_ =	swait.ge [sflag:s11], $0x6800  }
0x6b: {  	[sflag:s11] =	ssyncset.done $0x0  }
0x6c: {  	[sflag:s11] =	ssyncadd.s32 $0xFFFF9800  }
0x6d: {  	[tilespmem:s9], [sflag:$0x1] =	stream.indirect.gather [hbm4b:s5+s6], $0x10, s14, s6, $0xb8;
	[tilespmem:$0x10400] =	vst v63  }
0x6e: {  	_ = 	snop  }
0x6f: {  	[hbm4b:s15+s2] =	stream.linear.scatter [tilespmem:s7], [sflag:$0x2], $0x6800, $0x38;
	[tilespmem:$0x10400] =	vst v63  }
0x70: {  	_ =	swait.ge [sflag:s8], $0x6800  }
0x71: {  	[sflag:s8] =	ssyncset.done $0x0  }
0x72: {  	[sflag:s8] =	ssyncadd.s32 $0xFFFF9800  }
0x73: {  	_ =	swait.ge [sflag:s11], $0x6800  }
0x74: {  	[sflag:s11] =	ssyncset.done $0x0  }
0x75: {  	[sflag:s11] =	ssyncadd.s32 $0xFFFF9800  }
0x76: {  	[tilespmem:s7], [sflag:$0x1] =	stream.indirect.gather [hbm4b:s5+s6], $0x10, s16, s6, $0xb8;
	[tilespmem:$0x10400] =	vst v63  }
0x77: {  	_ = 	snop  }
0x78: {  	[hbm4b:s17+s2] =	stream.linear.scatter [tilespmem:s9], [sflag:$0x2], $0x6800, $0x38;
	[tilespmem:$0x10400] =	vst v63  }
0x79: {  	_ =	swait.ge [sflag:s8], $0x6800  }
0x7a: {  	[sflag:s8] =	ssyncset.done $0x0  }
0x7b: {  	[sflag:s8] =	ssyncadd.s32 $0xFFFF9800  }
0x7c: {  	_ =	swait.ge [sflag:s11], $0x6800  }
0x7d: {  	[sflag:s11] =	ssyncset.done $0x0  }
0x7e: {  	[sflag:s11] =	ssyncadd.s32 $0xFFFF9800  }
0x7f: {  	[tilespmem:s9], [sflag:$0x1] =	stream.indirect.gather [hbm4b:s5+s6], $0x10, s18, s6, $0xb8;
	[tilespmem:$0x10400] =	vst v63  }
0x80: {  	_ = 	snop  }
0x81: {  	[hbm4b:s19+s2] =	stream.linear.scatter [tilespmem:s7], [sflag:$0x2], $0x6800, $0x38;
	[tilespmem:$0x10400] =	vst v63  }
0x82: {  	_ =	swait.ge [sflag:s8], $0x6800  }
0x83: {  	[sflag:s8] =	ssyncset.done $0x0  }
0x84: {  	[sflag:s8] =	ssyncadd.s32 $0xFFFF9800  }
0x85: {  	_ =	swait.ge [sflag:s11], $0x6800  }
0x86: {  	[sflag:s11] =	ssyncset.done $0x0  }
0x87: {  	[sflag:s11] =	ssyncadd.s32 $0xFFFF9800  }
0x88: {  	[tilespmem:s7], [sflag:$0x1] =	stream.indirect.gather [hbm4b:s5+s6], $0x10, s20, s6, $0xb8;
	[tilespmem:$0x10400] =	vst v63  }
0x89: {  	_ = 	snop  }
0x8a: {  	[hbm4b:s21+s2] =	stream.linear.scatter [tilespmem:s9], [sflag:$0x2], $0x6800, $0x38;
	[tilespmem:$0x10400] =	vst v63  }
0x8b: {  	_ =	swait.ge [sflag:s8], $0x6800  }
0x8c: {  	[sflag:s8] =	ssyncset.done $0x0  }
0x8d: {  	[sflag:s8] =	ssyncadd.s32 $0xFFFF9800  }
0x8e: {  	_ =	swait.ge [sflag:s11], $0x6800  }
0x8f: {  	[sflag:s11] =	ssyncset.done $0x0  }
0x90: {  	[sflag:s11] =	ssyncadd.s32 $0xFFFF9800  }
0x91: {  	[tilespmem:s9], [sflag:$0x1] =	stream.indirect.gather [hbm4b:s5+s6], $0x10, s22, s6, $0xb8;
	[tilespmem:$0x10400] =	vst v63  }
0x92: {  	_ = 	snop  }
0x93: {  	[hbm4b:s23+s2] =	stream.linear.scatter [tilespmem:s7], [sflag:$0x2], $0x6800, $0x38;
	[tilespmem:$0x10400] =	vst v63  }
0x94: {  	_ =	swait.ge [sflag:s8], $0x6800  }
0x95: {  	[sflag:s8] =	ssyncset.done $0x0  }
0x96: {  	[sflag:s8] =	ssyncadd.s32 $0xFFFF9800  }
0x97: {  	_ =	swait.ge [sflag:s11], $0x6800  }
.Ltmp1:
0x98: {  	[sflag:s11] =	ssyncset.done $0x0;
	(pc) =	sbr.rel @p0 .LBB2_1-.Ltmp1, $4  }
0x99: {  	[sflag:s11] =	ssyncadd.s32 $0xFFFF9800  }
0x9a: {  	[hbm4b:s24+s2] =	stream.linear.scatter [tilespmem:s9], [sflag:$0x2], $0x6800, $0x38;
	[tilespmem:$0x10400] =	vst v63  }
0x9b: {  	_ =	swait.ge [sflag:s11], $0x6800  }
0x9c: {  	[sflag:s11] =	ssyncset.done $0x0  }
.LBB2_2:
0x9d: {  	[sflag:s11] =	ssyncadd.s32 $0xFFFF9800  }
0x9e: {  	_ =	sfence.sel $0x180000  }
0x9f: {  	[bflag:$0x0] =	sbarrier.arrive $0xFFFF  }
0xa0: {  	p0 =	sne.s32 s0, $0x0;
	_ =	strace $0x9000004A  }
0xa1: {  	s0 =	sadd.s32 @!p0 $0x100000, s1;
	[bflag:$0x2] =	sbarrier.arrive $0xFFFF  }
0xa2: {  	[sflag:s0] =	ssyncadd.tile.s32 @!p0 $0x1;
	_ =	shalt  }
.Lfunc_end2:
_tile_overlayer_lowered:
.L_overlay_start_2:
0xa3: {  	(tag) =	ssettag $0x2  }
0xa4: {  	s0 =	rddreg [dreg:$0x0];
	s2 =	stileid.u32  }
0xa5: {  	s1 =	rddreg [dreg:$0x1];
	p0 =	sne.s32 s2, $0x0  }
0xa6: {  	s3 =	rddreg [dreg:$0x2];
	[bflag:$0x3] =	sbarrier.arrive $0xFFFF;
	s2 =	simm.s32 @!p0 $0x1C04  }
0xa7: {  	[timem:s3], [sflag:s2] =	dma.local @!p0 [hbm:s0], s1  }
0xa8: {  	s0 =	simm.s32 @!p0 $0x4  }
0xa9: {  	_ =	swait.ge @!p0 [sflag:s0], s1  }
0xaa: {  	s1 =	ssub.s32 @!p0 $0x0, s1;
	[sflag:s0] =	ssyncset.done @!p0 $0x0  }
0xab: {  	[sflag:s0] =	ssyncadd.s32 @!p0 s1  }
0xac: {  	[bflag:$0x3] =	sbarrier.arrive $0xFFFF  }
0xad: {  	_ =	shalt  }

</sc_bundles>
